<compile_context>
chip_gen: v7x
topology: tpu7x:2x2x1
jax: 0.10.2.dev20260603
libtpu: 0.0.44.dev20260713+nightly
codegen_flags: <defaults>
</compile_context>

<pallas_src>
import functools
import math

import ml_dtypes
import numpy as np
import jax
import jax.numpy as jnp
from jax import lax
from jax.experimental import pallas as pl
from jax.experimental.pallas import tpu as pltpu
from jax.experimental.pallas import tpu_sc as plsc

IMG = 256
NPIX = IMG * IMG
BATCH = 8
NPTS = 2048
TOT = BATCH * NPTS
NWORK = 32
PPW = TOT // NWORK
WIN = 22


def _build_mat():
    def normalize(x):
        n = np.linalg.norm(x, axis=1, keepdims=True).astype(np.float32)
        return x / np.maximum(n, np.float32(1e-6))

    eyes = np.array([[-1.0, -1.0, -1.0]], np.float32)
    centers = np.zeros((1, 3), np.float32)
    ups = np.array([[0.0, 0.0, 1.0]], np.float32)
    zaxis = normalize(eyes - centers)
    xaxis = normalize(np.cross(ups, zaxis).astype(np.float32))
    yaxis = np.cross(zaxis, xaxis).astype(np.float32)
    translation = np.eye(4, dtype=np.float32)
    translation[:3, 3] = -eyes[0]
    orientation = np.eye(4, dtype=np.float32)
    orientation[0, :3] = xaxis[0]
    orientation[1, :3] = yaxis[0]
    orientation[2, :3] = zaxis[0]
    view = orientation @ translation
    z_near, z_far = np.float32(0.1), np.float32(10.0)
    proj = np.zeros((4, 4), np.float32)
    proj[0, 0] = 1.5
    proj[1, 1] = 1.5
    proj[2, 2] = -2.0 / (z_far - z_near)
    proj[2, 3] = (z_far + z_near) / (z_far - z_near)
    proj[3, 3] = 1.0
    return (proj @ view).astype(np.float32)


_MAT = _build_mat()
_MAT_BF = _MAT.astype(ml_dtypes.bfloat16).astype(np.float32)

_A2 = (math.pi / 20.0) ** 2
_COEFS = tuple(
    (-1.0) ** k * _A2 ** k / math.factorial(2 * k) for k in range(7)
)

_offs = np.arange(-10, 12)
_DI_g, _DJ_g = np.meshgrid(_offs, _offs, indexing="ij")
_mind = np.where(_offs <= 0, -_offs, _offs - 1)
_MI_g, _MJ_g = np.meshgrid(_mind, _mind, indexing="ij")
_keep = (_MI_g ** 2 + _MJ_g ** 2) <= 100
_DI = _DI_g[_keep]
_DJ = _DJ_g[_keep]
NCELLC = _DI.size
NCHUNK = (NCELLC + 15) // 16
CPAD = NCHUNK * 16
_pad = np.full(CPAD - NCELLC, 10000)
_DI = np.concatenate([_DI, _pad])
_DJ = np.concatenate([_DJ, _pad])
_DIF_NP = _DI.astype(np.float32)
_DJF_NP = _DJ.astype(np.float32)
_DII_NP = _DI.astype(np.int32)
_DJI_NP = _DJ.astype(np.int32)
_DIDX_NP = np.where(_DI >= 1000, 0, _DI * IMG + _DJ).astype(np.int32)


def _proj_body(d_ref, bi_ref, bj_ref, fi_ref, fj_ref, ft_ref):
    x = d_ref[0:1, :].astype(jnp.bfloat16).astype(jnp.float32)
    y = d_ref[1:2, :].astype(jnp.bfloat16).astype(jnp.float32)
    z = d_ref[2:3, :].astype(jnp.bfloat16).astype(jnp.float32)
    m = _MAT_BF
    pos_x = m[0, 0] * x + m[0, 1] * y + m[0, 2] * z + m[0, 3]
    pos_y = m[1, 0] * x + m[1, 1] * y + m[1, 2] * z + m[1, 3]
    pos_z = m[2, 0] * x + m[2, 1] * y + m[2, 2] * z + m[2, 3]
    pts_i = (-pos_y + 1.0) / 2.0 * (IMG - 1.0)
    pts_j = (pos_x + 1.0) / 2.0 * (IMG - 1.0)
    zmin = jnp.min(pos_z)
    zmax = jnp.max(pos_z)
    feat = 1.0 - (pos_z - zmin) / (zmax - zmin)
    base_i = jnp.floor(pts_i)
    base_j = jnp.floor(pts_j)
    fi_ref[...] = pts_i - base_i
    fj_ref[...] = pts_j - base_j
    ft_ref[...] = feat
    bi_ref[...] = base_i.astype(jnp.int32)
    bj_ref[...] = base_j.astype(jnp.int32)


_proj = pl.pallas_call(
    _proj_body,
    out_shape=[
        jax.ShapeDtypeStruct((1, TOT), jnp.int32),
        jax.ShapeDtypeStruct((1, TOT), jnp.int32),
        jax.ShapeDtypeStruct((1, TOT), jnp.float32),
        jax.ShapeDtypeStruct((1, TOT), jnp.float32),
        jax.ShapeDtypeStruct((1, TOT), jnp.float32),
    ],
)


def _splat_body(bi_h, bj_h, fi_h, fj_h, ft_h, dif_h, djf_h, dii_h, dji_h,
                didx_h, out_h, stg_h, img, bi, bj, fi, fj, ft,
                ibi, ibj, ifi, ifj, ift, bbi, bbj, bfi, bfj, bft,
                dif, djf, dii, dji, didx):
    cid = lax.axis_index("c")
    sid = lax.axis_index("s")
    wid = cid * 16 + sid
    base = wid * PPW

    pltpu.sync_copy(bi_h.at[pl.ds(base, PPW)], bi)
    pltpu.sync_copy(bj_h.at[pl.ds(base, PPW)], bj)
    pltpu.sync_copy(fi_h.at[pl.ds(base, PPW)], fi)
    pltpu.sync_copy(fj_h.at[pl.ds(base, PPW)], fj)
    pltpu.sync_copy(ft_h.at[pl.ds(base, PPW)], ft)
    pltpu.sync_copy(dif_h, dif)
    pltpu.sync_copy(djf_h, djf)
    pltpu.sync_copy(dii_h, dii)
    pltpu.sync_copy(dji_h, dji)
    pltpu.sync_copy(didx_h, didx)

    zeros16 = jnp.zeros((16,), jnp.float32)
    zidx = jnp.zeros((16,), jnp.int32)

    @plsc.parallel_loop(0, NPIX, 16, unroll=8)
    def zbody(s):
        img[pl.ds(s, 16)] = zeros16

    nivec = jnp.zeros((16,), jnp.int32)
    nbvec = jnp.zeros((16,), jnp.int32)
    for c in range(PPW // 16):
        s = c * 16
        bic = bi[pl.ds(s, 16)]
        bjc = bj[pl.ds(s, 16)]
        fic = fi[pl.ds(s, 16)]
        fjc = fj[pl.ds(s, 16)]
        ftc = ft[pl.ds(s, 16)]
        act = ((bic >= -10) & (bic <= IMG + 9)
               & (bjc >= -10) & (bjc <= IMG + 9))
        inter = ((bic >= 10) & (bic <= IMG - 12)
                 & (bjc >= 10) & (bjc <= IMG - 12))
        bord = act & (~inter)
        ini = inter.astype(jnp.int32)
        boi = bord.astype(jnp.int32)
        dsti = nivec + plsc.cumsum(ini) - ini
        dstb = nbvec + plsc.cumsum(boi) - boi
        plsc.store_scatter(ibi, [dsti], bic, mask=inter)
        plsc.store_scatter(ibj, [dsti], bjc, mask=inter)
        plsc.store_scatter(ifi, [dsti], fic, mask=inter)
        plsc.store_scatter(ifj, [dsti], fjc, mask=inter)
        plsc.store_scatter(ift, [dsti], ftc, mask=inter)
        plsc.store_scatter(bbi, [dstb], bic, mask=bord)
        plsc.store_scatter(bbj, [dstb], bjc, mask=bord)
        plsc.store_scatter(bfi, [dstb], fic, mask=bord)
        plsc.store_scatter(bfj, [dstb], fjc, mask=bord)
        plsc.store_scatter(bft, [dstb], ftc, mask=bord)
        nivec = nivec + plsc.all_reduce_population_count(inter)
        nbvec = nbvec + plsc.all_reduce_population_count(bord)
    ni = jnp.max(nivec)
    nb = jnp.max(nbvec)

    def ibody(p, carry):
        bip = ibi[pl.ds(p, 16)][zidx]
        bjp = ibj[pl.ds(p, 16)][zidx]
        fip = ifi[pl.ds(p, 16)][zidx]
        fjp = ifj[pl.ds(p, 16)][zidx]
        ftp = ift[pl.ds(p, 16)][zidx]
        pbase = (bip << 8) + bjp
        fc = [jnp.float32(c) * ftp for c in _COEFS]

        @plsc.parallel_loop(0, CPAD, 16, unroll=2)
        def chunk(s):
            ai = dif[pl.ds(s, 16)] - fip
            aj = djf[pl.ds(s, 16)] - fjp
            d2 = ai * ai + aj * aj
            val = fc[-1]
            for cf in fc[-2::-1]:
                val = val * d2 + cf
            idx = pbase + didx[pl.ds(s, 16)]
            msk = d2 <= 100.0
            old = plsc.load_gather(img, [idx])
            plsc.store_scatter(img, [idx], jnp.maximum(old, val), mask=msk)

        return carry

    lax.fori_loop(0, ni, ibody, 0)

    def bbody(p, carry):
        bip = bbi[pl.ds(p, 16)][zidx]
        bjp = bbj[pl.ds(p, 16)][zidx]
        fip = bfi[pl.ds(p, 16)][zidx]
        fjp = bfj[pl.ds(p, 16)][zidx]
        ftp = bft[pl.ds(p, 16)][zidx]
        fc = [jnp.float32(c) * ftp for c in _COEFS]

        @plsc.parallel_loop(0, CPAD, 16, unroll=2)
        def chunk(s):
            ai = dif[pl.ds(s, 16)] - fip
            aj = djf[pl.ds(s, 16)] - fjp
            d2 = ai * ai + aj * aj
            val = fc[-1]
            for cf in fc[-2::-1]:
                val = val * d2 + cf
            ii = bip + dii[pl.ds(s, 16)]
            jj = bjp + dji[pl.ds(s, 16)]
            msk = ((ii >= 0) & (ii <= IMG - 1) & (jj >= 0) & (jj <= IMG - 1)
                   & (d2 <= 100.0))
            idx = ((ii << 8) + jj) & (NPIX - 1)
            old = plsc.load_gather(img, [idx])
            plsc.store_scatter(img, [idx], jnp.maximum(old, val), mask=msk)

        return carry

    lax.fori_loop(0, nb, bbody, 0)

    pltpu.sync_copy(img, stg_h.at[wid])
    plsc.subcore_barrier()
    QS = NPIX // 4
    q = sid % 4
    g = sid // 4
    b = cid * 4 + g
    qoff = q * QS
    for k in range(4):
        pltpu.sync_copy(stg_h.at[g * 4 + k + cid * 16, pl.ds(qoff, QS)],
                        img.at[pl.ds(k * QS, QS)])

    @plsc.parallel_loop(0, QS, 16, unroll=4)
    def mbody(s):
        a = jnp.maximum(img[pl.ds(s, 16)], img[pl.ds(QS + s, 16)])
        c2 = jnp.maximum(img[pl.ds(2 * QS + s, 16)],
                         img[pl.ds(3 * QS + s, 16)])
        img[pl.ds(s, 16)] = jnp.maximum(a, c2)

    pltpu.sync_copy(img.at[pl.ds(0, QS)], out_h.at[b, pl.ds(qoff, QS)])


@functools.lru_cache(maxsize=None)
def _make_splat():
    return functools.partial(
        pl.kernel,
        out_type=[jax.ShapeDtypeStruct((BATCH, NPIX), jnp.float32),
                  jax.ShapeDtypeStruct((NWORK, NPIX), jnp.float32)],
        mesh=plsc.VectorSubcoreMesh(core_axis_name="c", subcore_axis_name="s",
                                    num_cores=2, num_subcores=16),
        scratch_types=[
            pltpu.VMEM((NPIX,), jnp.float32),
            pltpu.VMEM((PPW,), jnp.int32),
            pltpu.VMEM((PPW,), jnp.int32),
            pltpu.VMEM((PPW,), jnp.float32),
            pltpu.VMEM((PPW,), jnp.float32),
            pltpu.VMEM((PPW,), jnp.float32),
            pltpu.VMEM((PPW + 16,), jnp.int32),
            pltpu.VMEM((PPW + 16,), jnp.int32),
            pltpu.VMEM((PPW + 16,), jnp.float32),
            pltpu.VMEM((PPW + 16,), jnp.float32),
            pltpu.VMEM((PPW + 16,), jnp.float32),
            pltpu.VMEM((PPW + 16,), jnp.int32),
            pltpu.VMEM((PPW + 16,), jnp.int32),
            pltpu.VMEM((PPW + 16,), jnp.float32),
            pltpu.VMEM((PPW + 16,), jnp.float32),
            pltpu.VMEM((PPW + 16,), jnp.float32),
            pltpu.VMEM((CPAD,), jnp.float32),
            pltpu.VMEM((CPAD,), jnp.float32),
            pltpu.VMEM((CPAD,), jnp.int32),
            pltpu.VMEM((CPAD,), jnp.int32),
            pltpu.VMEM((CPAD,), jnp.int32),
        ],
        compiler_params=pltpu.CompilerParams(needs_layout_passes=False),
    )(_splat_body)




def kernel(data):
    d = data.reshape(TOT, 3).T
    d = jnp.pad(d, ((0, 5), (0, 0)))
    bi, bj, fi, fj, ft = _proj(d)
    bi = bi.reshape(TOT)
    bj = bj.reshape(TOT)
    fi = fi.reshape(TOT)
    fj = fj.reshape(TOT)
    ft = ft.reshape(TOT)
    img, _ = _make_splat()(bi, bj, fi, fj, ft,
                           jnp.asarray(_DIF_NP), jnp.asarray(_DJF_NP),
                           jnp.asarray(_DII_NP), jnp.asarray(_DJI_NP),
                           jnp.asarray(_DIDX_NP))
    return img.reshape(BATCH, 1, IMG, IMG)

# --- scband reference (transcript-rebuilt; emitter-appended) ---
"""Pipeline reference for scband-compute-depth-maps-23424751633217 (READ-ONLY COPY).

The authoritative reference and input builder live on the scoring server;
editing this copy changes nothing except your own understanding.
"""

import math
import jax, jax.numpy as jnp
import numpy as np

IMAGE_SIZE = 256
KERNEL_RADIUS = 10.0
EYEPOS_SCALE = 1.0
VIEW_ID = 0


def _normalize(x):
    n = jnp.linalg.norm(x, axis=1, keepdims=True)
    return x / jnp.maximum(n, 1e-6)


def _look_at(eyes, centers, ups):
    zaxis = _normalize(eyes - centers)
    xaxis = _normalize(jnp.cross(ups, zaxis))
    yaxis = jnp.cross(zaxis, xaxis)
    b = eyes.shape[0]
    zeros = jnp.zeros([b], dtype=eyes.dtype)
    ones = jnp.ones([b], dtype=eyes.dtype)
    translation = jnp.stack([ones, zeros, zeros, -eyes[:, 0],
                             zeros, ones, zeros, -eyes[:, 1],
                             zeros, zeros, ones, -eyes[:, 2],
                             zeros, zeros, zeros, ones], -1).reshape(-1, 4, 4)
    orientation = jnp.stack([xaxis[:, 0], xaxis[:, 1], xaxis[:, 2], zeros,
                             yaxis[:, 0], yaxis[:, 1], yaxis[:, 2], zeros,
                             zaxis[:, 0], zaxis[:, 1], zaxis[:, 2], zeros,
                             zeros, zeros, zeros, ones], -1).reshape(-1, 4, 4)
    return orientation @ translation


def _orthorgonal(scalex, scaley, z_near, z_far):
    zeros = jnp.zeros_like(z_near)
    ones = jnp.ones_like(z_near)
    k1 = -2.0 / (z_far - z_near)
    k2 = (z_far + z_near) / (z_far - z_near)
    return jnp.stack([scalex, zeros, zeros, zeros,
                      zeros, scaley, zeros, zeros,
                      zeros, zeros, k1, k2,
                      zeros, zeros, zeros, ones], -1).reshape(-1, 4, 4)


def _pre_matrix(view_id):
    eyes_list = [[-1, -1, -1], [-1, -1, 1], [-1, 1, -1], [-1, 1, 1],
                 [1, -1, -1], [1, -1, 1], [1, 1, -1], [1, 1, 1]]
    proj = _orthorgonal(jnp.array([1.5], dtype=jnp.float32),
                        jnp.array([1.5], dtype=jnp.float32),
                        jnp.array([0.1], dtype=jnp.float32),
                        jnp.array([10.0], dtype=jnp.float32))
    view = _look_at(jnp.array([eyes_list[view_id]], dtype=jnp.float32) * EYEPOS_SCALE,
                    jnp.zeros((1, 3), dtype=jnp.float32),
                    jnp.array([[0.0, 0.0, 1.0]], dtype=jnp.float32))
    return (proj @ view)[0]


def _p2i_max(pos_ijs, point_features, batch_inds, background, kernel_radius):
    B, C, H, W = background.shape
    pts = (pos_ijs + 1.0) / 2.0 * jnp.array([H - 1, W - 1], dtype=pos_ijs.dtype)
    r = int(math.ceil(kernel_radius))
    offs = jnp.arange(-r, r + 2)
    di = offs.reshape(-1, 1)
    dj = offs.reshape(1, -1)
    base_i = jnp.floor(pts[:, 0])
    base_j = jnp.floor(pts[:, 1])
    ii = base_i[:, None, None] + di[None, :, :].astype(pts.dtype)
    jj = base_j[:, None, None] + dj[None, :, :].astype(pts.dtype)
    dist2 = (ii - pts[:, 0][:, None, None]) ** 2 + (jj - pts[:, 1][:, None, None]) ** 2
    dist = jnp.sqrt(dist2 + 1e-12)
    w = jnp.cos(dist / kernel_radius * (math.pi / 2.0))
    vals = point_features[:, 0][:, None, None] * w
    inb = (ii >= 0) & (ii <= H - 1) & (jj >= 0) & (jj <= W - 1) & (dist <= kernel_radius)
    vals = jnp.where(inb, vals, -jnp.inf)
    ii_c = jnp.clip(ii, 0, H - 1).astype(jnp.int32)
    jj_c = jnp.clip(jj, 0, W - 1).astype(jnp.int32)
    b_off = batch_inds.astype(jnp.int32)[:, None, None] * (H * W)
    flat_idx = b_off + ii_c * W + jj_c
    out = background.reshape(B * C * H * W)
    out = out.at[flat_idx.reshape(-1)].max(vals.reshape(-1))
    return out.reshape(B, C, H, W)


def _forward(data):
    B, N, _ = data.shape
    mat = _pre_matrix(VIEW_ID)
    pcds = data.reshape(-1, 3)
    hom = jnp.concatenate([pcds, jnp.ones((pcds.shape[0], 1), dtype=pcds.dtype)], axis=1)
    out = hom @ mat.T
    trans = out[:, :3] / out[:, 3:4]
    pos_x = trans[:, 0:1]
    pos_y = trans[:, 1:2]
    pos_z = trans[:, 2:3]
    pos_ijs = jnp.concatenate([-pos_y, pos_x], axis=1)
    feat = 1.0 - (pos_z - pos_z.min()) / (pos_z.max() - pos_z.min())
    batch_inds = jnp.repeat(jnp.arange(B, dtype=jnp.int32), N)
    background = jnp.zeros((B, 1, IMAGE_SIZE, IMAGE_SIZE), dtype=data.dtype)
    return _p2i_max(pos_ijs, feat, batch_inds, background, KERNEL_RADIUS)


def setup_inputs(seed: int = 0) -> dict:
    key = jax.random.key(seed)
    data = jax.random.normal(key, (8, 2048, 3), dtype=jnp.float32)
    return {"data": data}


def reference(data):
    return _forward(data)

if __name__ == "__main__":
    import jax
    _d = setup_inputs()
    print(jax.jit(kernel)(*tuple(_d.values())))

</pallas_src>

<mosaic_0001>
#map = affine_map<(d0, d1) -> (0)>
#map1 = affine_map<(d0, d1) -> (0, 0)>
module attributes {stable_mosaic.version = 14 : i64} {
  func.func @_splat_body(%arg0: i32, %arg1: i32, %arg2: memref<16384xi32, #tpu.memory_space<hbm>>, %arg3: memref<16384xi32, #tpu.memory_space<hbm>>, %arg4: memref<16384xf32, #tpu.memory_space<hbm>>, %arg5: memref<16384xf32, #tpu.memory_space<hbm>>, %arg6: memref<16384xf32, #tpu.memory_space<hbm>>, %arg7: memref<368xf32, #tpu.memory_space<hbm>>, %arg8: memref<368xf32, #tpu.memory_space<hbm>>, %arg9: memref<368xi32, #tpu.memory_space<hbm>>, %arg10: memref<368xi32, #tpu.memory_space<hbm>>, %arg11: memref<368xi32, #tpu.memory_space<hbm>>, %arg12: memref<8x65536xf32, #tpu.memory_space<hbm>>, %arg13: memref<32x65536xf32, #tpu.memory_space<hbm>>, %arg14: memref<65536xf32, #tpu.memory_space<vmem>>, %arg15: memref<512xi32, #tpu.memory_space<vmem>>, %arg16: memref<512xi32, #tpu.memory_space<vmem>>, %arg17: memref<512xf32, #tpu.memory_space<vmem>>, %arg18: memref<512xf32, #tpu.memory_space<vmem>>, %arg19: memref<512xf32, #tpu.memory_space<vmem>>, %arg20: memref<528xi32, #tpu.memory_space<vmem>>, %arg21: memref<528xi32, #tpu.memory_space<vmem>>, %arg22: memref<528xf32, #tpu.memory_space<vmem>>, %arg23: memref<528xf32, #tpu.memory_space<vmem>>, %arg24: memref<528xf32, #tpu.memory_space<vmem>>, %arg25: memref<528xi32, #tpu.memory_space<vmem>>, %arg26: memref<528xi32, #tpu.memory_space<vmem>>, %arg27: memref<528xf32, #tpu.memory_space<vmem>>, %arg28: memref<528xf32, #tpu.memory_space<vmem>>, %arg29: memref<528xf32, #tpu.memory_space<vmem>>, %arg30: memref<368xf32, #tpu.memory_space<vmem>>, %arg31: memref<368xf32, #tpu.memory_space<vmem>>, %arg32: memref<368xi32, #tpu.memory_space<vmem>>, %arg33: memref<368xi32, #tpu.memory_space<vmem>>, %arg34: memref<368xi32, #tpu.memory_space<vmem>>) attributes {dimension_semantics = [#tpu.dimension_semantics<core_parallel>, #tpu.dimension_semantics<subcore_parallel>], iteration_bounds = array<i64: 2, 16>, scalar_prefetch = 0 : i64, scratch_operands = 21 : i64, tpu.core_type = #tpu.core_type<sc_vector_subcore>, window_params = [{transform_indices = #map}, {transform_indices = #map}, {transform_indices = #map}, {transform_indices = #map}, {transform_indices = #map}, {transform_indices = #map}, {transform_indices = #map}, {transform_indices = #map}, {transform_indices = #map}, {transform_indices = #map}, {transform_indices = #map1}, {transform_indices = #map1}]} {
    %mul3A = arith.constant 16 : i32
    %mul3A_0 = arith.muli %arg0, %mul3A : i32
    %add3A = arith.addi %mul3A_0, %arg1 : i32
    %mul3A_1 = arith.constant 512 : i32
    %mul3A_2 = arith.muli %add3A, %mul3A_1 : i32
    "tpu.region"() ({
      %run_scoped3A = tpu.sem_alloc : memref<!tpu.dma_semaphore, #tpu.memory_space<semaphore_mem>>
      %dma_start3A = tpu.memref_slice %arg2[%mul3A_2] : memref<16384xi32, #tpu.memory_space<hbm>> -> memref<512xi32, #tpu.memory_space<hbm>>
      %dma_start3A_1993 = tpu.memref_slice %arg2[%mul3A_2] : memref<16384xi32, #tpu.memory_space<hbm>> -> memref<512xi32, #tpu.memory_space<hbm>>
      tpu.enqueue_dma source(%dma_start3A_1993 : memref<512xi32, #tpu.memory_space<hbm>>) target(%arg15 : memref<512xi32, #tpu.memory_space<vmem>>) target_semaphore(%run_scoped3A : memref<!tpu.dma_semaphore, #tpu.memory_space<semaphore_mem>>)
      %dma_wait3A = tpu.memref_slice %arg2[%mul3A_2] : memref<16384xi32, #tpu.memory_space<hbm>> -> memref<512xi32, #tpu.memory_space<hbm>>
      %dma_wait3A_1994 = tpu.memref_slice %arg2[%mul3A_2] : memref<16384xi32, #tpu.memory_space<hbm>> -> memref<512xi32, #tpu.memory_space<hbm>>
      tpu.wait_dma2 semaphore(%run_scoped3A : memref<!tpu.dma_semaphore, #tpu.memory_space<semaphore_mem>>) src(%dma_wait3A_1994 : memref<512xi32, #tpu.memory_space<hbm>>) dst(%arg15 : memref<512xi32, #tpu.memory_space<vmem>>)
      tpu.yield
    }) : () -> ()
    "tpu.region"() ({
      %run_scoped3A = tpu.sem_alloc : memref<!tpu.dma_semaphore, #tpu.memory_space<semaphore_mem>>
      %dma_start3A = tpu.memref_slice %arg3[%mul3A_2] : memref<16384xi32, #tpu.memory_space<hbm>> -> memref<512xi32, #tpu.memory_space<hbm>>
      %dma_start3A_1993 = tpu.memref_slice %arg3[%mul3A_2] : memref<16384xi32, #tpu.memory_space<hbm>> -> memref<512xi32, #tpu.memory_space<hbm>>
      tpu.enqueue_dma source(%dma_start3A_1993 : memref<512xi32, #tpu.memory_space<hbm>>) target(%arg16 : memref<512xi32, #tpu.memory_space<vmem>>) target_semaphore(%run_scoped3A : memref<!tpu.dma_semaphore, #tpu.memory_space<semaphore_mem>>)
      %dma_wait3A = tpu.memref_slice %arg3[%mul3A_2] : memref<16384xi32, #tpu.memory_space<hbm>> -> memref<512xi32, #tpu.memory_space<hbm>>
      %dma_wait3A_1994 = tpu.memref_slice %arg3[%mul3A_2] : memref<16384xi32, #tpu.memory_space<hbm>> -> memref<512xi32, #tpu.memory_space<hbm>>
      tpu.wait_dma2 semaphore(%run_scoped3A : memref<!tpu.dma_semaphore, #tpu.memory_space<semaphore_mem>>) src(%dma_wait3A_1994 : memref<512xi32, #tpu.memory_space<hbm>>) dst(%arg16 : memref<512xi32, #tpu.memory_space<vmem>>)
      tpu.yield
    }) : () -> ()
    "tpu.region"() ({
      %run_scoped3A = tpu.sem_alloc : memref<!tpu.dma_semaphore, #tpu.memory_space<semaphore_mem>>
      %dma_start3A = tpu.memref_slice %arg4[%mul3A_2] : memref<16384xf32, #tpu.memory_space<hbm>> -> memref<512xf32, #tpu.memory_space<hbm>>
      %dma_start3A_1993 = tpu.memref_slice %arg4[%mul3A_2] : memref<16384xf32, #tpu.memory_space<hbm>> -> memref<512xf32, #tpu.memory_space<hbm>>
      tpu.enqueue_dma source(%dma_start3A_1993 : memref<512xf32, #tpu.memory_space<hbm>>) target(%arg17 : memref<512xf32, #tpu.memory_space<vmem>>) target_semaphore(%run_scoped3A : memref<!tpu.dma_semaphore, #tpu.memory_space<semaphore_mem>>)
      %dma_wait3A = tpu.memref_slice %arg4[%mul3A_2] : memref<16384xf32, #tpu.memory_space<hbm>> -> memref<512xf32, #tpu.memory_space<hbm>>
      %dma_wait3A_1994 = tpu.memref_slice %arg4[%mul3A_2] : memref<16384xf32, #tpu.memory_space<hbm>> -> memref<512xf32, #tpu.memory_space<hbm>>
      tpu.wait_dma2 semaphore(%run_scoped3A : memref<!tpu.dma_semaphore, #tpu.memory_space<semaphore_mem>>) src(%dma_wait3A_1994 : memref<512xf32, #tpu.memory_space<hbm>>) dst(%arg17 : memref<512xf32, #tpu.memory_space<vmem>>)
      tpu.yield
    }) : () -> ()
    "tpu.region"() ({
      %run_scoped3A = tpu.sem_alloc : memref<!tpu.dma_semaphore, #tpu.memory_space<semaphore_mem>>
      %dma_start3A = tpu.memref_slice %arg5[%mul3A_2] : memref<16384xf32, #tpu.memory_space<hbm>> -> memref<512xf32, #tpu.memory_space<hbm>>
      %dma_start3A_1993 = tpu.memref_slice %arg5[%mul3A_2] : memref<16384xf32, #tpu.memory_space<hbm>> -> memref<512xf32, #tpu.memory_space<hbm>>
      tpu.enqueue_dma source(%dma_start3A_1993 : memref<512xf32, #tpu.memory_space<hbm>>) target(%arg18 : memref<512xf32, #tpu.memory_space<vmem>>) target_semaphore(%run_scoped3A : memref<!tpu.dma_semaphore, #tpu.memory_space<semaphore_mem>>)
      %dma_wait3A = tpu.memref_slice %arg5[%mul3A_2] : memref<16384xf32, #tpu.memory_space<hbm>> -> memref<512xf32, #tpu.memory_space<hbm>>
      %dma_wait3A_1994 = tpu.memref_slice %arg5[%mul3A_2] : memref<16384xf32, #tpu.memory_space<hbm>> -> memref<512xf32, #tpu.memory_space<hbm>>
      tpu.wait_dma2 semaphore(%run_scoped3A : memref<!tpu.dma_semaphore, #tpu.memory_space<semaphore_mem>>) src(%dma_wait3A_1994 : memref<512xf32, #tpu.memory_space<hbm>>) dst(%arg18 : memref<512xf32, #tpu.memory_space<vmem>>)
      tpu.yield
    }) : () -> ()
    "tpu.region"() ({
      %run_scoped3A = tpu.sem_alloc : memref<!tpu.dma_semaphore, #tpu.memory_space<semaphore_mem>>
      %dma_start3A = tpu.memref_slice %arg6[%mul3A_2] : memref<16384xf32, #tpu.memory_space<hbm>> -> memref<512xf32, #tpu.memory_space<hbm>>
      %dma_start3A_1993 = tpu.memref_slice %arg6[%mul3A_2] : memref<16384xf32, #tpu.memory_space<hbm>> -> memref<512xf32, #tpu.memory_space<hbm>>
      tpu.enqueue_dma source(%dma_start3A_1993 : memref<512xf32, #tpu.memory_space<hbm>>) target(%arg19 : memref<512xf32, #tpu.memory_space<vmem>>) target_semaphore(%run_scoped3A : memref<!tpu.dma_semaphore, #tpu.memory_space<semaphore_mem>>)
      %dma_wait3A = tpu.memref_slice %arg6[%mul3A_2] : memref<16384xf32, #tpu.memory_space<hbm>> -> memref<512xf32, #tpu.memory_space<hbm>>
      %dma_wait3A_1994 = tpu.memref_slice %arg6[%mul3A_2] : memref<16384xf32, #tpu.memory_space<hbm>> -> memref<512xf32, #tpu.memory_space<hbm>>
      tpu.wait_dma2 semaphore(%run_scoped3A : memref<!tpu.dma_semaphore, #tpu.memory_space<semaphore_mem>>) src(%dma_wait3A_1994 : memref<512xf32, #tpu.memory_space<hbm>>) dst(%arg19 : memref<512xf32, #tpu.memory_space<vmem>>)
      tpu.yield
    }) : () -> ()
    "tpu.region"() ({
      %run_scoped3A = tpu.sem_alloc : memref<!tpu.dma_semaphore, #tpu.memory_space<semaphore_mem>>
      tpu.enqueue_dma source(%arg7 : memref<368xf32, #tpu.memory_space<hbm>>) target(%arg30 : memref<368xf32, #tpu.memory_space<vmem>>) target_semaphore(%run_scoped3A : memref<!tpu.dma_semaphore, #tpu.memory_space<semaphore_mem>>)
      tpu.wait_dma2 semaphore(%run_scoped3A : memref<!tpu.dma_semaphore, #tpu.memory_space<semaphore_mem>>) src(%arg7 : memref<368xf32, #tpu.memory_space<hbm>>) dst(%arg30 : memref<368xf32, #tpu.memory_space<vmem>>)
      tpu.yield
    }) : () -> ()
    "tpu.region"() ({
      %run_scoped3A = tpu.sem_alloc : memref<!tpu.dma_semaphore, #tpu.memory_space<semaphore_mem>>
      tpu.enqueue_dma source(%arg8 : memref<368xf32, #tpu.memory_space<hbm>>) target(%arg31 : memref<368xf32, #tpu.memory_space<vmem>>) target_semaphore(%run_scoped3A : memref<!tpu.dma_semaphore, #tpu.memory_space<semaphore_mem>>)
      tpu.wait_dma2 semaphore(%run_scoped3A : memref<!tpu.dma_semaphore, #tpu.memory_space<semaphore_mem>>) src(%arg8 : memref<368xf32, #tpu.memory_space<hbm>>) dst(%arg31 : memref<368xf32, #tpu.memory_space<vmem>>)
      tpu.yield
    }) : () -> ()
    "tpu.region"() ({
      %run_scoped3A = tpu.sem_alloc : memref<!tpu.dma_semaphore, #tpu.memory_space<semaphore_mem>>
      tpu.enqueue_dma source(%arg9 : memref<368xi32, #tpu.memory_space<hbm>>) target(%arg32 : memref<368xi32, #tpu.memory_space<vmem>>) target_semaphore(%run_scoped3A : memref<!tpu.dma_semaphore, #tpu.memory_space<semaphore_mem>>)
      tpu.wait_dma2 semaphore(%run_scoped3A : memref<!tpu.dma_semaphore, #tpu.memory_space<semaphore_mem>>) src(%arg9 : memref<368xi32, #tpu.memory_space<hbm>>) dst(%arg32 : memref<368xi32, #tpu.memory_space<vmem>>)
      tpu.yield
    }) : () -> ()
    "tpu.region"() ({
      %run_scoped3A = tpu.sem_alloc : memref<!tpu.dma_semaphore, #tpu.memory_space<semaphore_mem>>
      tpu.enqueue_dma source(%arg10 : memref<368xi32, #tpu.memory_space<hbm>>) target(%arg33 : memref<368xi32, #tpu.memory_space<vmem>>) target_semaphore(%run_scoped3A : memref<!tpu.dma_semaphore, #tpu.memory_space<semaphore_mem>>)
      tpu.wait_dma2 semaphore(%run_scoped3A : memref<!tpu.dma_semaphore, #tpu.memory_space<semaphore_mem>>) src(%arg10 : memref<368xi32, #tpu.memory_space<hbm>>) dst(%arg33 : memref<368xi32, #tpu.memory_space<vmem>>)
      tpu.yield
    }) : () -> ()
    "tpu.region"() ({
      %run_scoped3A = tpu.sem_alloc : memref<!tpu.dma_semaphore, #tpu.memory_space<semaphore_mem>>
      tpu.enqueue_dma source(%arg11 : memref<368xi32, #tpu.memory_space<hbm>>) target(%arg34 : memref<368xi32, #tpu.memory_space<vmem>>) target_semaphore(%run_scoped3A : memref<!tpu.dma_semaphore, #tpu.memory_space<semaphore_mem>>)
      tpu.wait_dma2 semaphore(%run_scoped3A : memref<!tpu.dma_semaphore, #tpu.memory_space<semaphore_mem>>) src(%arg11 : memref<368xi32, #tpu.memory_space<hbm>>) dst(%arg34 : memref<368xi32, #tpu.memory_space<vmem>>)
      tpu.yield
    }) : () -> ()
    %broadcast_in_dim3A = arith.constant 0.000000e+00 : f32
    %broadcast_in_dim3A_3 = vector.broadcast %broadcast_in_dim3A : f32 to vector<16xf32>
    %broadcast_in_dim3A_4 = arith.constant 0 : i32
    %broadcast_in_dim3A_5 = vector.broadcast %broadcast_in_dim3A_4 : i32 to vector<16xi32>
    %parallel_loop3A = arith.constant 0 : i32
    %parallel_loop3A_6 = arith.constant 65536 : i32
    %parallel_loop3A_7 = arith.constant 16 : i32
    scf.for %parallel_loop3A_1993 = %parallel_loop3A to %parallel_loop3A_6 step %parallel_loop3A_7  : i32 {
      %parallel_loop3A_1994 = arith.index_cast %parallel_loop3A_1993 : i32 to index
      %parallel_loop3A_1995 = tpu.vector_load %arg14[%parallel_loop3A_1994] {strides = array<i32>} : memref<65536xf32, #tpu.memory_space<vmem>>, vector<16xf32>,
      tpu.vector_store %arg14[%parallel_loop3A_1994], %broadcast_in_dim3A_3 {strides = array<i32>} : memref<65536xf32, #tpu.memory_space<vmem>>, vector<16xf32>,
    } {sc.loop_unroll_factor = 8 : i64, sc.parallel_access}
    %broadcast_in_dim3A_8 = arith.constant 0 : i32
    %broadcast_in_dim3A_9 = vector.broadcast %broadcast_in_dim3A_8 : i32 to vector<16xi32>
    %broadcast_in_dim3A_10 = arith.constant 0 : i32
    %broadcast_in_dim3A_11 = vector.broadcast %broadcast_in_dim3A_10 : i32 to vector<16xi32>
    %get3A = arith.constant 0 : index
    %get3A_12 = tpu.vector_load %arg15[%get3A] {strides = array<i32>} : memref<512xi32, #tpu.memory_space<vmem>>, vector<16xi32>,
    %get3A_13 = arith.constant 0 : index
    %get3A_14 = tpu.vector_load %arg16[%get3A_13] {strides = array<i32>} : memref<512xi32, #tpu.memory_space<vmem>>, vector<16xi32>,
    %get3A_15 = arith.constant 0 : index
    %get3A_16 = tpu.vector_load %arg17[%get3A_15] {strides = array<i32>} : memref<512xf32, #tpu.memory_space<vmem>>, vector<16xf32>,
    %get3A_17 = arith.constant 0 : index
    %get3A_18 = tpu.vector_load %arg18[%get3A_17] {strides = array<i32>} : memref<512xf32, #tpu.memory_space<vmem>>, vector<16xf32>,
    %get3A_19 = arith.constant 0 : index
    %get3A_20 = tpu.vector_load %arg19[%get3A_19] {strides = array<i32>} : memref<512xf32, #tpu.memory_space<vmem>>, vector<16xf32>,
    %ge3A = arith.constant -10 : i32
    %ge3A_21 = vector.broadcast %ge3A : i32 to vector<16xi32>
    %ge3A_22 = arith.cmpi sge, %get3A_12, %ge3A_21 : vector<16xi32>
    %le3A = arith.constant 265 : i32
    %le3A_23 = vector.broadcast %le3A : i32 to vector<16xi32>
    %le3A_24 = arith.cmpi sle, %get3A_12, %le3A_23 : vector<16xi32>
    %and3A = arith.andi %ge3A_22, %le3A_24 : vector<16xi1>
    %ge3A_25 = arith.constant -10 : i32
    %ge3A_26 = vector.broadcast %ge3A_25 : i32 to vector<16xi32>
    %ge3A_27 = arith.cmpi sge, %get3A_14, %ge3A_26 : vector<16xi32>
    %and3A_28 = arith.andi %and3A, %ge3A_27 : vector<16xi1>
    %le3A_29 = arith.constant 265 : i32
    %le3A_30 = vector.broadcast %le3A_29 : i32 to vector<16xi32>
    %le3A_31 = arith.cmpi sle, %get3A_14, %le3A_30 : vector<16xi32>
    %and3A_32 = arith.andi %and3A_28, %le3A_31 : vector<16xi1>
    %ge3A_33 = arith.constant 10 : i32
    %ge3A_34 = vector.broadcast %ge3A_33 : i32 to vector<16xi32>
    %ge3A_35 = arith.cmpi sge, %get3A_12, %ge3A_34 : vector<16xi32>
    %le3A_36 = arith.constant 244 : i32
    %le3A_37 = vector.broadcast %le3A_36 : i32 to vector<16xi32>
    %le3A_38 = arith.cmpi sle, %get3A_12, %le3A_37 : vector<16xi32>
    %and3A_39 = arith.andi %ge3A_35, %le3A_38 : vector<16xi1>
    %ge3A_40 = arith.constant 10 : i32
    %ge3A_41 = vector.broadcast %ge3A_40 : i32 to vector<16xi32>
    %ge3A_42 = arith.cmpi sge, %get3A_14, %ge3A_41 : vector<16xi32>
    %and3A_43 = arith.andi %and3A_39, %ge3A_42 : vector<16xi1>
    %le3A_44 = arith.constant 244 : i32
    %le3A_45 = vector.broadcast %le3A_44 : i32 to vector<16xi32>
    %le3A_46 = arith.cmpi sle, %get3A_14, %le3A_45 : vector<16xi32>
    %and3A_47 = arith.andi %and3A_43, %le3A_46 : vector<16xi1>
    %not3A = arith.constant dense<true> : vector<16xi1>
    %not3A_48 = arith.xori %and3A_47, %not3A : vector<16xi1>
    %and3A_49 = arith.andi %and3A_32, %not3A_48 : vector<16xi1>
    %convert_element_type3A = arith.extui %and3A_47 : vector<16xi1> to vector<16xi32>
    %convert_element_type3A_50 = arith.extui %and3A_49 : vector<16xi1> to vector<16xi32>
    %broadcast_in_dim3A_51 = arith.constant true
    %broadcast_in_dim3A_52 = vector.broadcast %broadcast_in_dim3A_51 : i1 to vector<16xi1>
    %masked_cumsum3A = tpu.scan <sum>, %convert_element_type3A masked %broadcast_in_dim3A_52 : vector<16xi32>, vector<16xi1> -> vector<16xi32>
    %add3A_53 = arith.addi %broadcast_in_dim3A_9, %masked_cumsum3A : vector<16xi32>
    %sub3A = arith.subi %add3A_53, %convert_element_type3A : vector<16xi32>
    %broadcast_in_dim3A_54 = arith.constant true
    %broadcast_in_dim3A_55 = vector.broadcast %broadcast_in_dim3A_54 : i1 to vector<16xi1>
    %masked_cumsum3A_56 = tpu.scan <sum>, %convert_element_type3A_50 masked %broadcast_in_dim3A_55 : vector<16xi32>, vector<16xi1> -> vector<16xi32>
    %add3A_57 = arith.addi %broadcast_in_dim3A_11, %masked_cumsum3A_56 : vector<16xi32>
    %sub3A_58 = arith.subi %add3A_57, %convert_element_type3A_50 : vector<16xi32>
    tpu.vector_store_idx %arg20[%sub3A], %get3A_12 masked %and3A_47 : memref<528xi32, #tpu.memory_space<vmem>>[vector<16xi32>], vector<16xi32>, vector<16xi1>
    tpu.vector_store_idx %arg21[%sub3A], %get3A_14 masked %and3A_47 : memref<528xi32, #tpu.memory_space<vmem>>[vector<16xi32>], vector<16xi32>, vector<16xi1>
    tpu.vector_store_idx %arg22[%sub3A], %get3A_16 masked %and3A_47 : memref<528xf32, #tpu.memory_space<vmem>>[vector<16xi32>], vector<16xf32>, vector<16xi1>
    tpu.vector_store_idx %arg23[%sub3A], %get3A_18 masked %and3A_47 : memref<528xf32, #tpu.memory_space<vmem>>[vector<16xi32>], vector<16xf32>, vector<16xi1>
    tpu.vector_store_idx %arg24[%sub3A], %get3A_20 masked %and3A_47 : memref<528xf32, #tpu.memory_space<vmem>>[vector<16xi32>], vector<16xf32>, vector<16xi1>
    tpu.vector_store_idx %arg25[%sub3A_58], %get3A_12 masked %and3A_49 : memref<528xi32, #tpu.memory_space<vmem>>[vector<16xi32>], vector<16xi32>, vector<16xi1>
    tpu.vector_store_idx %arg26[%sub3A_58], %get3A_14 masked %and3A_49 : memref<528xi32, #tpu.memory_space<vmem>>[vector<16xi32>], vector<16xi32>, vector<16xi1>
    tpu.vector_store_idx %arg27[%sub3A_58], %get3A_16 masked %and3A_49 : memref<528xf32, #tpu.memory_space<vmem>>[vector<16xi32>], vector<16xf32>, vector<16xi1>
    tpu.vector_store_idx %arg28[%sub3A_58], %get3A_18 masked %and3A_49 : memref<528xf32, #tpu.memory_space<vmem>>[vector<16xi32>], vector<16xf32>, vector<16xi1>
    tpu.vector_store_idx %arg29[%sub3A_58], %get3A_20 masked %and3A_49 : memref<528xf32, #tpu.memory_space<vmem>>[vector<16xi32>], vector<16xf32>, vector<16xi1>
    %all_reduce_population_count3A = tpu.all_reduce %and3A_47 {dim = 0 : i64, kind = #tpu.reduction_kind<sum>} : vector<16xi1> -> vector<16xi32>
    %add3A_59 = arith.addi %broadcast_in_dim3A_9, %all_reduce_population_count3A : vector<16xi32>
    %all_reduce_population_count3A_60 = tpu.all_reduce %and3A_49 {dim = 0 : i64, kind = #tpu.reduction_kind<sum>} : vector<16xi1> -> vector<16xi32>
    %add3A_61 = arith.addi %broadcast_in_dim3A_11, %all_reduce_population_count3A_60 : vector<16xi32>
    %get3A_62 = arith.constant 16 : index
    %get3A_63 = tpu.vector_load %arg15[%get3A_62] {strides = array<i32>} : memref<512xi32, #tpu.memory_space<vmem>>, vector<16xi32>,
    %get3A_64 = arith.constant 16 : index
    %get3A_65 = tpu.vector_load %arg16[%get3A_64] {strides = array<i32>} : memref<512xi32, #tpu.memory_space<vmem>>, vector<16xi32>,
    %get3A_66 = arith.constant 16 : index
    %get3A_67 = tpu.vector_load %arg17[%get3A_66] {strides = array<i32>} : memref<512xf32, #tpu.memory_space<vmem>>, vector<16xf32>,
    %get3A_68 = arith.constant 16 : index
    %get3A_69 = tpu.vector_load %arg18[%get3A_68] {strides = array<i32>} : memref<512xf32, #tpu.memory_space<vmem>>, vector<16xf32>,
    %get3A_70 = arith.constant 16 : index
    %get3A_71 = tpu.vector_load %arg19[%get3A_70] {strides = array<i32>} : memref<512xf32, #tpu.memory_space<vmem>>, vector<16xf32>,
    %ge3A_72 = arith.constant -10 : i32
    %ge3A_73 = vector.broadcast %ge3A_72 : i32 to vector<16xi32>
    %ge3A_74 = arith.cmpi sge, %get3A_63, %ge3A_73 : vector<16xi32>
    %le3A_75 = arith.constant 265 : i32
    %le3A_76 = vector.broadcast %le3A_75 : i32 to vector<16xi32>
    %le3A_77 = arith.cmpi sle, %get3A_63, %le3A_76 : vector<16xi32>
    %and3A_78 = arith.andi %ge3A_74, %le3A_77 : vector<16xi1>
    %ge3A_79 = arith.constant -10 : i32
    %ge3A_80 = vector.broadcast %ge3A_79 : i32 to vector<16xi32>
    %ge3A_81 = arith.cmpi sge, %get3A_65, %ge3A_80 : vector<16xi32>
    %and3A_82 = arith.andi %and3A_78, %ge3A_81 : vector<16xi1>
    %le3A_83 = arith.constant 265 : i32
    %le3A_84 = vector.broadcast %le3A_83 : i32 to vector<16xi32>
    %le3A_85 = arith.cmpi sle, %get3A_65, %le3A_84 : vector<16xi32>
    %and3A_86 = arith.andi %and3A_82, %le3A_85 : vector<16xi1>
    %ge3A_87 = arith.constant 10 : i32
    %ge3A_88 = vector.broadcast %ge3A_87 : i32 to vector<16xi32>
    %ge3A_89 = arith.cmpi sge, %get3A_63, %ge3A_88 : vector<16xi32>
    %le3A_90 = arith.constant 244 : i32
    %le3A_91 = vector.broadcast %le3A_90 : i32 to vector<16xi32>
    %le3A_92 = arith.cmpi sle, %get3A_63, %le3A_91 : vector<16xi32>
    %and3A_93 = arith.andi %ge3A_89, %le3A_92 : vector<16xi1>
    %ge3A_94 = arith.constant 10 : i32
    %ge3A_95 = vector.broadcast %ge3A_94 : i32 to vector<16xi32>
    %ge3A_96 = arith.cmpi sge, %get3A_65, %ge3A_95 : vector<16xi32>
    %and3A_97 = arith.andi %and3A_93, %ge3A_96 : vector<16xi1>
    %le3A_98 = arith.constant 244 : i32
    %le3A_99 = vector.broadcast %le3A_98 : i32 to vector<16xi32>
    %le3A_100 = arith.cmpi sle, %get3A_65, %le3A_99 : vector<16xi32>
    %and3A_101 = arith.andi %and3A_97, %le3A_100 : vector<16xi1>
    %not3A_102 = arith.constant dense<true> : vector<16xi1>
    %not3A_103 = arith.xori %and3A_101, %not3A_102 : vector<16xi1>
    %and3A_104 = arith.andi %and3A_86, %not3A_103 : vector<16xi1>
    %convert_element_type3A_105 = arith.extui %and3A_101 : vector<16xi1> to vector<16xi32>
    %convert_element_type3A_106 = arith.extui %and3A_104 : vector<16xi1> to vector<16xi32>
    %broadcast_in_dim3A_107 = arith.constant true
    %broadcast_in_dim3A_108 = vector.broadcast %broadcast_in_dim3A_107 : i1 to vector<16xi1>
    %masked_cumsum3A_109 = tpu.scan <sum>, %convert_element_type3A_105 masked %broadcast_in_dim3A_108 : vector<16xi32>, vector<16xi1> -> vector<16xi32>
    %add3A_110 = arith.addi %add3A_59, %masked_cumsum3A_109 : vector<16xi32>
    %sub3A_111 = arith.subi %add3A_110, %convert_element_type3A_105 : vector<16xi32>
    %broadcast_in_dim3A_112 = arith.constant true
    %broadcast_in_dim3A_113 = vector.broadcast %broadcast_in_dim3A_112 : i1 to vector<16xi1>
    %masked_cumsum3A_114 = tpu.scan <sum>, %convert_element_type3A_106 masked %broadcast_in_dim3A_113 : vector<16xi32>, vector<16xi1> -> vector<16xi32>
    %add3A_115 = arith.addi %add3A_61, %masked_cumsum3A_114 : vector<16xi32>
    %sub3A_116 = arith.subi %add3A_115, %convert_element_type3A_106 : vector<16xi32>
    tpu.vector_store_idx %arg20[%sub3A_111], %get3A_63 masked %and3A_101 : memref<528xi32, #tpu.memory_space<vmem>>[vector<16xi32>], vector<16xi32>, vector<16xi1>
    tpu.vector_store_idx %arg21[%sub3A_111], %get3A_65 masked %and3A_101 : memref<528xi32, #tpu.memory_space<vmem>>[vector<16xi32>], vector<16xi32>, vector<16xi1>
    tpu.vector_store_idx %arg22[%sub3A_111], %get3A_67 masked %and3A_101 : memref<528xf32, #tpu.memory_space<vmem>>[vector<16xi32>], vector<16xf32>, vector<16xi1>
    tpu.vector_store_idx %arg23[%sub3A_111], %get3A_69 masked %and3A_101 : memref<528xf32, #tpu.memory_space<vmem>>[vector<16xi32>], vector<16xf32>, vector<16xi1>
    tpu.vector_store_idx %arg24[%sub3A_111], %get3A_71 masked %and3A_101 : memref<528xf32, #tpu.memory_space<vmem>>[vector<16xi32>], vector<16xf32>, vector<16xi1>
    tpu.vector_store_idx %arg25[%sub3A_116], %get3A_63 masked %and3A_104 : memref<528xi32, #tpu.memory_space<vmem>>[vector<16xi32>], vector<16xi32>, vector<16xi1>
    tpu.vector_store_idx %arg26[%sub3A_116], %get3A_65 masked %and3A_104 : memref<528xi32, #tpu.memory_space<vmem>>[vector<16xi32>], vector<16xi32>, vector<16xi1>
    tpu.vector_store_idx %arg27[%sub3A_116], %get3A_67 masked %and3A_104 : memref<528xf32, #tpu.memory_space<vmem>>[vector<16xi32>], vector<16xf32>, vector<16xi1>
    tpu.vector_store_idx %arg28[%sub3A_116], %get3A_69 masked %and3A_104 : memref<528xf32, #tpu.memory_space<vmem>>[vector<16xi32>], vector<16xf32>, vector<16xi1>
    tpu.vector_store_idx %arg29[%sub3A_116], %get3A_71 masked %and3A_104 : memref<528xf32, #tpu.memory_space<vmem>>[vector<16xi32>], vector<16xf32>, vector<16xi1>
    %all_reduce_population_count3A_117 = tpu.all_reduce %and3A_101 {dim = 0 : i64, kind = #tpu.reduction_kind<sum>} : vector<16xi1> -> vector<16xi32>
    %add3A_118 = arith.addi %add3A_59, %all_reduce_population_count3A_117 : vector<16xi32>
    %all_reduce_population_count3A_119 = tpu.all_reduce %and3A_104 {dim = 0 : i64, kind = #tpu.reduction_kind<sum>} : vector<16xi1> -> vector<16xi32>
    %add3A_120 = arith.addi %add3A_61, %all_reduce_population_count3A_119 : vector<16xi32>
    %get3A_121 = arith.constant 32 : index
    %get3A_122 = tpu.vector_load %arg15[%get3A_121] {strides = array<i32>} : memref<512xi32, #tpu.memory_space<vmem>>, vector<16xi32>,
    %get3A_123 = arith.constant 32 : index
    %get3A_124 = tpu.vector_load %arg16[%get3A_123] {strides = array<i32>} : memref<512xi32, #tpu.memory_space<vmem>>, vector<16xi32>,
    %get3A_125 = arith.constant 32 : index
    %get3A_126 = tpu.vector_load %arg17[%get3A_125] {strides = array<i32>} : memref<512xf32, #tpu.memory_space<vmem>>, vector<16xf32>,
    %get3A_127 = arith.constant 32 : index
    %get3A_128 = tpu.vector_load %arg18[%get3A_127] {strides = array<i32>} : memref<512xf32, #tpu.memory_space<vmem>>, vector<16xf32>,
    %get3A_129 = arith.constant 32 : index
    %get3A_130 = tpu.vector_load %arg19[%get3A_129] {strides = array<i32>} : memref<512xf32, #tpu.memory_space<vmem>>, vector<16xf32>,
    %ge3A_131 = arith.constant -10 : i32
    %ge3A_132 = vector.broadcast %ge3A_131 : i32 to vector<16xi32>
    %ge3A_133 = arith.cmpi sge, %get3A_122, %ge3A_132 : vector<16xi32>
    %le3A_134 = arith.constant 265 : i32
    %le3A_135 = vector.broadcast %le3A_134 : i32 to vector<16xi32>
    %le3A_136 = arith.cmpi sle, %get3A_122, %le3A_135 : vector<16xi32>
    %and3A_137 = arith.andi %ge3A_133, %le3A_136 : vector<16xi1>
    %ge3A_138 = arith.constant -10 : i32
    %ge3A_139 = vector.broadcast %ge3A_138 : i32 to vector<16xi32>
    %ge3A_140 = arith.cmpi sge, %get3A_124, %ge3A_139 : vector<16xi32>
    %and3A_141 = arith.andi %and3A_137, %ge3A_140 : vector<16xi1>
    %le3A_142 = arith.constant 265 : i32
    %le3A_143 = vector.broadcast %le3A_142 : i32 to vector<16xi32>
    %le3A_144 = arith.cmpi sle, %get3A_124, %le3A_143 : vector<16xi32>
    %and3A_145 = arith.andi %and3A_141, %le3A_144 : vector<16xi1>
    %ge3A_146 = arith.constant 10 : i32
    %ge3A_147 = vector.broadcast %ge3A_146 : i32 to vector<16xi32>
    %ge3A_148 = arith.cmpi sge, %get3A_122, %ge3A_147 : vector<16xi32>
    %le3A_149 = arith.constant 244 : i32
    %le3A_150 = vector.broadcast %le3A_149 : i32 to vector<16xi32>
    %le3A_151 = arith.cmpi sle, %get3A_122, %le3A_150 : vector<16xi32>
    %and3A_152 = arith.andi %ge3A_148, %le3A_151 : vector<16xi1>
    %ge3A_153 = arith.constant 10 : i32
    %ge3A_154 = vector.broadcast %ge3A_153 : i32 to vector<16xi32>
    %ge3A_155 = arith.cmpi sge, %get3A_124, %ge3A_154 : vector<16xi32>
    %and3A_156 = arith.andi %and3A_152, %ge3A_155 : vector<16xi1>
    %le3A_157 = arith.constant 244 : i32
    %le3A_158 = vector.broadcast %le3A_157 : i32 to vector<16xi32>
    %le3A_159 = arith.cmpi sle, %get3A_124, %le3A_158 : vector<16xi32>
    %and3A_160 = arith.andi %and3A_156, %le3A_159 : vector<16xi1>
    %not3A_161 = arith.constant dense<true> : vector<16xi1>
    %not3A_162 = arith.xori %and3A_160, %not3A_161 : vector<16xi1>
    %and3A_163 = arith.andi %and3A_145, %not3A_162 : vector<16xi1>
    %convert_element_type3A_164 = arith.extui %and3A_160 : vector<16xi1> to vector<16xi32>
    %convert_element_type3A_165 = arith.extui %and3A_163 : vector<16xi1> to vector<16xi32>
    %broadcast_in_dim3A_166 = arith.constant true
    %broadcast_in_dim3A_167 = vector.broadcast %broadcast_in_dim3A_166 : i1 to vector<16xi1>
    %masked_cumsum3A_168 = tpu.scan <sum>, %convert_element_type3A_164 masked %broadcast_in_dim3A_167 : vector<16xi32>, vector<16xi1> -> vector<16xi32>
    %add3A_169 = arith.addi %add3A_118, %masked_cumsum3A_168 : vector<16xi32>
    %sub3A_170 = arith.subi %add3A_169, %convert_element_type3A_164 : vector<16xi32>
    %broadcast_in_dim3A_171 = arith.constant true
    %broadcast_in_dim3A_172 = vector.broadcast %broadcast_in_dim3A_171 : i1 to vector<16xi1>
    %masked_cumsum3A_173 = tpu.scan <sum>, %convert_element_type3A_165 masked %broadcast_in_dim3A_172 : vector<16xi32>, vector<16xi1> -> vector<16xi32>
    %add3A_174 = arith.addi %add3A_120, %masked_cumsum3A_173 : vector<16xi32>
    %sub3A_175 = arith.subi %add3A_174, %convert_element_type3A_165 : vector<16xi32>
    tpu.vector_store_idx %arg20[%sub3A_170], %get3A_122 masked %and3A_160 : memref<528xi32, #tpu.memory_space<vmem>>[vector<16xi32>], vector<16xi32>, vector<16xi1>
    tpu.vector_store_idx %arg21[%sub3A_170], %get3A_124 masked %and3A_160 : memref<528xi32, #tpu.memory_space<vmem>>[vector<16xi32>], vector<16xi32>, vector<16xi1>
    tpu.vector_store_idx %arg22[%sub3A_170], %get3A_126 masked %and3A_160 : memref<528xf32, #tpu.memory_space<vmem>>[vector<16xi32>], vector<16xf32>, vector<16xi1>
    tpu.vector_store_idx %arg23[%sub3A_170], %get3A_128 masked %and3A_160 : memref<528xf32, #tpu.memory_space<vmem>>[vector<16xi32>], vector<16xf32>, vector<16xi1>
    tpu.vector_store_idx %arg24[%sub3A_170], %get3A_130 masked %and3A_160 : memref<528xf32, #tpu.memory_space<vmem>>[vector<16xi32>], vector<16xf32>, vector<16xi1>
    tpu.vector_store_idx %arg25[%sub3A_175], %get3A_122 masked %and3A_163 : memref<528xi32, #tpu.memory_space<vmem>>[vector<16xi32>], vector<16xi32>, vector<16xi1>
    tpu.vector_store_idx %arg26[%sub3A_175], %get3A_124 masked %and3A_163 : memref<528xi32, #tpu.memory_space<vmem>>[vector<16xi32>], vector<16xi32>, vector<16xi1>
    tpu.vector_store_idx %arg27[%sub3A_175], %get3A_126 masked %and3A_163 : memref<528xf32, #tpu.memory_space<vmem>>[vector<16xi32>], vector<16xf32>, vector<16xi1>
    tpu.vector_store_idx %arg28[%sub3A_175], %get3A_128 masked %and3A_163 : memref<528xf32, #tpu.memory_space<vmem>>[vector<16xi32>], vector<16xf32>, vector<16xi1>
    tpu.vector_store_idx %arg29[%sub3A_175], %get3A_130 masked %and3A_163 : memref<528xf32, #tpu.memory_space<vmem>>[vector<16xi32>], vector<16xf32>, vector<16xi1>
    %all_reduce_population_count3A_176 = tpu.all_reduce %and3A_160 {dim = 0 : i64, kind = #tpu.reduction_kind<sum>} : vector<16xi1> -> vector<16xi32>
    %add3A_177 = arith.addi %add3A_118, %all_reduce_population_count3A_176 : vector<16xi32>
    %all_reduce_population_count3A_178 = tpu.all_reduce %and3A_163 {dim = 0 : i64, kind = #tpu.reduction_kind<sum>} : vector<16xi1> -> vector<16xi32>
    %add3A_179 = arith.addi %add3A_120, %all_reduce_population_count3A_178 : vector<16xi32>
    %get3A_180 = arith.constant 48 : index
    %get3A_181 = tpu.vector_load %arg15[%get3A_180] {strides = array<i32>} : memref<512xi32, #tpu.memory_space<vmem>>, vector<16xi32>,
    %get3A_182 = arith.constant 48 : index
    %get3A_183 = tpu.vector_load %arg16[%get3A_182] {strides = array<i32>} : memref<512xi32, #tpu.memory_space<vmem>>, vector<16xi32>,
    %get3A_184 = arith.constant 48 : index
    %get3A_185 = tpu.vector_load %arg17[%get3A_184] {strides = array<i32>} : memref<512xf32, #tpu.memory_space<vmem>>, vector<16xf32>,
    %get3A_186 = arith.constant 48 : index
    %get3A_187 = tpu.vector_load %arg18[%get3A_186] {strides = array<i32>} : memref<512xf32, #tpu.memory_space<vmem>>, vector<16xf32>,
    %get3A_188 = arith.constant 48 : index
    %get3A_189 = tpu.vector_load %arg19[%get3A_188] {strides = array<i32>} : memref<512xf32, #tpu.memory_space<vmem>>, vector<16xf32>,
    %ge3A_190 = arith.constant -10 : i32
    %ge3A_191 = vector.broadcast %ge3A_190 : i32 to vector<16xi32>
    %ge3A_192 = arith.cmpi sge, %get3A_181, %ge3A_191 : vector<16xi32>
    %le3A_193 = arith.constant 265 : i32
    %le3A_194 = vector.broadcast %le3A_193 : i32 to vector<16xi32>
    %le3A_195 = arith.cmpi sle, %get3A_181, %le3A_194 : vector<16xi32>
    %and3A_196 = arith.andi %ge3A_192, %le3A_195 : vector<16xi1>
    %ge3A_197 = arith.constant -10 : i32
    %ge3A_198 = vector.broadcast %ge3A_197 : i32 to vector<16xi32>
    %ge3A_199 = arith.cmpi sge, %get3A_183, %ge3A_198 : vector<16xi32>
    %and3A_200 = arith.andi %and3A_196, %ge3A_199 : vector<16xi1>
    %le3A_201 = arith.constant 265 : i32
    %le3A_202 = vector.broadcast %le3A_201 : i32 to vector<16xi32>
    %le3A_203 = arith.cmpi sle, %get3A_183, %le3A_202 : vector<16xi32>
    %and3A_204 = arith.andi %and3A_200, %le3A_203 : vector<16xi1>
    %ge3A_205 = arith.constant 10 : i32
    %ge3A_206 = vector.broadcast %ge3A_205 : i32 to vector<16xi32>
    %ge3A_207 = arith.cmpi sge, %get3A_181, %ge3A_206 : vector<16xi32>
    %le3A_208 = arith.constant 244 : i32
    %le3A_209 = vector.broadcast %le3A_208 : i32 to vector<16xi32>
    %le3A_210 = arith.cmpi sle, %get3A_181, %le3A_209 : vector<16xi32>
    %and3A_211 = arith.andi %ge3A_207, %le3A_210 : vector<16xi1>
    %ge3A_212 = arith.constant 10 : i32
    %ge3A_213 = vector.broadcast %ge3A_212 : i32 to vector<16xi32>
    %ge3A_214 = arith.cmpi sge, %get3A_183, %ge3A_213 : vector<16xi32>
    %and3A_215 = arith.andi %and3A_211, %ge3A_214 : vector<16xi1>
    %le3A_216 = arith.constant 244 : i32
    %le3A_217 = vector.broadcast %le3A_216 : i32 to vector<16xi32>
    %le3A_218 = arith.cmpi sle, %get3A_183, %le3A_217 : vector<16xi32>
    %and3A_219 = arith.andi %and3A_215, %le3A_218 : vector<16xi1>
    %not3A_220 = arith.constant dense<true> : vector<16xi1>
    %not3A_221 = arith.xori %and3A_219, %not3A_220 : vector<16xi1>
    %and3A_222 = arith.andi %and3A_204, %not3A_221 : vector<16xi1>
    %convert_element_type3A_223 = arith.extui %and3A_219 : vector<16xi1> to vector<16xi32>
    %convert_element_type3A_224 = arith.extui %and3A_222 : vector<16xi1> to vector<16xi32>
    %broadcast_in_dim3A_225 = arith.constant true
    %broadcast_in_dim3A_226 = vector.broadcast %broadcast_in_dim3A_225 : i1 to vector<16xi1>
    %masked_cumsum3A_227 = tpu.scan <sum>, %convert_element_type3A_223 masked %broadcast_in_dim3A_226 : vector<16xi32>, vector<16xi1> -> vector<16xi32>
    %add3A_228 = arith.addi %add3A_177, %masked_cumsum3A_227 : vector<16xi32>
    %sub3A_229 = arith.subi %add3A_228, %convert_element_type3A_223 : vector<16xi32>
    %broadcast_in_dim3A_230 = arith.constant true
    %broadcast_in_dim3A_231 = vector.broadcast %broadcast_in_dim3A_230 : i1 to vector<16xi1>
    %masked_cumsum3A_232 = tpu.scan <sum>, %convert_element_type3A_224 masked %broadcast_in_dim3A_231 : vector<16xi32>, vector<16xi1> -> vector<16xi32>
    %add3A_233 = arith.addi %add3A_179, %masked_cumsum3A_232 : vector<16xi32>
    %sub3A_234 = arith.subi %add3A_233, %convert_element_type3A_224 : vector<16xi32>
    tpu.vector_store_idx %arg20[%sub3A_229], %get3A_181 masked %and3A_219 : memref<528xi32, #tpu.memory_space<vmem>>[vector<16xi32>], vector<16xi32>, vector<16xi1>
    tpu.vector_store_idx %arg21[%sub3A_229], %get3A_183 masked %and3A_219 : memref<528xi32, #tpu.memory_space<vmem>>[vector<16xi32>], vector<16xi32>, vector<16xi1>
    tpu.vector_store_idx %arg22[%sub3A_229], %get3A_185 masked %and3A_219 : memref<528xf32, #tpu.memory_space<vmem>>[vector<16xi32>], vector<16xf32>, vector<16xi1>
    tpu.vector_store_idx %arg23[%sub3A_229], %get3A_187 masked %and3A_219 : memref<528xf32, #tpu.memory_space<vmem>>[vector<16xi32>], vector<16xf32>, vector<16xi1>
    tpu.vector_store_idx %arg24[%sub3A_229], %get3A_189 masked %and3A_219 : memref<528xf32, #tpu.memory_space<vmem>>[vector<16xi32>], vector<16xf32>, vector<16xi1>
    tpu.vector_store_idx %arg25[%sub3A_234], %get3A_181 masked %and3A_222 : memref<528xi32, #tpu.memory_space<vmem>>[vector<16xi32>], vector<16xi32>, vector<16xi1>
    tpu.vector_store_idx %arg26[%sub3A_234], %get3A_183 masked %and3A_222 : memref<528xi32, #tpu.memory_space<vmem>>[vector<16xi32>], vector<16xi32>, vector<16xi1>
    tpu.vector_store_idx %arg27[%sub3A_234], %get3A_185 masked %and3A_222 : memref<528xf32, #tpu.memory_space<vmem>>[vector<16xi32>], vector<16xf32>, vector<16xi1>
    tpu.vector_store_idx %arg28[%sub3A_234], %get3A_187 masked %and3A_222 : memref<528xf32, #tpu.memory_space<vmem>>[vector<16xi32>], vector<16xf32>, vector<16xi1>
    tpu.vector_store_idx %arg29[%sub3A_234], %get3A_189 masked %and3A_222 : memref<528xf32, #tpu.memory_space<vmem>>[vector<16xi32>], vector<16xf32>, vector<16xi1>
    %all_reduce_population_count3A_235 = tpu.all_reduce %and3A_219 {dim = 0 : i64, kind = #tpu.reduction_kind<sum>} : vector<16xi1> -> vector<16xi32>
    %add3A_236 = arith.addi %add3A_177, %all_reduce_population_count3A_235 : vector<16xi32>
    %all_reduce_population_count3A_237 = tpu.all_reduce %and3A_222 {dim = 0 : i64, kind = #tpu.reduction_kind<sum>} : vector<16xi1> -> vector<16xi32>
    %add3A_238 = arith.addi %add3A_179, %all_reduce_population_count3A_237 : vector<16xi32>
    %get3A_239 = arith.constant 64 : index
    %get3A_240 = tpu.vector_load %arg15[%get3A_239] {strides = array<i32>} : memref<512xi32, #tpu.memory_space<vmem>>, vector<16xi32>,
    %get3A_241 = arith.constant 64 : index
    %get3A_242 = tpu.vector_load %arg16[%get3A_241] {strides = array<i32>} : memref<512xi32, #tpu.memory_space<vmem>>, vector<16xi32>,
    %get3A_243 = arith.constant 64 : index
    %get3A_244 = tpu.vector_load %arg17[%get3A_243] {strides = array<i32>} : memref<512xf32, #tpu.memory_space<vmem>>, vector<16xf32>,
    %get3A_245 = arith.constant 64 : index
    %get3A_246 = tpu.vector_load %arg18[%get3A_245] {strides = array<i32>} : memref<512xf32, #tpu.memory_space<vmem>>, vector<16xf32>,
    %get3A_247 = arith.constant 64 : index
    %get3A_248 = tpu.vector_load %arg19[%get3A_247] {strides = array<i32>} : memref<512xf32, #tpu.memory_space<vmem>>, vector<16xf32>,
    %ge3A_249 = arith.constant -10 : i32
    %ge3A_250 = vector.broadcast %ge3A_249 : i32 to vector<16xi32>
    %ge3A_251 = arith.cmpi sge, %get3A_240, %ge3A_250 : vector<16xi32>
    %le3A_252 = arith.constant 265 : i32
    %le3A_253 = vector.broadcast %le3A_252 : i32 to vector<16xi32>
    %le3A_254 = arith.cmpi sle, %get3A_240, %le3A_253 : vector<16xi32>
    %and3A_255 = arith.andi %ge3A_251, %le3A_254 : vector<16xi1>
    %ge3A_256 = arith.constant -10 : i32
    %ge3A_257 = vector.broadcast %ge3A_256 : i32 to vector<16xi32>
    %ge3A_258 = arith.cmpi sge, %get3A_242, %ge3A_257 : vector<16xi32>
    %and3A_259 = arith.andi %and3A_255, %ge3A_258 : vector<16xi1>
    %le3A_260 = arith.constant 265 : i32
    %le3A_261 = vector.broadcast %le3A_260 : i32 to vector<16xi32>
    %le3A_262 = arith.cmpi sle, %get3A_242, %le3A_261 : vector<16xi32>
    %and3A_263 = arith.andi %and3A_259, %le3A_262 : vector<16xi1>
    %ge3A_264 = arith.constant 10 : i32
    %ge3A_265 = vector.broadcast %ge3A_264 : i32 to vector<16xi32>
    %ge3A_266 = arith.cmpi sge, %get3A_240, %ge3A_265 : vector<16xi32>
    %le3A_267 = arith.constant 244 : i32
    %le3A_268 = vector.broadcast %le3A_267 : i32 to vector<16xi32>
    %le3A_269 = arith.cmpi sle, %get3A_240, %le3A_268 : vector<16xi32>
    %and3A_270 = arith.andi %ge3A_266, %le3A_269 : vector<16xi1>
    %ge3A_271 = arith.constant 10 : i32
    %ge3A_272 = vector.broadcast %ge3A_271 : i32 to vector<16xi32>
    %ge3A_273 = arith.cmpi sge, %get3A_242, %ge3A_272 : vector<16xi32>
    %and3A_274 = arith.andi %and3A_270, %ge3A_273 : vector<16xi1>
    %le3A_275 = arith.constant 244 : i32
    %le3A_276 = vector.broadcast %le3A_275 : i32 to vector<16xi32>
    %le3A_277 = arith.cmpi sle, %get3A_242, %le3A_276 : vector<16xi32>
    %and3A_278 = arith.andi %and3A_274, %le3A_277 : vector<16xi1>
    %not3A_279 = arith.constant dense<true> : vector<16xi1>
    %not3A_280 = arith.xori %and3A_278, %not3A_279 : vector<16xi1>
    %and3A_281 = arith.andi %and3A_263, %not3A_280 : vector<16xi1>
    %convert_element_type3A_282 = arith.extui %and3A_278 : vector<16xi1> to vector<16xi32>
    %convert_element_type3A_283 = arith.extui %and3A_281 : vector<16xi1> to vector<16xi32>
    %broadcast_in_dim3A_284 = arith.constant true
    %broadcast_in_dim3A_285 = vector.broadcast %broadcast_in_dim3A_284 : i1 to vector<16xi1>
    %masked_cumsum3A_286 = tpu.scan <sum>, %convert_element_type3A_282 masked %broadcast_in_dim3A_285 : vector<16xi32>, vector<16xi1> -> vector<16xi32>
    %add3A_287 = arith.addi %add3A_236, %masked_cumsum3A_286 : vector<16xi32>
    %sub3A_288 = arith.subi %add3A_287, %convert_element_type3A_282 : vector<16xi32>
    %broadcast_in_dim3A_289 = arith.constant true
    %broadcast_in_dim3A_290 = vector.broadcast %broadcast_in_dim3A_289 : i1 to vector<16xi1>
    %masked_cumsum3A_291 = tpu.scan <sum>, %convert_element_type3A_283 masked %broadcast_in_dim3A_290 : vector<16xi32>, vector<16xi1> -> vector<16xi32>
    %add3A_292 = arith.addi %add3A_238, %masked_cumsum3A_291 : vector<16xi32>
    %sub3A_293 = arith.subi %add3A_292, %convert_element_type3A_283 : vector<16xi32>
    tpu.vector_store_idx %arg20[%sub3A_288], %get3A_240 masked %and3A_278 : memref<528xi32, #tpu.memory_space<vmem>>[vector<16xi32>], vector<16xi32>, vector<16xi1>
    tpu.vector_store_idx %arg21[%sub3A_288], %get3A_242 masked %and3A_278 : memref<528xi32, #tpu.memory_space<vmem>>[vector<16xi32>], vector<16xi32>, vector<16xi1>
    tpu.vector_store_idx %arg22[%sub3A_288], %get3A_244 masked %and3A_278 : memref<528xf32, #tpu.memory_space<vmem>>[vector<16xi32>], vector<16xf32>, vector<16xi1>
    tpu.vector_store_idx %arg23[%sub3A_288], %get3A_246 masked %and3A_278 : memref<528xf32, #tpu.memory_space<vmem>>[vector<16xi32>], vector<16xf32>, vector<16xi1>
    tpu.vector_store_idx %arg24[%sub3A_288], %get3A_248 masked %and3A_278 : memref<528xf32, #tpu.memory_space<vmem>>[vector<16xi32>], vector<16xf32>, vector<16xi1>
    tpu.vector_store_idx %arg25[%sub3A_293], %get3A_240 masked %and3A_281 : memref<528xi32, #tpu.memory_space<vmem>>[vector<16xi32>], vector<16xi32>, vector<16xi1>
    tpu.vector_store_idx %arg26[%sub3A_293], %get3A_242 masked %and3A_281 : memref<528xi32, #tpu.memory_space<vmem>>[vector<16xi32>], vector<16xi32>, vector<16xi1>
    tpu.vector_store_idx %arg27[%sub3A_293], %get3A_244 masked %and3A_281 : memref<528xf32, #tpu.memory_space<vmem>>[vector<16xi32>], vector<16xf32>, vector<16xi1>
    tpu.vector_store_idx %arg28[%sub3A_293], %get3A_246 masked %and3A_281 : memref<528xf32, #tpu.memory_space<vmem>>[vector<16xi32>], vector<16xf32>, vector<16xi1>
    tpu.vector_store_idx %arg29[%sub3A_293], %get3A_248 masked %and3A_281 : memref<528xf32, #tpu.memory_space<vmem>>[vector<16xi32>], vector<16xf32>, vector<16xi1>
    %all_reduce_population_count3A_294 = tpu.all_reduce %and3A_278 {dim = 0 : i64, kind = #tpu.reduction_kind<sum>} : vector<16xi1> -> vector<16xi32>
    %add3A_295 = arith.addi %add3A_236, %all_reduce_population_count3A_294 : vector<16xi32>
    %all_reduce_population_count3A_296 = tpu.all_reduce %and3A_281 {dim = 0 : i64, kind = #tpu.reduction_kind<sum>} : vector<16xi1> -> vector<16xi32>
    %add3A_297 = arith.addi %add3A_238, %all_reduce_population_count3A_296 : vector<16xi32>
    %get3A_298 = arith.constant 80 : index
    %get3A_299 = tpu.vector_load %arg15[%get3A_298] {strides = array<i32>} : memref<512xi32, #tpu.memory_space<vmem>>, vector<16xi32>,
    %get3A_300 = arith.constant 80 : index
    %get3A_301 = tpu.vector_load %arg16[%get3A_300] {strides = array<i32>} : memref<512xi32, #tpu.memory_space<vmem>>, vector<16xi32>,
    %get3A_302 = arith.constant 80 : index
    %get3A_303 = tpu.vector_load %arg17[%get3A_302] {strides = array<i32>} : memref<512xf32, #tpu.memory_space<vmem>>, vector<16xf32>,
    %get3A_304 = arith.constant 80 : index
    %get3A_305 = tpu.vector_load %arg18[%get3A_304] {strides = array<i32>} : memref<512xf32, #tpu.memory_space<vmem>>, vector<16xf32>,
    %get3A_306 = arith.constant 80 : index
    %get3A_307 = tpu.vector_load %arg19[%get3A_306] {strides = array<i32>} : memref<512xf32, #tpu.memory_space<vmem>>, vector<16xf32>,
    %ge3A_308 = arith.constant -10 : i32
    %ge3A_309 = vector.broadcast %ge3A_308 : i32 to vector<16xi32>
    %ge3A_310 = arith.cmpi sge, %get3A_299, %ge3A_309 : vector<16xi32>
    %le3A_311 = arith.constant 265 : i32
    %le3A_312 = vector.broadcast %le3A_311 : i32 to vector<16xi32>
    %le3A_313 = arith.cmpi sle, %get3A_299, %le3A_312 : vector<16xi32>
    %and3A_314 = arith.andi %ge3A_310, %le3A_313 : vector<16xi1>
    %ge3A_315 = arith.constant -10 : i32
    %ge3A_316 = vector.broadcast %ge3A_315 : i32 to vector<16xi32>
    %ge3A_317 = arith.cmpi sge, %get3A_301, %ge3A_316 : vector<16xi32>
    %and3A_318 = arith.andi %and3A_314, %ge3A_317 : vector<16xi1>
    %le3A_319 = arith.constant 265 : i32
    %le3A_320 = vector.broadcast %le3A_319 : i32 to vector<16xi32>
    %le3A_321 = arith.cmpi sle, %get3A_301, %le3A_320 : vector<16xi32>
    %and3A_322 = arith.andi %and3A_318, %le3A_321 : vector<16xi1>
    %ge3A_323 = arith.constant 10 : i32
    %ge3A_324 = vector.broadcast %ge3A_323 : i32 to vector<16xi32>
    %ge3A_325 = arith.cmpi sge, %get3A_299, %ge3A_324 : vector<16xi32>
    %le3A_326 = arith.constant 244 : i32
    %le3A_327 = vector.broadcast %le3A_326 : i32 to vector<16xi32>
    %le3A_328 = arith.cmpi sle, %get3A_299, %le3A_327 : vector<16xi32>
    %and3A_329 = arith.andi %ge3A_325, %le3A_328 : vector<16xi1>
    %ge3A_330 = arith.constant 10 : i32
    %ge3A_331 = vector.broadcast %ge3A_330 : i32 to vector<16xi32>
    %ge3A_332 = arith.cmpi sge, %get3A_301, %ge3A_331 : vector<16xi32>
    %and3A_333 = arith.andi %and3A_329, %ge3A_332 : vector<16xi1>
    %le3A_334 = arith.constant 244 : i32
    %le3A_335 = vector.broadcast %le3A_334 : i32 to vector<16xi32>
    %le3A_336 = arith.cmpi sle, %get3A_301, %le3A_335 : vector<16xi32>
    %and3A_337 = arith.andi %and3A_333, %le3A_336 : vector<16xi1>
    %not3A_338 = arith.constant dense<true> : vector<16xi1>
    %not3A_339 = arith.xori %and3A_337, %not3A_338 : vector<16xi1>
    %and3A_340 = arith.andi %and3A_322, %not3A_339 : vector<16xi1>
    %convert_element_type3A_341 = arith.extui %and3A_337 : vector<16xi1> to vector<16xi32>
    %convert_element_type3A_342 = arith.extui %and3A_340 : vector<16xi1> to vector<16xi32>
    %broadcast_in_dim3A_343 = arith.constant true
    %broadcast_in_dim3A_344 = vector.broadcast %broadcast_in_dim3A_343 : i1 to vector<16xi1>
    %masked_cumsum3A_345 = tpu.scan <sum>, %convert_element_type3A_341 masked %broadcast_in_dim3A_344 : vector<16xi32>, vector<16xi1> -> vector<16xi32>
    %add3A_346 = arith.addi %add3A_295, %masked_cumsum3A_345 : vector<16xi32>
    %sub3A_347 = arith.subi %add3A_346, %convert_element_type3A_341 : vector<16xi32>
    %broadcast_in_dim3A_348 = arith.constant true
    %broadcast_in_dim3A_349 = vector.broadcast %broadcast_in_dim3A_348 : i1 to vector<16xi1>
    %masked_cumsum3A_350 = tpu.scan <sum>, %convert_element_type3A_342 masked %broadcast_in_dim3A_349 : vector<16xi32>, vector<16xi1> -> vector<16xi32>
    %add3A_351 = arith.addi %add3A_297, %masked_cumsum3A_350 : vector<16xi32>
    %sub3A_352 = arith.subi %add3A_351, %convert_element_type3A_342 : vector<16xi32>
    tpu.vector_store_idx %arg20[%sub3A_347], %get3A_299 masked %and3A_337 : memref<528xi32, #tpu.memory_space<vmem>>[vector<16xi32>], vector<16xi32>, vector<16xi1>
    tpu.vector_store_idx %arg21[%sub3A_347], %get3A_301 masked %and3A_337 : memref<528xi32, #tpu.memory_space<vmem>>[vector<16xi32>], vector<16xi32>, vector<16xi1>
    tpu.vector_store_idx %arg22[%sub3A_347], %get3A_303 masked %and3A_337 : memref<528xf32, #tpu.memory_space<vmem>>[vector<16xi32>], vector<16xf32>, vector<16xi1>
    tpu.vector_store_idx %arg23[%sub3A_347], %get3A_305 masked %and3A_337 : memref<528xf32, #tpu.memory_space<vmem>>[vector<16xi32>], vector<16xf32>, vector<16xi1>
    tpu.vector_store_idx %arg24[%sub3A_347], %get3A_307 masked %and3A_337 : memref<528xf32, #tpu.memory_space<vmem>>[vector<16xi32>], vector<16xf32>, vector<16xi1>
    tpu.vector_store_idx %arg25[%sub3A_352], %get3A_299 masked %and3A_340 : memref<528xi32, #tpu.memory_space<vmem>>[vector<16xi32>], vector<16xi32>, vector<16xi1>
    tpu.vector_store_idx %arg26[%sub3A_352], %get3A_301 masked %and3A_340 : memref<528xi32, #tpu.memory_space<vmem>>[vector<16xi32>], vector<16xi32>, vector<16xi1>
    tpu.vector_store_idx %arg27[%sub3A_352], %get3A_303 masked %and3A_340 : memref<528xf32, #tpu.memory_space<vmem>>[vector<16xi32>], vector<16xf32>, vector<16xi1>
    tpu.vector_store_idx %arg28[%sub3A_352], %get3A_305 masked %and3A_340 : memref<528xf32, #tpu.memory_space<vmem>>[vector<16xi32>], vector<16xf32>, vector<16xi1>
    tpu.vector_store_idx %arg29[%sub3A_352], %get3A_307 masked %and3A_340 : memref<528xf32, #tpu.memory_space<vmem>>[vector<16xi32>], vector<16xf32>, vector<16xi1>
    %all_reduce_population_count3A_353 = tpu.all_reduce %and3A_337 {dim = 0 : i64, kind = #tpu.reduction_kind<sum>} : vector<16xi1> -> vector<16xi32>
    %add3A_354 = arith.addi %add3A_295, %all_reduce_population_count3A_353 : vector<16xi32>
    %all_reduce_population_count3A_355 = tpu.all_reduce %and3A_340 {dim = 0 : i64, kind = #tpu.reduction_kind<sum>} : vector<16xi1> -> vector<16xi32>
    %add3A_356 = arith.addi %add3A_297, %all_reduce_population_count3A_355 : vector<16xi32>
    %get3A_357 = arith.constant 96 : index
    %get3A_358 = tpu.vector_load %arg15[%get3A_357] {strides = array<i32>} : memref<512xi32, #tpu.memory_space<vmem>>, vector<16xi32>,
    %get3A_359 = arith.constant 96 : index
    %get3A_360 = tpu.vector_load %arg16[%get3A_359] {strides = array<i32>} : memref<512xi32, #tpu.memory_space<vmem>>, vector<16xi32>,
    %get3A_361 = arith.constant 96 : index
    %get3A_362 = tpu.vector_load %arg17[%get3A_361] {strides = array<i32>} : memref<512xf32, #tpu.memory_space<vmem>>, vector<16xf32>,
    %get3A_363 = arith.constant 96 : index
    %get3A_364 = tpu.vector_load %arg18[%get3A_363] {strides = array<i32>} : memref<512xf32, #tpu.memory_space<vmem>>, vector<16xf32>,
    %get3A_365 = arith.constant 96 : index
    %get3A_366 = tpu.vector_load %arg19[%get3A_365] {strides = array<i32>} : memref<512xf32, #tpu.memory_space<vmem>>, vector<16xf32>,
    %ge3A_367 = arith.constant -10 : i32
    %ge3A_368 = vector.broadcast %ge3A_367 : i32 to vector<16xi32>
    %ge3A_369 = arith.cmpi sge, %get3A_358, %ge3A_368 : vector<16xi32>
    %le3A_370 = arith.constant 265 : i32
    %le3A_371 = vector.broadcast %le3A_370 : i32 to vector<16xi32>
    %le3A_372 = arith.cmpi sle, %get3A_358, %le3A_371 : vector<16xi32>
    %and3A_373 = arith.andi %ge3A_369, %le3A_372 : vector<16xi1>
    %ge3A_374 = arith.constant -10 : i32
    %ge3A_375 = vector.broadcast %ge3A_374 : i32 to vector<16xi32>
    %ge3A_376 = arith.cmpi sge, %get3A_360, %ge3A_375 : vector<16xi32>
    %and3A_377 = arith.andi %and3A_373, %ge3A_376 : vector<16xi1>
    %le3A_378 = arith.constant 265 : i32
    %le3A_379 = vector.broadcast %le3A_378 : i32 to vector<16xi32>
    %le3A_380 = arith.cmpi sle, %get3A_360, %le3A_379 : vector<16xi32>
    %and3A_381 = arith.andi %and3A_377, %le3A_380 : vector<16xi1>
    %ge3A_382 = arith.constant 10 : i32
    %ge3A_383 = vector.broadcast %ge3A_382 : i32 to vector<16xi32>
    %ge3A_384 = arith.cmpi sge, %get3A_358, %ge3A_383 : vector<16xi32>
    %le3A_385 = arith.constant 244 : i32
    %le3A_386 = vector.broadcast %le3A_385 : i32 to vector<16xi32>
    %le3A_387 = arith.cmpi sle, %get3A_358, %le3A_386 : vector<16xi32>
    %and3A_388 = arith.andi %ge3A_384, %le3A_387 : vector<16xi1>
    %ge3A_389 = arith.constant 10 : i32
    %ge3A_390 = vector.broadcast %ge3A_389 : i32 to vector<16xi32>
    %ge3A_391 = arith.cmpi sge, %get3A_360, %ge3A_390 : vector<16xi32>
    %and3A_392 = arith.andi %and3A_388, %ge3A_391 : vector<16xi1>
    %le3A_393 = arith.constant 244 : i32
    %le3A_394 = vector.broadcast %le3A_393 : i32 to vector<16xi32>
    %le3A_395 = arith.cmpi sle, %get3A_360, %le3A_394 : vector<16xi32>
    %and3A_396 = arith.andi %and3A_392, %le3A_395 : vector<16xi1>
    %not3A_397 = arith.constant dense<true> : vector<16xi1>
    %not3A_398 = arith.xori %and3A_396, %not3A_397 : vector<16xi1>
    %and3A_399 = arith.andi %and3A_381, %not3A_398 : vector<16xi1>
    %convert_element_type3A_400 = arith.extui %and3A_396 : vector<16xi1> to vector<16xi32>
    %convert_element_type3A_401 = arith.extui %and3A_399 : vector<16xi1> to vector<16xi32>
    %broadcast_in_dim3A_402 = arith.constant true
    %broadcast_in_dim3A_403 = vector.broadcast %broadcast_in_dim3A_402 : i1 to vector<16xi1>
    %masked_cumsum3A_404 = tpu.scan <sum>, %convert_element_type3A_400 masked %broadcast_in_dim3A_403 : vector<16xi32>, vector<16xi1> -> vector<16xi32>
    %add3A_405 = arith.addi %add3A_354, %masked_cumsum3A_404 : vector<16xi32>
    %sub3A_406 = arith.subi %add3A_405, %convert_element_type3A_400 : vector<16xi32>
    %broadcast_in_dim3A_407 = arith.constant true
    %broadcast_in_dim3A_408 = vector.broadcast %broadcast_in_dim3A_407 : i1 to vector<16xi1>
    %masked_cumsum3A_409 = tpu.scan <sum>, %convert_element_type3A_401 masked %broadcast_in_dim3A_408 : vector<16xi32>, vector<16xi1> -> vector<16xi32>
    %add3A_410 = arith.addi %add3A_356, %masked_cumsum3A_409 : vector<16xi32>
    %sub3A_411 = arith.subi %add3A_410, %convert_element_type3A_401 : vector<16xi32>
    tpu.vector_store_idx %arg20[%sub3A_406], %get3A_358 masked %and3A_396 : memref<528xi32, #tpu.memory_space<vmem>>[vector<16xi32>], vector<16xi32>, vector<16xi1>
    tpu.vector_store_idx %arg21[%sub3A_406], %get3A_360 masked %and3A_396 : memref<528xi32, #tpu.memory_space<vmem>>[vector<16xi32>], vector<16xi32>, vector<16xi1>
    tpu.vector_store_idx %arg22[%sub3A_406], %get3A_362 masked %and3A_396 : memref<528xf32, #tpu.memory_space<vmem>>[vector<16xi32>], vector<16xf32>, vector<16xi1>
    tpu.vector_store_idx %arg23[%sub3A_406], %get3A_364 masked %and3A_396 : memref<528xf32, #tpu.memory_space<vmem>>[vector<16xi32>], vector<16xf32>, vector<16xi1>
    tpu.vector_store_idx %arg24[%sub3A_406], %get3A_366 masked %and3A_396 : memref<528xf32, #tpu.memory_space<vmem>>[vector<16xi32>], vector<16xf32>, vector<16xi1>
    tpu.vector_store_idx %arg25[%sub3A_411], %get3A_358 masked %and3A_399 : memref<528xi32, #tpu.memory_space<vmem>>[vector<16xi32>], vector<16xi32>, vector<16xi1>
    tpu.vector_store_idx %arg26[%sub3A_411], %get3A_360 masked %and3A_399 : memref<528xi32, #tpu.memory_space<vmem>>[vector<16xi32>], vector<16xi32>, vector<16xi1>
    tpu.vector_store_idx %arg27[%sub3A_411], %get3A_362 masked %and3A_399 : memref<528xf32, #tpu.memory_space<vmem>>[vector<16xi32>], vector<16xf32>, vector<16xi1>
    tpu.vector_store_idx %arg28[%sub3A_411], %get3A_364 masked %and3A_399 : memref<528xf32, #tpu.memory_space<vmem>>[vector<16xi32>], vector<16xf32>, vector<16xi1>
    tpu.vector_store_idx %arg29[%sub3A_411], %get3A_366 masked %and3A_399 : memref<528xf32, #tpu.memory_space<vmem>>[vector<16xi32>], vector<16xf32>, vector<16xi1>
    %all_reduce_population_count3A_412 = tpu.all_reduce %and3A_396 {dim = 0 : i64, kind = #tpu.reduction_kind<sum>} : vector<16xi1> -> vector<16xi32>
    %add3A_413 = arith.addi %add3A_354, %all_reduce_population_count3A_412 : vector<16xi32>
    %all_reduce_population_count3A_414 = tpu.all_reduce %and3A_399 {dim = 0 : i64, kind = #tpu.reduction_kind<sum>} : vector<16xi1> -> vector<16xi32>
    %add3A_415 = arith.addi %add3A_356, %all_reduce_population_count3A_414 : vector<16xi32>
    %get3A_416 = arith.constant 112 : index
    %get3A_417 = tpu.vector_load %arg15[%get3A_416] {strides = array<i32>} : memref<512xi32, #tpu.memory_space<vmem>>, vector<16xi32>,
    %get3A_418 = arith.constant 112 : index
    %get3A_419 = tpu.vector_load %arg16[%get3A_418] {strides = array<i32>} : memref<512xi32, #tpu.memory_space<vmem>>, vector<16xi32>,
    %get3A_420 = arith.constant 112 : index
    %get3A_421 = tpu.vector_load %arg17[%get3A_420] {strides = array<i32>} : memref<512xf32, #tpu.memory_space<vmem>>, vector<16xf32>,
    %get3A_422 = arith.constant 112 : index
    %get3A_423 = tpu.vector_load %arg18[%get3A_422] {strides = array<i32>} : memref<512xf32, #tpu.memory_space<vmem>>, vector<16xf32>,
    %get3A_424 = arith.constant 112 : index
    %get3A_425 = tpu.vector_load %arg19[%get3A_424] {strides = array<i32>} : memref<512xf32, #tpu.memory_space<vmem>>, vector<16xf32>,
    %ge3A_426 = arith.constant -10 : i32
    %ge3A_427 = vector.broadcast %ge3A_426 : i32 to vector<16xi32>
    %ge3A_428 = arith.cmpi sge, %get3A_417, %ge3A_427 : vector<16xi32>
    %le3A_429 = arith.constant 265 : i32
    %le3A_430 = vector.broadcast %le3A_429 : i32 to vector<16xi32>
    %le3A_431 = arith.cmpi sle, %get3A_417, %le3A_430 : vector<16xi32>
    %and3A_432 = arith.andi %ge3A_428, %le3A_431 : vector<16xi1>
    %ge3A_433 = arith.constant -10 : i32
    %ge3A_434 = vector.broadcast %ge3A_433 : i32 to vector<16xi32>
    %ge3A_435 = arith.cmpi sge, %get3A_419, %ge3A_434 : vector<16xi32>
    %and3A_436 = arith.andi %and3A_432, %ge3A_435 : vector<16xi1>
    %le3A_437 = arith.constant 265 : i32
    %le3A_438 = vector.broadcast %le3A_437 : i32 to vector<16xi32>
    %le3A_439 = arith.cmpi sle, %get3A_419, %le3A_438 : vector<16xi32>
    %and3A_440 = arith.andi %and3A_436, %le3A_439 : vector<16xi1>
    %ge3A_441 = arith.constant 10 : i32
    %ge3A_442 = vector.broadcast %ge3A_441 : i32 to vector<16xi32>
    %ge3A_443 = arith.cmpi sge, %get3A_417, %ge3A_442 : vector<16xi32>
    %le3A_444 = arith.constant 244 : i32
    %le3A_445 = vector.broadcast %le3A_444 : i32 to vector<16xi32>
    %le3A_446 = arith.cmpi sle, %get3A_417, %le3A_445 : vector<16xi32>
    %and3A_447 = arith.andi %ge3A_443, %le3A_446 : vector<16xi1>
    %ge3A_448 = arith.constant 10 : i32
    %ge3A_449 = vector.broadcast %ge3A_448 : i32 to vector<16xi32>
    %ge3A_450 = arith.cmpi sge, %get3A_419, %ge3A_449 : vector<16xi32>
    %and3A_451 = arith.andi %and3A_447, %ge3A_450 : vector<16xi1>
    %le3A_452 = arith.constant 244 : i32
    %le3A_453 = vector.broadcast %le3A_452 : i32 to vector<16xi32>
    %le3A_454 = arith.cmpi sle, %get3A_419, %le3A_453 : vector<16xi32>
    %and3A_455 = arith.andi %and3A_451, %le3A_454 : vector<16xi1>
    %not3A_456 = arith.constant dense<true> : vector<16xi1>
    %not3A_457 = arith.xori %and3A_455, %not3A_456 : vector<16xi1>
    %and3A_458 = arith.andi %and3A_440, %not3A_457 : vector<16xi1>
    %convert_element_type3A_459 = arith.extui %and3A_455 : vector<16xi1> to vector<16xi32>
    %convert_element_type3A_460 = arith.extui %and3A_458 : vector<16xi1> to vector<16xi32>
    %broadcast_in_dim3A_461 = arith.constant true
    %broadcast_in_dim3A_462 = vector.broadcast %broadcast_in_dim3A_461 : i1 to vector<16xi1>
    %masked_cumsum3A_463 = tpu.scan <sum>, %convert_element_type3A_459 masked %broadcast_in_dim3A_462 : vector<16xi32>, vector<16xi1> -> vector<16xi32>
    %add3A_464 = arith.addi %add3A_413, %masked_cumsum3A_463 : vector<16xi32>
    %sub3A_465 = arith.subi %add3A_464, %convert_element_type3A_459 : vector<16xi32>
    %broadcast_in_dim3A_466 = arith.constant true
    %broadcast_in_dim3A_467 = vector.broadcast %broadcast_in_dim3A_466 : i1 to vector<16xi1>
    %masked_cumsum3A_468 = tpu.scan <sum>, %convert_element_type3A_460 masked %broadcast_in_dim3A_467 : vector<16xi32>, vector<16xi1> -> vector<16xi32>
    %add3A_469 = arith.addi %add3A_415, %masked_cumsum3A_468 : vector<16xi32>
    %sub3A_470 = arith.subi %add3A_469, %convert_element_type3A_460 : vector<16xi32>
    tpu.vector_store_idx %arg20[%sub3A_465], %get3A_417 masked %and3A_455 : memref<528xi32, #tpu.memory_space<vmem>>[vector<16xi32>], vector<16xi32>, vector<16xi1>
    tpu.vector_store_idx %arg21[%sub3A_465], %get3A_419 masked %and3A_455 : memref<528xi32, #tpu.memory_space<vmem>>[vector<16xi32>], vector<16xi32>, vector<16xi1>
    tpu.vector_store_idx %arg22[%sub3A_465], %get3A_421 masked %and3A_455 : memref<528xf32, #tpu.memory_space<vmem>>[vector<16xi32>], vector<16xf32>, vector<16xi1>
    tpu.vector_store_idx %arg23[%sub3A_465], %get3A_423 masked %and3A_455 : memref<528xf32, #tpu.memory_space<vmem>>[vector<16xi32>], vector<16xf32>, vector<16xi1>
    tpu.vector_store_idx %arg24[%sub3A_465], %get3A_425 masked %and3A_455 : memref<528xf32, #tpu.memory_space<vmem>>[vector<16xi32>], vector<16xf32>, vector<16xi1>
    tpu.vector_store_idx %arg25[%sub3A_470], %get3A_417 masked %and3A_458 : memref<528xi32, #tpu.memory_space<vmem>>[vector<16xi32>], vector<16xi32>, vector<16xi1>
    tpu.vector_store_idx %arg26[%sub3A_470], %get3A_419 masked %and3A_458 : memref<528xi32, #tpu.memory_space<vmem>>[vector<16xi32>], vector<16xi32>, vector<16xi1>
    tpu.vector_store_idx %arg27[%sub3A_470], %get3A_421 masked %and3A_458 : memref<528xf32, #tpu.memory_space<vmem>>[vector<16xi32>], vector<16xf32>, vector<16xi1>
    tpu.vector_store_idx %arg28[%sub3A_470], %get3A_423 masked %and3A_458 : memref<528xf32, #tpu.memory_space<vmem>>[vector<16xi32>], vector<16xf32>, vector<16xi1>
    tpu.vector_store_idx %arg29[%sub3A_470], %get3A_425 masked %and3A_458 : memref<528xf32, #tpu.memory_space<vmem>>[vector<16xi32>], vector<16xf32>, vector<16xi1>
    %all_reduce_population_count3A_471 = tpu.all_reduce %and3A_455 {dim = 0 : i64, kind = #tpu.reduction_kind<sum>} : vector<16xi1> -> vector<16xi32>
    %add3A_472 = arith.addi %add3A_413, %all_reduce_population_count3A_471 : vector<16xi32>
    %all_reduce_population_count3A_473 = tpu.all_reduce %and3A_458 {dim = 0 : i64, kind = #tpu.reduction_kind<sum>} : vector<16xi1> -> vector<16xi32>
    %add3A_474 = arith.addi %add3A_415, %all_reduce_population_count3A_473 : vector<16xi32>
    %get3A_475 = arith.constant 128 : index
    %get3A_476 = tpu.vector_load %arg15[%get3A_475] {strides = array<i32>} : memref<512xi32, #tpu.memory_space<vmem>>, vector<16xi32>,
    %get3A_477 = arith.constant 128 : index
    %get3A_478 = tpu.vector_load %arg16[%get3A_477] {strides = array<i32>} : memref<512xi32, #tpu.memory_space<vmem>>, vector<16xi32>,
    %get3A_479 = arith.constant 128 : index
    %get3A_480 = tpu.vector_load %arg17[%get3A_479] {strides = array<i32>} : memref<512xf32, #tpu.memory_space<vmem>>, vector<16xf32>,
    %get3A_481 = arith.constant 128 : index
    %get3A_482 = tpu.vector_load %arg18[%get3A_481] {strides = array<i32>} : memref<512xf32, #tpu.memory_space<vmem>>, vector<16xf32>,
    %get3A_483 = arith.constant 128 : index
    %get3A_484 = tpu.vector_load %arg19[%get3A_483] {strides = array<i32>} : memref<512xf32, #tpu.memory_space<vmem>>, vector<16xf32>,
    %ge3A_485 = arith.constant -10 : i32
    %ge3A_486 = vector.broadcast %ge3A_485 : i32 to vector<16xi32>
    %ge3A_487 = arith.cmpi sge, %get3A_476, %ge3A_486 : vector<16xi32>
    %le3A_488 = arith.constant 265 : i32
    %le3A_489 = vector.broadcast %le3A_488 : i32 to vector<16xi32>
    %le3A_490 = arith.cmpi sle, %get3A_476, %le3A_489 : vector<16xi32>
    %and3A_491 = arith.andi %ge3A_487, %le3A_490 : vector<16xi1>
    %ge3A_492 = arith.constant -10 : i32
    %ge3A_493 = vector.broadcast %ge3A_492 : i32 to vector<16xi32>
    %ge3A_494 = arith.cmpi sge, %get3A_478, %ge3A_493 : vector<16xi32>
    %and3A_495 = arith.andi %and3A_491, %ge3A_494 : vector<16xi1>
    %le3A_496 = arith.constant 265 : i32
    %le3A_497 = vector.broadcast %le3A_496 : i32 to vector<16xi32>
    %le3A_498 = arith.cmpi sle, %get3A_478, %le3A_497 : vector<16xi32>
    %and3A_499 = arith.andi %and3A_495, %le3A_498 : vector<16xi1>
    %ge3A_500 = arith.constant 10 : i32
    %ge3A_501 = vector.broadcast %ge3A_500 : i32 to vector<16xi32>
    %ge3A_502 = arith.cmpi sge, %get3A_476, %ge3A_501 : vector<16xi32>
    %le3A_503 = arith.constant 244 : i32
    %le3A_504 = vector.broadcast %le3A_503 : i32 to vector<16xi32>
    %le3A_505 = arith.cmpi sle, %get3A_476, %le3A_504 : vector<16xi32>
    %and3A_506 = arith.andi %ge3A_502, %le3A_505 : vector<16xi1>
    %ge3A_507 = arith.constant 10 : i32
    %ge3A_508 = vector.broadcast %ge3A_507 : i32 to vector<16xi32>
    %ge3A_509 = arith.cmpi sge, %get3A_478, %ge3A_508 : vector<16xi32>
    %and3A_510 = arith.andi %and3A_506, %ge3A_509 : vector<16xi1>
    %le3A_511 = arith.constant 244 : i32
    %le3A_512 = vector.broadcast %le3A_511 : i32 to vector<16xi32>
    %le3A_513 = arith.cmpi sle, %get3A_478, %le3A_512 : vector<16xi32>
    %and3A_514 = arith.andi %and3A_510, %le3A_513 : vector<16xi1>
    %not3A_515 = arith.constant dense<true> : vector<16xi1>
    %not3A_516 = arith.xori %and3A_514, %not3A_515 : vector<16xi1>
    %and3A_517 = arith.andi %and3A_499, %not3A_516 : vector<16xi1>
    %convert_element_type3A_518 = arith.extui %and3A_514 : vector<16xi1> to vector<16xi32>
    %convert_element_type3A_519 = arith.extui %and3A_517 : vector<16xi1> to vector<16xi32>
    %broadcast_in_dim3A_520 = arith.constant true
    %broadcast_in_dim3A_521 = vector.broadcast %broadcast_in_dim3A_520 : i1 to vector<16xi1>
    %masked_cumsum3A_522 = tpu.scan <sum>, %convert_element_type3A_518 masked %broadcast_in_dim3A_521 : vector<16xi32>, vector<16xi1> -> vector<16xi32>
    %add3A_523 = arith.addi %add3A_472, %masked_cumsum3A_522 : vector<16xi32>
    %sub3A_524 = arith.subi %add3A_523, %convert_element_type3A_518 : vector<16xi32>
    %broadcast_in_dim3A_525 = arith.constant true
    %broadcast_in_dim3A_526 = vector.broadcast %broadcast_in_dim3A_525 : i1 to vector<16xi1>
    %masked_cumsum3A_527 = tpu.scan <sum>, %convert_element_type3A_519 masked %broadcast_in_dim3A_526 : vector<16xi32>, vector<16xi1> -> vector<16xi32>
    %add3A_528 = arith.addi %add3A_474, %masked_cumsum3A_527 : vector<16xi32>
    %sub3A_529 = arith.subi %add3A_528, %convert_element_type3A_519 : vector<16xi32>
    tpu.vector_store_idx %arg20[%sub3A_524], %get3A_476 masked %and3A_514 : memref<528xi32, #tpu.memory_space<vmem>>[vector<16xi32>], vector<16xi32>, vector<16xi1>
    tpu.vector_store_idx %arg21[%sub3A_524], %get3A_478 masked %and3A_514 : memref<528xi32, #tpu.memory_space<vmem>>[vector<16xi32>], vector<16xi32>, vector<16xi1>
    tpu.vector_store_idx %arg22[%sub3A_524], %get3A_480 masked %and3A_514 : memref<528xf32, #tpu.memory_space<vmem>>[vector<16xi32>], vector<16xf32>, vector<16xi1>
    tpu.vector_store_idx %arg23[%sub3A_524], %get3A_482 masked %and3A_514 : memref<528xf32, #tpu.memory_space<vmem>>[vector<16xi32>], vector<16xf32>, vector<16xi1>
    tpu.vector_store_idx %arg24[%sub3A_524], %get3A_484 masked %and3A_514 : memref<528xf32, #tpu.memory_space<vmem>>[vector<16xi32>], vector<16xf32>, vector<16xi1>
    tpu.vector_store_idx %arg25[%sub3A_529], %get3A_476 masked %and3A_517 : memref<528xi32, #tpu.memory_space<vmem>>[vector<16xi32>], vector<16xi32>, vector<16xi1>
    tpu.vector_store_idx %arg26[%sub3A_529], %get3A_478 masked %and3A_517 : memref<528xi32, #tpu.memory_space<vmem>>[vector<16xi32>], vector<16xi32>, vector<16xi1>
    tpu.vector_store_idx %arg27[%sub3A_529], %get3A_480 masked %and3A_517 : memref<528xf32, #tpu.memory_space<vmem>>[vector<16xi32>], vector<16xf32>, vector<16xi1>
    tpu.vector_store_idx %arg28[%sub3A_529], %get3A_482 masked %and3A_517 : memref<528xf32, #tpu.memory_space<vmem>>[vector<16xi32>], vector<16xf32>, vector<16xi1>
    tpu.vector_store_idx %arg29[%sub3A_529], %get3A_484 masked %and3A_517 : memref<528xf32, #tpu.memory_space<vmem>>[vector<16xi32>], vector<16xf32>, vector<16xi1>
    %all_reduce_population_count3A_530 = tpu.all_reduce %and3A_514 {dim = 0 : i64, kind = #tpu.reduction_kind<sum>} : vector<16xi1> -> vector<16xi32>
    %add3A_531 = arith.addi %add3A_472, %all_reduce_population_count3A_530 : vector<16xi32>
    %all_reduce_population_count3A_532 = tpu.all_reduce %and3A_517 {dim = 0 : i64, kind = #tpu.reduction_kind<sum>} : vector<16xi1> -> vector<16xi32>
    %add3A_533 = arith.addi %add3A_474, %all_reduce_population_count3A_532 : vector<16xi32>
    %get3A_534 = arith.constant 144 : index
    %get3A_535 = tpu.vector_load %arg15[%get3A_534] {strides = array<i32>} : memref<512xi32, #tpu.memory_space<vmem>>, vector<16xi32>,
    %get3A_536 = arith.constant 144 : index
    %get3A_537 = tpu.vector_load %arg16[%get3A_536] {strides = array<i32>} : memref<512xi32, #tpu.memory_space<vmem>>, vector<16xi32>,
    %get3A_538 = arith.constant 144 : index
    %get3A_539 = tpu.vector_load %arg17[%get3A_538] {strides = array<i32>} : memref<512xf32, #tpu.memory_space<vmem>>, vector<16xf32>,
    %get3A_540 = arith.constant 144 : index
    %get3A_541 = tpu.vector_load %arg18[%get3A_540] {strides = array<i32>} : memref<512xf32, #tpu.memory_space<vmem>>, vector<16xf32>,
    %get3A_542 = arith.constant 144 : index
    %get3A_543 = tpu.vector_load %arg19[%get3A_542] {strides = array<i32>} : memref<512xf32, #tpu.memory_space<vmem>>, vector<16xf32>,
    %ge3A_544 = arith.constant -10 : i32
    %ge3A_545 = vector.broadcast %ge3A_544 : i32 to vector<16xi32>
    %ge3A_546 = arith.cmpi sge, %get3A_535, %ge3A_545 : vector<16xi32>
    %le3A_547 = arith.constant 265 : i32
    %le3A_548 = vector.broadcast %le3A_547 : i32 to vector<16xi32>
    %le3A_549 = arith.cmpi sle, %get3A_535, %le3A_548 : vector<16xi32>
    %and3A_550 = arith.andi %ge3A_546, %le3A_549 : vector<16xi1>
    %ge3A_551 = arith.constant -10 : i32
    %ge3A_552 = vector.broadcast %ge3A_551 : i32 to vector<16xi32>
    %ge3A_553 = arith.cmpi sge, %get3A_537, %ge3A_552 : vector<16xi32>
    %and3A_554 = arith.andi %and3A_550, %ge3A_553 : vector<16xi1>
    %le3A_555 = arith.constant 265 : i32
    %le3A_556 = vector.broadcast %le3A_555 : i32 to vector<16xi32>
    %le3A_557 = arith.cmpi sle, %get3A_537, %le3A_556 : vector<16xi32>
    %and3A_558 = arith.andi %and3A_554, %le3A_557 : vector<16xi1>
    %ge3A_559 = arith.constant 10 : i32
    %ge3A_560 = vector.broadcast %ge3A_559 : i32 to vector<16xi32>
    %ge3A_561 = arith.cmpi sge, %get3A_535, %ge3A_560 : vector<16xi32>
    %le3A_562 = arith.constant 244 : i32
    %le3A_563 = vector.broadcast %le3A_562 : i32 to vector<16xi32>
    %le3A_564 = arith.cmpi sle, %get3A_535, %le3A_563 : vector<16xi32>
    %and3A_565 = arith.andi %ge3A_561, %le3A_564 : vector<16xi1>
    %ge3A_566 = arith.constant 10 : i32
    %ge3A_567 = vector.broadcast %ge3A_566 : i32 to vector<16xi32>
    %ge3A_568 = arith.cmpi sge, %get3A_537, %ge3A_567 : vector<16xi32>
    %and3A_569 = arith.andi %and3A_565, %ge3A_568 : vector<16xi1>
    %le3A_570 = arith.constant 244 : i32
    %le3A_571 = vector.broadcast %le3A_570 : i32 to vector<16xi32>
    %le3A_572 = arith.cmpi sle, %get3A_537, %le3A_571 : vector<16xi32>
    %and3A_573 = arith.andi %and3A_569, %le3A_572 : vector<16xi1>
    %not3A_574 = arith.constant dense<true> : vector<16xi1>
    %not3A_575 = arith.xori %and3A_573, %not3A_574 : vector<16xi1>
    %and3A_576 = arith.andi %and3A_558, %not3A_575 : vector<16xi1>
    %convert_element_type3A_577 = arith.extui %and3A_573 : vector<16xi1> to vector<16xi32>
    %convert_element_type3A_578 = arith.extui %and3A_576 : vector<16xi1> to vector<16xi32>
    %broadcast_in_dim3A_579 = arith.constant true
    %broadcast_in_dim3A_580 = vector.broadcast %broadcast_in_dim3A_579 : i1 to vector<16xi1>
    %masked_cumsum3A_581 = tpu.scan <sum>, %convert_element_type3A_577 masked %broadcast_in_dim3A_580 : vector<16xi32>, vector<16xi1> -> vector<16xi32>
    %add3A_582 = arith.addi %add3A_531, %masked_cumsum3A_581 : vector<16xi32>
    %sub3A_583 = arith.subi %add3A_582, %convert_element_type3A_577 : vector<16xi32>
    %broadcast_in_dim3A_584 = arith.constant true
    %broadcast_in_dim3A_585 = vector.broadcast %broadcast_in_dim3A_584 : i1 to vector<16xi1>
    %masked_cumsum3A_586 = tpu.scan <sum>, %convert_element_type3A_578 masked %broadcast_in_dim3A_585 : vector<16xi32>, vector<16xi1> -> vector<16xi32>
    %add3A_587 = arith.addi %add3A_533, %masked_cumsum3A_586 : vector<16xi32>
    %sub3A_588 = arith.subi %add3A_587, %convert_element_type3A_578 : vector<16xi32>
    tpu.vector_store_idx %arg20[%sub3A_583], %get3A_535 masked %and3A_573 : memref<528xi32, #tpu.memory_space<vmem>>[vector<16xi32>], vector<16xi32>, vector<16xi1>
    tpu.vector_store_idx %arg21[%sub3A_583], %get3A_537 masked %and3A_573 : memref<528xi32, #tpu.memory_space<vmem>>[vector<16xi32>], vector<16xi32>, vector<16xi1>
    tpu.vector_store_idx %arg22[%sub3A_583], %get3A_539 masked %and3A_573 : memref<528xf32, #tpu.memory_space<vmem>>[vector<16xi32>], vector<16xf32>, vector<16xi1>
    tpu.vector_store_idx %arg23[%sub3A_583], %get3A_541 masked %and3A_573 : memref<528xf32, #tpu.memory_space<vmem>>[vector<16xi32>], vector<16xf32>, vector<16xi1>
    tpu.vector_store_idx %arg24[%sub3A_583], %get3A_543 masked %and3A_573 : memref<528xf32, #tpu.memory_space<vmem>>[vector<16xi32>], vector<16xf32>, vector<16xi1>
    tpu.vector_store_idx %arg25[%sub3A_588], %get3A_535 masked %and3A_576 : memref<528xi32, #tpu.memory_space<vmem>>[vector<16xi32>], vector<16xi32>, vector<16xi1>
    tpu.vector_store_idx %arg26[%sub3A_588], %get3A_537 masked %and3A_576 : memref<528xi32, #tpu.memory_space<vmem>>[vector<16xi32>], vector<16xi32>, vector<16xi1>
    tpu.vector_store_idx %arg27[%sub3A_588], %get3A_539 masked %and3A_576 : memref<528xf32, #tpu.memory_space<vmem>>[vector<16xi32>], vector<16xf32>, vector<16xi1>
    tpu.vector_store_idx %arg28[%sub3A_588], %get3A_541 masked %and3A_576 : memref<528xf32, #tpu.memory_space<vmem>>[vector<16xi32>], vector<16xf32>, vector<16xi1>
    tpu.vector_store_idx %arg29[%sub3A_588], %get3A_543 masked %and3A_576 : memref<528xf32, #tpu.memory_space<vmem>>[vector<16xi32>], vector<16xf32>, vector<16xi1>
    %all_reduce_population_count3A_589 = tpu.all_reduce %and3A_573 {dim = 0 : i64, kind = #tpu.reduction_kind<sum>} : vector<16xi1> -> vector<16xi32>
    %add3A_590 = arith.addi %add3A_531, %all_reduce_population_count3A_589 : vector<16xi32>
    %all_reduce_population_count3A_591 = tpu.all_reduce %and3A_576 {dim = 0 : i64, kind = #tpu.reduction_kind<sum>} : vector<16xi1> -> vector<16xi32>
    %add3A_592 = arith.addi %add3A_533, %all_reduce_population_count3A_591 : vector<16xi32>
    %get3A_593 = arith.constant 160 : index
    %get3A_594 = tpu.vector_load %arg15[%get3A_593] {strides = array<i32>} : memref<512xi32, #tpu.memory_space<vmem>>, vector<16xi32>,
    %get3A_595 = arith.constant 160 : index
    %get3A_596 = tpu.vector_load %arg16[%get3A_595] {strides = array<i32>} : memref<512xi32, #tpu.memory_space<vmem>>, vector<16xi32>,
    %get3A_597 = arith.constant 160 : index
    %get3A_598 = tpu.vector_load %arg17[%get3A_597] {strides = array<i32>} : memref<512xf32, #tpu.memory_space<vmem>>, vector<16xf32>,
    %get3A_599 = arith.constant 160 : index
    %get3A_600 = tpu.vector_load %arg18[%get3A_599] {strides = array<i32>} : memref<512xf32, #tpu.memory_space<vmem>>, vector<16xf32>,
    %get3A_601 = arith.constant 160 : index
    %get3A_602 = tpu.vector_load %arg19[%get3A_601] {strides = array<i32>} : memref<512xf32, #tpu.memory_space<vmem>>, vector<16xf32>,
    %ge3A_603 = arith.constant -10 : i32
    %ge3A_604 = vector.broadcast %ge3A_603 : i32 to vector<16xi32>
    %ge3A_605 = arith.cmpi sge, %get3A_594, %ge3A_604 : vector<16xi32>
    %le3A_606 = arith.constant 265 : i32
    %le3A_607 = vector.broadcast %le3A_606 : i32 to vector<16xi32>
    %le3A_608 = arith.cmpi sle, %get3A_594, %le3A_607 : vector<16xi32>
    %and3A_609 = arith.andi %ge3A_605, %le3A_608 : vector<16xi1>
    %ge3A_610 = arith.constant -10 : i32
    %ge3A_611 = vector.broadcast %ge3A_610 : i32 to vector<16xi32>
    %ge3A_612 = arith.cmpi sge, %get3A_596, %ge3A_611 : vector<16xi32>
    %and3A_613 = arith.andi %and3A_609, %ge3A_612 : vector<16xi1>
    %le3A_614 = arith.constant 265 : i32
    %le3A_615 = vector.broadcast %le3A_614 : i32 to vector<16xi32>
    %le3A_616 = arith.cmpi sle, %get3A_596, %le3A_615 : vector<16xi32>
    %and3A_617 = arith.andi %and3A_613, %le3A_616 : vector<16xi1>
    %ge3A_618 = arith.constant 10 : i32
    %ge3A_619 = vector.broadcast %ge3A_618 : i32 to vector<16xi32>
    %ge3A_620 = arith.cmpi sge, %get3A_594, %ge3A_619 : vector<16xi32>
    %le3A_621 = arith.constant 244 : i32
    %le3A_622 = vector.broadcast %le3A_621 : i32 to vector<16xi32>
    %le3A_623 = arith.cmpi sle, %get3A_594, %le3A_622 : vector<16xi32>
    %and3A_624 = arith.andi %ge3A_620, %le3A_623 : vector<16xi1>
    %ge3A_625 = arith.constant 10 : i32
    %ge3A_626 = vector.broadcast %ge3A_625 : i32 to vector<16xi32>
    %ge3A_627 = arith.cmpi sge, %get3A_596, %ge3A_626 : vector<16xi32>
    %and3A_628 = arith.andi %and3A_624, %ge3A_627 : vector<16xi1>
    %le3A_629 = arith.constant 244 : i32
    %le3A_630 = vector.broadcast %le3A_629 : i32 to vector<16xi32>
    %le3A_631 = arith.cmpi sle, %get3A_596, %le3A_630 : vector<16xi32>
    %and3A_632 = arith.andi %and3A_628, %le3A_631 : vector<16xi1>
    %not3A_633 = arith.constant dense<true> : vector<16xi1>
    %not3A_634 = arith.xori %and3A_632, %not3A_633 : vector<16xi1>
    %and3A_635 = arith.andi %and3A_617, %not3A_634 : vector<16xi1>
    %convert_element_type3A_636 = arith.extui %and3A_632 : vector<16xi1> to vector<16xi32>
    %convert_element_type3A_637 = arith.extui %and3A_635 : vector<16xi1> to vector<16xi32>
    %broadcast_in_dim3A_638 = arith.constant true
    %broadcast_in_dim3A_639 = vector.broadcast %broadcast_in_dim3A_638 : i1 to vector<16xi1>
    %masked_cumsum3A_640 = tpu.scan <sum>, %convert_element_type3A_636 masked %broadcast_in_dim3A_639 : vector<16xi32>, vector<16xi1> -> vector<16xi32>
    %add3A_641 = arith.addi %add3A_590, %masked_cumsum3A_640 : vector<16xi32>
    %sub3A_642 = arith.subi %add3A_641, %convert_element_type3A_636 : vector<16xi32>
    %broadcast_in_dim3A_643 = arith.constant true
    %broadcast_in_dim3A_644 = vector.broadcast %broadcast_in_dim3A_643 : i1 to vector<16xi1>
    %masked_cumsum3A_645 = tpu.scan <sum>, %convert_element_type3A_637 masked %broadcast_in_dim3A_644 : vector<16xi32>, vector<16xi1> -> vector<16xi32>
    %add3A_646 = arith.addi %add3A_592, %masked_cumsum3A_645 : vector<16xi32>
    %sub3A_647 = arith.subi %add3A_646, %convert_element_type3A_637 : vector<16xi32>
    tpu.vector_store_idx %arg20[%sub3A_642], %get3A_594 masked %and3A_632 : memref<528xi32, #tpu.memory_space<vmem>>[vector<16xi32>], vector<16xi32>, vector<16xi1>
    tpu.vector_store_idx %arg21[%sub3A_642], %get3A_596 masked %and3A_632 : memref<528xi32, #tpu.memory_space<vmem>>[vector<16xi32>], vector<16xi32>, vector<16xi1>
    tpu.vector_store_idx %arg22[%sub3A_642], %get3A_598 masked %and3A_632 : memref<528xf32, #tpu.memory_space<vmem>>[vector<16xi32>], vector<16xf32>, vector<16xi1>
    tpu.vector_store_idx %arg23[%sub3A_642], %get3A_600 masked %and3A_632 : memref<528xf32, #tpu.memory_space<vmem>>[vector<16xi32>], vector<16xf32>, vector<16xi1>
    tpu.vector_store_idx %arg24[%sub3A_642], %get3A_602 masked %and3A_632 : memref<528xf32, #tpu.memory_space<vmem>>[vector<16xi32>], vector<16xf32>, vector<16xi1>
    tpu.vector_store_idx %arg25[%sub3A_647], %get3A_594 masked %and3A_635 : memref<528xi32, #tpu.memory_space<vmem>>[vector<16xi32>], vector<16xi32>, vector<16xi1>
    tpu.vector_store_idx %arg26[%sub3A_647], %get3A_596 masked %and3A_635 : memref<528xi32, #tpu.memory_space<vmem>>[vector<16xi32>], vector<16xi32>, vector<16xi1>
    tpu.vector_store_idx %arg27[%sub3A_647], %get3A_598 masked %and3A_635 : memref<528xf32, #tpu.memory_space<vmem>>[vector<16xi32>], vector<16xf32>, vector<16xi1>
    tpu.vector_store_idx %arg28[%sub3A_647], %get3A_600 masked %and3A_635 : memref<528xf32, #tpu.memory_space<vmem>>[vector<16xi32>], vector<16xf32>, vector<16xi1>
    tpu.vector_store_idx %arg29[%sub3A_647], %get3A_602 masked %and3A_635 : memref<528xf32, #tpu.memory_space<vmem>>[vector<16xi32>], vector<16xf32>, vector<16xi1>
    %all_reduce_population_count3A_648 = tpu.all_reduce %and3A_632 {dim = 0 : i64, kind = #tpu.reduction_kind<sum>} : vector<16xi1> -> vector<16xi32>
    %add3A_649 = arith.addi %add3A_590, %all_reduce_population_count3A_648 : vector<16xi32>
    %all_reduce_population_count3A_650 = tpu.all_reduce %and3A_635 {dim = 0 : i64, kind = #tpu.reduction_kind<sum>} : vector<16xi1> -> vector<16xi32>
    %add3A_651 = arith.addi %add3A_592, %all_reduce_population_count3A_650 : vector<16xi32>
    %get3A_652 = arith.constant 176 : index
    %get3A_653 = tpu.vector_load %arg15[%get3A_652] {strides = array<i32>} : memref<512xi32, #tpu.memory_space<vmem>>, vector<16xi32>,
    %get3A_654 = arith.constant 176 : index
    %get3A_655 = tpu.vector_load %arg16[%get3A_654] {strides = array<i32>} : memref<512xi32, #tpu.memory_space<vmem>>, vector<16xi32>,
    %get3A_656 = arith.constant 176 : index
    %get3A_657 = tpu.vector_load %arg17[%get3A_656] {strides = array<i32>} : memref<512xf32, #tpu.memory_space<vmem>>, vector<16xf32>,
    %get3A_658 = arith.constant 176 : index
    %get3A_659 = tpu.vector_load %arg18[%get3A_658] {strides = array<i32>} : memref<512xf32, #tpu.memory_space<vmem>>, vector<16xf32>,
    %get3A_660 = arith.constant 176 : index
    %get3A_661 = tpu.vector_load %arg19[%get3A_660] {strides = array<i32>} : memref<512xf32, #tpu.memory_space<vmem>>, vector<16xf32>,
    %ge3A_662 = arith.constant -10 : i32
    %ge3A_663 = vector.broadcast %ge3A_662 : i32 to vector<16xi32>
    %ge3A_664 = arith.cmpi sge, %get3A_653, %ge3A_663 : vector<16xi32>
    %le3A_665 = arith.constant 265 : i32
    %le3A_666 = vector.broadcast %le3A_665 : i32 to vector<16xi32>
    %le3A_667 = arith.cmpi sle, %get3A_653, %le3A_666 : vector<16xi32>
    %and3A_668 = arith.andi %ge3A_664, %le3A_667 : vector<16xi1>
    %ge3A_669 = arith.constant -10 : i32
    %ge3A_670 = vector.broadcast %ge3A_669 : i32 to vector<16xi32>
    %ge3A_671 = arith.cmpi sge, %get3A_655, %ge3A_670 : vector<16xi32>
    %and3A_672 = arith.andi %and3A_668, %ge3A_671 : vector<16xi1>
    %le3A_673 = arith.constant 265 : i32
    %le3A_674 = vector.broadcast %le3A_673 : i32 to vector<16xi32>
    %le3A_675 = arith.cmpi sle, %get3A_655, %le3A_674 : vector<16xi32>
    %and3A_676 = arith.andi %and3A_672, %le3A_675 : vector<16xi1>
    %ge3A_677 = arith.constant 10 : i32
    %ge3A_678 = vector.broadcast %ge3A_677 : i32 to vector<16xi32>
    %ge3A_679 = arith.cmpi sge, %get3A_653, %ge3A_678 : vector<16xi32>
    %le3A_680 = arith.constant 244 : i32
    %le3A_681 = vector.broadcast %le3A_680 : i32 to vector<16xi32>
    %le3A_682 = arith.cmpi sle, %get3A_653, %le3A_681 : vector<16xi32>
    %and3A_683 = arith.andi %ge3A_679, %le3A_682 : vector<16xi1>
    %ge3A_684 = arith.constant 10 : i32
    %ge3A_685 = vector.broadcast %ge3A_684 : i32 to vector<16xi32>
    %ge3A_686 = arith.cmpi sge, %get3A_655, %ge3A_685 : vector<16xi32>
    %and3A_687 = arith.andi %and3A_683, %ge3A_686 : vector<16xi1>
    %le3A_688 = arith.constant 244 : i32
    %le3A_689 = vector.broadcast %le3A_688 : i32 to vector<16xi32>
    %le3A_690 = arith.cmpi sle, %get3A_655, %le3A_689 : vector<16xi32>
    %and3A_691 = arith.andi %and3A_687, %le3A_690 : vector<16xi1>
    %not3A_692 = arith.constant dense<true> : vector<16xi1>
    %not3A_693 = arith.xori %and3A_691, %not3A_692 : vector<16xi1>
    %and3A_694 = arith.andi %and3A_676, %not3A_693 : vector<16xi1>
    %convert_element_type3A_695 = arith.extui %and3A_691 : vector<16xi1> to vector<16xi32>
    %convert_element_type3A_696 = arith.extui %and3A_694 : vector<16xi1> to vector<16xi32>
    %broadcast_in_dim3A_697 = arith.constant true
    %broadcast_in_dim3A_698 = vector.broadcast %broadcast_in_dim3A_697 : i1 to vector<16xi1>
    %masked_cumsum3A_699 = tpu.scan <sum>, %convert_element_type3A_695 masked %broadcast_in_dim3A_698 : vector<16xi32>, vector<16xi1> -> vector<16xi32>
    %add3A_700 = arith.addi %add3A_649, %masked_cumsum3A_699 : vector<16xi32>
    %sub3A_701 = arith.subi %add3A_700, %convert_element_type3A_695 : vector<16xi32>
    %broadcast_in_dim3A_702 = arith.constant true
    %broadcast_in_dim3A_703 = vector.broadcast %broadcast_in_dim3A_702 : i1 to vector<16xi1>
    %masked_cumsum3A_704 = tpu.scan <sum>, %convert_element_type3A_696 masked %broadcast_in_dim3A_703 : vector<16xi32>, vector<16xi1> -> vector<16xi32>
    %add3A_705 = arith.addi %add3A_651, %masked_cumsum3A_704 : vector<16xi32>
    %sub3A_706 = arith.subi %add3A_705, %convert_element_type3A_696 : vector<16xi32>
    tpu.vector_store_idx %arg20[%sub3A_701], %get3A_653 masked %and3A_691 : memref<528xi32, #tpu.memory_space<vmem>>[vector<16xi32>], vector<16xi32>, vector<16xi1>
    tpu.vector_store_idx %arg21[%sub3A_701], %get3A_655 masked %and3A_691 : memref<528xi32, #tpu.memory_space<vmem>>[vector<16xi32>], vector<16xi32>, vector<16xi1>
    tpu.vector_store_idx %arg22[%sub3A_701], %get3A_657 masked %and3A_691 : memref<528xf32, #tpu.memory_space<vmem>>[vector<16xi32>], vector<16xf32>, vector<16xi1>
    tpu.vector_store_idx %arg23[%sub3A_701], %get3A_659 masked %and3A_691 : memref<528xf32, #tpu.memory_space<vmem>>[vector<16xi32>], vector<16xf32>, vector<16xi1>
    tpu.vector_store_idx %arg24[%sub3A_701], %get3A_661 masked %and3A_691 : memref<528xf32, #tpu.memory_space<vmem>>[vector<16xi32>], vector<16xf32>, vector<16xi1>
    tpu.vector_store_idx %arg25[%sub3A_706], %get3A_653 masked %and3A_694 : memref<528xi32, #tpu.memory_space<vmem>>[vector<16xi32>], vector<16xi32>, vector<16xi1>
    tpu.vector_store_idx %arg26[%sub3A_706], %get3A_655 masked %and3A_694 : memref<528xi32, #tpu.memory_space<vmem>>[vector<16xi32>], vector<16xi32>, vector<16xi1>
    tpu.vector_store_idx %arg27[%sub3A_706], %get3A_657 masked %and3A_694 : memref<528xf32, #tpu.memory_space<vmem>>[vector<16xi32>], vector<16xf32>, vector<16xi1>
    tpu.vector_store_idx %arg28[%sub3A_706], %get3A_659 masked %and3A_694 : memref<528xf32, #tpu.memory_space<vmem>>[vector<16xi32>], vector<16xf32>, vector<16xi1>
    tpu.vector_store_idx %arg29[%sub3A_706], %get3A_661 masked %and3A_694 : memref<528xf32, #tpu.memory_space<vmem>>[vector<16xi32>], vector<16xf32>, vector<16xi1>
    %all_reduce_population_count3A_707 = tpu.all_reduce %and3A_691 {dim = 0 : i64, kind = #tpu.reduction_kind<sum>} : vector<16xi1> -> vector<16xi32>
    %add3A_708 = arith.addi %add3A_649, %all_reduce_population_count3A_707 : vector<16xi32>
    %all_reduce_population_count3A_709 = tpu.all_reduce %and3A_694 {dim = 0 : i64, kind = #tpu.reduction_kind<sum>} : vector<16xi1> -> vector<16xi32>
    %add3A_710 = arith.addi %add3A_651, %all_reduce_population_count3A_709 : vector<16xi32>
    %get3A_711 = arith.constant 192 : index
    %get3A_712 = tpu.vector_load %arg15[%get3A_711] {strides = array<i32>} : memref<512xi32, #tpu.memory_space<vmem>>, vector<16xi32>,
    %get3A_713 = arith.constant 192 : index
    %get3A_714 = tpu.vector_load %arg16[%get3A_713] {strides = array<i32>} : memref<512xi32, #tpu.memory_space<vmem>>, vector<16xi32>,
    %get3A_715 = arith.constant 192 : index
    %get3A_716 = tpu.vector_load %arg17[%get3A_715] {strides = array<i32>} : memref<512xf32, #tpu.memory_space<vmem>>, vector<16xf32>,
    %get3A_717 = arith.constant 192 : index
    %get3A_718 = tpu.vector_load %arg18[%get3A_717] {strides = array<i32>} : memref<512xf32, #tpu.memory_space<vmem>>, vector<16xf32>,
    %get3A_719 = arith.constant 192 : index
    %get3A_720 = tpu.vector_load %arg19[%get3A_719] {strides = array<i32>} : memref<512xf32, #tpu.memory_space<vmem>>, vector<16xf32>,
    %ge3A_721 = arith.constant -10 : i32
    %ge3A_722 = vector.broadcast %ge3A_721 : i32 to vector<16xi32>
    %ge3A_723 = arith.cmpi sge, %get3A_712, %ge3A_722 : vector<16xi32>
    %le3A_724 = arith.constant 265 : i32
    %le3A_725 = vector.broadcast %le3A_724 : i32 to vector<16xi32>
    %le3A_726 = arith.cmpi sle, %get3A_712, %le3A_725 : vector<16xi32>
    %and3A_727 = arith.andi %ge3A_723, %le3A_726 : vector<16xi1>
    %ge3A_728 = arith.constant -10 : i32
    %ge3A_729 = vector.broadcast %ge3A_728 : i32 to vector<16xi32>
    %ge3A_730 = arith.cmpi sge, %get3A_714, %ge3A_729 : vector<16xi32>
    %and3A_731 = arith.andi %and3A_727, %ge3A_730 : vector<16xi1>
    %le3A_732 = arith.constant 265 : i32
    %le3A_733 = vector.broadcast %le3A_732 : i32 to vector<16xi32>
    %le3A_734 = arith.cmpi sle, %get3A_714, %le3A_733 : vector<16xi32>
    %and3A_735 = arith.andi %and3A_731, %le3A_734 : vector<16xi1>
    %ge3A_736 = arith.constant 10 : i32
    %ge3A_737 = vector.broadcast %ge3A_736 : i32 to vector<16xi32>
    %ge3A_738 = arith.cmpi sge, %get3A_712, %ge3A_737 : vector<16xi32>
    %le3A_739 = arith.constant 244 : i32
    %le3A_740 = vector.broadcast %le3A_739 : i32 to vector<16xi32>
    %le3A_741 = arith.cmpi sle, %get3A_712, %le3A_740 : vector<16xi32>
    %and3A_742 = arith.andi %ge3A_738, %le3A_741 : vector<16xi1>
    %ge3A_743 = arith.constant 10 : i32
    %ge3A_744 = vector.broadcast %ge3A_743 : i32 to vector<16xi32>
    %ge3A_745 = arith.cmpi sge, %get3A_714, %ge3A_744 : vector<16xi32>
    %and3A_746 = arith.andi %and3A_742, %ge3A_745 : vector<16xi1>
    %le3A_747 = arith.constant 244 : i32
    %le3A_748 = vector.broadcast %le3A_747 : i32 to vector<16xi32>
    %le3A_749 = arith.cmpi sle, %get3A_714, %le3A_748 : vector<16xi32>
    %and3A_750 = arith.andi %and3A_746, %le3A_749 : vector<16xi1>
    %not3A_751 = arith.constant dense<true> : vector<16xi1>
    %not3A_752 = arith.xori %and3A_750, %not3A_751 : vector<16xi1>
    %and3A_753 = arith.andi %and3A_735, %not3A_752 : vector<16xi1>
    %convert_element_type3A_754 = arith.extui %and3A_750 : vector<16xi1> to vector<16xi32>
    %convert_element_type3A_755 = arith.extui %and3A_753 : vector<16xi1> to vector<16xi32>
    %broadcast_in_dim3A_756 = arith.constant true
    %broadcast_in_dim3A_757 = vector.broadcast %broadcast_in_dim3A_756 : i1 to vector<16xi1>
    %masked_cumsum3A_758 = tpu.scan <sum>, %convert_element_type3A_754 masked %broadcast_in_dim3A_757 : vector<16xi32>, vector<16xi1> -> vector<16xi32>
    %add3A_759 = arith.addi %add3A_708, %masked_cumsum3A_758 : vector<16xi32>
    %sub3A_760 = arith.subi %add3A_759, %convert_element_type3A_754 : vector<16xi32>
    %broadcast_in_dim3A_761 = arith.constant true
    %broadcast_in_dim3A_762 = vector.broadcast %broadcast_in_dim3A_761 : i1 to vector<16xi1>
    %masked_cumsum3A_763 = tpu.scan <sum>, %convert_element_type3A_755 masked %broadcast_in_dim3A_762 : vector<16xi32>, vector<16xi1> -> vector<16xi32>
    %add3A_764 = arith.addi %add3A_710, %masked_cumsum3A_763 : vector<16xi32>
    %sub3A_765 = arith.subi %add3A_764, %convert_element_type3A_755 : vector<16xi32>
    tpu.vector_store_idx %arg20[%sub3A_760], %get3A_712 masked %and3A_750 : memref<528xi32, #tpu.memory_space<vmem>>[vector<16xi32>], vector<16xi32>, vector<16xi1>
    tpu.vector_store_idx %arg21[%sub3A_760], %get3A_714 masked %and3A_750 : memref<528xi32, #tpu.memory_space<vmem>>[vector<16xi32>], vector<16xi32>, vector<16xi1>
    tpu.vector_store_idx %arg22[%sub3A_760], %get3A_716 masked %and3A_750 : memref<528xf32, #tpu.memory_space<vmem>>[vector<16xi32>], vector<16xf32>, vector<16xi1>
    tpu.vector_store_idx %arg23[%sub3A_760], %get3A_718 masked %and3A_750 : memref<528xf32, #tpu.memory_space<vmem>>[vector<16xi32>], vector<16xf32>, vector<16xi1>
    tpu.vector_store_idx %arg24[%sub3A_760], %get3A_720 masked %and3A_750 : memref<528xf32, #tpu.memory_space<vmem>>[vector<16xi32>], vector<16xf32>, vector<16xi1>
    tpu.vector_store_idx %arg25[%sub3A_765], %get3A_712 masked %and3A_753 : memref<528xi32, #tpu.memory_space<vmem>>[vector<16xi32>], vector<16xi32>, vector<16xi1>
    tpu.vector_store_idx %arg26[%sub3A_765], %get3A_714 masked %and3A_753 : memref<528xi32, #tpu.memory_space<vmem>>[vector<16xi32>], vector<16xi32>, vector<16xi1>
    tpu.vector_store_idx %arg27[%sub3A_765], %get3A_716 masked %and3A_753 : memref<528xf32, #tpu.memory_space<vmem>>[vector<16xi32>], vector<16xf32>, vector<16xi1>
    tpu.vector_store_idx %arg28[%sub3A_765], %get3A_718 masked %and3A_753 : memref<528xf32, #tpu.memory_space<vmem>>[vector<16xi32>], vector<16xf32>, vector<16xi1>
    tpu.vector_store_idx %arg29[%sub3A_765], %get3A_720 masked %and3A_753 : memref<528xf32, #tpu.memory_space<vmem>>[vector<16xi32>], vector<16xf32>, vector<16xi1>
    %all_reduce_population_count3A_766 = tpu.all_reduce %and3A_750 {dim = 0 : i64, kind = #tpu.reduction_kind<sum>} : vector<16xi1> -> vector<16xi32>
    %add3A_767 = arith.addi %add3A_708, %all_reduce_population_count3A_766 : vector<16xi32>
    %all_reduce_population_count3A_768 = tpu.all_reduce %and3A_753 {dim = 0 : i64, kind = #tpu.reduction_kind<sum>} : vector<16xi1> -> vector<16xi32>
    %add3A_769 = arith.addi %add3A_710, %all_reduce_population_count3A_768 : vector<16xi32>
    %get3A_770 = arith.constant 208 : index
    %get3A_771 = tpu.vector_load %arg15[%get3A_770] {strides = array<i32>} : memref<512xi32, #tpu.memory_space<vmem>>, vector<16xi32>,
    %get3A_772 = arith.constant 208 : index
    %get3A_773 = tpu.vector_load %arg16[%get3A_772] {strides = array<i32>} : memref<512xi32, #tpu.memory_space<vmem>>, vector<16xi32>,
    %get3A_774 = arith.constant 208 : index
    %get3A_775 = tpu.vector_load %arg17[%get3A_774] {strides = array<i32>} : memref<512xf32, #tpu.memory_space<vmem>>, vector<16xf32>,
    %get3A_776 = arith.constant 208 : index
    %get3A_777 = tpu.vector_load %arg18[%get3A_776] {strides = array<i32>} : memref<512xf32, #tpu.memory_space<vmem>>, vector<16xf32>,
    %get3A_778 = arith.constant 208 : index
    %get3A_779 = tpu.vector_load %arg19[%get3A_778] {strides = array<i32>} : memref<512xf32, #tpu.memory_space<vmem>>, vector<16xf32>,
    %ge3A_780 = arith.constant -10 : i32
    %ge3A_781 = vector.broadcast %ge3A_780 : i32 to vector<16xi32>
    %ge3A_782 = arith.cmpi sge, %get3A_771, %ge3A_781 : vector<16xi32>
    %le3A_783 = arith.constant 265 : i32
    %le3A_784 = vector.broadcast %le3A_783 : i32 to vector<16xi32>
    %le3A_785 = arith.cmpi sle, %get3A_771, %le3A_784 : vector<16xi32>
    %and3A_786 = arith.andi %ge3A_782, %le3A_785 : vector<16xi1>
    %ge3A_787 = arith.constant -10 : i32
    %ge3A_788 = vector.broadcast %ge3A_787 : i32 to vector<16xi32>
    %ge3A_789 = arith.cmpi sge, %get3A_773, %ge3A_788 : vector<16xi32>
    %and3A_790 = arith.andi %and3A_786, %ge3A_789 : vector<16xi1>
    %le3A_791 = arith.constant 265 : i32
    %le3A_792 = vector.broadcast %le3A_791 : i32 to vector<16xi32>
    %le3A_793 = arith.cmpi sle, %get3A_773, %le3A_792 : vector<16xi32>
    %and3A_794 = arith.andi %and3A_790, %le3A_793 : vector<16xi1>
    %ge3A_795 = arith.constant 10 : i32
    %ge3A_796 = vector.broadcast %ge3A_795 : i32 to vector<16xi32>
    %ge3A_797 = arith.cmpi sge, %get3A_771, %ge3A_796 : vector<16xi32>
    %le3A_798 = arith.constant 244 : i32
    %le3A_799 = vector.broadcast %le3A_798 : i32 to vector<16xi32>
    %le3A_800 = arith.cmpi sle, %get3A_771, %le3A_799 : vector<16xi32>
    %and3A_801 = arith.andi %ge3A_797, %le3A_800 : vector<16xi1>
    %ge3A_802 = arith.constant 10 : i32
    %ge3A_803 = vector.broadcast %ge3A_802 : i32 to vector<16xi32>
    %ge3A_804 = arith.cmpi sge, %get3A_773, %ge3A_803 : vector<16xi32>
    %and3A_805 = arith.andi %and3A_801, %ge3A_804 : vector<16xi1>
    %le3A_806 = arith.constant 244 : i32
    %le3A_807 = vector.broadcast %le3A_806 : i32 to vector<16xi32>
    %le3A_808 = arith.cmpi sle, %get3A_773, %le3A_807 : vector<16xi32>
    %and3A_809 = arith.andi %and3A_805, %le3A_808 : vector<16xi1>
    %not3A_810 = arith.constant dense<true> : vector<16xi1>
    %not3A_811 = arith.xori %and3A_809, %not3A_810 : vector<16xi1>
    %and3A_812 = arith.andi %and3A_794, %not3A_811 : vector<16xi1>
    %convert_element_type3A_813 = arith.extui %and3A_809 : vector<16xi1> to vector<16xi32>
    %convert_element_type3A_814 = arith.extui %and3A_812 : vector<16xi1> to vector<16xi32>
    %broadcast_in_dim3A_815 = arith.constant true
    %broadcast_in_dim3A_816 = vector.broadcast %broadcast_in_dim3A_815 : i1 to vector<16xi1>
    %masked_cumsum3A_817 = tpu.scan <sum>, %convert_element_type3A_813 masked %broadcast_in_dim3A_816 : vector<16xi32>, vector<16xi1> -> vector<16xi32>
    %add3A_818 = arith.addi %add3A_767, %masked_cumsum3A_817 : vector<16xi32>
    %sub3A_819 = arith.subi %add3A_818, %convert_element_type3A_813 : vector<16xi32>
    %broadcast_in_dim3A_820 = arith.constant true
    %broadcast_in_dim3A_821 = vector.broadcast %broadcast_in_dim3A_820 : i1 to vector<16xi1>
    %masked_cumsum3A_822 = tpu.scan <sum>, %convert_element_type3A_814 masked %broadcast_in_dim3A_821 : vector<16xi32>, vector<16xi1> -> vector<16xi32>
    %add3A_823 = arith.addi %add3A_769, %masked_cumsum3A_822 : vector<16xi32>
    %sub3A_824 = arith.subi %add3A_823, %convert_element_type3A_814 : vector<16xi32>
    tpu.vector_store_idx %arg20[%sub3A_819], %get3A_771 masked %and3A_809 : memref<528xi32, #tpu.memory_space<vmem>>[vector<16xi32>], vector<16xi32>, vector<16xi1>
    tpu.vector_store_idx %arg21[%sub3A_819], %get3A_773 masked %and3A_809 : memref<528xi32, #tpu.memory_space<vmem>>[vector<16xi32>], vector<16xi32>, vector<16xi1>
    tpu.vector_store_idx %arg22[%sub3A_819], %get3A_775 masked %and3A_809 : memref<528xf32, #tpu.memory_space<vmem>>[vector<16xi32>], vector<16xf32>, vector<16xi1>
    tpu.vector_store_idx %arg23[%sub3A_819], %get3A_777 masked %and3A_809 : memref<528xf32, #tpu.memory_space<vmem>>[vector<16xi32>], vector<16xf32>, vector<16xi1>
    tpu.vector_store_idx %arg24[%sub3A_819], %get3A_779 masked %and3A_809 : memref<528xf32, #tpu.memory_space<vmem>>[vector<16xi32>], vector<16xf32>, vector<16xi1>
    tpu.vector_store_idx %arg25[%sub3A_824], %get3A_771 masked %and3A_812 : memref<528xi32, #tpu.memory_space<vmem>>[vector<16xi32>], vector<16xi32>, vector<16xi1>
    tpu.vector_store_idx %arg26[%sub3A_824], %get3A_773 masked %and3A_812 : memref<528xi32, #tpu.memory_space<vmem>>[vector<16xi32>], vector<16xi32>, vector<16xi1>
    tpu.vector_store_idx %arg27[%sub3A_824], %get3A_775 masked %and3A_812 : memref<528xf32, #tpu.memory_space<vmem>>[vector<16xi32>], vector<16xf32>, vector<16xi1>
    tpu.vector_store_idx %arg28[%sub3A_824], %get3A_777 masked %and3A_812 : memref<528xf32, #tpu.memory_space<vmem>>[vector<16xi32>], vector<16xf32>, vector<16xi1>
    tpu.vector_store_idx %arg29[%sub3A_824], %get3A_779 masked %and3A_812 : memref<528xf32, #tpu.memory_space<vmem>>[vector<16xi32>], vector<16xf32>, vector<16xi1>
    %all_reduce_population_count3A_825 = tpu.all_reduce %and3A_809 {dim = 0 : i64, kind = #tpu.reduction_kind<sum>} : vector<16xi1> -> vector<16xi32>
    %add3A_826 = arith.addi %add3A_767, %all_reduce_population_count3A_825 : vector<16xi32>
    %all_reduce_population_count3A_827 = tpu.all_reduce %and3A_812 {dim = 0 : i64, kind = #tpu.reduction_kind<sum>} : vector<16xi1> -> vector<16xi32>
    %add3A_828 = arith.addi %add3A_769, %all_reduce_population_count3A_827 : vector<16xi32>
    %get3A_829 = arith.constant 224 : index
    %get3A_830 = tpu.vector_load %arg15[%get3A_829] {strides = array<i32>} : memref<512xi32, #tpu.memory_space<vmem>>, vector<16xi32>,
    %get3A_831 = arith.constant 224 : index
    %get3A_832 = tpu.vector_load %arg16[%get3A_831] {strides = array<i32>} : memref<512xi32, #tpu.memory_space<vmem>>, vector<16xi32>,
    %get3A_833 = arith.constant 224 : index
    %get3A_834 = tpu.vector_load %arg17[%get3A_833] {strides = array<i32>} : memref<512xf32, #tpu.memory_space<vmem>>, vector<16xf32>,
    %get3A_835 = arith.constant 224 : index
    %get3A_836 = tpu.vector_load %arg18[%get3A_835] {strides = array<i32>} : memref<512xf32, #tpu.memory_space<vmem>>, vector<16xf32>,
    %get3A_837 = arith.constant 224 : index
    %get3A_838 = tpu.vector_load %arg19[%get3A_837] {strides = array<i32>} : memref<512xf32, #tpu.memory_space<vmem>>, vector<16xf32>,
    %ge3A_839 = arith.constant -10 : i32
    %ge3A_840 = vector.broadcast %ge3A_839 : i32 to vector<16xi32>
    %ge3A_841 = arith.cmpi sge, %get3A_830, %ge3A_840 : vector<16xi32>
    %le3A_842 = arith.constant 265 : i32
    %le3A_843 = vector.broadcast %le3A_842 : i32 to vector<16xi32>
    %le3A_844 = arith.cmpi sle, %get3A_830, %le3A_843 : vector<16xi32>
    %and3A_845 = arith.andi %ge3A_841, %le3A_844 : vector<16xi1>
    %ge3A_846 = arith.constant -10 : i32
    %ge3A_847 = vector.broadcast %ge3A_846 : i32 to vector<16xi32>
    %ge3A_848 = arith.cmpi sge, %get3A_832, %ge3A_847 : vector<16xi32>
    %and3A_849 = arith.andi %and3A_845, %ge3A_848 : vector<16xi1>
    %le3A_850 = arith.constant 265 : i32
    %le3A_851 = vector.broadcast %le3A_850 : i32 to vector<16xi32>
    %le3A_852 = arith.cmpi sle, %get3A_832, %le3A_851 : vector<16xi32>
    %and3A_853 = arith.andi %and3A_849, %le3A_852 : vector<16xi1>
    %ge3A_854 = arith.constant 10 : i32
    %ge3A_855 = vector.broadcast %ge3A_854 : i32 to vector<16xi32>
    %ge3A_856 = arith.cmpi sge, %get3A_830, %ge3A_855 : vector<16xi32>
    %le3A_857 = arith.constant 244 : i32
    %le3A_858 = vector.broadcast %le3A_857 : i32 to vector<16xi32>
    %le3A_859 = arith.cmpi sle, %get3A_830, %le3A_858 : vector<16xi32>
    %and3A_860 = arith.andi %ge3A_856, %le3A_859 : vector<16xi1>
    %ge3A_861 = arith.constant 10 : i32
    %ge3A_862 = vector.broadcast %ge3A_861 : i32 to vector<16xi32>
    %ge3A_863 = arith.cmpi sge, %get3A_832, %ge3A_862 : vector<16xi32>
    %and3A_864 = arith.andi %and3A_860, %ge3A_863 : vector<16xi1>
    %le3A_865 = arith.constant 244 : i32
    %le3A_866 = vector.broadcast %le3A_865 : i32 to vector<16xi32>
    %le3A_867 = arith.cmpi sle, %get3A_832, %le3A_866 : vector<16xi32>
    %and3A_868 = arith.andi %and3A_864, %le3A_867 : vector<16xi1>
    %not3A_869 = arith.constant dense<true> : vector<16xi1>
    %not3A_870 = arith.xori %and3A_868, %not3A_869 : vector<16xi1>
    %and3A_871 = arith.andi %and3A_853, %not3A_870 : vector<16xi1>
    %convert_element_type3A_872 = arith.extui %and3A_868 : vector<16xi1> to vector<16xi32>
    %convert_element_type3A_873 = arith.extui %and3A_871 : vector<16xi1> to vector<16xi32>
    %broadcast_in_dim3A_874 = arith.constant true
    %broadcast_in_dim3A_875 = vector.broadcast %broadcast_in_dim3A_874 : i1 to vector<16xi1>
    %masked_cumsum3A_876 = tpu.scan <sum>, %convert_element_type3A_872 masked %broadcast_in_dim3A_875 : vector<16xi32>, vector<16xi1> -> vector<16xi32>
    %add3A_877 = arith.addi %add3A_826, %masked_cumsum3A_876 : vector<16xi32>
    %sub3A_878 = arith.subi %add3A_877, %convert_element_type3A_872 : vector<16xi32>
    %broadcast_in_dim3A_879 = arith.constant true
    %broadcast_in_dim3A_880 = vector.broadcast %broadcast_in_dim3A_879 : i1 to vector<16xi1>
    %masked_cumsum3A_881 = tpu.scan <sum>, %convert_element_type3A_873 masked %broadcast_in_dim3A_880 : vector<16xi32>, vector<16xi1> -> vector<16xi32>
    %add3A_882 = arith.addi %add3A_828, %masked_cumsum3A_881 : vector<16xi32>
    %sub3A_883 = arith.subi %add3A_882, %convert_element_type3A_873 : vector<16xi32>
    tpu.vector_store_idx %arg20[%sub3A_878], %get3A_830 masked %and3A_868 : memref<528xi32, #tpu.memory_space<vmem>>[vector<16xi32>], vector<16xi32>, vector<16xi1>
    tpu.vector_store_idx %arg21[%sub3A_878], %get3A_832 masked %and3A_868 : memref<528xi32, #tpu.memory_space<vmem>>[vector<16xi32>], vector<16xi32>, vector<16xi1>
    tpu.vector_store_idx %arg22[%sub3A_878], %get3A_834 masked %and3A_868 : memref<528xf32, #tpu.memory_space<vmem>>[vector<16xi32>], vector<16xf32>, vector<16xi1>
    tpu.vector_store_idx %arg23[%sub3A_878], %get3A_836 masked %and3A_868 : memref<528xf32, #tpu.memory_space<vmem>>[vector<16xi32>], vector<16xf32>, vector<16xi1>
    tpu.vector_store_idx %arg24[%sub3A_878], %get3A_838 masked %and3A_868 : memref<528xf32, #tpu.memory_space<vmem>>[vector<16xi32>], vector<16xf32>, vector<16xi1>
    tpu.vector_store_idx %arg25[%sub3A_883], %get3A_830 masked %and3A_871 : memref<528xi32, #tpu.memory_space<vmem>>[vector<16xi32>], vector<16xi32>, vector<16xi1>
    tpu.vector_store_idx %arg26[%sub3A_883], %get3A_832 masked %and3A_871 : memref<528xi32, #tpu.memory_space<vmem>>[vector<16xi32>], vector<16xi32>, vector<16xi1>
    tpu.vector_store_idx %arg27[%sub3A_883], %get3A_834 masked %and3A_871 : memref<528xf32, #tpu.memory_space<vmem>>[vector<16xi32>], vector<16xf32>, vector<16xi1>
    tpu.vector_store_idx %arg28[%sub3A_883], %get3A_836 masked %and3A_871 : memref<528xf32, #tpu.memory_space<vmem>>[vector<16xi32>], vector<16xf32>, vector<16xi1>
    tpu.vector_store_idx %arg29[%sub3A_883], %get3A_838 masked %and3A_871 : memref<528xf32, #tpu.memory_space<vmem>>[vector<16xi32>], vector<16xf32>, vector<16xi1>
    %all_reduce_population_count3A_884 = tpu.all_reduce %and3A_868 {dim = 0 : i64, kind = #tpu.reduction_kind<sum>} : vector<16xi1> -> vector<16xi32>
    %add3A_885 = arith.addi %add3A_826, %all_reduce_population_count3A_884 : vector<16xi32>
    %all_reduce_population_count3A_886 = tpu.all_reduce %and3A_871 {dim = 0 : i64, kind = #tpu.reduction_kind<sum>} : vector<16xi1> -> vector<16xi32>
    %add3A_887 = arith.addi %add3A_828, %all_reduce_population_count3A_886 : vector<16xi32>
    %get3A_888 = arith.constant 240 : index
    %get3A_889 = tpu.vector_load %arg15[%get3A_888] {strides = array<i32>} : memref<512xi32, #tpu.memory_space<vmem>>, vector<16xi32>,
    %get3A_890 = arith.constant 240 : index
    %get3A_891 = tpu.vector_load %arg16[%get3A_890] {strides = array<i32>} : memref<512xi32, #tpu.memory_space<vmem>>, vector<16xi32>,
    %get3A_892 = arith.constant 240 : index
    %get3A_893 = tpu.vector_load %arg17[%get3A_892] {strides = array<i32>} : memref<512xf32, #tpu.memory_space<vmem>>, vector<16xf32>,
    %get3A_894 = arith.constant 240 : index
    %get3A_895 = tpu.vector_load %arg18[%get3A_894] {strides = array<i32>} : memref<512xf32, #tpu.memory_space<vmem>>, vector<16xf32>,
    %get3A_896 = arith.constant 240 : index
    %get3A_897 = tpu.vector_load %arg19[%get3A_896] {strides = array<i32>} : memref<512xf32, #tpu.memory_space<vmem>>, vector<16xf32>,
    %ge3A_898 = arith.constant -10 : i32
    %ge3A_899 = vector.broadcast %ge3A_898 : i32 to vector<16xi32>
    %ge3A_900 = arith.cmpi sge, %get3A_889, %ge3A_899 : vector<16xi32>
    %le3A_901 = arith.constant 265 : i32
    %le3A_902 = vector.broadcast %le3A_901 : i32 to vector<16xi32>
    %le3A_903 = arith.cmpi sle, %get3A_889, %le3A_902 : vector<16xi32>
    %and3A_904 = arith.andi %ge3A_900, %le3A_903 : vector<16xi1>
    %ge3A_905 = arith.constant -10 : i32
    %ge3A_906 = vector.broadcast %ge3A_905 : i32 to vector<16xi32>
    %ge3A_907 = arith.cmpi sge, %get3A_891, %ge3A_906 : vector<16xi32>
    %and3A_908 = arith.andi %and3A_904, %ge3A_907 : vector<16xi1>
    %le3A_909 = arith.constant 265 : i32
    %le3A_910 = vector.broadcast %le3A_909 : i32 to vector<16xi32>
    %le3A_911 = arith.cmpi sle, %get3A_891, %le3A_910 : vector<16xi32>
    %and3A_912 = arith.andi %and3A_908, %le3A_911 : vector<16xi1>
    %ge3A_913 = arith.constant 10 : i32
    %ge3A_914 = vector.broadcast %ge3A_913 : i32 to vector<16xi32>
    %ge3A_915 = arith.cmpi sge, %get3A_889, %ge3A_914 : vector<16xi32>
    %le3A_916 = arith.constant 244 : i32
    %le3A_917 = vector.broadcast %le3A_916 : i32 to vector<16xi32>
    %le3A_918 = arith.cmpi sle, %get3A_889, %le3A_917 : vector<16xi32>
    %and3A_919 = arith.andi %ge3A_915, %le3A_918 : vector<16xi1>
    %ge3A_920 = arith.constant 10 : i32
    %ge3A_921 = vector.broadcast %ge3A_920 : i32 to vector<16xi32>
    %ge3A_922 = arith.cmpi sge, %get3A_891, %ge3A_921 : vector<16xi32>
    %and3A_923 = arith.andi %and3A_919, %ge3A_922 : vector<16xi1>
    %le3A_924 = arith.constant 244 : i32
    %le3A_925 = vector.broadcast %le3A_924 : i32 to vector<16xi32>
    %le3A_926 = arith.cmpi sle, %get3A_891, %le3A_925 : vector<16xi32>
    %and3A_927 = arith.andi %and3A_923, %le3A_926 : vector<16xi1>
    %not3A_928 = arith.constant dense<true> : vector<16xi1>
    %not3A_929 = arith.xori %and3A_927, %not3A_928 : vector<16xi1>
    %and3A_930 = arith.andi %and3A_912, %not3A_929 : vector<16xi1>
    %convert_element_type3A_931 = arith.extui %and3A_927 : vector<16xi1> to vector<16xi32>
    %convert_element_type3A_932 = arith.extui %and3A_930 : vector<16xi1> to vector<16xi32>
    %broadcast_in_dim3A_933 = arith.constant true
    %broadcast_in_dim3A_934 = vector.broadcast %broadcast_in_dim3A_933 : i1 to vector<16xi1>
    %masked_cumsum3A_935 = tpu.scan <sum>, %convert_element_type3A_931 masked %broadcast_in_dim3A_934 : vector<16xi32>, vector<16xi1> -> vector<16xi32>
    %add3A_936 = arith.addi %add3A_885, %masked_cumsum3A_935 : vector<16xi32>
    %sub3A_937 = arith.subi %add3A_936, %convert_element_type3A_931 : vector<16xi32>
    %broadcast_in_dim3A_938 = arith.constant true
    %broadcast_in_dim3A_939 = vector.broadcast %broadcast_in_dim3A_938 : i1 to vector<16xi1>
    %masked_cumsum3A_940 = tpu.scan <sum>, %convert_element_type3A_932 masked %broadcast_in_dim3A_939 : vector<16xi32>, vector<16xi1> -> vector<16xi32>
    %add3A_941 = arith.addi %add3A_887, %masked_cumsum3A_940 : vector<16xi32>
    %sub3A_942 = arith.subi %add3A_941, %convert_element_type3A_932 : vector<16xi32>
    tpu.vector_store_idx %arg20[%sub3A_937], %get3A_889 masked %and3A_927 : memref<528xi32, #tpu.memory_space<vmem>>[vector<16xi32>], vector<16xi32>, vector<16xi1>
    tpu.vector_store_idx %arg21[%sub3A_937], %get3A_891 masked %and3A_927 : memref<528xi32, #tpu.memory_space<vmem>>[vector<16xi32>], vector<16xi32>, vector<16xi1>
    tpu.vector_store_idx %arg22[%sub3A_937], %get3A_893 masked %and3A_927 : memref<528xf32, #tpu.memory_space<vmem>>[vector<16xi32>], vector<16xf32>, vector<16xi1>
    tpu.vector_store_idx %arg23[%sub3A_937], %get3A_895 masked %and3A_927 : memref<528xf32, #tpu.memory_space<vmem>>[vector<16xi32>], vector<16xf32>, vector<16xi1>
    tpu.vector_store_idx %arg24[%sub3A_937], %get3A_897 masked %and3A_927 : memref<528xf32, #tpu.memory_space<vmem>>[vector<16xi32>], vector<16xf32>, vector<16xi1>
    tpu.vector_store_idx %arg25[%sub3A_942], %get3A_889 masked %and3A_930 : memref<528xi32, #tpu.memory_space<vmem>>[vector<16xi32>], vector<16xi32>, vector<16xi1>
    tpu.vector_store_idx %arg26[%sub3A_942], %get3A_891 masked %and3A_930 : memref<528xi32, #tpu.memory_space<vmem>>[vector<16xi32>], vector<16xi32>, vector<16xi1>
    tpu.vector_store_idx %arg27[%sub3A_942], %get3A_893 masked %and3A_930 : memref<528xf32, #tpu.memory_space<vmem>>[vector<16xi32>], vector<16xf32>, vector<16xi1>
    tpu.vector_store_idx %arg28[%sub3A_942], %get3A_895 masked %and3A_930 : memref<528xf32, #tpu.memory_space<vmem>>[vector<16xi32>], vector<16xf32>, vector<16xi1>
    tpu.vector_store_idx %arg29[%sub3A_942], %get3A_897 masked %and3A_930 : memref<528xf32, #tpu.memory_space<vmem>>[vector<16xi32>], vector<16xf32>, vector<16xi1>
    %all_reduce_population_count3A_943 = tpu.all_reduce %and3A_927 {dim = 0 : i64, kind = #tpu.reduction_kind<sum>} : vector<16xi1> -> vector<16xi32>
    %add3A_944 = arith.addi %add3A_885, %all_reduce_population_count3A_943 : vector<16xi32>
    %all_reduce_population_count3A_945 = tpu.all_reduce %and3A_930 {dim = 0 : i64, kind = #tpu.reduction_kind<sum>} : vector<16xi1> -> vector<16xi32>
    %add3A_946 = arith.addi %add3A_887, %all_reduce_population_count3A_945 : vector<16xi32>
    %get3A_947 = arith.constant 256 : index
    %get3A_948 = tpu.vector_load %arg15[%get3A_947] {strides = array<i32>} : memref<512xi32, #tpu.memory_space<vmem>>, vector<16xi32>,
    %get3A_949 = arith.constant 256 : index
    %get3A_950 = tpu.vector_load %arg16[%get3A_949] {strides = array<i32>} : memref<512xi32, #tpu.memory_space<vmem>>, vector<16xi32>,
    %get3A_951 = arith.constant 256 : index
    %get3A_952 = tpu.vector_load %arg17[%get3A_951] {strides = array<i32>} : memref<512xf32, #tpu.memory_space<vmem>>, vector<16xf32>,
    %get3A_953 = arith.constant 256 : index
    %get3A_954 = tpu.vector_load %arg18[%get3A_953] {strides = array<i32>} : memref<512xf32, #tpu.memory_space<vmem>>, vector<16xf32>,
    %get3A_955 = arith.constant 256 : index
    %get3A_956 = tpu.vector_load %arg19[%get3A_955] {strides = array<i32>} : memref<512xf32, #tpu.memory_space<vmem>>, vector<16xf32>,
    %ge3A_957 = arith.constant -10 : i32
    %ge3A_958 = vector.broadcast %ge3A_957 : i32 to vector<16xi32>
    %ge3A_959 = arith.cmpi sge, %get3A_948, %ge3A_958 : vector<16xi32>
    %le3A_960 = arith.constant 265 : i32
    %le3A_961 = vector.broadcast %le3A_960 : i32 to vector<16xi32>
    %le3A_962 = arith.cmpi sle, %get3A_948, %le3A_961 : vector<16xi32>
    %and3A_963 = arith.andi %ge3A_959, %le3A_962 : vector<16xi1>
    %ge3A_964 = arith.constant -10 : i32
    %ge3A_965 = vector.broadcast %ge3A_964 : i32 to vector<16xi32>
    %ge3A_966 = arith.cmpi sge, %get3A_950, %ge3A_965 : vector<16xi32>
    %and3A_967 = arith.andi %and3A_963, %ge3A_966 : vector<16xi1>
    %le3A_968 = arith.constant 265 : i32
    %le3A_969 = vector.broadcast %le3A_968 : i32 to vector<16xi32>
    %le3A_970 = arith.cmpi sle, %get3A_950, %le3A_969 : vector<16xi32>
    %and3A_971 = arith.andi %and3A_967, %le3A_970 : vector<16xi1>
    %ge3A_972 = arith.constant 10 : i32
    %ge3A_973 = vector.broadcast %ge3A_972 : i32 to vector<16xi32>
    %ge3A_974 = arith.cmpi sge, %get3A_948, %ge3A_973 : vector<16xi32>
    %le3A_975 = arith.constant 244 : i32
    %le3A_976 = vector.broadcast %le3A_975 : i32 to vector<16xi32>
    %le3A_977 = arith.cmpi sle, %get3A_948, %le3A_976 : vector<16xi32>
    %and3A_978 = arith.andi %ge3A_974, %le3A_977 : vector<16xi1>
    %ge3A_979 = arith.constant 10 : i32
    %ge3A_980 = vector.broadcast %ge3A_979 : i32 to vector<16xi32>
    %ge3A_981 = arith.cmpi sge, %get3A_950, %ge3A_980 : vector<16xi32>
    %and3A_982 = arith.andi %and3A_978, %ge3A_981 : vector<16xi1>
    %le3A_983 = arith.constant 244 : i32
    %le3A_984 = vector.broadcast %le3A_983 : i32 to vector<16xi32>
    %le3A_985 = arith.cmpi sle, %get3A_950, %le3A_984 : vector<16xi32>
    %and3A_986 = arith.andi %and3A_982, %le3A_985 : vector<16xi1>
    %not3A_987 = arith.constant dense<true> : vector<16xi1>
    %not3A_988 = arith.xori %and3A_986, %not3A_987 : vector<16xi1>
    %and3A_989 = arith.andi %and3A_971, %not3A_988 : vector<16xi1>
    %convert_element_type3A_990 = arith.extui %and3A_986 : vector<16xi1> to vector<16xi32>
    %convert_element_type3A_991 = arith.extui %and3A_989 : vector<16xi1> to vector<16xi32>
    %broadcast_in_dim3A_992 = arith.constant true
    %broadcast_in_dim3A_993 = vector.broadcast %broadcast_in_dim3A_992 : i1 to vector<16xi1>
    %masked_cumsum3A_994 = tpu.scan <sum>, %convert_element_type3A_990 masked %broadcast_in_dim3A_993 : vector<16xi32>, vector<16xi1> -> vector<16xi32>
    %add3A_995 = arith.addi %add3A_944, %masked_cumsum3A_994 : vector<16xi32>
    %sub3A_996 = arith.subi %add3A_995, %convert_element_type3A_990 : vector<16xi32>
    %broadcast_in_dim3A_997 = arith.constant true
    %broadcast_in_dim3A_998 = vector.broadcast %broadcast_in_dim3A_997 : i1 to vector<16xi1>
    %masked_cumsum3A_999 = tpu.scan <sum>, %convert_element_type3A_991 masked %broadcast_in_dim3A_998 : vector<16xi32>, vector<16xi1> -> vector<16xi32>
    %add3A_1000 = arith.addi %add3A_946, %masked_cumsum3A_999 : vector<16xi32>
    %sub3A_1001 = arith.subi %add3A_1000, %convert_element_type3A_991 : vector<16xi32>
    tpu.vector_store_idx %arg20[%sub3A_996], %get3A_948 masked %and3A_986 : memref<528xi32, #tpu.memory_space<vmem>>[vector<16xi32>], vector<16xi32>, vector<16xi1>
    tpu.vector_store_idx %arg21[%sub3A_996], %get3A_950 masked %and3A_986 : memref<528xi32, #tpu.memory_space<vmem>>[vector<16xi32>], vector<16xi32>, vector<16xi1>
    tpu.vector_store_idx %arg22[%sub3A_996], %get3A_952 masked %and3A_986 : memref<528xf32, #tpu.memory_space<vmem>>[vector<16xi32>], vector<16xf32>, vector<16xi1>
    tpu.vector_store_idx %arg23[%sub3A_996], %get3A_954 masked %and3A_986 : memref<528xf32, #tpu.memory_space<vmem>>[vector<16xi32>], vector<16xf32>, vector<16xi1>
    tpu.vector_store_idx %arg24[%sub3A_996], %get3A_956 masked %and3A_986 : memref<528xf32, #tpu.memory_space<vmem>>[vector<16xi32>], vector<16xf32>, vector<16xi1>
    tpu.vector_store_idx %arg25[%sub3A_1001], %get3A_948 masked %and3A_989 : memref<528xi32, #tpu.memory_space<vmem>>[vector<16xi32>], vector<16xi32>, vector<16xi1>
    tpu.vector_store_idx %arg26[%sub3A_1001], %get3A_950 masked %and3A_989 : memref<528xi32, #tpu.memory_space<vmem>>[vector<16xi32>], vector<16xi32>, vector<16xi1>
    tpu.vector_store_idx %arg27[%sub3A_1001], %get3A_952 masked %and3A_989 : memref<528xf32, #tpu.memory_space<vmem>>[vector<16xi32>], vector<16xf32>, vector<16xi1>
    tpu.vector_store_idx %arg28[%sub3A_1001], %get3A_954 masked %and3A_989 : memref<528xf32, #tpu.memory_space<vmem>>[vector<16xi32>], vector<16xf32>, vector<16xi1>
    tpu.vector_store_idx %arg29[%sub3A_1001], %get3A_956 masked %and3A_989 : memref<528xf32, #tpu.memory_space<vmem>>[vector<16xi32>], vector<16xf32>, vector<16xi1>
    %all_reduce_population_count3A_1002 = tpu.all_reduce %and3A_986 {dim = 0 : i64, kind = #tpu.reduction_kind<sum>} : vector<16xi1> -> vector<16xi32>
    %add3A_1003 = arith.addi %add3A_944, %all_reduce_population_count3A_1002 : vector<16xi32>
    %all_reduce_population_count3A_1004 = tpu.all_reduce %and3A_989 {dim = 0 : i64, kind = #tpu.reduction_kind<sum>} : vector<16xi1> -> vector<16xi32>
    %add3A_1005 = arith.addi %add3A_946, %all_reduce_population_count3A_1004 : vector<16xi32>
    %get3A_1006 = arith.constant 272 : index
    %get3A_1007 = tpu.vector_load %arg15[%get3A_1006] {strides = array<i32>} : memref<512xi32, #tpu.memory_space<vmem>>, vector<16xi32>,
    %get3A_1008 = arith.constant 272 : index
    %get3A_1009 = tpu.vector_load %arg16[%get3A_1008] {strides = array<i32>} : memref<512xi32, #tpu.memory_space<vmem>>, vector<16xi32>,
    %get3A_1010 = arith.constant 272 : index
    %get3A_1011 = tpu.vector_load %arg17[%get3A_1010] {strides = array<i32>} : memref<512xf32, #tpu.memory_space<vmem>>, vector<16xf32>,
    %get3A_1012 = arith.constant 272 : index
    %get3A_1013 = tpu.vector_load %arg18[%get3A_1012] {strides = array<i32>} : memref<512xf32, #tpu.memory_space<vmem>>, vector<16xf32>,
    %get3A_1014 = arith.constant 272 : index
    %get3A_1015 = tpu.vector_load %arg19[%get3A_1014] {strides = array<i32>} : memref<512xf32, #tpu.memory_space<vmem>>, vector<16xf32>,
    %ge3A_1016 = arith.constant -10 : i32
    %ge3A_1017 = vector.broadcast %ge3A_1016 : i32 to vector<16xi32>
    %ge3A_1018 = arith.cmpi sge, %get3A_1007, %ge3A_1017 : vector<16xi32>
    %le3A_1019 = arith.constant 265 : i32
    %le3A_1020 = vector.broadcast %le3A_1019 : i32 to vector<16xi32>
    %le3A_1021 = arith.cmpi sle, %get3A_1007, %le3A_1020 : vector<16xi32>
    %and3A_1022 = arith.andi %ge3A_1018, %le3A_1021 : vector<16xi1>
    %ge3A_1023 = arith.constant -10 : i32
    %ge3A_1024 = vector.broadcast %ge3A_1023 : i32 to vector<16xi32>
    %ge3A_1025 = arith.cmpi sge, %get3A_1009, %ge3A_1024 : vector<16xi32>
    %and3A_1026 = arith.andi %and3A_1022, %ge3A_1025 : vector<16xi1>
    %le3A_1027 = arith.constant 265 : i32
    %le3A_1028 = vector.broadcast %le3A_1027 : i32 to vector<16xi32>
    %le3A_1029 = arith.cmpi sle, %get3A_1009, %le3A_1028 : vector<16xi32>
    %and3A_1030 = arith.andi %and3A_1026, %le3A_1029 : vector<16xi1>
    %ge3A_1031 = arith.constant 10 : i32
    %ge3A_1032 = vector.broadcast %ge3A_1031 : i32 to vector<16xi32>
    %ge3A_1033 = arith.cmpi sge, %get3A_1007, %ge3A_1032 : vector<16xi32>
    %le3A_1034 = arith.constant 244 : i32
    %le3A_1035 = vector.broadcast %le3A_1034 : i32 to vector<16xi32>
    %le3A_1036 = arith.cmpi sle, %get3A_1007, %le3A_1035 : vector<16xi32>
    %and3A_1037 = arith.andi %ge3A_1033, %le3A_1036 : vector<16xi1>
    %ge3A_1038 = arith.constant 10 : i32
    %ge3A_1039 = vector.broadcast %ge3A_1038 : i32 to vector<16xi32>
    %ge3A_1040 = arith.cmpi sge, %get3A_1009, %ge3A_1039 : vector<16xi32>
    %and3A_1041 = arith.andi %and3A_1037, %ge3A_1040 : vector<16xi1>
    %le3A_1042 = arith.constant 244 : i32
    %le3A_1043 = vector.broadcast %le3A_1042 : i32 to vector<16xi32>
    %le3A_1044 = arith.cmpi sle, %get3A_1009, %le3A_1043 : vector<16xi32>
    %and3A_1045 = arith.andi %and3A_1041, %le3A_1044 : vector<16xi1>
    %not3A_1046 = arith.constant dense<true> : vector<16xi1>
    %not3A_1047 = arith.xori %and3A_1045, %not3A_1046 : vector<16xi1>
    %and3A_1048 = arith.andi %and3A_1030, %not3A_1047 : vector<16xi1>
    %convert_element_type3A_1049 = arith.extui %and3A_1045 : vector<16xi1> to vector<16xi32>
    %convert_element_type3A_1050 = arith.extui %and3A_1048 : vector<16xi1> to vector<16xi32>
    %broadcast_in_dim3A_1051 = arith.constant true
    %broadcast_in_dim3A_1052 = vector.broadcast %broadcast_in_dim3A_1051 : i1 to vector<16xi1>
    %masked_cumsum3A_1053 = tpu.scan <sum>, %convert_element_type3A_1049 masked %broadcast_in_dim3A_1052 : vector<16xi32>, vector<16xi1> -> vector<16xi32>
    %add3A_1054 = arith.addi %add3A_1003, %masked_cumsum3A_1053 : vector<16xi32>
    %sub3A_1055 = arith.subi %add3A_1054, %convert_element_type3A_1049 : vector<16xi32>
    %broadcast_in_dim3A_1056 = arith.constant true
    %broadcast_in_dim3A_1057 = vector.broadcast %broadcast_in_dim3A_1056 : i1 to vector<16xi1>
    %masked_cumsum3A_1058 = tpu.scan <sum>, %convert_element_type3A_1050 masked %broadcast_in_dim3A_1057 : vector<16xi32>, vector<16xi1> -> vector<16xi32>
    %add3A_1059 = arith.addi %add3A_1005, %masked_cumsum3A_1058 : vector<16xi32>
    %sub3A_1060 = arith.subi %add3A_1059, %convert_element_type3A_1050 : vector<16xi32>
    tpu.vector_store_idx %arg20[%sub3A_1055], %get3A_1007 masked %and3A_1045 : memref<528xi32, #tpu.memory_space<vmem>>[vector<16xi32>], vector<16xi32>, vector<16xi1>
    tpu.vector_store_idx %arg21[%sub3A_1055], %get3A_1009 masked %and3A_1045 : memref<528xi32, #tpu.memory_space<vmem>>[vector<16xi32>], vector<16xi32>, vector<16xi1>
    tpu.vector_store_idx %arg22[%sub3A_1055], %get3A_1011 masked %and3A_1045 : memref<528xf32, #tpu.memory_space<vmem>>[vector<16xi32>], vector<16xf32>, vector<16xi1>
    tpu.vector_store_idx %arg23[%sub3A_1055], %get3A_1013 masked %and3A_1045 : memref<528xf32, #tpu.memory_space<vmem>>[vector<16xi32>], vector<16xf32>, vector<16xi1>
    tpu.vector_store_idx %arg24[%sub3A_1055], %get3A_1015 masked %and3A_1045 : memref<528xf32, #tpu.memory_space<vmem>>[vector<16xi32>], vector<16xf32>, vector<16xi1>
    tpu.vector_store_idx %arg25[%sub3A_1060], %get3A_1007 masked %and3A_1048 : memref<528xi32, #tpu.memory_space<vmem>>[vector<16xi32>], vector<16xi32>, vector<16xi1>
    tpu.vector_store_idx %arg26[%sub3A_1060], %get3A_1009 masked %and3A_1048 : memref<528xi32, #tpu.memory_space<vmem>>[vector<16xi32>], vector<16xi32>, vector<16xi1>
    tpu.vector_store_idx %arg27[%sub3A_1060], %get3A_1011 masked %and3A_1048 : memref<528xf32, #tpu.memory_space<vmem>>[vector<16xi32>], vector<16xf32>, vector<16xi1>
    tpu.vector_store_idx %arg28[%sub3A_1060], %get3A_1013 masked %and3A_1048 : memref<528xf32, #tpu.memory_space<vmem>>[vector<16xi32>], vector<16xf32>, vector<16xi1>
    tpu.vector_store_idx %arg29[%sub3A_1060], %get3A_1015 masked %and3A_1048 : memref<528xf32, #tpu.memory_space<vmem>>[vector<16xi32>], vector<16xf32>, vector<16xi1>
    %all_reduce_population_count3A_1061 = tpu.all_reduce %and3A_1045 {dim = 0 : i64, kind = #tpu.reduction_kind<sum>} : vector<16xi1> -> vector<16xi32>
    %add3A_1062 = arith.addi %add3A_1003, %all_reduce_population_count3A_1061 : vector<16xi32>
    %all_reduce_population_count3A_1063 = tpu.all_reduce %and3A_1048 {dim = 0 : i64, kind = #tpu.reduction_kind<sum>} : vector<16xi1> -> vector<16xi32>
    %add3A_1064 = arith.addi %add3A_1005, %all_reduce_population_count3A_1063 : vector<16xi32>
    %get3A_1065 = arith.constant 288 : index
    %get3A_1066 = tpu.vector_load %arg15[%get3A_1065] {strides = array<i32>} : memref<512xi32, #tpu.memory_space<vmem>>, vector<16xi32>,
    %get3A_1067 = arith.constant 288 : index
    %get3A_1068 = tpu.vector_load %arg16[%get3A_1067] {strides = array<i32>} : memref<512xi32, #tpu.memory_space<vmem>>, vector<16xi32>,
    %get3A_1069 = arith.constant 288 : index
    %get3A_1070 = tpu.vector_load %arg17[%get3A_1069] {strides = array<i32>} : memref<512xf32, #tpu.memory_space<vmem>>, vector<16xf32>,
    %get3A_1071 = arith.constant 288 : index
    %get3A_1072 = tpu.vector_load %arg18[%get3A_1071] {strides = array<i32>} : memref<512xf32, #tpu.memory_space<vmem>>, vector<16xf32>,
    %get3A_1073 = arith.constant 288 : index
    %get3A_1074 = tpu.vector_load %arg19[%get3A_1073] {strides = array<i32>} : memref<512xf32, #tpu.memory_space<vmem>>, vector<16xf32>,
    %ge3A_1075 = arith.constant -10 : i32
    %ge3A_1076 = vector.broadcast %ge3A_1075 : i32 to vector<16xi32>
    %ge3A_1077 = arith.cmpi sge, %get3A_1066, %ge3A_1076 : vector<16xi32>
    %le3A_1078 = arith.constant 265 : i32
    %le3A_1079 = vector.broadcast %le3A_1078 : i32 to vector<16xi32>
    %le3A_1080 = arith.cmpi sle, %get3A_1066, %le3A_1079 : vector<16xi32>
    %and3A_1081 = arith.andi %ge3A_1077, %le3A_1080 : vector<16xi1>
    %ge3A_1082 = arith.constant -10 : i32
    %ge3A_1083 = vector.broadcast %ge3A_1082 : i32 to vector<16xi32>
    %ge3A_1084 = arith.cmpi sge, %get3A_1068, %ge3A_1083 : vector<16xi32>
    %and3A_1085 = arith.andi %and3A_1081, %ge3A_1084 : vector<16xi1>
    %le3A_1086 = arith.constant 265 : i32
    %le3A_1087 = vector.broadcast %le3A_1086 : i32 to vector<16xi32>
    %le3A_1088 = arith.cmpi sle, %get3A_1068, %le3A_1087 : vector<16xi32>
    %and3A_1089 = arith.andi %and3A_1085, %le3A_1088 : vector<16xi1>
    %ge3A_1090 = arith.constant 10 : i32
    %ge3A_1091 = vector.broadcast %ge3A_1090 : i32 to vector<16xi32>
    %ge3A_1092 = arith.cmpi sge, %get3A_1066, %ge3A_1091 : vector<16xi32>
    %le3A_1093 = arith.constant 244 : i32
    %le3A_1094 = vector.broadcast %le3A_1093 : i32 to vector<16xi32>
    %le3A_1095 = arith.cmpi sle, %get3A_1066, %le3A_1094 : vector<16xi32>
    %and3A_1096 = arith.andi %ge3A_1092, %le3A_1095 : vector<16xi1>
    %ge3A_1097 = arith.constant 10 : i32
    %ge3A_1098 = vector.broadcast %ge3A_1097 : i32 to vector<16xi32>
    %ge3A_1099 = arith.cmpi sge, %get3A_1068, %ge3A_1098 : vector<16xi32>
    %and3A_1100 = arith.andi %and3A_1096, %ge3A_1099 : vector<16xi1>
    %le3A_1101 = arith.constant 244 : i32
    %le3A_1102 = vector.broadcast %le3A_1101 : i32 to vector<16xi32>
    %le3A_1103 = arith.cmpi sle, %get3A_1068, %le3A_1102 : vector<16xi32>
    %and3A_1104 = arith.andi %and3A_1100, %le3A_1103 : vector<16xi1>
    %not3A_1105 = arith.constant dense<true> : vector<16xi1>
    %not3A_1106 = arith.xori %and3A_1104, %not3A_1105 : vector<16xi1>
    %and3A_1107 = arith.andi %and3A_1089, %not3A_1106 : vector<16xi1>
    %convert_element_type3A_1108 = arith.extui %and3A_1104 : vector<16xi1> to vector<16xi32>
    %convert_element_type3A_1109 = arith.extui %and3A_1107 : vector<16xi1> to vector<16xi32>
    %broadcast_in_dim3A_1110 = arith.constant true
    %broadcast_in_dim3A_1111 = vector.broadcast %broadcast_in_dim3A_1110 : i1 to vector<16xi1>
    %masked_cumsum3A_1112 = tpu.scan <sum>, %convert_element_type3A_1108 masked %broadcast_in_dim3A_1111 : vector<16xi32>, vector<16xi1> -> vector<16xi32>
    %add3A_1113 = arith.addi %add3A_1062, %masked_cumsum3A_1112 : vector<16xi32>
    %sub3A_1114 = arith.subi %add3A_1113, %convert_element_type3A_1108 : vector<16xi32>
    %broadcast_in_dim3A_1115 = arith.constant true
    %broadcast_in_dim3A_1116 = vector.broadcast %broadcast_in_dim3A_1115 : i1 to vector<16xi1>
    %masked_cumsum3A_1117 = tpu.scan <sum>, %convert_element_type3A_1109 masked %broadcast_in_dim3A_1116 : vector<16xi32>, vector<16xi1> -> vector<16xi32>
    %add3A_1118 = arith.addi %add3A_1064, %masked_cumsum3A_1117 : vector<16xi32>
    %sub3A_1119 = arith.subi %add3A_1118, %convert_element_type3A_1109 : vector<16xi32>
    tpu.vector_store_idx %arg20[%sub3A_1114], %get3A_1066 masked %and3A_1104 : memref<528xi32, #tpu.memory_space<vmem>>[vector<16xi32>], vector<16xi32>, vector<16xi1>
    tpu.vector_store_idx %arg21[%sub3A_1114], %get3A_1068 masked %and3A_1104 : memref<528xi32, #tpu.memory_space<vmem>>[vector<16xi32>], vector<16xi32>, vector<16xi1>
    tpu.vector_store_idx %arg22[%sub3A_1114], %get3A_1070 masked %and3A_1104 : memref<528xf32, #tpu.memory_space<vmem>>[vector<16xi32>], vector<16xf32>, vector<16xi1>
    tpu.vector_store_idx %arg23[%sub3A_1114], %get3A_1072 masked %and3A_1104 : memref<528xf32, #tpu.memory_space<vmem>>[vector<16xi32>], vector<16xf32>, vector<16xi1>
    tpu.vector_store_idx %arg24[%sub3A_1114], %get3A_1074 masked %and3A_1104 : memref<528xf32, #tpu.memory_space<vmem>>[vector<16xi32>], vector<16xf32>, vector<16xi1>
    tpu.vector_store_idx %arg25[%sub3A_1119], %get3A_1066 masked %and3A_1107 : memref<528xi32, #tpu.memory_space<vmem>>[vector<16xi32>], vector<16xi32>, vector<16xi1>
    tpu.vector_store_idx %arg26[%sub3A_1119], %get3A_1068 masked %and3A_1107 : memref<528xi32, #tpu.memory_space<vmem>>[vector<16xi32>], vector<16xi32>, vector<16xi1>
    tpu.vector_store_idx %arg27[%sub3A_1119], %get3A_1070 masked %and3A_1107 : memref<528xf32, #tpu.memory_space<vmem>>[vector<16xi32>], vector<16xf32>, vector<16xi1>
    tpu.vector_store_idx %arg28[%sub3A_1119], %get3A_1072 masked %and3A_1107 : memref<528xf32, #tpu.memory_space<vmem>>[vector<16xi32>], vector<16xf32>, vector<16xi1>
    tpu.vector_store_idx %arg29[%sub3A_1119], %get3A_1074 masked %and3A_1107 : memref<528xf32, #tpu.memory_space<vmem>>[vector<16xi32>], vector<16xf32>, vector<16xi1>
    %all_reduce_population_count3A_1120 = tpu.all_reduce %and3A_1104 {dim = 0 : i64, kind = #tpu.reduction_kind<sum>} : vector<16xi1> -> vector<16xi32>
    %add3A_1121 = arith.addi %add3A_1062, %all_reduce_population_count3A_1120 : vector<16xi32>
    %all_reduce_population_count3A_1122 = tpu.all_reduce %and3A_1107 {dim = 0 : i64, kind = #tpu.reduction_kind<sum>} : vector<16xi1> -> vector<16xi32>
    %add3A_1123 = arith.addi %add3A_1064, %all_reduce_population_count3A_1122 : vector<16xi32>
    %get3A_1124 = arith.constant 304 : index
    %get3A_1125 = tpu.vector_load %arg15[%get3A_1124] {strides = array<i32>} : memref<512xi32, #tpu.memory_space<vmem>>, vector<16xi32>,
    %get3A_1126 = arith.constant 304 : index
    %get3A_1127 = tpu.vector_load %arg16[%get3A_1126] {strides = array<i32>} : memref<512xi32, #tpu.memory_space<vmem>>, vector<16xi32>,
    %get3A_1128 = arith.constant 304 : index
    %get3A_1129 = tpu.vector_load %arg17[%get3A_1128] {strides = array<i32>} : memref<512xf32, #tpu.memory_space<vmem>>, vector<16xf32>,
    %get3A_1130 = arith.constant 304 : index
    %get3A_1131 = tpu.vector_load %arg18[%get3A_1130] {strides = array<i32>} : memref<512xf32, #tpu.memory_space<vmem>>, vector<16xf32>,
    %get3A_1132 = arith.constant 304 : index
    %get3A_1133 = tpu.vector_load %arg19[%get3A_1132] {strides = array<i32>} : memref<512xf32, #tpu.memory_space<vmem>>, vector<16xf32>,
    %ge3A_1134 = arith.constant -10 : i32
    %ge3A_1135 = vector.broadcast %ge3A_1134 : i32 to vector<16xi32>
    %ge3A_1136 = arith.cmpi sge, %get3A_1125, %ge3A_1135 : vector<16xi32>
    %le3A_1137 = arith.constant 265 : i32
    %le3A_1138 = vector.broadcast %le3A_1137 : i32 to vector<16xi32>
    %le3A_1139 = arith.cmpi sle, %get3A_1125, %le3A_1138 : vector<16xi32>
    %and3A_1140 = arith.andi %ge3A_1136, %le3A_1139 : vector<16xi1>
    %ge3A_1141 = arith.constant -10 : i32
    %ge3A_1142 = vector.broadcast %ge3A_1141 : i32 to vector<16xi32>
    %ge3A_1143 = arith.cmpi sge, %get3A_1127, %ge3A_1142 : vector<16xi32>
    %and3A_1144 = arith.andi %and3A_1140, %ge3A_1143 : vector<16xi1>
    %le3A_1145 = arith.constant 265 : i32
    %le3A_1146 = vector.broadcast %le3A_1145 : i32 to vector<16xi32>
    %le3A_1147 = arith.cmpi sle, %get3A_1127, %le3A_1146 : vector<16xi32>
    %and3A_1148 = arith.andi %and3A_1144, %le3A_1147 : vector<16xi1>
    %ge3A_1149 = arith.constant 10 : i32
    %ge3A_1150 = vector.broadcast %ge3A_1149 : i32 to vector<16xi32>
    %ge3A_1151 = arith.cmpi sge, %get3A_1125, %ge3A_1150 : vector<16xi32>
    %le3A_1152 = arith.constant 244 : i32
    %le3A_1153 = vector.broadcast %le3A_1152 : i32 to vector<16xi32>
    %le3A_1154 = arith.cmpi sle, %get3A_1125, %le3A_1153 : vector<16xi32>
    %and3A_1155 = arith.andi %ge3A_1151, %le3A_1154 : vector<16xi1>
    %ge3A_1156 = arith.constant 10 : i32
    %ge3A_1157 = vector.broadcast %ge3A_1156 : i32 to vector<16xi32>
    %ge3A_1158 = arith.cmpi sge, %get3A_1127, %ge3A_1157 : vector<16xi32>
    %and3A_1159 = arith.andi %and3A_1155, %ge3A_1158 : vector<16xi1>
    %le3A_1160 = arith.constant 244 : i32
    %le3A_1161 = vector.broadcast %le3A_1160 : i32 to vector<16xi32>
    %le3A_1162 = arith.cmpi sle, %get3A_1127, %le3A_1161 : vector<16xi32>
    %and3A_1163 = arith.andi %and3A_1159, %le3A_1162 : vector<16xi1>
    %not3A_1164 = arith.constant dense<true> : vector<16xi1>
    %not3A_1165 = arith.xori %and3A_1163, %not3A_1164 : vector<16xi1>
    %and3A_1166 = arith.andi %and3A_1148, %not3A_1165 : vector<16xi1>
    %convert_element_type3A_1167 = arith.extui %and3A_1163 : vector<16xi1> to vector<16xi32>
    %convert_element_type3A_1168 = arith.extui %and3A_1166 : vector<16xi1> to vector<16xi32>
    %broadcast_in_dim3A_1169 = arith.constant true
    %broadcast_in_dim3A_1170 = vector.broadcast %broadcast_in_dim3A_1169 : i1 to vector<16xi1>
    %masked_cumsum3A_1171 = tpu.scan <sum>, %convert_element_type3A_1167 masked %broadcast_in_dim3A_1170 : vector<16xi32>, vector<16xi1> -> vector<16xi32>
    %add3A_1172 = arith.addi %add3A_1121, %masked_cumsum3A_1171 : vector<16xi32>
    %sub3A_1173 = arith.subi %add3A_1172, %convert_element_type3A_1167 : vector<16xi32>
    %broadcast_in_dim3A_1174 = arith.constant true
    %broadcast_in_dim3A_1175 = vector.broadcast %broadcast_in_dim3A_1174 : i1 to vector<16xi1>
    %masked_cumsum3A_1176 = tpu.scan <sum>, %convert_element_type3A_1168 masked %broadcast_in_dim3A_1175 : vector<16xi32>, vector<16xi1> -> vector<16xi32>
    %add3A_1177 = arith.addi %add3A_1123, %masked_cumsum3A_1176 : vector<16xi32>
    %sub3A_1178 = arith.subi %add3A_1177, %convert_element_type3A_1168 : vector<16xi32>
    tpu.vector_store_idx %arg20[%sub3A_1173], %get3A_1125 masked %and3A_1163 : memref<528xi32, #tpu.memory_space<vmem>>[vector<16xi32>], vector<16xi32>, vector<16xi1>
    tpu.vector_store_idx %arg21[%sub3A_1173], %get3A_1127 masked %and3A_1163 : memref<528xi32, #tpu.memory_space<vmem>>[vector<16xi32>], vector<16xi32>, vector<16xi1>
    tpu.vector_store_idx %arg22[%sub3A_1173], %get3A_1129 masked %and3A_1163 : memref<528xf32, #tpu.memory_space<vmem>>[vector<16xi32>], vector<16xf32>, vector<16xi1>
    tpu.vector_store_idx %arg23[%sub3A_1173], %get3A_1131 masked %and3A_1163 : memref<528xf32, #tpu.memory_space<vmem>>[vector<16xi32>], vector<16xf32>, vector<16xi1>
    tpu.vector_store_idx %arg24[%sub3A_1173], %get3A_1133 masked %and3A_1163 : memref<528xf32, #tpu.memory_space<vmem>>[vector<16xi32>], vector<16xf32>, vector<16xi1>
    tpu.vector_store_idx %arg25[%sub3A_1178], %get3A_1125 masked %and3A_1166 : memref<528xi32, #tpu.memory_space<vmem>>[vector<16xi32>], vector<16xi32>, vector<16xi1>
    tpu.vector_store_idx %arg26[%sub3A_1178], %get3A_1127 masked %and3A_1166 : memref<528xi32, #tpu.memory_space<vmem>>[vector<16xi32>], vector<16xi32>, vector<16xi1>
    tpu.vector_store_idx %arg27[%sub3A_1178], %get3A_1129 masked %and3A_1166 : memref<528xf32, #tpu.memory_space<vmem>>[vector<16xi32>], vector<16xf32>, vector<16xi1>
    tpu.vector_store_idx %arg28[%sub3A_1178], %get3A_1131 masked %and3A_1166 : memref<528xf32, #tpu.memory_space<vmem>>[vector<16xi32>], vector<16xf32>, vector<16xi1>
    tpu.vector_store_idx %arg29[%sub3A_1178], %get3A_1133 masked %and3A_1166 : memref<528xf32, #tpu.memory_space<vmem>>[vector<16xi32>], vector<16xf32>, vector<16xi1>
    %all_reduce_population_count3A_1179 = tpu.all_reduce %and3A_1163 {dim = 0 : i64, kind = #tpu.reduction_kind<sum>} : vector<16xi1> -> vector<16xi32>
    %add3A_1180 = arith.addi %add3A_1121, %all_reduce_population_count3A_1179 : vector<16xi32>
    %all_reduce_population_count3A_1181 = tpu.all_reduce %and3A_1166 {dim = 0 : i64, kind = #tpu.reduction_kind<sum>} : vector<16xi1> -> vector<16xi32>
    %add3A_1182 = arith.addi %add3A_1123, %all_reduce_population_count3A_1181 : vector<16xi32>
    %get3A_1183 = arith.constant 320 : index
    %get3A_1184 = tpu.vector_load %arg15[%get3A_1183] {strides = array<i32>} : memref<512xi32, #tpu.memory_space<vmem>>, vector<16xi32>,
    %get3A_1185 = arith.constant 320 : index
    %get3A_1186 = tpu.vector_load %arg16[%get3A_1185] {strides = array<i32>} : memref<512xi32, #tpu.memory_space<vmem>>, vector<16xi32>,
    %get3A_1187 = arith.constant 320 : index
    %get3A_1188 = tpu.vector_load %arg17[%get3A_1187] {strides = array<i32>} : memref<512xf32, #tpu.memory_space<vmem>>, vector<16xf32>,
    %get3A_1189 = arith.constant 320 : index
    %get3A_1190 = tpu.vector_load %arg18[%get3A_1189] {strides = array<i32>} : memref<512xf32, #tpu.memory_space<vmem>>, vector<16xf32>,
    %get3A_1191 = arith.constant 320 : index
    %get3A_1192 = tpu.vector_load %arg19[%get3A_1191] {strides = array<i32>} : memref<512xf32, #tpu.memory_space<vmem>>, vector<16xf32>,
    %ge3A_1193 = arith.constant -10 : i32
    %ge3A_1194 = vector.broadcast %ge3A_1193 : i32 to vector<16xi32>
    %ge3A_1195 = arith.cmpi sge, %get3A_1184, %ge3A_1194 : vector<16xi32>
    %le3A_1196 = arith.constant 265 : i32
    %le3A_1197 = vector.broadcast %le3A_1196 : i32 to vector<16xi32>
    %le3A_1198 = arith.cmpi sle, %get3A_1184, %le3A_1197 : vector<16xi32>
    %and3A_1199 = arith.andi %ge3A_1195, %le3A_1198 : vector<16xi1>
    %ge3A_1200 = arith.constant -10 : i32
    %ge3A_1201 = vector.broadcast %ge3A_1200 : i32 to vector<16xi32>
    %ge3A_1202 = arith.cmpi sge, %get3A_1186, %ge3A_1201 : vector<16xi32>
    %and3A_1203 = arith.andi %and3A_1199, %ge3A_1202 : vector<16xi1>
    %le3A_1204 = arith.constant 265 : i32
    %le3A_1205 = vector.broadcast %le3A_1204 : i32 to vector<16xi32>
    %le3A_1206 = arith.cmpi sle, %get3A_1186, %le3A_1205 : vector<16xi32>
    %and3A_1207 = arith.andi %and3A_1203, %le3A_1206 : vector<16xi1>
    %ge3A_1208 = arith.constant 10 : i32
    %ge3A_1209 = vector.broadcast %ge3A_1208 : i32 to vector<16xi32>
    %ge3A_1210 = arith.cmpi sge, %get3A_1184, %ge3A_1209 : vector<16xi32>
    %le3A_1211 = arith.constant 244 : i32
    %le3A_1212 = vector.broadcast %le3A_1211 : i32 to vector<16xi32>
    %le3A_1213 = arith.cmpi sle, %get3A_1184, %le3A_1212 : vector<16xi32>
    %and3A_1214 = arith.andi %ge3A_1210, %le3A_1213 : vector<16xi1>
    %ge3A_1215 = arith.constant 10 : i32
    %ge3A_1216 = vector.broadcast %ge3A_1215 : i32 to vector<16xi32>
    %ge3A_1217 = arith.cmpi sge, %get3A_1186, %ge3A_1216 : vector<16xi32>
    %and3A_1218 = arith.andi %and3A_1214, %ge3A_1217 : vector<16xi1>
    %le3A_1219 = arith.constant 244 : i32
    %le3A_1220 = vector.broadcast %le3A_1219 : i32 to vector<16xi32>
    %le3A_1221 = arith.cmpi sle, %get3A_1186, %le3A_1220 : vector<16xi32>
    %and3A_1222 = arith.andi %and3A_1218, %le3A_1221 : vector<16xi1>
    %not3A_1223 = arith.constant dense<true> : vector<16xi1>
    %not3A_1224 = arith.xori %and3A_1222, %not3A_1223 : vector<16xi1>
    %and3A_1225 = arith.andi %and3A_1207, %not3A_1224 : vector<16xi1>
    %convert_element_type3A_1226 = arith.extui %and3A_1222 : vector<16xi1> to vector<16xi32>
    %convert_element_type3A_1227 = arith.extui %and3A_1225 : vector<16xi1> to vector<16xi32>
    %broadcast_in_dim3A_1228 = arith.constant true
    %broadcast_in_dim3A_1229 = vector.broadcast %broadcast_in_dim3A_1228 : i1 to vector<16xi1>
    %masked_cumsum3A_1230 = tpu.scan <sum>, %convert_element_type3A_1226 masked %broadcast_in_dim3A_1229 : vector<16xi32>, vector<16xi1> -> vector<16xi32>
    %add3A_1231 = arith.addi %add3A_1180, %masked_cumsum3A_1230 : vector<16xi32>
    %sub3A_1232 = arith.subi %add3A_1231, %convert_element_type3A_1226 : vector<16xi32>
    %broadcast_in_dim3A_1233 = arith.constant true
    %broadcast_in_dim3A_1234 = vector.broadcast %broadcast_in_dim3A_1233 : i1 to vector<16xi1>
    %masked_cumsum3A_1235 = tpu.scan <sum>, %convert_element_type3A_1227 masked %broadcast_in_dim3A_1234 : vector<16xi32>, vector<16xi1> -> vector<16xi32>
    %add3A_1236 = arith.addi %add3A_1182, %masked_cumsum3A_1235 : vector<16xi32>
    %sub3A_1237 = arith.subi %add3A_1236, %convert_element_type3A_1227 : vector<16xi32>
    tpu.vector_store_idx %arg20[%sub3A_1232], %get3A_1184 masked %and3A_1222 : memref<528xi32, #tpu.memory_space<vmem>>[vector<16xi32>], vector<16xi32>, vector<16xi1>
    tpu.vector_store_idx %arg21[%sub3A_1232], %get3A_1186 masked %and3A_1222 : memref<528xi32, #tpu.memory_space<vmem>>[vector<16xi32>], vector<16xi32>, vector<16xi1>
    tpu.vector_store_idx %arg22[%sub3A_1232], %get3A_1188 masked %and3A_1222 : memref<528xf32, #tpu.memory_space<vmem>>[vector<16xi32>], vector<16xf32>, vector<16xi1>
    tpu.vector_store_idx %arg23[%sub3A_1232], %get3A_1190 masked %and3A_1222 : memref<528xf32, #tpu.memory_space<vmem>>[vector<16xi32>], vector<16xf32>, vector<16xi1>
    tpu.vector_store_idx %arg24[%sub3A_1232], %get3A_1192 masked %and3A_1222 : memref<528xf32, #tpu.memory_space<vmem>>[vector<16xi32>], vector<16xf32>, vector<16xi1>
    tpu.vector_store_idx %arg25[%sub3A_1237], %get3A_1184 masked %and3A_1225 : memref<528xi32, #tpu.memory_space<vmem>>[vector<16xi32>], vector<16xi32>, vector<16xi1>
    tpu.vector_store_idx %arg26[%sub3A_1237], %get3A_1186 masked %and3A_1225 : memref<528xi32, #tpu.memory_space<vmem>>[vector<16xi32>], vector<16xi32>, vector<16xi1>
    tpu.vector_store_idx %arg27[%sub3A_1237], %get3A_1188 masked %and3A_1225 : memref<528xf32, #tpu.memory_space<vmem>>[vector<16xi32>], vector<16xf32>, vector<16xi1>
    tpu.vector_store_idx %arg28[%sub3A_1237], %get3A_1190 masked %and3A_1225 : memref<528xf32, #tpu.memory_space<vmem>>[vector<16xi32>], vector<16xf32>, vector<16xi1>
    tpu.vector_store_idx %arg29[%sub3A_1237], %get3A_1192 masked %and3A_1225 : memref<528xf32, #tpu.memory_space<vmem>>[vector<16xi32>], vector<16xf32>, vector<16xi1>
    %all_reduce_population_count3A_1238 = tpu.all_reduce %and3A_1222 {dim = 0 : i64, kind = #tpu.reduction_kind<sum>} : vector<16xi1> -> vector<16xi32>
    %add3A_1239 = arith.addi %add3A_1180, %all_reduce_population_count3A_1238 : vector<16xi32>
    %all_reduce_population_count3A_1240 = tpu.all_reduce %and3A_1225 {dim = 0 : i64, kind = #tpu.reduction_kind<sum>} : vector<16xi1> -> vector<16xi32>
    %add3A_1241 = arith.addi %add3A_1182, %all_reduce_population_count3A_1240 : vector<16xi32>
    %get3A_1242 = arith.constant 336 : index
    %get3A_1243 = tpu.vector_load %arg15[%get3A_1242] {strides = array<i32>} : memref<512xi32, #tpu.memory_space<vmem>>, vector<16xi32>,
    %get3A_1244 = arith.constant 336 : index
    %get3A_1245 = tpu.vector_load %arg16[%get3A_1244] {strides = array<i32>} : memref<512xi32, #tpu.memory_space<vmem>>, vector<16xi32>,
    %get3A_1246 = arith.constant 336 : index
    %get3A_1247 = tpu.vector_load %arg17[%get3A_1246] {strides = array<i32>} : memref<512xf32, #tpu.memory_space<vmem>>, vector<16xf32>,
    %get3A_1248 = arith.constant 336 : index
    %get3A_1249 = tpu.vector_load %arg18[%get3A_1248] {strides = array<i32>} : memref<512xf32, #tpu.memory_space<vmem>>, vector<16xf32>,
    %get3A_1250 = arith.constant 336 : index
    %get3A_1251 = tpu.vector_load %arg19[%get3A_1250] {strides = array<i32>} : memref<512xf32, #tpu.memory_space<vmem>>, vector<16xf32>,
    %ge3A_1252 = arith.constant -10 : i32
    %ge3A_1253 = vector.broadcast %ge3A_1252 : i32 to vector<16xi32>
    %ge3A_1254 = arith.cmpi sge, %get3A_1243, %ge3A_1253 : vector<16xi32>
    %le3A_1255 = arith.constant 265 : i32
    %le3A_1256 = vector.broadcast %le3A_1255 : i32 to vector<16xi32>
    %le3A_1257 = arith.cmpi sle, %get3A_1243, %le3A_1256 : vector<16xi32>
    %and3A_1258 = arith.andi %ge3A_1254, %le3A_1257 : vector<16xi1>
    %ge3A_1259 = arith.constant -10 : i32
    %ge3A_1260 = vector.broadcast %ge3A_1259 : i32 to vector<16xi32>
    %ge3A_1261 = arith.cmpi sge, %get3A_1245, %ge3A_1260 : vector<16xi32>
    %and3A_1262 = arith.andi %and3A_1258, %ge3A_1261 : vector<16xi1>
    %le3A_1263 = arith.constant 265 : i32
    %le3A_1264 = vector.broadcast %le3A_1263 : i32 to vector<16xi32>
    %le3A_1265 = arith.cmpi sle, %get3A_1245, %le3A_1264 : vector<16xi32>
    %and3A_1266 = arith.andi %and3A_1262, %le3A_1265 : vector<16xi1>
    %ge3A_1267 = arith.constant 10 : i32
    %ge3A_1268 = vector.broadcast %ge3A_1267 : i32 to vector<16xi32>
    %ge3A_1269 = arith.cmpi sge, %get3A_1243, %ge3A_1268 : vector<16xi32>
    %le3A_1270 = arith.constant 244 : i32
    %le3A_1271 = vector.broadcast %le3A_1270 : i32 to vector<16xi32>
    %le3A_1272 = arith.cmpi sle, %get3A_1243, %le3A_1271 : vector<16xi32>
    %and3A_1273 = arith.andi %ge3A_1269, %le3A_1272 : vector<16xi1>
    %ge3A_1274 = arith.constant 10 : i32
    %ge3A_1275 = vector.broadcast %ge3A_1274 : i32 to vector<16xi32>
    %ge3A_1276 = arith.cmpi sge, %get3A_1245, %ge3A_1275 : vector<16xi32>
    %and3A_1277 = arith.andi %and3A_1273, %ge3A_1276 : vector<16xi1>
    %le3A_1278 = arith.constant 244 : i32
    %le3A_1279 = vector.broadcast %le3A_1278 : i32 to vector<16xi32>
    %le3A_1280 = arith.cmpi sle, %get3A_1245, %le3A_1279 : vector<16xi32>
    %and3A_1281 = arith.andi %and3A_1277, %le3A_1280 : vector<16xi1>
    %not3A_1282 = arith.constant dense<true> : vector<16xi1>
    %not3A_1283 = arith.xori %and3A_1281, %not3A_1282 : vector<16xi1>
    %and3A_1284 = arith.andi %and3A_1266, %not3A_1283 : vector<16xi1>
    %convert_element_type3A_1285 = arith.extui %and3A_1281 : vector<16xi1> to vector<16xi32>
    %convert_element_type3A_1286 = arith.extui %and3A_1284 : vector<16xi1> to vector<16xi32>
    %broadcast_in_dim3A_1287 = arith.constant true
    %broadcast_in_dim3A_1288 = vector.broadcast %broadcast_in_dim3A_1287 : i1 to vector<16xi1>
    %masked_cumsum3A_1289 = tpu.scan <sum>, %convert_element_type3A_1285 masked %broadcast_in_dim3A_1288 : vector<16xi32>, vector<16xi1> -> vector<16xi32>
    %add3A_1290 = arith.addi %add3A_1239, %masked_cumsum3A_1289 : vector<16xi32>
    %sub3A_1291 = arith.subi %add3A_1290, %convert_element_type3A_1285 : vector<16xi32>
    %broadcast_in_dim3A_1292 = arith.constant true
    %broadcast_in_dim3A_1293 = vector.broadcast %broadcast_in_dim3A_1292 : i1 to vector<16xi1>
    %masked_cumsum3A_1294 = tpu.scan <sum>, %convert_element_type3A_1286 masked %broadcast_in_dim3A_1293 : vector<16xi32>, vector<16xi1> -> vector<16xi32>
    %add3A_1295 = arith.addi %add3A_1241, %masked_cumsum3A_1294 : vector<16xi32>
    %sub3A_1296 = arith.subi %add3A_1295, %convert_element_type3A_1286 : vector<16xi32>
    tpu.vector_store_idx %arg20[%sub3A_1291], %get3A_1243 masked %and3A_1281 : memref<528xi32, #tpu.memory_space<vmem>>[vector<16xi32>], vector<16xi32>, vector<16xi1>
    tpu.vector_store_idx %arg21[%sub3A_1291], %get3A_1245 masked %and3A_1281 : memref<528xi32, #tpu.memory_space<vmem>>[vector<16xi32>], vector<16xi32>, vector<16xi1>
    tpu.vector_store_idx %arg22[%sub3A_1291], %get3A_1247 masked %and3A_1281 : memref<528xf32, #tpu.memory_space<vmem>>[vector<16xi32>], vector<16xf32>, vector<16xi1>
    tpu.vector_store_idx %arg23[%sub3A_1291], %get3A_1249 masked %and3A_1281 : memref<528xf32, #tpu.memory_space<vmem>>[vector<16xi32>], vector<16xf32>, vector<16xi1>
    tpu.vector_store_idx %arg24[%sub3A_1291], %get3A_1251 masked %and3A_1281 : memref<528xf32, #tpu.memory_space<vmem>>[vector<16xi32>], vector<16xf32>, vector<16xi1>
    tpu.vector_store_idx %arg25[%sub3A_1296], %get3A_1243 masked %and3A_1284 : memref<528xi32, #tpu.memory_space<vmem>>[vector<16xi32>], vector<16xi32>, vector<16xi1>
    tpu.vector_store_idx %arg26[%sub3A_1296], %get3A_1245 masked %and3A_1284 : memref<528xi32, #tpu.memory_space<vmem>>[vector<16xi32>], vector<16xi32>, vector<16xi1>
    tpu.vector_store_idx %arg27[%sub3A_1296], %get3A_1247 masked %and3A_1284 : memref<528xf32, #tpu.memory_space<vmem>>[vector<16xi32>], vector<16xf32>, vector<16xi1>
    tpu.vector_store_idx %arg28[%sub3A_1296], %get3A_1249 masked %and3A_1284 : memref<528xf32, #tpu.memory_space<vmem>>[vector<16xi32>], vector<16xf32>, vector<16xi1>
    tpu.vector_store_idx %arg29[%sub3A_1296], %get3A_1251 masked %and3A_1284 : memref<528xf32, #tpu.memory_space<vmem>>[vector<16xi32>], vector<16xf32>, vector<16xi1>
    %all_reduce_population_count3A_1297 = tpu.all_reduce %and3A_1281 {dim = 0 : i64, kind = #tpu.reduction_kind<sum>} : vector<16xi1> -> vector<16xi32>
    %add3A_1298 = arith.addi %add3A_1239, %all_reduce_population_count3A_1297 : vector<16xi32>
    %all_reduce_population_count3A_1299 = tpu.all_reduce %and3A_1284 {dim = 0 : i64, kind = #tpu.reduction_kind<sum>} : vector<16xi1> -> vector<16xi32>
    %add3A_1300 = arith.addi %add3A_1241, %all_reduce_population_count3A_1299 : vector<16xi32>
    %get3A_1301 = arith.constant 352 : index
    %get3A_1302 = tpu.vector_load %arg15[%get3A_1301] {strides = array<i32>} : memref<512xi32, #tpu.memory_space<vmem>>, vector<16xi32>,
    %get3A_1303 = arith.constant 352 : index
    %get3A_1304 = tpu.vector_load %arg16[%get3A_1303] {strides = array<i32>} : memref<512xi32, #tpu.memory_space<vmem>>, vector<16xi32>,
    %get3A_1305 = arith.constant 352 : index
    %get3A_1306 = tpu.vector_load %arg17[%get3A_1305] {strides = array<i32>} : memref<512xf32, #tpu.memory_space<vmem>>, vector<16xf32>,
    %get3A_1307 = arith.constant 352 : index
    %get3A_1308 = tpu.vector_load %arg18[%get3A_1307] {strides = array<i32>} : memref<512xf32, #tpu.memory_space<vmem>>, vector<16xf32>,
    %get3A_1309 = arith.constant 352 : index
    %get3A_1310 = tpu.vector_load %arg19[%get3A_1309] {strides = array<i32>} : memref<512xf32, #tpu.memory_space<vmem>>, vector<16xf32>,
    %ge3A_1311 = arith.constant -10 : i32
    %ge3A_1312 = vector.broadcast %ge3A_1311 : i32 to vector<16xi32>
    %ge3A_1313 = arith.cmpi sge, %get3A_1302, %ge3A_1312 : vector<16xi32>
    %le3A_1314 = arith.constant 265 : i32
    %le3A_1315 = vector.broadcast %le3A_1314 : i32 to vector<16xi32>
    %le3A_1316 = arith.cmpi sle, %get3A_1302, %le3A_1315 : vector<16xi32>
    %and3A_1317 = arith.andi %ge3A_1313, %le3A_1316 : vector<16xi1>
    %ge3A_1318 = arith.constant -10 : i32
    %ge3A_1319 = vector.broadcast %ge3A_1318 : i32 to vector<16xi32>
    %ge3A_1320 = arith.cmpi sge, %get3A_1304, %ge3A_1319 : vector<16xi32>
    %and3A_1321 = arith.andi %and3A_1317, %ge3A_1320 : vector<16xi1>
    %le3A_1322 = arith.constant 265 : i32
    %le3A_1323 = vector.broadcast %le3A_1322 : i32 to vector<16xi32>
    %le3A_1324 = arith.cmpi sle, %get3A_1304, %le3A_1323 : vector<16xi32>
    %and3A_1325 = arith.andi %and3A_1321, %le3A_1324 : vector<16xi1>
    %ge3A_1326 = arith.constant 10 : i32
    %ge3A_1327 = vector.broadcast %ge3A_1326 : i32 to vector<16xi32>
    %ge3A_1328 = arith.cmpi sge, %get3A_1302, %ge3A_1327 : vector<16xi32>
    %le3A_1329 = arith.constant 244 : i32
    %le3A_1330 = vector.broadcast %le3A_1329 : i32 to vector<16xi32>
    %le3A_1331 = arith.cmpi sle, %get3A_1302, %le3A_1330 : vector<16xi32>
    %and3A_1332 = arith.andi %ge3A_1328, %le3A_1331 : vector<16xi1>
    %ge3A_1333 = arith.constant 10 : i32
    %ge3A_1334 = vector.broadcast %ge3A_1333 : i32 to vector<16xi32>
    %ge3A_1335 = arith.cmpi sge, %get3A_1304, %ge3A_1334 : vector<16xi32>
    %and3A_1336 = arith.andi %and3A_1332, %ge3A_1335 : vector<16xi1>
    %le3A_1337 = arith.constant 244 : i32
    %le3A_1338 = vector.broadcast %le3A_1337 : i32 to vector<16xi32>
    %le3A_1339 = arith.cmpi sle, %get3A_1304, %le3A_1338 : vector<16xi32>
    %and3A_1340 = arith.andi %and3A_1336, %le3A_1339 : vector<16xi1>
    %not3A_1341 = arith.constant dense<true> : vector<16xi1>
    %not3A_1342 = arith.xori %and3A_1340, %not3A_1341 : vector<16xi1>
    %and3A_1343 = arith.andi %and3A_1325, %not3A_1342 : vector<16xi1>
    %convert_element_type3A_1344 = arith.extui %and3A_1340 : vector<16xi1> to vector<16xi32>
    %convert_element_type3A_1345 = arith.extui %and3A_1343 : vector<16xi1> to vector<16xi32>
    %broadcast_in_dim3A_1346 = arith.constant true
    %broadcast_in_dim3A_1347 = vector.broadcast %broadcast_in_dim3A_1346 : i1 to vector<16xi1>
    %masked_cumsum3A_1348 = tpu.scan <sum>, %convert_element_type3A_1344 masked %broadcast_in_dim3A_1347 : vector<16xi32>, vector<16xi1> -> vector<16xi32>
    %add3A_1349 = arith.addi %add3A_1298, %masked_cumsum3A_1348 : vector<16xi32>
    %sub3A_1350 = arith.subi %add3A_1349, %convert_element_type3A_1344 : vector<16xi32>
    %broadcast_in_dim3A_1351 = arith.constant true
    %broadcast_in_dim3A_1352 = vector.broadcast %broadcast_in_dim3A_1351 : i1 to vector<16xi1>
    %masked_cumsum3A_1353 = tpu.scan <sum>, %convert_element_type3A_1345 masked %broadcast_in_dim3A_1352 : vector<16xi32>, vector<16xi1> -> vector<16xi32>
    %add3A_1354 = arith.addi %add3A_1300, %masked_cumsum3A_1353 : vector<16xi32>
    %sub3A_1355 = arith.subi %add3A_1354, %convert_element_type3A_1345 : vector<16xi32>
    tpu.vector_store_idx %arg20[%sub3A_1350], %get3A_1302 masked %and3A_1340 : memref<528xi32, #tpu.memory_space<vmem>>[vector<16xi32>], vector<16xi32>, vector<16xi1>
    tpu.vector_store_idx %arg21[%sub3A_1350], %get3A_1304 masked %and3A_1340 : memref<528xi32, #tpu.memory_space<vmem>>[vector<16xi32>], vector<16xi32>, vector<16xi1>
    tpu.vector_store_idx %arg22[%sub3A_1350], %get3A_1306 masked %and3A_1340 : memref<528xf32, #tpu.memory_space<vmem>>[vector<16xi32>], vector<16xf32>, vector<16xi1>
    tpu.vector_store_idx %arg23[%sub3A_1350], %get3A_1308 masked %and3A_1340 : memref<528xf32, #tpu.memory_space<vmem>>[vector<16xi32>], vector<16xf32>, vector<16xi1>
    tpu.vector_store_idx %arg24[%sub3A_1350], %get3A_1310 masked %and3A_1340 : memref<528xf32, #tpu.memory_space<vmem>>[vector<16xi32>], vector<16xf32>, vector<16xi1>
    tpu.vector_store_idx %arg25[%sub3A_1355], %get3A_1302 masked %and3A_1343 : memref<528xi32, #tpu.memory_space<vmem>>[vector<16xi32>], vector<16xi32>, vector<16xi1>
    tpu.vector_store_idx %arg26[%sub3A_1355], %get3A_1304 masked %and3A_1343 : memref<528xi32, #tpu.memory_space<vmem>>[vector<16xi32>], vector<16xi32>, vector<16xi1>
    tpu.vector_store_idx %arg27[%sub3A_1355], %get3A_1306 masked %and3A_1343 : memref<528xf32, #tpu.memory_space<vmem>>[vector<16xi32>], vector<16xf32>, vector<16xi1>
    tpu.vector_store_idx %arg28[%sub3A_1355], %get3A_1308 masked %and3A_1343 : memref<528xf32, #tpu.memory_space<vmem>>[vector<16xi32>], vector<16xf32>, vector<16xi1>
    tpu.vector_store_idx %arg29[%sub3A_1355], %get3A_1310 masked %and3A_1343 : memref<528xf32, #tpu.memory_space<vmem>>[vector<16xi32>], vector<16xf32>, vector<16xi1>
    %all_reduce_population_count3A_1356 = tpu.all_reduce %and3A_1340 {dim = 0 : i64, kind = #tpu.reduction_kind<sum>} : vector<16xi1> -> vector<16xi32>
    %add3A_1357 = arith.addi %add3A_1298, %all_reduce_population_count3A_1356 : vector<16xi32>
    %all_reduce_population_count3A_1358 = tpu.all_reduce %and3A_1343 {dim = 0 : i64, kind = #tpu.reduction_kind<sum>} : vector<16xi1> -> vector<16xi32>
    %add3A_1359 = arith.addi %add3A_1300, %all_reduce_population_count3A_1358 : vector<16xi32>
    %get3A_1360 = arith.constant 368 : index
    %get3A_1361 = tpu.vector_load %arg15[%get3A_1360] {strides = array<i32>} : memref<512xi32, #tpu.memory_space<vmem>>, vector<16xi32>,
    %get3A_1362 = arith.constant 368 : index
    %get3A_1363 = tpu.vector_load %arg16[%get3A_1362] {strides = array<i32>} : memref<512xi32, #tpu.memory_space<vmem>>, vector<16xi32>,
    %get3A_1364 = arith.constant 368 : index
    %get3A_1365 = tpu.vector_load %arg17[%get3A_1364] {strides = array<i32>} : memref<512xf32, #tpu.memory_space<vmem>>, vector<16xf32>,
    %get3A_1366 = arith.constant 368 : index
    %get3A_1367 = tpu.vector_load %arg18[%get3A_1366] {strides = array<i32>} : memref<512xf32, #tpu.memory_space<vmem>>, vector<16xf32>,
    %get3A_1368 = arith.constant 368 : index
    %get3A_1369 = tpu.vector_load %arg19[%get3A_1368] {strides = array<i32>} : memref<512xf32, #tpu.memory_space<vmem>>, vector<16xf32>,
    %ge3A_1370 = arith.constant -10 : i32
    %ge3A_1371 = vector.broadcast %ge3A_1370 : i32 to vector<16xi32>
    %ge3A_1372 = arith.cmpi sge, %get3A_1361, %ge3A_1371 : vector<16xi32>
    %le3A_1373 = arith.constant 265 : i32
    %le3A_1374 = vector.broadcast %le3A_1373 : i32 to vector<16xi32>
    %le3A_1375 = arith.cmpi sle, %get3A_1361, %le3A_1374 : vector<16xi32>
    %and3A_1376 = arith.andi %ge3A_1372, %le3A_1375 : vector<16xi1>
    %ge3A_1377 = arith.constant -10 : i32
    %ge3A_1378 = vector.broadcast %ge3A_1377 : i32 to vector<16xi32>
    %ge3A_1379 = arith.cmpi sge, %get3A_1363, %ge3A_1378 : vector<16xi32>
    %and3A_1380 = arith.andi %and3A_1376, %ge3A_1379 : vector<16xi1>
    %le3A_1381 = arith.constant 265 : i32
    %le3A_1382 = vector.broadcast %le3A_1381 : i32 to vector<16xi32>
    %le3A_1383 = arith.cmpi sle, %get3A_1363, %le3A_1382 : vector<16xi32>
    %and3A_1384 = arith.andi %and3A_1380, %le3A_1383 : vector<16xi1>
    %ge3A_1385 = arith.constant 10 : i32
    %ge3A_1386 = vector.broadcast %ge3A_1385 : i32 to vector<16xi32>
    %ge3A_1387 = arith.cmpi sge, %get3A_1361, %ge3A_1386 : vector<16xi32>
    %le3A_1388 = arith.constant 244 : i32
    %le3A_1389 = vector.broadcast %le3A_1388 : i32 to vector<16xi32>
    %le3A_1390 = arith.cmpi sle, %get3A_1361, %le3A_1389 : vector<16xi32>
    %and3A_1391 = arith.andi %ge3A_1387, %le3A_1390 : vector<16xi1>
    %ge3A_1392 = arith.constant 10 : i32
    %ge3A_1393 = vector.broadcast %ge3A_1392 : i32 to vector<16xi32>
    %ge3A_1394 = arith.cmpi sge, %get3A_1363, %ge3A_1393 : vector<16xi32>
    %and3A_1395 = arith.andi %and3A_1391, %ge3A_1394 : vector<16xi1>
    %le3A_1396 = arith.constant 244 : i32
    %le3A_1397 = vector.broadcast %le3A_1396 : i32 to vector<16xi32>
    %le3A_1398 = arith.cmpi sle, %get3A_1363, %le3A_1397 : vector<16xi32>
    %and3A_1399 = arith.andi %and3A_1395, %le3A_1398 : vector<16xi1>
    %not3A_1400 = arith.constant dense<true> : vector<16xi1>
    %not3A_1401 = arith.xori %and3A_1399, %not3A_1400 : vector<16xi1>
    %and3A_1402 = arith.andi %and3A_1384, %not3A_1401 : vector<16xi1>
    %convert_element_type3A_1403 = arith.extui %and3A_1399 : vector<16xi1> to vector<16xi32>
    %convert_element_type3A_1404 = arith.extui %and3A_1402 : vector<16xi1> to vector<16xi32>
    %broadcast_in_dim3A_1405 = arith.constant true
    %broadcast_in_dim3A_1406 = vector.broadcast %broadcast_in_dim3A_1405 : i1 to vector<16xi1>
    %masked_cumsum3A_1407 = tpu.scan <sum>, %convert_element_type3A_1403 masked %broadcast_in_dim3A_1406 : vector<16xi32>, vector<16xi1> -> vector<16xi32>
    %add3A_1408 = arith.addi %add3A_1357, %masked_cumsum3A_1407 : vector<16xi32>
    %sub3A_1409 = arith.subi %add3A_1408, %convert_element_type3A_1403 : vector<16xi32>
    %broadcast_in_dim3A_1410 = arith.constant true
    %broadcast_in_dim3A_1411 = vector.broadcast %broadcast_in_dim3A_1410 : i1 to vector<16xi1>
    %masked_cumsum3A_1412 = tpu.scan <sum>, %convert_element_type3A_1404 masked %broadcast_in_dim3A_1411 : vector<16xi32>, vector<16xi1> -> vector<16xi32>
    %add3A_1413 = arith.addi %add3A_1359, %masked_cumsum3A_1412 : vector<16xi32>
    %sub3A_1414 = arith.subi %add3A_1413, %convert_element_type3A_1404 : vector<16xi32>
    tpu.vector_store_idx %arg20[%sub3A_1409], %get3A_1361 masked %and3A_1399 : memref<528xi32, #tpu.memory_space<vmem>>[vector<16xi32>], vector<16xi32>, vector<16xi1>
    tpu.vector_store_idx %arg21[%sub3A_1409], %get3A_1363 masked %and3A_1399 : memref<528xi32, #tpu.memory_space<vmem>>[vector<16xi32>], vector<16xi32>, vector<16xi1>
    tpu.vector_store_idx %arg22[%sub3A_1409], %get3A_1365 masked %and3A_1399 : memref<528xf32, #tpu.memory_space<vmem>>[vector<16xi32>], vector<16xf32>, vector<16xi1>
    tpu.vector_store_idx %arg23[%sub3A_1409], %get3A_1367 masked %and3A_1399 : memref<528xf32, #tpu.memory_space<vmem>>[vector<16xi32>], vector<16xf32>, vector<16xi1>
    tpu.vector_store_idx %arg24[%sub3A_1409], %get3A_1369 masked %and3A_1399 : memref<528xf32, #tpu.memory_space<vmem>>[vector<16xi32>], vector<16xf32>, vector<16xi1>
    tpu.vector_store_idx %arg25[%sub3A_1414], %get3A_1361 masked %and3A_1402 : memref<528xi32, #tpu.memory_space<vmem>>[vector<16xi32>], vector<16xi32>, vector<16xi1>
    tpu.vector_store_idx %arg26[%sub3A_1414], %get3A_1363 masked %and3A_1402 : memref<528xi32, #tpu.memory_space<vmem>>[vector<16xi32>], vector<16xi32>, vector<16xi1>
    tpu.vector_store_idx %arg27[%sub3A_1414], %get3A_1365 masked %and3A_1402 : memref<528xf32, #tpu.memory_space<vmem>>[vector<16xi32>], vector<16xf32>, vector<16xi1>
    tpu.vector_store_idx %arg28[%sub3A_1414], %get3A_1367 masked %and3A_1402 : memref<528xf32, #tpu.memory_space<vmem>>[vector<16xi32>], vector<16xf32>, vector<16xi1>
    tpu.vector_store_idx %arg29[%sub3A_1414], %get3A_1369 masked %and3A_1402 : memref<528xf32, #tpu.memory_space<vmem>>[vector<16xi32>], vector<16xf32>, vector<16xi1>
    %all_reduce_population_count3A_1415 = tpu.all_reduce %and3A_1399 {dim = 0 : i64, kind = #tpu.reduction_kind<sum>} : vector<16xi1> -> vector<16xi32>
    %add3A_1416 = arith.addi %add3A_1357, %all_reduce_population_count3A_1415 : vector<16xi32>
    %all_reduce_population_count3A_1417 = tpu.all_reduce %and3A_1402 {dim = 0 : i64, kind = #tpu.reduction_kind<sum>} : vector<16xi1> -> vector<16xi32>
    %add3A_1418 = arith.addi %add3A_1359, %all_reduce_population_count3A_1417 : vector<16xi32>
    %get3A_1419 = arith.constant 384 : index
    %get3A_1420 = tpu.vector_load %arg15[%get3A_1419] {strides = array<i32>} : memref<512xi32, #tpu.memory_space<vmem>>, vector<16xi32>,
    %get3A_1421 = arith.constant 384 : index
    %get3A_1422 = tpu.vector_load %arg16[%get3A_1421] {strides = array<i32>} : memref<512xi32, #tpu.memory_space<vmem>>, vector<16xi32>,
    %get3A_1423 = arith.constant 384 : index
    %get3A_1424 = tpu.vector_load %arg17[%get3A_1423] {strides = array<i32>} : memref<512xf32, #tpu.memory_space<vmem>>, vector<16xf32>,
    %get3A_1425 = arith.constant 384 : index
    %get3A_1426 = tpu.vector_load %arg18[%get3A_1425] {strides = array<i32>} : memref<512xf32, #tpu.memory_space<vmem>>, vector<16xf32>,
    %get3A_1427 = arith.constant 384 : index
    %get3A_1428 = tpu.vector_load %arg19[%get3A_1427] {strides = array<i32>} : memref<512xf32, #tpu.memory_space<vmem>>, vector<16xf32>,
    %ge3A_1429 = arith.constant -10 : i32
    %ge3A_1430 = vector.broadcast %ge3A_1429 : i32 to vector<16xi32>
    %ge3A_1431 = arith.cmpi sge, %get3A_1420, %ge3A_1430 : vector<16xi32>
    %le3A_1432 = arith.constant 265 : i32
    %le3A_1433 = vector.broadcast %le3A_1432 : i32 to vector<16xi32>
    %le3A_1434 = arith.cmpi sle, %get3A_1420, %le3A_1433 : vector<16xi32>
    %and3A_1435 = arith.andi %ge3A_1431, %le3A_1434 : vector<16xi1>
    %ge3A_1436 = arith.constant -10 : i32
    %ge3A_1437 = vector.broadcast %ge3A_1436 : i32 to vector<16xi32>
    %ge3A_1438 = arith.cmpi sge, %get3A_1422, %ge3A_1437 : vector<16xi32>
    %and3A_1439 = arith.andi %and3A_1435, %ge3A_1438 : vector<16xi1>
    %le3A_1440 = arith.constant 265 : i32
    %le3A_1441 = vector.broadcast %le3A_1440 : i32 to vector<16xi32>
    %le3A_1442 = arith.cmpi sle, %get3A_1422, %le3A_1441 : vector<16xi32>
    %and3A_1443 = arith.andi %and3A_1439, %le3A_1442 : vector<16xi1>
    %ge3A_1444 = arith.constant 10 : i32
    %ge3A_1445 = vector.broadcast %ge3A_1444 : i32 to vector<16xi32>
    %ge3A_1446 = arith.cmpi sge, %get3A_1420, %ge3A_1445 : vector<16xi32>
    %le3A_1447 = arith.constant 244 : i32
    %le3A_1448 = vector.broadcast %le3A_1447 : i32 to vector<16xi32>
    %le3A_1449 = arith.cmpi sle, %get3A_1420, %le3A_1448 : vector<16xi32>
    %and3A_1450 = arith.andi %ge3A_1446, %le3A_1449 : vector<16xi1>
    %ge3A_1451 = arith.constant 10 : i32
    %ge3A_1452 = vector.broadcast %ge3A_1451 : i32 to vector<16xi32>
    %ge3A_1453 = arith.cmpi sge, %get3A_1422, %ge3A_1452 : vector<16xi32>
    %and3A_1454 = arith.andi %and3A_1450, %ge3A_1453 : vector<16xi1>
    %le3A_1455 = arith.constant 244 : i32
    %le3A_1456 = vector.broadcast %le3A_1455 : i32 to vector<16xi32>
    %le3A_1457 = arith.cmpi sle, %get3A_1422, %le3A_1456 : vector<16xi32>
    %and3A_1458 = arith.andi %and3A_1454, %le3A_1457 : vector<16xi1>
    %not3A_1459 = arith.constant dense<true> : vector<16xi1>
    %not3A_1460 = arith.xori %and3A_1458, %not3A_1459 : vector<16xi1>
    %and3A_1461 = arith.andi %and3A_1443, %not3A_1460 : vector<16xi1>
    %convert_element_type3A_1462 = arith.extui %and3A_1458 : vector<16xi1> to vector<16xi32>
    %convert_element_type3A_1463 = arith.extui %and3A_1461 : vector<16xi1> to vector<16xi32>
    %broadcast_in_dim3A_1464 = arith.constant true
    %broadcast_in_dim3A_1465 = vector.broadcast %broadcast_in_dim3A_1464 : i1 to vector<16xi1>
    %masked_cumsum3A_1466 = tpu.scan <sum>, %convert_element_type3A_1462 masked %broadcast_in_dim3A_1465 : vector<16xi32>, vector<16xi1> -> vector<16xi32>
    %add3A_1467 = arith.addi %add3A_1416, %masked_cumsum3A_1466 : vector<16xi32>
    %sub3A_1468 = arith.subi %add3A_1467, %convert_element_type3A_1462 : vector<16xi32>
    %broadcast_in_dim3A_1469 = arith.constant true
    %broadcast_in_dim3A_1470 = vector.broadcast %broadcast_in_dim3A_1469 : i1 to vector<16xi1>
    %masked_cumsum3A_1471 = tpu.scan <sum>, %convert_element_type3A_1463 masked %broadcast_in_dim3A_1470 : vector<16xi32>, vector<16xi1> -> vector<16xi32>
    %add3A_1472 = arith.addi %add3A_1418, %masked_cumsum3A_1471 : vector<16xi32>
    %sub3A_1473 = arith.subi %add3A_1472, %convert_element_type3A_1463 : vector<16xi32>
    tpu.vector_store_idx %arg20[%sub3A_1468], %get3A_1420 masked %and3A_1458 : memref<528xi32, #tpu.memory_space<vmem>>[vector<16xi32>], vector<16xi32>, vector<16xi1>
    tpu.vector_store_idx %arg21[%sub3A_1468], %get3A_1422 masked %and3A_1458 : memref<528xi32, #tpu.memory_space<vmem>>[vector<16xi32>], vector<16xi32>, vector<16xi1>
    tpu.vector_store_idx %arg22[%sub3A_1468], %get3A_1424 masked %and3A_1458 : memref<528xf32, #tpu.memory_space<vmem>>[vector<16xi32>], vector<16xf32>, vector<16xi1>
    tpu.vector_store_idx %arg23[%sub3A_1468], %get3A_1426 masked %and3A_1458 : memref<528xf32, #tpu.memory_space<vmem>>[vector<16xi32>], vector<16xf32>, vector<16xi1>
    tpu.vector_store_idx %arg24[%sub3A_1468], %get3A_1428 masked %and3A_1458 : memref<528xf32, #tpu.memory_space<vmem>>[vector<16xi32>], vector<16xf32>, vector<16xi1>
    tpu.vector_store_idx %arg25[%sub3A_1473], %get3A_1420 masked %and3A_1461 : memref<528xi32, #tpu.memory_space<vmem>>[vector<16xi32>], vector<16xi32>, vector<16xi1>
    tpu.vector_store_idx %arg26[%sub3A_1473], %get3A_1422 masked %and3A_1461 : memref<528xi32, #tpu.memory_space<vmem>>[vector<16xi32>], vector<16xi32>, vector<16xi1>
    tpu.vector_store_idx %arg27[%sub3A_1473], %get3A_1424 masked %and3A_1461 : memref<528xf32, #tpu.memory_space<vmem>>[vector<16xi32>], vector<16xf32>, vector<16xi1>
    tpu.vector_store_idx %arg28[%sub3A_1473], %get3A_1426 masked %and3A_1461 : memref<528xf32, #tpu.memory_space<vmem>>[vector<16xi32>], vector<16xf32>, vector<16xi1>
    tpu.vector_store_idx %arg29[%sub3A_1473], %get3A_1428 masked %and3A_1461 : memref<528xf32, #tpu.memory_space<vmem>>[vector<16xi32>], vector<16xf32>, vector<16xi1>
    %all_reduce_population_count3A_1474 = tpu.all_reduce %and3A_1458 {dim = 0 : i64, kind = #tpu.reduction_kind<sum>} : vector<16xi1> -> vector<16xi32>
    %add3A_1475 = arith.addi %add3A_1416, %all_reduce_population_count3A_1474 : vector<16xi32>
    %all_reduce_population_count3A_1476 = tpu.all_reduce %and3A_1461 {dim = 0 : i64, kind = #tpu.reduction_kind<sum>} : vector<16xi1> -> vector<16xi32>
    %add3A_1477 = arith.addi %add3A_1418, %all_reduce_population_count3A_1476 : vector<16xi32>
    %get3A_1478 = arith.constant 400 : index
    %get3A_1479 = tpu.vector_load %arg15[%get3A_1478] {strides = array<i32>} : memref<512xi32, #tpu.memory_space<vmem>>, vector<16xi32>,
    %get3A_1480 = arith.constant 400 : index
    %get3A_1481 = tpu.vector_load %arg16[%get3A_1480] {strides = array<i32>} : memref<512xi32, #tpu.memory_space<vmem>>, vector<16xi32>,
    %get3A_1482 = arith.constant 400 : index
    %get3A_1483 = tpu.vector_load %arg17[%get3A_1482] {strides = array<i32>} : memref<512xf32, #tpu.memory_space<vmem>>, vector<16xf32>,
    %get3A_1484 = arith.constant 400 : index
    %get3A_1485 = tpu.vector_load %arg18[%get3A_1484] {strides = array<i32>} : memref<512xf32, #tpu.memory_space<vmem>>, vector<16xf32>,
    %get3A_1486 = arith.constant 400 : index
    %get3A_1487 = tpu.vector_load %arg19[%get3A_1486] {strides = array<i32>} : memref<512xf32, #tpu.memory_space<vmem>>, vector<16xf32>,
    %ge3A_1488 = arith.constant -10 : i32
    %ge3A_1489 = vector.broadcast %ge3A_1488 : i32 to vector<16xi32>
    %ge3A_1490 = arith.cmpi sge, %get3A_1479, %ge3A_1489 : vector<16xi32>
    %le3A_1491 = arith.constant 265 : i32
    %le3A_1492 = vector.broadcast %le3A_1491 : i32 to vector<16xi32>
    %le3A_1493 = arith.cmpi sle, %get3A_1479, %le3A_1492 : vector<16xi32>
    %and3A_1494 = arith.andi %ge3A_1490, %le3A_1493 : vector<16xi1>
    %ge3A_1495 = arith.constant -10 : i32
    %ge3A_1496 = vector.broadcast %ge3A_1495 : i32 to vector<16xi32>
    %ge3A_1497 = arith.cmpi sge, %get3A_1481, %ge3A_1496 : vector<16xi32>
    %and3A_1498 = arith.andi %and3A_1494, %ge3A_1497 : vector<16xi1>
    %le3A_1499 = arith.constant 265 : i32
    %le3A_1500 = vector.broadcast %le3A_1499 : i32 to vector<16xi32>
    %le3A_1501 = arith.cmpi sle, %get3A_1481, %le3A_1500 : vector<16xi32>
    %and3A_1502 = arith.andi %and3A_1498, %le3A_1501 : vector<16xi1>
    %ge3A_1503 = arith.constant 10 : i32
    %ge3A_1504 = vector.broadcast %ge3A_1503 : i32 to vector<16xi32>
    %ge3A_1505 = arith.cmpi sge, %get3A_1479, %ge3A_1504 : vector<16xi32>
    %le3A_1506 = arith.constant 244 : i32
    %le3A_1507 = vector.broadcast %le3A_1506 : i32 to vector<16xi32>
    %le3A_1508 = arith.cmpi sle, %get3A_1479, %le3A_1507 : vector<16xi32>
    %and3A_1509 = arith.andi %ge3A_1505, %le3A_1508 : vector<16xi1>
    %ge3A_1510 = arith.constant 10 : i32
    %ge3A_1511 = vector.broadcast %ge3A_1510 : i32 to vector<16xi32>
    %ge3A_1512 = arith.cmpi sge, %get3A_1481, %ge3A_1511 : vector<16xi32>
    %and3A_1513 = arith.andi %and3A_1509, %ge3A_1512 : vector<16xi1>
    %le3A_1514 = arith.constant 244 : i32
    %le3A_1515 = vector.broadcast %le3A_1514 : i32 to vector<16xi32>
    %le3A_1516 = arith.cmpi sle, %get3A_1481, %le3A_1515 : vector<16xi32>
    %and3A_1517 = arith.andi %and3A_1513, %le3A_1516 : vector<16xi1>
    %not3A_1518 = arith.constant dense<true> : vector<16xi1>
    %not3A_1519 = arith.xori %and3A_1517, %not3A_1518 : vector<16xi1>
    %and3A_1520 = arith.andi %and3A_1502, %not3A_1519 : vector<16xi1>
    %convert_element_type3A_1521 = arith.extui %and3A_1517 : vector<16xi1> to vector<16xi32>
    %convert_element_type3A_1522 = arith.extui %and3A_1520 : vector<16xi1> to vector<16xi32>
    %broadcast_in_dim3A_1523 = arith.constant true
    %broadcast_in_dim3A_1524 = vector.broadcast %broadcast_in_dim3A_1523 : i1 to vector<16xi1>
    %masked_cumsum3A_1525 = tpu.scan <sum>, %convert_element_type3A_1521 masked %broadcast_in_dim3A_1524 : vector<16xi32>, vector<16xi1> -> vector<16xi32>
    %add3A_1526 = arith.addi %add3A_1475, %masked_cumsum3A_1525 : vector<16xi32>
    %sub3A_1527 = arith.subi %add3A_1526, %convert_element_type3A_1521 : vector<16xi32>
    %broadcast_in_dim3A_1528 = arith.constant true
    %broadcast_in_dim3A_1529 = vector.broadcast %broadcast_in_dim3A_1528 : i1 to vector<16xi1>
    %masked_cumsum3A_1530 = tpu.scan <sum>, %convert_element_type3A_1522 masked %broadcast_in_dim3A_1529 : vector<16xi32>, vector<16xi1> -> vector<16xi32>
    %add3A_1531 = arith.addi %add3A_1477, %masked_cumsum3A_1530 : vector<16xi32>
    %sub3A_1532 = arith.subi %add3A_1531, %convert_element_type3A_1522 : vector<16xi32>
    tpu.vector_store_idx %arg20[%sub3A_1527], %get3A_1479 masked %and3A_1517 : memref<528xi32, #tpu.memory_space<vmem>>[vector<16xi32>], vector<16xi32>, vector<16xi1>
    tpu.vector_store_idx %arg21[%sub3A_1527], %get3A_1481 masked %and3A_1517 : memref<528xi32, #tpu.memory_space<vmem>>[vector<16xi32>], vector<16xi32>, vector<16xi1>
    tpu.vector_store_idx %arg22[%sub3A_1527], %get3A_1483 masked %and3A_1517 : memref<528xf32, #tpu.memory_space<vmem>>[vector<16xi32>], vector<16xf32>, vector<16xi1>
    tpu.vector_store_idx %arg23[%sub3A_1527], %get3A_1485 masked %and3A_1517 : memref<528xf32, #tpu.memory_space<vmem>>[vector<16xi32>], vector<16xf32>, vector<16xi1>
    tpu.vector_store_idx %arg24[%sub3A_1527], %get3A_1487 masked %and3A_1517 : memref<528xf32, #tpu.memory_space<vmem>>[vector<16xi32>], vector<16xf32>, vector<16xi1>
    tpu.vector_store_idx %arg25[%sub3A_1532], %get3A_1479 masked %and3A_1520 : memref<528xi32, #tpu.memory_space<vmem>>[vector<16xi32>], vector<16xi32>, vector<16xi1>
    tpu.vector_store_idx %arg26[%sub3A_1532], %get3A_1481 masked %and3A_1520 : memref<528xi32, #tpu.memory_space<vmem>>[vector<16xi32>], vector<16xi32>, vector<16xi1>
    tpu.vector_store_idx %arg27[%sub3A_1532], %get3A_1483 masked %and3A_1520 : memref<528xf32, #tpu.memory_space<vmem>>[vector<16xi32>], vector<16xf32>, vector<16xi1>
    tpu.vector_store_idx %arg28[%sub3A_1532], %get3A_1485 masked %and3A_1520 : memref<528xf32, #tpu.memory_space<vmem>>[vector<16xi32>], vector<16xf32>, vector<16xi1>
    tpu.vector_store_idx %arg29[%sub3A_1532], %get3A_1487 masked %and3A_1520 : memref<528xf32, #tpu.memory_space<vmem>>[vector<16xi32>], vector<16xf32>, vector<16xi1>
    %all_reduce_population_count3A_1533 = tpu.all_reduce %and3A_1517 {dim = 0 : i64, kind = #tpu.reduction_kind<sum>} : vector<16xi1> -> vector<16xi32>
    %add3A_1534 = arith.addi %add3A_1475, %all_reduce_population_count3A_1533 : vector<16xi32>
    %all_reduce_population_count3A_1535 = tpu.all_reduce %and3A_1520 {dim = 0 : i64, kind = #tpu.reduction_kind<sum>} : vector<16xi1> -> vector<16xi32>
    %add3A_1536 = arith.addi %add3A_1477, %all_reduce_population_count3A_1535 : vector<16xi32>
    %get3A_1537 = arith.constant 416 : index
    %get3A_1538 = tpu.vector_load %arg15[%get3A_1537] {strides = array<i32>} : memref<512xi32, #tpu.memory_space<vmem>>, vector<16xi32>,
    %get3A_1539 = arith.constant 416 : index
    %get3A_1540 = tpu.vector_load %arg16[%get3A_1539] {strides = array<i32>} : memref<512xi32, #tpu.memory_space<vmem>>, vector<16xi32>,
    %get3A_1541 = arith.constant 416 : index
    %get3A_1542 = tpu.vector_load %arg17[%get3A_1541] {strides = array<i32>} : memref<512xf32, #tpu.memory_space<vmem>>, vector<16xf32>,
    %get3A_1543 = arith.constant 416 : index
    %get3A_1544 = tpu.vector_load %arg18[%get3A_1543] {strides = array<i32>} : memref<512xf32, #tpu.memory_space<vmem>>, vector<16xf32>,
    %get3A_1545 = arith.constant 416 : index
    %get3A_1546 = tpu.vector_load %arg19[%get3A_1545] {strides = array<i32>} : memref<512xf32, #tpu.memory_space<vmem>>, vector<16xf32>,
    %ge3A_1547 = arith.constant -10 : i32
    %ge3A_1548 = vector.broadcast %ge3A_1547 : i32 to vector<16xi32>
    %ge3A_1549 = arith.cmpi sge, %get3A_1538, %ge3A_1548 : vector<16xi32>
    %le3A_1550 = arith.constant 265 : i32
    %le3A_1551 = vector.broadcast %le3A_1550 : i32 to vector<16xi32>
    %le3A_1552 = arith.cmpi sle, %get3A_1538, %le3A_1551 : vector<16xi32>
    %and3A_1553 = arith.andi %ge3A_1549, %le3A_1552 : vector<16xi1>
    %ge3A_1554 = arith.constant -10 : i32
    %ge3A_1555 = vector.broadcast %ge3A_1554 : i32 to vector<16xi32>
    %ge3A_1556 = arith.cmpi sge, %get3A_1540, %ge3A_1555 : vector<16xi32>
    %and3A_1557 = arith.andi %and3A_1553, %ge3A_1556 : vector<16xi1>
    %le3A_1558 = arith.constant 265 : i32
    %le3A_1559 = vector.broadcast %le3A_1558 : i32 to vector<16xi32>
    %le3A_1560 = arith.cmpi sle, %get3A_1540, %le3A_1559 : vector<16xi32>
    %and3A_1561 = arith.andi %and3A_1557, %le3A_1560 : vector<16xi1>
    %ge3A_1562 = arith.constant 10 : i32
    %ge3A_1563 = vector.broadcast %ge3A_1562 : i32 to vector<16xi32>
    %ge3A_1564 = arith.cmpi sge, %get3A_1538, %ge3A_1563 : vector<16xi32>
    %le3A_1565 = arith.constant 244 : i32
    %le3A_1566 = vector.broadcast %le3A_1565 : i32 to vector<16xi32>
    %le3A_1567 = arith.cmpi sle, %get3A_1538, %le3A_1566 : vector<16xi32>
    %and3A_1568 = arith.andi %ge3A_1564, %le3A_1567 : vector<16xi1>
    %ge3A_1569 = arith.constant 10 : i32
    %ge3A_1570 = vector.broadcast %ge3A_1569 : i32 to vector<16xi32>
    %ge3A_1571 = arith.cmpi sge, %get3A_1540, %ge3A_1570 : vector<16xi32>
    %and3A_1572 = arith.andi %and3A_1568, %ge3A_1571 : vector<16xi1>
    %le3A_1573 = arith.constant 244 : i32
    %le3A_1574 = vector.broadcast %le3A_1573 : i32 to vector<16xi32>
    %le3A_1575 = arith.cmpi sle, %get3A_1540, %le3A_1574 : vector<16xi32>
    %and3A_1576 = arith.andi %and3A_1572, %le3A_1575 : vector<16xi1>
    %not3A_1577 = arith.constant dense<true> : vector<16xi1>
    %not3A_1578 = arith.xori %and3A_1576, %not3A_1577 : vector<16xi1>
    %and3A_1579 = arith.andi %and3A_1561, %not3A_1578 : vector<16xi1>
    %convert_element_type3A_1580 = arith.extui %and3A_1576 : vector<16xi1> to vector<16xi32>
    %convert_element_type3A_1581 = arith.extui %and3A_1579 : vector<16xi1> to vector<16xi32>
    %broadcast_in_dim3A_1582 = arith.constant true
    %broadcast_in_dim3A_1583 = vector.broadcast %broadcast_in_dim3A_1582 : i1 to vector<16xi1>
    %masked_cumsum3A_1584 = tpu.scan <sum>, %convert_element_type3A_1580 masked %broadcast_in_dim3A_1583 : vector<16xi32>, vector<16xi1> -> vector<16xi32>
    %add3A_1585 = arith.addi %add3A_1534, %masked_cumsum3A_1584 : vector<16xi32>
    %sub3A_1586 = arith.subi %add3A_1585, %convert_element_type3A_1580 : vector<16xi32>
    %broadcast_in_dim3A_1587 = arith.constant true
    %broadcast_in_dim3A_1588 = vector.broadcast %broadcast_in_dim3A_1587 : i1 to vector<16xi1>
    %masked_cumsum3A_1589 = tpu.scan <sum>, %convert_element_type3A_1581 masked %broadcast_in_dim3A_1588 : vector<16xi32>, vector<16xi1> -> vector<16xi32>
    %add3A_1590 = arith.addi %add3A_1536, %masked_cumsum3A_1589 : vector<16xi32>
    %sub3A_1591 = arith.subi %add3A_1590, %convert_element_type3A_1581 : vector<16xi32>
    tpu.vector_store_idx %arg20[%sub3A_1586], %get3A_1538 masked %and3A_1576 : memref<528xi32, #tpu.memory_space<vmem>>[vector<16xi32>], vector<16xi32>, vector<16xi1>
    tpu.vector_store_idx %arg21[%sub3A_1586], %get3A_1540 masked %and3A_1576 : memref<528xi32, #tpu.memory_space<vmem>>[vector<16xi32>], vector<16xi32>, vector<16xi1>
    tpu.vector_store_idx %arg22[%sub3A_1586], %get3A_1542 masked %and3A_1576 : memref<528xf32, #tpu.memory_space<vmem>>[vector<16xi32>], vector<16xf32>, vector<16xi1>
    tpu.vector_store_idx %arg23[%sub3A_1586], %get3A_1544 masked %and3A_1576 : memref<528xf32, #tpu.memory_space<vmem>>[vector<16xi32>], vector<16xf32>, vector<16xi1>
    tpu.vector_store_idx %arg24[%sub3A_1586], %get3A_1546 masked %and3A_1576 : memref<528xf32, #tpu.memory_space<vmem>>[vector<16xi32>], vector<16xf32>, vector<16xi1>
    tpu.vector_store_idx %arg25[%sub3A_1591], %get3A_1538 masked %and3A_1579 : memref<528xi32, #tpu.memory_space<vmem>>[vector<16xi32>], vector<16xi32>, vector<16xi1>
    tpu.vector_store_idx %arg26[%sub3A_1591], %get3A_1540 masked %and3A_1579 : memref<528xi32, #tpu.memory_space<vmem>>[vector<16xi32>], vector<16xi32>, vector<16xi1>
    tpu.vector_store_idx %arg27[%sub3A_1591], %get3A_1542 masked %and3A_1579 : memref<528xf32, #tpu.memory_space<vmem>>[vector<16xi32>], vector<16xf32>, vector<16xi1>
    tpu.vector_store_idx %arg28[%sub3A_1591], %get3A_1544 masked %and3A_1579 : memref<528xf32, #tpu.memory_space<vmem>>[vector<16xi32>], vector<16xf32>, vector<16xi1>
    tpu.vector_store_idx %arg29[%sub3A_1591], %get3A_1546 masked %and3A_1579 : memref<528xf32, #tpu.memory_space<vmem>>[vector<16xi32>], vector<16xf32>, vector<16xi1>
    %all_reduce_population_count3A_1592 = tpu.all_reduce %and3A_1576 {dim = 0 : i64, kind = #tpu.reduction_kind<sum>} : vector<16xi1> -> vector<16xi32>
    %add3A_1593 = arith.addi %add3A_1534, %all_reduce_population_count3A_1592 : vector<16xi32>
    %all_reduce_population_count3A_1594 = tpu.all_reduce %and3A_1579 {dim = 0 : i64, kind = #tpu.reduction_kind<sum>} : vector<16xi1> -> vector<16xi32>
    %add3A_1595 = arith.addi %add3A_1536, %all_reduce_population_count3A_1594 : vector<16xi32>
    %get3A_1596 = arith.constant 432 : index
    %get3A_1597 = tpu.vector_load %arg15[%get3A_1596] {strides = array<i32>} : memref<512xi32, #tpu.memory_space<vmem>>, vector<16xi32>,
    %get3A_1598 = arith.constant 432 : index
    %get3A_1599 = tpu.vector_load %arg16[%get3A_1598] {strides = array<i32>} : memref<512xi32, #tpu.memory_space<vmem>>, vector<16xi32>,
    %get3A_1600 = arith.constant 432 : index
    %get3A_1601 = tpu.vector_load %arg17[%get3A_1600] {strides = array<i32>} : memref<512xf32, #tpu.memory_space<vmem>>, vector<16xf32>,
    %get3A_1602 = arith.constant 432 : index
    %get3A_1603 = tpu.vector_load %arg18[%get3A_1602] {strides = array<i32>} : memref<512xf32, #tpu.memory_space<vmem>>, vector<16xf32>,
    %get3A_1604 = arith.constant 432 : index
    %get3A_1605 = tpu.vector_load %arg19[%get3A_1604] {strides = array<i32>} : memref<512xf32, #tpu.memory_space<vmem>>, vector<16xf32>,
    %ge3A_1606 = arith.constant -10 : i32
    %ge3A_1607 = vector.broadcast %ge3A_1606 : i32 to vector<16xi32>
    %ge3A_1608 = arith.cmpi sge, %get3A_1597, %ge3A_1607 : vector<16xi32>
    %le3A_1609 = arith.constant 265 : i32
    %le3A_1610 = vector.broadcast %le3A_1609 : i32 to vector<16xi32>
    %le3A_1611 = arith.cmpi sle, %get3A_1597, %le3A_1610 : vector<16xi32>
    %and3A_1612 = arith.andi %ge3A_1608, %le3A_1611 : vector<16xi1>
    %ge3A_1613 = arith.constant -10 : i32
    %ge3A_1614 = vector.broadcast %ge3A_1613 : i32 to vector<16xi32>
    %ge3A_1615 = arith.cmpi sge, %get3A_1599, %ge3A_1614 : vector<16xi32>
    %and3A_1616 = arith.andi %and3A_1612, %ge3A_1615 : vector<16xi1>
    %le3A_1617 = arith.constant 265 : i32
    %le3A_1618 = vector.broadcast %le3A_1617 : i32 to vector<16xi32>
    %le3A_1619 = arith.cmpi sle, %get3A_1599, %le3A_1618 : vector<16xi32>
    %and3A_1620 = arith.andi %and3A_1616, %le3A_1619 : vector<16xi1>
    %ge3A_1621 = arith.constant 10 : i32
    %ge3A_1622 = vector.broadcast %ge3A_1621 : i32 to vector<16xi32>
    %ge3A_1623 = arith.cmpi sge, %get3A_1597, %ge3A_1622 : vector<16xi32>
    %le3A_1624 = arith.constant 244 : i32
    %le3A_1625 = vector.broadcast %le3A_1624 : i32 to vector<16xi32>
    %le3A_1626 = arith.cmpi sle, %get3A_1597, %le3A_1625 : vector<16xi32>
    %and3A_1627 = arith.andi %ge3A_1623, %le3A_1626 : vector<16xi1>
    %ge3A_1628 = arith.constant 10 : i32
    %ge3A_1629 = vector.broadcast %ge3A_1628 : i32 to vector<16xi32>
    %ge3A_1630 = arith.cmpi sge, %get3A_1599, %ge3A_1629 : vector<16xi32>
    %and3A_1631 = arith.andi %and3A_1627, %ge3A_1630 : vector<16xi1>
    %le3A_1632 = arith.constant 244 : i32
    %le3A_1633 = vector.broadcast %le3A_1632 : i32 to vector<16xi32>
    %le3A_1634 = arith.cmpi sle, %get3A_1599, %le3A_1633 : vector<16xi32>
    %and3A_1635 = arith.andi %and3A_1631, %le3A_1634 : vector<16xi1>
    %not3A_1636 = arith.constant dense<true> : vector<16xi1>
    %not3A_1637 = arith.xori %and3A_1635, %not3A_1636 : vector<16xi1>
    %and3A_1638 = arith.andi %and3A_1620, %not3A_1637 : vector<16xi1>
    %convert_element_type3A_1639 = arith.extui %and3A_1635 : vector<16xi1> to vector<16xi32>
    %convert_element_type3A_1640 = arith.extui %and3A_1638 : vector<16xi1> to vector<16xi32>
    %broadcast_in_dim3A_1641 = arith.constant true
    %broadcast_in_dim3A_1642 = vector.broadcast %broadcast_in_dim3A_1641 : i1 to vector<16xi1>
    %masked_cumsum3A_1643 = tpu.scan <sum>, %convert_element_type3A_1639 masked %broadcast_in_dim3A_1642 : vector<16xi32>, vector<16xi1> -> vector<16xi32>
    %add3A_1644 = arith.addi %add3A_1593, %masked_cumsum3A_1643 : vector<16xi32>
    %sub3A_1645 = arith.subi %add3A_1644, %convert_element_type3A_1639 : vector<16xi32>
    %broadcast_in_dim3A_1646 = arith.constant true
    %broadcast_in_dim3A_1647 = vector.broadcast %broadcast_in_dim3A_1646 : i1 to vector<16xi1>
    %masked_cumsum3A_1648 = tpu.scan <sum>, %convert_element_type3A_1640 masked %broadcast_in_dim3A_1647 : vector<16xi32>, vector<16xi1> -> vector<16xi32>
    %add3A_1649 = arith.addi %add3A_1595, %masked_cumsum3A_1648 : vector<16xi32>
    %sub3A_1650 = arith.subi %add3A_1649, %convert_element_type3A_1640 : vector<16xi32>
    tpu.vector_store_idx %arg20[%sub3A_1645], %get3A_1597 masked %and3A_1635 : memref<528xi32, #tpu.memory_space<vmem>>[vector<16xi32>], vector<16xi32>, vector<16xi1>
    tpu.vector_store_idx %arg21[%sub3A_1645], %get3A_1599 masked %and3A_1635 : memref<528xi32, #tpu.memory_space<vmem>>[vector<16xi32>], vector<16xi32>, vector<16xi1>
    tpu.vector_store_idx %arg22[%sub3A_1645], %get3A_1601 masked %and3A_1635 : memref<528xf32, #tpu.memory_space<vmem>>[vector<16xi32>], vector<16xf32>, vector<16xi1>
    tpu.vector_store_idx %arg23[%sub3A_1645], %get3A_1603 masked %and3A_1635 : memref<528xf32, #tpu.memory_space<vmem>>[vector<16xi32>], vector<16xf32>, vector<16xi1>
    tpu.vector_store_idx %arg24[%sub3A_1645], %get3A_1605 masked %and3A_1635 : memref<528xf32, #tpu.memory_space<vmem>>[vector<16xi32>], vector<16xf32>, vector<16xi1>
    tpu.vector_store_idx %arg25[%sub3A_1650], %get3A_1597 masked %and3A_1638 : memref<528xi32, #tpu.memory_space<vmem>>[vector<16xi32>], vector<16xi32>, vector<16xi1>
    tpu.vector_store_idx %arg26[%sub3A_1650], %get3A_1599 masked %and3A_1638 : memref<528xi32, #tpu.memory_space<vmem>>[vector<16xi32>], vector<16xi32>, vector<16xi1>
    tpu.vector_store_idx %arg27[%sub3A_1650], %get3A_1601 masked %and3A_1638 : memref<528xf32, #tpu.memory_space<vmem>>[vector<16xi32>], vector<16xf32>, vector<16xi1>
    tpu.vector_store_idx %arg28[%sub3A_1650], %get3A_1603 masked %and3A_1638 : memref<528xf32, #tpu.memory_space<vmem>>[vector<16xi32>], vector<16xf32>, vector<16xi1>
    tpu.vector_store_idx %arg29[%sub3A_1650], %get3A_1605 masked %and3A_1638 : memref<528xf32, #tpu.memory_space<vmem>>[vector<16xi32>], vector<16xf32>, vector<16xi1>
    %all_reduce_population_count3A_1651 = tpu.all_reduce %and3A_1635 {dim = 0 : i64, kind = #tpu.reduction_kind<sum>} : vector<16xi1> -> vector<16xi32>
    %add3A_1652 = arith.addi %add3A_1593, %all_reduce_population_count3A_1651 : vector<16xi32>
    %all_reduce_population_count3A_1653 = tpu.all_reduce %and3A_1638 {dim = 0 : i64, kind = #tpu.reduction_kind<sum>} : vector<16xi1> -> vector<16xi32>
    %add3A_1654 = arith.addi %add3A_1595, %all_reduce_population_count3A_1653 : vector<16xi32>
    %get3A_1655 = arith.constant 448 : index
    %get3A_1656 = tpu.vector_load %arg15[%get3A_1655] {strides = array<i32>} : memref<512xi32, #tpu.memory_space<vmem>>, vector<16xi32>,
    %get3A_1657 = arith.constant 448 : index
    %get3A_1658 = tpu.vector_load %arg16[%get3A_1657] {strides = array<i32>} : memref<512xi32, #tpu.memory_space<vmem>>, vector<16xi32>,
    %get3A_1659 = arith.constant 448 : index
    %get3A_1660 = tpu.vector_load %arg17[%get3A_1659] {strides = array<i32>} : memref<512xf32, #tpu.memory_space<vmem>>, vector<16xf32>,
    %get3A_1661 = arith.constant 448 : index
    %get3A_1662 = tpu.vector_load %arg18[%get3A_1661] {strides = array<i32>} : memref<512xf32, #tpu.memory_space<vmem>>, vector<16xf32>,
    %get3A_1663 = arith.constant 448 : index
    %get3A_1664 = tpu.vector_load %arg19[%get3A_1663] {strides = array<i32>} : memref<512xf32, #tpu.memory_space<vmem>>, vector<16xf32>,
    %ge3A_1665 = arith.constant -10 : i32
    %ge3A_1666 = vector.broadcast %ge3A_1665 : i32 to vector<16xi32>
    %ge3A_1667 = arith.cmpi sge, %get3A_1656, %ge3A_1666 : vector<16xi32>
    %le3A_1668 = arith.constant 265 : i32
    %le3A_1669 = vector.broadcast %le3A_1668 : i32 to vector<16xi32>
    %le3A_1670 = arith.cmpi sle, %get3A_1656, %le3A_1669 : vector<16xi32>
    %and3A_1671 = arith.andi %ge3A_1667, %le3A_1670 : vector<16xi1>
    %ge3A_1672 = arith.constant -10 : i32
    %ge3A_1673 = vector.broadcast %ge3A_1672 : i32 to vector<16xi32>
    %ge3A_1674 = arith.cmpi sge, %get3A_1658, %ge3A_1673 : vector<16xi32>
    %and3A_1675 = arith.andi %and3A_1671, %ge3A_1674 : vector<16xi1>
    %le3A_1676 = arith.constant 265 : i32
    %le3A_1677 = vector.broadcast %le3A_1676 : i32 to vector<16xi32>
    %le3A_1678 = arith.cmpi sle, %get3A_1658, %le3A_1677 : vector<16xi32>
    %and3A_1679 = arith.andi %and3A_1675, %le3A_1678 : vector<16xi1>
    %ge3A_1680 = arith.constant 10 : i32
    %ge3A_1681 = vector.broadcast %ge3A_1680 : i32 to vector<16xi32>
    %ge3A_1682 = arith.cmpi sge, %get3A_1656, %ge3A_1681 : vector<16xi32>
    %le3A_1683 = arith.constant 244 : i32
    %le3A_1684 = vector.broadcast %le3A_1683 : i32 to vector<16xi32>
    %le3A_1685 = arith.cmpi sle, %get3A_1656, %le3A_1684 : vector<16xi32>
    %and3A_1686 = arith.andi %ge3A_1682, %le3A_1685 : vector<16xi1>
    %ge3A_1687 = arith.constant 10 : i32
    %ge3A_1688 = vector.broadcast %ge3A_1687 : i32 to vector<16xi32>
    %ge3A_1689 = arith.cmpi sge, %get3A_1658, %ge3A_1688 : vector<16xi32>
    %and3A_1690 = arith.andi %and3A_1686, %ge3A_1689 : vector<16xi1>
    %le3A_1691 = arith.constant 244 : i32
    %le3A_1692 = vector.broadcast %le3A_1691 : i32 to vector<16xi32>
    %le3A_1693 = arith.cmpi sle, %get3A_1658, %le3A_1692 : vector<16xi32>
    %and3A_1694 = arith.andi %and3A_1690, %le3A_1693 : vector<16xi1>
    %not3A_1695 = arith.constant dense<true> : vector<16xi1>
    %not3A_1696 = arith.xori %and3A_1694, %not3A_1695 : vector<16xi1>
    %and3A_1697 = arith.andi %and3A_1679, %not3A_1696 : vector<16xi1>
    %convert_element_type3A_1698 = arith.extui %and3A_1694 : vector<16xi1> to vector<16xi32>
    %convert_element_type3A_1699 = arith.extui %and3A_1697 : vector<16xi1> to vector<16xi32>
    %broadcast_in_dim3A_1700 = arith.constant true
    %broadcast_in_dim3A_1701 = vector.broadcast %broadcast_in_dim3A_1700 : i1 to vector<16xi1>
    %masked_cumsum3A_1702 = tpu.scan <sum>, %convert_element_type3A_1698 masked %broadcast_in_dim3A_1701 : vector<16xi32>, vector<16xi1> -> vector<16xi32>
    %add3A_1703 = arith.addi %add3A_1652, %masked_cumsum3A_1702 : vector<16xi32>
    %sub3A_1704 = arith.subi %add3A_1703, %convert_element_type3A_1698 : vector<16xi32>
    %broadcast_in_dim3A_1705 = arith.constant true
    %broadcast_in_dim3A_1706 = vector.broadcast %broadcast_in_dim3A_1705 : i1 to vector<16xi1>
    %masked_cumsum3A_1707 = tpu.scan <sum>, %convert_element_type3A_1699 masked %broadcast_in_dim3A_1706 : vector<16xi32>, vector<16xi1> -> vector<16xi32>
    %add3A_1708 = arith.addi %add3A_1654, %masked_cumsum3A_1707 : vector<16xi32>
    %sub3A_1709 = arith.subi %add3A_1708, %convert_element_type3A_1699 : vector<16xi32>
    tpu.vector_store_idx %arg20[%sub3A_1704], %get3A_1656 masked %and3A_1694 : memref<528xi32, #tpu.memory_space<vmem>>[vector<16xi32>], vector<16xi32>, vector<16xi1>
    tpu.vector_store_idx %arg21[%sub3A_1704], %get3A_1658 masked %and3A_1694 : memref<528xi32, #tpu.memory_space<vmem>>[vector<16xi32>], vector<16xi32>, vector<16xi1>
    tpu.vector_store_idx %arg22[%sub3A_1704], %get3A_1660 masked %and3A_1694 : memref<528xf32, #tpu.memory_space<vmem>>[vector<16xi32>], vector<16xf32>, vector<16xi1>
    tpu.vector_store_idx %arg23[%sub3A_1704], %get3A_1662 masked %and3A_1694 : memref<528xf32, #tpu.memory_space<vmem>>[vector<16xi32>], vector<16xf32>, vector<16xi1>
    tpu.vector_store_idx %arg24[%sub3A_1704], %get3A_1664 masked %and3A_1694 : memref<528xf32, #tpu.memory_space<vmem>>[vector<16xi32>], vector<16xf32>, vector<16xi1>
    tpu.vector_store_idx %arg25[%sub3A_1709], %get3A_1656 masked %and3A_1697 : memref<528xi32, #tpu.memory_space<vmem>>[vector<16xi32>], vector<16xi32>, vector<16xi1>
    tpu.vector_store_idx %arg26[%sub3A_1709], %get3A_1658 masked %and3A_1697 : memref<528xi32, #tpu.memory_space<vmem>>[vector<16xi32>], vector<16xi32>, vector<16xi1>
    tpu.vector_store_idx %arg27[%sub3A_1709], %get3A_1660 masked %and3A_1697 : memref<528xf32, #tpu.memory_space<vmem>>[vector<16xi32>], vector<16xf32>, vector<16xi1>
    tpu.vector_store_idx %arg28[%sub3A_1709], %get3A_1662 masked %and3A_1697 : memref<528xf32, #tpu.memory_space<vmem>>[vector<16xi32>], vector<16xf32>, vector<16xi1>
    tpu.vector_store_idx %arg29[%sub3A_1709], %get3A_1664 masked %and3A_1697 : memref<528xf32, #tpu.memory_space<vmem>>[vector<16xi32>], vector<16xf32>, vector<16xi1>
    %all_reduce_population_count3A_1710 = tpu.all_reduce %and3A_1694 {dim = 0 : i64, kind = #tpu.reduction_kind<sum>} : vector<16xi1> -> vector<16xi32>
    %add3A_1711 = arith.addi %add3A_1652, %all_reduce_population_count3A_1710 : vector<16xi32>
    %all_reduce_population_count3A_1712 = tpu.all_reduce %and3A_1697 {dim = 0 : i64, kind = #tpu.reduction_kind<sum>} : vector<16xi1> -> vector<16xi32>
    %add3A_1713 = arith.addi %add3A_1654, %all_reduce_population_count3A_1712 : vector<16xi32>
    %get3A_1714 = arith.constant 464 : index
    %get3A_1715 = tpu.vector_load %arg15[%get3A_1714] {strides = array<i32>} : memref<512xi32, #tpu.memory_space<vmem>>, vector<16xi32>,
    %get3A_1716 = arith.constant 464 : index
    %get3A_1717 = tpu.vector_load %arg16[%get3A_1716] {strides = array<i32>} : memref<512xi32, #tpu.memory_space<vmem>>, vector<16xi32>,
    %get3A_1718 = arith.constant 464 : index
    %get3A_1719 = tpu.vector_load %arg17[%get3A_1718] {strides = array<i32>} : memref<512xf32, #tpu.memory_space<vmem>>, vector<16xf32>,
    %get3A_1720 = arith.constant 464 : index
    %get3A_1721 = tpu.vector_load %arg18[%get3A_1720] {strides = array<i32>} : memref<512xf32, #tpu.memory_space<vmem>>, vector<16xf32>,
    %get3A_1722 = arith.constant 464 : index
    %get3A_1723 = tpu.vector_load %arg19[%get3A_1722] {strides = array<i32>} : memref<512xf32, #tpu.memory_space<vmem>>, vector<16xf32>,
    %ge3A_1724 = arith.constant -10 : i32
    %ge3A_1725 = vector.broadcast %ge3A_1724 : i32 to vector<16xi32>
    %ge3A_1726 = arith.cmpi sge, %get3A_1715, %ge3A_1725 : vector<16xi32>
    %le3A_1727 = arith.constant 265 : i32
    %le3A_1728 = vector.broadcast %le3A_1727 : i32 to vector<16xi32>
    %le3A_1729 = arith.cmpi sle, %get3A_1715, %le3A_1728 : vector<16xi32>
    %and3A_1730 = arith.andi %ge3A_1726, %le3A_1729 : vector<16xi1>
    %ge3A_1731 = arith.constant -10 : i32
    %ge3A_1732 = vector.broadcast %ge3A_1731 : i32 to vector<16xi32>
    %ge3A_1733 = arith.cmpi sge, %get3A_1717, %ge3A_1732 : vector<16xi32>
    %and3A_1734 = arith.andi %and3A_1730, %ge3A_1733 : vector<16xi1>
    %le3A_1735 = arith.constant 265 : i32
    %le3A_1736 = vector.broadcast %le3A_1735 : i32 to vector<16xi32>
    %le3A_1737 = arith.cmpi sle, %get3A_1717, %le3A_1736 : vector<16xi32>
    %and3A_1738 = arith.andi %and3A_1734, %le3A_1737 : vector<16xi1>
    %ge3A_1739 = arith.constant 10 : i32
    %ge3A_1740 = vector.broadcast %ge3A_1739 : i32 to vector<16xi32>
    %ge3A_1741 = arith.cmpi sge, %get3A_1715, %ge3A_1740 : vector<16xi32>
    %le3A_1742 = arith.constant 244 : i32
    %le3A_1743 = vector.broadcast %le3A_1742 : i32 to vector<16xi32>
    %le3A_1744 = arith.cmpi sle, %get3A_1715, %le3A_1743 : vector<16xi32>
    %and3A_1745 = arith.andi %ge3A_1741, %le3A_1744 : vector<16xi1>
    %ge3A_1746 = arith.constant 10 : i32
    %ge3A_1747 = vector.broadcast %ge3A_1746 : i32 to vector<16xi32>
    %ge3A_1748 = arith.cmpi sge, %get3A_1717, %ge3A_1747 : vector<16xi32>
    %and3A_1749 = arith.andi %and3A_1745, %ge3A_1748 : vector<16xi1>
    %le3A_1750 = arith.constant 244 : i32
    %le3A_1751 = vector.broadcast %le3A_1750 : i32 to vector<16xi32>
    %le3A_1752 = arith.cmpi sle, %get3A_1717, %le3A_1751 : vector<16xi32>
    %and3A_1753 = arith.andi %and3A_1749, %le3A_1752 : vector<16xi1>
    %not3A_1754 = arith.constant dense<true> : vector<16xi1>
    %not3A_1755 = arith.xori %and3A_1753, %not3A_1754 : vector<16xi1>
    %and3A_1756 = arith.andi %and3A_1738, %not3A_1755 : vector<16xi1>
    %convert_element_type3A_1757 = arith.extui %and3A_1753 : vector<16xi1> to vector<16xi32>
    %convert_element_type3A_1758 = arith.extui %and3A_1756 : vector<16xi1> to vector<16xi32>
    %broadcast_in_dim3A_1759 = arith.constant true
    %broadcast_in_dim3A_1760 = vector.broadcast %broadcast_in_dim3A_1759 : i1 to vector<16xi1>
    %masked_cumsum3A_1761 = tpu.scan <sum>, %convert_element_type3A_1757 masked %broadcast_in_dim3A_1760 : vector<16xi32>, vector<16xi1> -> vector<16xi32>
    %add3A_1762 = arith.addi %add3A_1711, %masked_cumsum3A_1761 : vector<16xi32>
    %sub3A_1763 = arith.subi %add3A_1762, %convert_element_type3A_1757 : vector<16xi32>
    %broadcast_in_dim3A_1764 = arith.constant true
    %broadcast_in_dim3A_1765 = vector.broadcast %broadcast_in_dim3A_1764 : i1 to vector<16xi1>
    %masked_cumsum3A_1766 = tpu.scan <sum>, %convert_element_type3A_1758 masked %broadcast_in_dim3A_1765 : vector<16xi32>, vector<16xi1> -> vector<16xi32>
    %add3A_1767 = arith.addi %add3A_1713, %masked_cumsum3A_1766 : vector<16xi32>
    %sub3A_1768 = arith.subi %add3A_1767, %convert_element_type3A_1758 : vector<16xi32>
    tpu.vector_store_idx %arg20[%sub3A_1763], %get3A_1715 masked %and3A_1753 : memref<528xi32, #tpu.memory_space<vmem>>[vector<16xi32>], vector<16xi32>, vector<16xi1>
    tpu.vector_store_idx %arg21[%sub3A_1763], %get3A_1717 masked %and3A_1753 : memref<528xi32, #tpu.memory_space<vmem>>[vector<16xi32>], vector<16xi32>, vector<16xi1>
    tpu.vector_store_idx %arg22[%sub3A_1763], %get3A_1719 masked %and3A_1753 : memref<528xf32, #tpu.memory_space<vmem>>[vector<16xi32>], vector<16xf32>, vector<16xi1>
    tpu.vector_store_idx %arg23[%sub3A_1763], %get3A_1721 masked %and3A_1753 : memref<528xf32, #tpu.memory_space<vmem>>[vector<16xi32>], vector<16xf32>, vector<16xi1>
    tpu.vector_store_idx %arg24[%sub3A_1763], %get3A_1723 masked %and3A_1753 : memref<528xf32, #tpu.memory_space<vmem>>[vector<16xi32>], vector<16xf32>, vector<16xi1>
    tpu.vector_store_idx %arg25[%sub3A_1768], %get3A_1715 masked %and3A_1756 : memref<528xi32, #tpu.memory_space<vmem>>[vector<16xi32>], vector<16xi32>, vector<16xi1>
    tpu.vector_store_idx %arg26[%sub3A_1768], %get3A_1717 masked %and3A_1756 : memref<528xi32, #tpu.memory_space<vmem>>[vector<16xi32>], vector<16xi32>, vector<16xi1>
    tpu.vector_store_idx %arg27[%sub3A_1768], %get3A_1719 masked %and3A_1756 : memref<528xf32, #tpu.memory_space<vmem>>[vector<16xi32>], vector<16xf32>, vector<16xi1>
    tpu.vector_store_idx %arg28[%sub3A_1768], %get3A_1721 masked %and3A_1756 : memref<528xf32, #tpu.memory_space<vmem>>[vector<16xi32>], vector<16xf32>, vector<16xi1>
    tpu.vector_store_idx %arg29[%sub3A_1768], %get3A_1723 masked %and3A_1756 : memref<528xf32, #tpu.memory_space<vmem>>[vector<16xi32>], vector<16xf32>, vector<16xi1>
    %all_reduce_population_count3A_1769 = tpu.all_reduce %and3A_1753 {dim = 0 : i64, kind = #tpu.reduction_kind<sum>} : vector<16xi1> -> vector<16xi32>
    %add3A_1770 = arith.addi %add3A_1711, %all_reduce_population_count3A_1769 : vector<16xi32>
    %all_reduce_population_count3A_1771 = tpu.all_reduce %and3A_1756 {dim = 0 : i64, kind = #tpu.reduction_kind<sum>} : vector<16xi1> -> vector<16xi32>
    %add3A_1772 = arith.addi %add3A_1713, %all_reduce_population_count3A_1771 : vector<16xi32>
    %get3A_1773 = arith.constant 480 : index
    %get3A_1774 = tpu.vector_load %arg15[%get3A_1773] {strides = array<i32>} : memref<512xi32, #tpu.memory_space<vmem>>, vector<16xi32>,
    %get3A_1775 = arith.constant 480 : index
    %get3A_1776 = tpu.vector_load %arg16[%get3A_1775] {strides = array<i32>} : memref<512xi32, #tpu.memory_space<vmem>>, vector<16xi32>,
    %get3A_1777 = arith.constant 480 : index
    %get3A_1778 = tpu.vector_load %arg17[%get3A_1777] {strides = array<i32>} : memref<512xf32, #tpu.memory_space<vmem>>, vector<16xf32>,
    %get3A_1779 = arith.constant 480 : index
    %get3A_1780 = tpu.vector_load %arg18[%get3A_1779] {strides = array<i32>} : memref<512xf32, #tpu.memory_space<vmem>>, vector<16xf32>,
    %get3A_1781 = arith.constant 480 : index
    %get3A_1782 = tpu.vector_load %arg19[%get3A_1781] {strides = array<i32>} : memref<512xf32, #tpu.memory_space<vmem>>, vector<16xf32>,
    %ge3A_1783 = arith.constant -10 : i32
    %ge3A_1784 = vector.broadcast %ge3A_1783 : i32 to vector<16xi32>
    %ge3A_1785 = arith.cmpi sge, %get3A_1774, %ge3A_1784 : vector<16xi32>
    %le3A_1786 = arith.constant 265 : i32
    %le3A_1787 = vector.broadcast %le3A_1786 : i32 to vector<16xi32>
    %le3A_1788 = arith.cmpi sle, %get3A_1774, %le3A_1787 : vector<16xi32>
    %and3A_1789 = arith.andi %ge3A_1785, %le3A_1788 : vector<16xi1>
    %ge3A_1790 = arith.constant -10 : i32
    %ge3A_1791 = vector.broadcast %ge3A_1790 : i32 to vector<16xi32>
    %ge3A_1792 = arith.cmpi sge, %get3A_1776, %ge3A_1791 : vector<16xi32>
    %and3A_1793 = arith.andi %and3A_1789, %ge3A_1792 : vector<16xi1>
    %le3A_1794 = arith.constant 265 : i32
    %le3A_1795 = vector.broadcast %le3A_1794 : i32 to vector<16xi32>
    %le3A_1796 = arith.cmpi sle, %get3A_1776, %le3A_1795 : vector<16xi32>
    %and3A_1797 = arith.andi %and3A_1793, %le3A_1796 : vector<16xi1>
    %ge3A_1798 = arith.constant 10 : i32
    %ge3A_1799 = vector.broadcast %ge3A_1798 : i32 to vector<16xi32>
    %ge3A_1800 = arith.cmpi sge, %get3A_1774, %ge3A_1799 : vector<16xi32>
    %le3A_1801 = arith.constant 244 : i32
    %le3A_1802 = vector.broadcast %le3A_1801 : i32 to vector<16xi32>
    %le3A_1803 = arith.cmpi sle, %get3A_1774, %le3A_1802 : vector<16xi32>
    %and3A_1804 = arith.andi %ge3A_1800, %le3A_1803 : vector<16xi1>
    %ge3A_1805 = arith.constant 10 : i32
    %ge3A_1806 = vector.broadcast %ge3A_1805 : i32 to vector<16xi32>
    %ge3A_1807 = arith.cmpi sge, %get3A_1776, %ge3A_1806 : vector<16xi32>
    %and3A_1808 = arith.andi %and3A_1804, %ge3A_1807 : vector<16xi1>
    %le3A_1809 = arith.constant 244 : i32
    %le3A_1810 = vector.broadcast %le3A_1809 : i32 to vector<16xi32>
    %le3A_1811 = arith.cmpi sle, %get3A_1776, %le3A_1810 : vector<16xi32>
    %and3A_1812 = arith.andi %and3A_1808, %le3A_1811 : vector<16xi1>
    %not3A_1813 = arith.constant dense<true> : vector<16xi1>
    %not3A_1814 = arith.xori %and3A_1812, %not3A_1813 : vector<16xi1>
    %and3A_1815 = arith.andi %and3A_1797, %not3A_1814 : vector<16xi1>
    %convert_element_type3A_1816 = arith.extui %and3A_1812 : vector<16xi1> to vector<16xi32>
    %convert_element_type3A_1817 = arith.extui %and3A_1815 : vector<16xi1> to vector<16xi32>
    %broadcast_in_dim3A_1818 = arith.constant true
    %broadcast_in_dim3A_1819 = vector.broadcast %broadcast_in_dim3A_1818 : i1 to vector<16xi1>
    %masked_cumsum3A_1820 = tpu.scan <sum>, %convert_element_type3A_1816 masked %broadcast_in_dim3A_1819 : vector<16xi32>, vector<16xi1> -> vector<16xi32>
    %add3A_1821 = arith.addi %add3A_1770, %masked_cumsum3A_1820 : vector<16xi32>
    %sub3A_1822 = arith.subi %add3A_1821, %convert_element_type3A_1816 : vector<16xi32>
    %broadcast_in_dim3A_1823 = arith.constant true
    %broadcast_in_dim3A_1824 = vector.broadcast %broadcast_in_dim3A_1823 : i1 to vector<16xi1>
    %masked_cumsum3A_1825 = tpu.scan <sum>, %convert_element_type3A_1817 masked %broadcast_in_dim3A_1824 : vector<16xi32>, vector<16xi1> -> vector<16xi32>
    %add3A_1826 = arith.addi %add3A_1772, %masked_cumsum3A_1825 : vector<16xi32>
    %sub3A_1827 = arith.subi %add3A_1826, %convert_element_type3A_1817 : vector<16xi32>
    tpu.vector_store_idx %arg20[%sub3A_1822], %get3A_1774 masked %and3A_1812 : memref<528xi32, #tpu.memory_space<vmem>>[vector<16xi32>], vector<16xi32>, vector<16xi1>
    tpu.vector_store_idx %arg21[%sub3A_1822], %get3A_1776 masked %and3A_1812 : memref<528xi32, #tpu.memory_space<vmem>>[vector<16xi32>], vector<16xi32>, vector<16xi1>
    tpu.vector_store_idx %arg22[%sub3A_1822], %get3A_1778 masked %and3A_1812 : memref<528xf32, #tpu.memory_space<vmem>>[vector<16xi32>], vector<16xf32>, vector<16xi1>
    tpu.vector_store_idx %arg23[%sub3A_1822], %get3A_1780 masked %and3A_1812 : memref<528xf32, #tpu.memory_space<vmem>>[vector<16xi32>], vector<16xf32>, vector<16xi1>
    tpu.vector_store_idx %arg24[%sub3A_1822], %get3A_1782 masked %and3A_1812 : memref<528xf32, #tpu.memory_space<vmem>>[vector<16xi32>], vector<16xf32>, vector<16xi1>
    tpu.vector_store_idx %arg25[%sub3A_1827], %get3A_1774 masked %and3A_1815 : memref<528xi32, #tpu.memory_space<vmem>>[vector<16xi32>], vector<16xi32>, vector<16xi1>
    tpu.vector_store_idx %arg26[%sub3A_1827], %get3A_1776 masked %and3A_1815 : memref<528xi32, #tpu.memory_space<vmem>>[vector<16xi32>], vector<16xi32>, vector<16xi1>
    tpu.vector_store_idx %arg27[%sub3A_1827], %get3A_1778 masked %and3A_1815 : memref<528xf32, #tpu.memory_space<vmem>>[vector<16xi32>], vector<16xf32>, vector<16xi1>
    tpu.vector_store_idx %arg28[%sub3A_1827], %get3A_1780 masked %and3A_1815 : memref<528xf32, #tpu.memory_space<vmem>>[vector<16xi32>], vector<16xf32>, vector<16xi1>
    tpu.vector_store_idx %arg29[%sub3A_1827], %get3A_1782 masked %and3A_1815 : memref<528xf32, #tpu.memory_space<vmem>>[vector<16xi32>], vector<16xf32>, vector<16xi1>
    %all_reduce_population_count3A_1828 = tpu.all_reduce %and3A_1812 {dim = 0 : i64, kind = #tpu.reduction_kind<sum>} : vector<16xi1> -> vector<16xi32>
    %add3A_1829 = arith.addi %add3A_1770, %all_reduce_population_count3A_1828 : vector<16xi32>
    %all_reduce_population_count3A_1830 = tpu.all_reduce %and3A_1815 {dim = 0 : i64, kind = #tpu.reduction_kind<sum>} : vector<16xi1> -> vector<16xi32>
    %add3A_1831 = arith.addi %add3A_1772, %all_reduce_population_count3A_1830 : vector<16xi32>
    %get3A_1832 = arith.constant 496 : index
    %get3A_1833 = tpu.vector_load %arg15[%get3A_1832] {strides = array<i32>} : memref<512xi32, #tpu.memory_space<vmem>>, vector<16xi32>,
    %get3A_1834 = arith.constant 496 : index
    %get3A_1835 = tpu.vector_load %arg16[%get3A_1834] {strides = array<i32>} : memref<512xi32, #tpu.memory_space<vmem>>, vector<16xi32>,
    %get3A_1836 = arith.constant 496 : index
    %get3A_1837 = tpu.vector_load %arg17[%get3A_1836] {strides = array<i32>} : memref<512xf32, #tpu.memory_space<vmem>>, vector<16xf32>,
    %get3A_1838 = arith.constant 496 : index
    %get3A_1839 = tpu.vector_load %arg18[%get3A_1838] {strides = array<i32>} : memref<512xf32, #tpu.memory_space<vmem>>, vector<16xf32>,
    %get3A_1840 = arith.constant 496 : index
    %get3A_1841 = tpu.vector_load %arg19[%get3A_1840] {strides = array<i32>} : memref<512xf32, #tpu.memory_space<vmem>>, vector<16xf32>,
    %ge3A_1842 = arith.constant -10 : i32
    %ge3A_1843 = vector.broadcast %ge3A_1842 : i32 to vector<16xi32>
    %ge3A_1844 = arith.cmpi sge, %get3A_1833, %ge3A_1843 : vector<16xi32>
    %le3A_1845 = arith.constant 265 : i32
    %le3A_1846 = vector.broadcast %le3A_1845 : i32 to vector<16xi32>
    %le3A_1847 = arith.cmpi sle, %get3A_1833, %le3A_1846 : vector<16xi32>
    %and3A_1848 = arith.andi %ge3A_1844, %le3A_1847 : vector<16xi1>
    %ge3A_1849 = arith.constant -10 : i32
    %ge3A_1850 = vector.broadcast %ge3A_1849 : i32 to vector<16xi32>
    %ge3A_1851 = arith.cmpi sge, %get3A_1835, %ge3A_1850 : vector<16xi32>
    %and3A_1852 = arith.andi %and3A_1848, %ge3A_1851 : vector<16xi1>
    %le3A_1853 = arith.constant 265 : i32
    %le3A_1854 = vector.broadcast %le3A_1853 : i32 to vector<16xi32>
    %le3A_1855 = arith.cmpi sle, %get3A_1835, %le3A_1854 : vector<16xi32>
    %and3A_1856 = arith.andi %and3A_1852, %le3A_1855 : vector<16xi1>
    %ge3A_1857 = arith.constant 10 : i32
    %ge3A_1858 = vector.broadcast %ge3A_1857 : i32 to vector<16xi32>
    %ge3A_1859 = arith.cmpi sge, %get3A_1833, %ge3A_1858 : vector<16xi32>
    %le3A_1860 = arith.constant 244 : i32
    %le3A_1861 = vector.broadcast %le3A_1860 : i32 to vector<16xi32>
    %le3A_1862 = arith.cmpi sle, %get3A_1833, %le3A_1861 : vector<16xi32>
    %and3A_1863 = arith.andi %ge3A_1859, %le3A_1862 : vector<16xi1>
    %ge3A_1864 = arith.constant 10 : i32
    %ge3A_1865 = vector.broadcast %ge3A_1864 : i32 to vector<16xi32>
    %ge3A_1866 = arith.cmpi sge, %get3A_1835, %ge3A_1865 : vector<16xi32>
    %and3A_1867 = arith.andi %and3A_1863, %ge3A_1866 : vector<16xi1>
    %le3A_1868 = arith.constant 244 : i32
    %le3A_1869 = vector.broadcast %le3A_1868 : i32 to vector<16xi32>
    %le3A_1870 = arith.cmpi sle, %get3A_1835, %le3A_1869 : vector<16xi32>
    %and3A_1871 = arith.andi %and3A_1867, %le3A_1870 : vector<16xi1>
    %not3A_1872 = arith.constant dense<true> : vector<16xi1>
    %not3A_1873 = arith.xori %and3A_1871, %not3A_1872 : vector<16xi1>
    %and3A_1874 = arith.andi %and3A_1856, %not3A_1873 : vector<16xi1>
    %convert_element_type3A_1875 = arith.extui %and3A_1871 : vector<16xi1> to vector<16xi32>
    %convert_element_type3A_1876 = arith.extui %and3A_1874 : vector<16xi1> to vector<16xi32>
    %broadcast_in_dim3A_1877 = arith.constant true
    %broadcast_in_dim3A_1878 = vector.broadcast %broadcast_in_dim3A_1877 : i1 to vector<16xi1>
    %masked_cumsum3A_1879 = tpu.scan <sum>, %convert_element_type3A_1875 masked %broadcast_in_dim3A_1878 : vector<16xi32>, vector<16xi1> -> vector<16xi32>
    %add3A_1880 = arith.addi %add3A_1829, %masked_cumsum3A_1879 : vector<16xi32>
    %sub3A_1881 = arith.subi %add3A_1880, %convert_element_type3A_1875 : vector<16xi32>
    %broadcast_in_dim3A_1882 = arith.constant true
    %broadcast_in_dim3A_1883 = vector.broadcast %broadcast_in_dim3A_1882 : i1 to vector<16xi1>
    %masked_cumsum3A_1884 = tpu.scan <sum>, %convert_element_type3A_1876 masked %broadcast_in_dim3A_1883 : vector<16xi32>, vector<16xi1> -> vector<16xi32>
    %add3A_1885 = arith.addi %add3A_1831, %masked_cumsum3A_1884 : vector<16xi32>
    %sub3A_1886 = arith.subi %add3A_1885, %convert_element_type3A_1876 : vector<16xi32>
    tpu.vector_store_idx %arg20[%sub3A_1881], %get3A_1833 masked %and3A_1871 : memref<528xi32, #tpu.memory_space<vmem>>[vector<16xi32>], vector<16xi32>, vector<16xi1>
    tpu.vector_store_idx %arg21[%sub3A_1881], %get3A_1835 masked %and3A_1871 : memref<528xi32, #tpu.memory_space<vmem>>[vector<16xi32>], vector<16xi32>, vector<16xi1>
    tpu.vector_store_idx %arg22[%sub3A_1881], %get3A_1837 masked %and3A_1871 : memref<528xf32, #tpu.memory_space<vmem>>[vector<16xi32>], vector<16xf32>, vector<16xi1>
    tpu.vector_store_idx %arg23[%sub3A_1881], %get3A_1839 masked %and3A_1871 : memref<528xf32, #tpu.memory_space<vmem>>[vector<16xi32>], vector<16xf32>, vector<16xi1>
    tpu.vector_store_idx %arg24[%sub3A_1881], %get3A_1841 masked %and3A_1871 : memref<528xf32, #tpu.memory_space<vmem>>[vector<16xi32>], vector<16xf32>, vector<16xi1>
    tpu.vector_store_idx %arg25[%sub3A_1886], %get3A_1833 masked %and3A_1874 : memref<528xi32, #tpu.memory_space<vmem>>[vector<16xi32>], vector<16xi32>, vector<16xi1>
    tpu.vector_store_idx %arg26[%sub3A_1886], %get3A_1835 masked %and3A_1874 : memref<528xi32, #tpu.memory_space<vmem>>[vector<16xi32>], vector<16xi32>, vector<16xi1>
    tpu.vector_store_idx %arg27[%sub3A_1886], %get3A_1837 masked %and3A_1874 : memref<528xf32, #tpu.memory_space<vmem>>[vector<16xi32>], vector<16xf32>, vector<16xi1>
    tpu.vector_store_idx %arg28[%sub3A_1886], %get3A_1839 masked %and3A_1874 : memref<528xf32, #tpu.memory_space<vmem>>[vector<16xi32>], vector<16xf32>, vector<16xi1>
    tpu.vector_store_idx %arg29[%sub3A_1886], %get3A_1841 masked %and3A_1874 : memref<528xf32, #tpu.memory_space<vmem>>[vector<16xi32>], vector<16xf32>, vector<16xi1>
    %all_reduce_population_count3A_1887 = tpu.all_reduce %and3A_1871 {dim = 0 : i64, kind = #tpu.reduction_kind<sum>} : vector<16xi1> -> vector<16xi32>
    %add3A_1888 = arith.addi %add3A_1829, %all_reduce_population_count3A_1887 : vector<16xi32>
    %all_reduce_population_count3A_1889 = tpu.all_reduce %and3A_1874 {dim = 0 : i64, kind = #tpu.reduction_kind<sum>} : vector<16xi1> -> vector<16xi32>
    %add3A_1890 = arith.addi %add3A_1831, %all_reduce_population_count3A_1889 : vector<16xi32>
    %reduce_max3A = arith.constant true
    %reduce_max3A_1891 = vector.broadcast %reduce_max3A : i1 to vector<16xi1>
    %reduce_max3A_1892 = arith.constant -2147483648 : i32
    %reduce_max3A_1893 = vector.broadcast %reduce_max3A_1892 : i32 to vector<16xi32>
    %reduce_max3A_1894 = arith.xori %add3A_1888, %reduce_max3A_1893 : vector<16xi32>
    %reduce_max3A_1895 = tpu.scan <max>, %reduce_max3A_1894 masked %reduce_max3A_1891 : vector<16xi32>, vector<16xi1> -> vector<16xi32>
    %reduce_max3A_1896 = arith.xori %reduce_max3A_1895, %reduce_max3A_1893 : vector<16xi32>
    %reduce_max3A_1897 = vector.extract %reduce_max3A_1896[15] : i32 from vector<16xi32>
    %reduce_max3A_1898 = arith.constant true
    %reduce_max3A_1899 = vector.broadcast %reduce_max3A_1898 : i1 to vector<16xi1>
    %reduce_max3A_1900 = arith.constant -2147483648 : i32
    %reduce_max3A_1901 = vector.broadcast %reduce_max3A_1900 : i32 to vector<16xi32>
    %reduce_max3A_1902 = arith.xori %add3A_1890, %reduce_max3A_1901 : vector<16xi32>
    %reduce_max3A_1903 = tpu.scan <max>, %reduce_max3A_1902 masked %reduce_max3A_1899 : vector<16xi32>, vector<16xi1> -> vector<16xi32>
    %reduce_max3A_1904 = arith.xori %reduce_max3A_1903, %reduce_max3A_1901 : vector<16xi32>
    %reduce_max3A_1905 = vector.extract %reduce_max3A_1904[15] : i32 from vector<16xi32>
    %while3A = arith.constant 0 : i32
    %while3A_1906 = arith.constant 0 : i32
    %while3A_1907 = arith.subi %reduce_max3A_1897, %while3A_1906 : i32
    %while3A_1908 = arith.addi %while3A_1906, %while3A_1907 : i32
    %while3A_1909 = arith.constant 1 : i32
    %while3A_1910 = arith.divsi %while3A_1907, %while3A_1909 : i32
    %while3A_1911 = arith.muli %while3A_1910, %while3A_1909 : i32
    %while3A_1912 = arith.addi %while3A_1906, %while3A_1911 : i32
    %while3A_1913 = arith.constant 1 : i32
    scf.for %while3A_1993 = %while3A_1906 to %while3A_1912 step %while3A_1913  : i32 {
      %get3A_1994 = arith.index_cast %while3A_1993 : i32 to index
      %get3A_1995 = tpu.vector_load %arg20[%get3A_1994] {strides = array<i32>} : memref<528xi32, #tpu.memory_space<vmem>>, vector<16xi32>,
      %lt3A_1996 = arith.constant 0 : i32
      %lt3A_1997 = vector.broadcast %lt3A_1996 : i32 to vector<16xi32>
      %lt3A_1998 = arith.cmpi slt, %broadcast_in_dim3A_5, %lt3A_1997 : vector<16xi32>
      %add3A_1999 = arith.constant 16 : i32
      %add3A_2000 = vector.broadcast %add3A_1999 : i32 to vector<16xi32>
      %add3A_2001 = arith.addi %broadcast_in_dim3A_5, %add3A_2000 : vector<16xi32>
      %select_n3A_2002 = arith.select %lt3A_1998, %add3A_2001, %broadcast_in_dim3A_5 : vector<16xi1>, vector<16xi32>
      %broadcast_in_dim3A_2003 = vector.shape_cast %select_n3A_2002 : vector<16xi32> to vector<16x1xi32>
      %gather3A = vector.shape_cast %broadcast_in_dim3A_2003 : vector<16x1xi32> to vector<16xi32>
      %gather3A_2004 = tpu.dynamic_gather %get3A_1995[%gather3A] in [0] : vector<16xi32>, vector<16xi32> -> vector<16xi32>
      %get3A_2005 = arith.index_cast %while3A_1993 : i32 to index
      %get3A_2006 = tpu.vector_load %arg21[%get3A_2005] {strides = array<i32>} : memref<528xi32, #tpu.memory_space<vmem>>, vector<16xi32>,
      %lt3A_2007 = arith.constant 0 : i32
      %lt3A_2008 = vector.broadcast %lt3A_2007 : i32 to vector<16xi32>
      %lt3A_2009 = arith.cmpi slt, %broadcast_in_dim3A_5, %lt3A_2008 : vector<16xi32>
      %add3A_2010 = arith.constant 16 : i32
      %add3A_2011 = vector.broadcast %add3A_2010 : i32 to vector<16xi32>
      %add3A_2012 = arith.addi %broadcast_in_dim3A_5, %add3A_2011 : vector<16xi32>
      %select_n3A_2013 = arith.select %lt3A_2009, %add3A_2012, %broadcast_in_dim3A_5 : vector<16xi1>, vector<16xi32>
      %broadcast_in_dim3A_2014 = vector.shape_cast %select_n3A_2013 : vector<16xi32> to vector<16x1xi32>
      %gather3A_2015 = vector.shape_cast %broadcast_in_dim3A_2014 : vector<16x1xi32> to vector<16xi32>
      %gather3A_2016 = tpu.dynamic_gather %get3A_2006[%gather3A_2015] in [0] : vector<16xi32>, vector<16xi32> -> vector<16xi32>
      %get3A_2017 = arith.index_cast %while3A_1993 : i32 to index
      %get3A_2018 = tpu.vector_load %arg22[%get3A_2017] {strides = array<i32>} : memref<528xf32, #tpu.memory_space<vmem>>, vector<16xf32>,
      %lt3A_2019 = arith.constant 0 : i32
      %lt3A_2020 = vector.broadcast %lt3A_2019 : i32 to vector<16xi32>
      %lt3A_2021 = arith.cmpi slt, %broadcast_in_dim3A_5, %lt3A_2020 : vector<16xi32>
      %add3A_2022 = arith.constant 16 : i32
      %add3A_2023 = vector.broadcast %add3A_2022 : i32 to vector<16xi32>
      %add3A_2024 = arith.addi %broadcast_in_dim3A_5, %add3A_2023 : vector<16xi32>
      %select_n3A_2025 = arith.select %lt3A_2021, %add3A_2024, %broadcast_in_dim3A_5 : vector<16xi1>, vector<16xi32>
      %broadcast_in_dim3A_2026 = vector.shape_cast %select_n3A_2025 : vector<16xi32> to vector<16x1xi32>
      %gather3A_2027 = vector.shape_cast %broadcast_in_dim3A_2026 : vector<16x1xi32> to vector<16xi32>
      %gather3A_2028 = tpu.dynamic_gather %get3A_2018[%gather3A_2027] in [0] : vector<16xf32>, vector<16xi32> -> vector<16xf32>
      %get3A_2029 = arith.index_cast %while3A_1993 : i32 to index
      %get3A_2030 = tpu.vector_load %arg23[%get3A_2029] {strides = array<i32>} : memref<528xf32, #tpu.memory_space<vmem>>, vector<16xf32>,
      %lt3A_2031 = arith.constant 0 : i32
      %lt3A_2032 = vector.broadcast %lt3A_2031 : i32 to vector<16xi32>
      %lt3A_2033 = arith.cmpi slt, %broadcast_in_dim3A_5, %lt3A_2032 : vector<16xi32>
      %add3A_2034 = arith.constant 16 : i32
      %add3A_2035 = vector.broadcast %add3A_2034 : i32 to vector<16xi32>
      %add3A_2036 = arith.addi %broadcast_in_dim3A_5, %add3A_2035 : vector<16xi32>
      %select_n3A_2037 = arith.select %lt3A_2033, %add3A_2036, %broadcast_in_dim3A_5 : vector<16xi1>, vector<16xi32>
      %broadcast_in_dim3A_2038 = vector.shape_cast %select_n3A_2037 : vector<16xi32> to vector<16x1xi32>
      %gather3A_2039 = vector.shape_cast %broadcast_in_dim3A_2038 : vector<16x1xi32> to vector<16xi32>
      %gather3A_2040 = tpu.dynamic_gather %get3A_2030[%gather3A_2039] in [0] : vector<16xf32>, vector<16xi32> -> vector<16xf32>
      %get3A_2041 = arith.index_cast %while3A_1993 : i32 to index
      %get3A_2042 = tpu.vector_load %arg24[%get3A_2041] {strides = array<i32>} : memref<528xf32, #tpu.memory_space<vmem>>, vector<16xf32>,
      %lt3A_2043 = arith.constant 0 : i32
      %lt3A_2044 = vector.broadcast %lt3A_2043 : i32 to vector<16xi32>
      %lt3A_2045 = arith.cmpi slt, %broadcast_in_dim3A_5, %lt3A_2044 : vector<16xi32>
      %add3A_2046 = arith.constant 16 : i32
      %add3A_2047 = vector.broadcast %add3A_2046 : i32 to vector<16xi32>
      %add3A_2048 = arith.addi %broadcast_in_dim3A_5, %add3A_2047 : vector<16xi32>
      %select_n3A_2049 = arith.select %lt3A_2045, %add3A_2048, %broadcast_in_dim3A_5 : vector<16xi1>, vector<16xi32>
      %broadcast_in_dim3A_2050 = vector.shape_cast %select_n3A_2049 : vector<16xi32> to vector<16x1xi32>
      %gather3A_2051 = vector.shape_cast %broadcast_in_dim3A_2050 : vector<16x1xi32> to vector<16xi32>
      %gather3A_2052 = tpu.dynamic_gather %get3A_2042[%gather3A_2051] in [0] : vector<16xf32>, vector<16xi32> -> vector<16xf32>
      %shift_left3A = arith.constant 8 : i32
      %shift_left3A_2053 = vector.broadcast %shift_left3A : i32 to vector<16xi32>
      %shift_left3A_2054 = arith.shli %gather3A_2004, %shift_left3A_2053 : vector<16xi32>
      %add3A_2055 = arith.addi %shift_left3A_2054, %gather3A_2016 : vector<16xi32>
      %mul3A_2056 = arith.constant 1.000000e+00 : f32
      %mul3A_2057 = vector.broadcast %mul3A_2056 : f32 to vector<16xf32>
      %mul3A_2058 = arith.mulf %mul3A_2057, %gather3A_2052 : vector<16xf32>
      %mul3A_2059 = arith.constant -0.0123370057 : f32
      %mul3A_2060 = vector.broadcast %mul3A_2059 : f32 to vector<16xf32>
      %mul3A_2061 = arith.mulf %mul3A_2060, %gather3A_2052 : vector<16xf32>
      %mul3A_2062 = arith.constant 2.53669514E-5 : f32
      %mul3A_2063 = vector.broadcast %mul3A_2062 : f32 to vector<16xf32>
      %mul3A_2064 = arith.mulf %mul3A_2063, %gather3A_2052 : vector<16xf32>
      %mul3A_2065 = arith.constant -2.08634816E-8 : f32
      %mul3A_2066 = vector.broadcast %mul3A_2065 : f32 to vector<16xf32>
      %mul3A_2067 = arith.mulf %mul3A_2066, %gather3A_2052 : vector<16xf32>
      %mul3A_2068 = arith.constant 9.1926024E-12 : f32
      %mul3A_2069 = vector.broadcast %mul3A_2068 : f32 to vector<16xf32>
      %mul3A_2070 = arith.mulf %mul3A_2069, %gather3A_2052 : vector<16xf32>
      %mul3A_2071 = arith.constant -2.52020423E-15 : f32
      %mul3A_2072 = vector.broadcast %mul3A_2071 : f32 to vector<16xf32>
      %mul3A_2073 = arith.mulf %mul3A_2072, %gather3A_2052 : vector<16xf32>
      %mul3A_2074 = arith.constant 4.71087476E-19 : f32
      %mul3A_2075 = vector.broadcast %mul3A_2074 : f32 to vector<16xf32>
      %mul3A_2076 = arith.mulf %mul3A_2075, %gather3A_2052 : vector<16xf32>
      %parallel_loop3A_2077 = arith.constant 0 : i32
      %parallel_loop3A_2078 = arith.constant 368 : i32
      %parallel_loop3A_2079 = arith.constant 16 : i32
      scf.for %parallel_loop3A_2080 = %parallel_loop3A_2077 to %parallel_loop3A_2078 step %parallel_loop3A_2079  : i32 {
        %parallel_loop3A_2081 = arith.index_cast %parallel_loop3A_2080 : i32 to index
        %parallel_loop3A_2082 = tpu.vector_load %arg30[%parallel_loop3A_2081] {strides = array<i32>} : memref<368xf32, #tpu.memory_space<vmem>>, vector<16xf32>,
        %parallel_loop3A_2083 = arith.subf %parallel_loop3A_2082, %gather3A_2028 : vector<16xf32>
        %parallel_loop3A_2084 = arith.index_cast %parallel_loop3A_2080 : i32 to index
        %parallel_loop3A_2085 = tpu.vector_load %arg31[%parallel_loop3A_2084] {strides = array<i32>} : memref<368xf32, #tpu.memory_space<vmem>>, vector<16xf32>,
        %parallel_loop3A_2086 = arith.subf %parallel_loop3A_2085, %gather3A_2040 : vector<16xf32>
        %parallel_loop3A_2087 = arith.mulf %parallel_loop3A_2083, %parallel_loop3A_2083 : vector<16xf32>
        %parallel_loop3A_2088 = arith.mulf %parallel_loop3A_2086, %parallel_loop3A_2086 : vector<16xf32>
        %parallel_loop3A_2089 = arith.addf %parallel_loop3A_2087, %parallel_loop3A_2088 : vector<16xf32>
        %parallel_loop3A_2090 = arith.mulf %mul3A_2076, %parallel_loop3A_2089 : vector<16xf32>
        %parallel_loop3A_2091 = arith.addf %parallel_loop3A_2090, %mul3A_2073 : vector<16xf32>
        %parallel_loop3A_2092 = arith.mulf %parallel_loop3A_2091, %parallel_loop3A_2089 : vector<16xf32>
        %parallel_loop3A_2093 = arith.addf %parallel_loop3A_2092, %mul3A_2070 : vector<16xf32>
        %parallel_loop3A_2094 = arith.mulf %parallel_loop3A_2093, %parallel_loop3A_2089 : vector<16xf32>
        %parallel_loop3A_2095 = arith.addf %parallel_loop3A_2094, %mul3A_2067 : vector<16xf32>
        %parallel_loop3A_2096 = arith.mulf %parallel_loop3A_2095, %parallel_loop3A_2089 : vector<16xf32>
        %parallel_loop3A_2097 = arith.addf %parallel_loop3A_2096, %mul3A_2064 : vector<16xf32>
        %parallel_loop3A_2098 = arith.mulf %parallel_loop3A_2097, %parallel_loop3A_2089 : vector<16xf32>
        %parallel_loop3A_2099 = arith.addf %parallel_loop3A_2098, %mul3A_2061 : vector<16xf32>
        %parallel_loop3A_2100 = arith.mulf %parallel_loop3A_2099, %parallel_loop3A_2089 : vector<16xf32>
        %parallel_loop3A_2101 = arith.addf %parallel_loop3A_2100, %mul3A_2058 : vector<16xf32>
        %parallel_loop3A_2102 = arith.index_cast %parallel_loop3A_2080 : i32 to index
        %parallel_loop3A_2103 = tpu.vector_load %arg34[%parallel_loop3A_2102] {strides = array<i32>} : memref<368xi32, #tpu.memory_space<vmem>>, vector<16xi32>,
        %parallel_loop3A_2104 = arith.addi %add3A_2055, %parallel_loop3A_2103 : vector<16xi32>
        %parallel_loop3A_2105 = arith.constant 1.000000e+02 : f32
        %parallel_loop3A_2106 = vector.broadcast %parallel_loop3A_2105 : f32 to vector<16xf32>
        %parallel_loop3A_2107 = arith.cmpf ole, %parallel_loop3A_2089, %parallel_loop3A_2106 : vector<16xf32>
        %parallel_loop3A_2108 = tpu.vector_load_idx %arg14[%parallel_loop3A_2104] : memref<65536xf32, #tpu.memory_space<vmem>>[vector<16xi32>], vector<16xf32>,
        %parallel_loop3A_2109 = arith.maximumf %parallel_loop3A_2108, %parallel_loop3A_2101 : vector<16xf32>
        tpu.vector_store_idx %arg14[%parallel_loop3A_2104], %parallel_loop3A_2109 masked %parallel_loop3A_2107 : memref<65536xf32, #tpu.memory_space<vmem>>[vector<16xi32>], vector<16xf32>, vector<16xi1>
      } {sc.loop_unroll_factor = 2 : i64, sc.parallel_access}
    }
    %while3A_1914 = arith.constant 1 : i32
    scf.for %while3A_1993 = %while3A_1912 to %while3A_1908 step %while3A_1914  : i32 {
      %get3A_1994 = arith.index_cast %while3A_1993 : i32 to index
      %get3A_1995 = tpu.vector_load %arg20[%get3A_1994] {strides = array<i32>} : memref<528xi32, #tpu.memory_space<vmem>>, vector<16xi32>,
      %lt3A_1996 = arith.constant 0 : i32
      %lt3A_1997 = vector.broadcast %lt3A_1996 : i32 to vector<16xi32>
      %lt3A_1998 = arith.cmpi slt, %broadcast_in_dim3A_5, %lt3A_1997 : vector<16xi32>
      %add3A_1999 = arith.constant 16 : i32
      %add3A_2000 = vector.broadcast %add3A_1999 : i32 to vector<16xi32>
      %add3A_2001 = arith.addi %broadcast_in_dim3A_5, %add3A_2000 : vector<16xi32>
      %select_n3A_2002 = arith.select %lt3A_1998, %add3A_2001, %broadcast_in_dim3A_5 : vector<16xi1>, vector<16xi32>
      %broadcast_in_dim3A_2003 = vector.shape_cast %select_n3A_2002 : vector<16xi32> to vector<16x1xi32>
      %gather3A = vector.shape_cast %broadcast_in_dim3A_2003 : vector<16x1xi32> to vector<16xi32>
      %gather3A_2004 = tpu.dynamic_gather %get3A_1995[%gather3A] in [0] : vector<16xi32>, vector<16xi32> -> vector<16xi32>
      %get3A_2005 = arith.index_cast %while3A_1993 : i32 to index
      %get3A_2006 = tpu.vector_load %arg21[%get3A_2005] {strides = array<i32>} : memref<528xi32, #tpu.memory_space<vmem>>, vector<16xi32>,
      %lt3A_2007 = arith.constant 0 : i32
      %lt3A_2008 = vector.broadcast %lt3A_2007 : i32 to vector<16xi32>
      %lt3A_2009 = arith.cmpi slt, %broadcast_in_dim3A_5, %lt3A_2008 : vector<16xi32>
      %add3A_2010 = arith.constant 16 : i32
      %add3A_2011 = vector.broadcast %add3A_2010 : i32 to vector<16xi32>
      %add3A_2012 = arith.addi %broadcast_in_dim3A_5, %add3A_2011 : vector<16xi32>
      %select_n3A_2013 = arith.select %lt3A_2009, %add3A_2012, %broadcast_in_dim3A_5 : vector<16xi1>, vector<16xi32>
      %broadcast_in_dim3A_2014 = vector.shape_cast %select_n3A_2013 : vector<16xi32> to vector<16x1xi32>
      %gather3A_2015 = vector.shape_cast %broadcast_in_dim3A_2014 : vector<16x1xi32> to vector<16xi32>
      %gather3A_2016 = tpu.dynamic_gather %get3A_2006[%gather3A_2015] in [0] : vector<16xi32>, vector<16xi32> -> vector<16xi32>
      %get3A_2017 = arith.index_cast %while3A_1993 : i32 to index
      %get3A_2018 = tpu.vector_load %arg22[%get3A_2017] {strides = array<i32>} : memref<528xf32, #tpu.memory_space<vmem>>, vector<16xf32>,
      %lt3A_2019 = arith.constant 0 : i32
      %lt3A_2020 = vector.broadcast %lt3A_2019 : i32 to vector<16xi32>
      %lt3A_2021 = arith.cmpi slt, %broadcast_in_dim3A_5, %lt3A_2020 : vector<16xi32>
      %add3A_2022 = arith.constant 16 : i32
      %add3A_2023 = vector.broadcast %add3A_2022 : i32 to vector<16xi32>
      %add3A_2024 = arith.addi %broadcast_in_dim3A_5, %add3A_2023 : vector<16xi32>
      %select_n3A_2025 = arith.select %lt3A_2021, %add3A_2024, %broadcast_in_dim3A_5 : vector<16xi1>, vector<16xi32>
      %broadcast_in_dim3A_2026 = vector.shape_cast %select_n3A_2025 : vector<16xi32> to vector<16x1xi32>
      %gather3A_2027 = vector.shape_cast %broadcast_in_dim3A_2026 : vector<16x1xi32> to vector<16xi32>
      %gather3A_2028 = tpu.dynamic_gather %get3A_2018[%gather3A_2027] in [0] : vector<16xf32>, vector<16xi32> -> vector<16xf32>
      %get3A_2029 = arith.index_cast %while3A_1993 : i32 to index
      %get3A_2030 = tpu.vector_load %arg23[%get3A_2029] {strides = array<i32>} : memref<528xf32, #tpu.memory_space<vmem>>, vector<16xf32>,
      %lt3A_2031 = arith.constant 0 : i32
      %lt3A_2032 = vector.broadcast %lt3A_2031 : i32 to vector<16xi32>
      %lt3A_2033 = arith.cmpi slt, %broadcast_in_dim3A_5, %lt3A_2032 : vector<16xi32>
      %add3A_2034 = arith.constant 16 : i32
      %add3A_2035 = vector.broadcast %add3A_2034 : i32 to vector<16xi32>
      %add3A_2036 = arith.addi %broadcast_in_dim3A_5, %add3A_2035 : vector<16xi32>
      %select_n3A_2037 = arith.select %lt3A_2033, %add3A_2036, %broadcast_in_dim3A_5 : vector<16xi1>, vector<16xi32>
      %broadcast_in_dim3A_2038 = vector.shape_cast %select_n3A_2037 : vector<16xi32> to vector<16x1xi32>
      %gather3A_2039 = vector.shape_cast %broadcast_in_dim3A_2038 : vector<16x1xi32> to vector<16xi32>
      %gather3A_2040 = tpu.dynamic_gather %get3A_2030[%gather3A_2039] in [0] : vector<16xf32>, vector<16xi32> -> vector<16xf32>
      %get3A_2041 = arith.index_cast %while3A_1993 : i32 to index
      %get3A_2042 = tpu.vector_load %arg24[%get3A_2041] {strides = array<i32>} : memref<528xf32, #tpu.memory_space<vmem>>, vector<16xf32>,
      %lt3A_2043 = arith.constant 0 : i32
      %lt3A_2044 = vector.broadcast %lt3A_2043 : i32 to vector<16xi32>
      %lt3A_2045 = arith.cmpi slt, %broadcast_in_dim3A_5, %lt3A_2044 : vector<16xi32>
      %add3A_2046 = arith.constant 16 : i32
      %add3A_2047 = vector.broadcast %add3A_2046 : i32 to vector<16xi32>
      %add3A_2048 = arith.addi %broadcast_in_dim3A_5, %add3A_2047 : vector<16xi32>
      %select_n3A_2049 = arith.select %lt3A_2045, %add3A_2048, %broadcast_in_dim3A_5 : vector<16xi1>, vector<16xi32>
      %broadcast_in_dim3A_2050 = vector.shape_cast %select_n3A_2049 : vector<16xi32> to vector<16x1xi32>
      %gather3A_2051 = vector.shape_cast %broadcast_in_dim3A_2050 : vector<16x1xi32> to vector<16xi32>
      %gather3A_2052 = tpu.dynamic_gather %get3A_2042[%gather3A_2051] in [0] : vector<16xf32>, vector<16xi32> -> vector<16xf32>
      %shift_left3A = arith.constant 8 : i32
      %shift_left3A_2053 = vector.broadcast %shift_left3A : i32 to vector<16xi32>
      %shift_left3A_2054 = arith.shli %gather3A_2004, %shift_left3A_2053 : vector<16xi32>
      %add3A_2055 = arith.addi %shift_left3A_2054, %gather3A_2016 : vector<16xi32>
      %mul3A_2056 = arith.constant 1.000000e+00 : f32
      %mul3A_2057 = vector.broadcast %mul3A_2056 : f32 to vector<16xf32>
      %mul3A_2058 = arith.mulf %mul3A_2057, %gather3A_2052 : vector<16xf32>
      %mul3A_2059 = arith.constant -0.0123370057 : f32
      %mul3A_2060 = vector.broadcast %mul3A_2059 : f32 to vector<16xf32>
      %mul3A_2061 = arith.mulf %mul3A_2060, %gather3A_2052 : vector<16xf32>
      %mul3A_2062 = arith.constant 2.53669514E-5 : f32
      %mul3A_2063 = vector.broadcast %mul3A_2062 : f32 to vector<16xf32>
      %mul3A_2064 = arith.mulf %mul3A_2063, %gather3A_2052 : vector<16xf32>
      %mul3A_2065 = arith.constant -2.08634816E-8 : f32
      %mul3A_2066 = vector.broadcast %mul3A_2065 : f32 to vector<16xf32>
      %mul3A_2067 = arith.mulf %mul3A_2066, %gather3A_2052 : vector<16xf32>
      %mul3A_2068 = arith.constant 9.1926024E-12 : f32
      %mul3A_2069 = vector.broadcast %mul3A_2068 : f32 to vector<16xf32>
      %mul3A_2070 = arith.mulf %mul3A_2069, %gather3A_2052 : vector<16xf32>
      %mul3A_2071 = arith.constant -2.52020423E-15 : f32
      %mul3A_2072 = vector.broadcast %mul3A_2071 : f32 to vector<16xf32>
      %mul3A_2073 = arith.mulf %mul3A_2072, %gather3A_2052 : vector<16xf32>
      %mul3A_2074 = arith.constant 4.71087476E-19 : f32
      %mul3A_2075 = vector.broadcast %mul3A_2074 : f32 to vector<16xf32>
      %mul3A_2076 = arith.mulf %mul3A_2075, %gather3A_2052 : vector<16xf32>
      %parallel_loop3A_2077 = arith.constant 0 : i32
      %parallel_loop3A_2078 = arith.constant 368 : i32
      %parallel_loop3A_2079 = arith.constant 16 : i32
      scf.for %parallel_loop3A_2080 = %parallel_loop3A_2077 to %parallel_loop3A_2078 step %parallel_loop3A_2079  : i32 {
        %parallel_loop3A_2081 = arith.index_cast %parallel_loop3A_2080 : i32 to index
        %parallel_loop3A_2082 = tpu.vector_load %arg30[%parallel_loop3A_2081] {strides = array<i32>} : memref<368xf32, #tpu.memory_space<vmem>>, vector<16xf32>,
        %parallel_loop3A_2083 = arith.subf %parallel_loop3A_2082, %gather3A_2028 : vector<16xf32>
        %parallel_loop3A_2084 = arith.index_cast %parallel_loop3A_2080 : i32 to index
        %parallel_loop3A_2085 = tpu.vector_load %arg31[%parallel_loop3A_2084] {strides = array<i32>} : memref<368xf32, #tpu.memory_space<vmem>>, vector<16xf32>,
        %parallel_loop3A_2086 = arith.subf %parallel_loop3A_2085, %gather3A_2040 : vector<16xf32>
        %parallel_loop3A_2087 = arith.mulf %parallel_loop3A_2083, %parallel_loop3A_2083 : vector<16xf32>
        %parallel_loop3A_2088 = arith.mulf %parallel_loop3A_2086, %parallel_loop3A_2086 : vector<16xf32>
        %parallel_loop3A_2089 = arith.addf %parallel_loop3A_2087, %parallel_loop3A_2088 : vector<16xf32>
        %parallel_loop3A_2090 = arith.mulf %mul3A_2076, %parallel_loop3A_2089 : vector<16xf32>
        %parallel_loop3A_2091 = arith.addf %parallel_loop3A_2090, %mul3A_2073 : vector<16xf32>
        %parallel_loop3A_2092 = arith.mulf %parallel_loop3A_2091, %parallel_loop3A_2089 : vector<16xf32>
        %parallel_loop3A_2093 = arith.addf %parallel_loop3A_2092, %mul3A_2070 : vector<16xf32>
        %parallel_loop3A_2094 = arith.mulf %parallel_loop3A_2093, %parallel_loop3A_2089 : vector<16xf32>
        %parallel_loop3A_2095 = arith.addf %parallel_loop3A_2094, %mul3A_2067 : vector<16xf32>
        %parallel_loop3A_2096 = arith.mulf %parallel_loop3A_2095, %parallel_loop3A_2089 : vector<16xf32>
        %parallel_loop3A_2097 = arith.addf %parallel_loop3A_2096, %mul3A_2064 : vector<16xf32>
        %parallel_loop3A_2098 = arith.mulf %parallel_loop3A_2097, %parallel_loop3A_2089 : vector<16xf32>
        %parallel_loop3A_2099 = arith.addf %parallel_loop3A_2098, %mul3A_2061 : vector<16xf32>
        %parallel_loop3A_2100 = arith.mulf %parallel_loop3A_2099, %parallel_loop3A_2089 : vector<16xf32>
        %parallel_loop3A_2101 = arith.addf %parallel_loop3A_2100, %mul3A_2058 : vector<16xf32>
        %parallel_loop3A_2102 = arith.index_cast %parallel_loop3A_2080 : i32 to index
        %parallel_loop3A_2103 = tpu.vector_load %arg34[%parallel_loop3A_2102] {strides = array<i32>} : memref<368xi32, #tpu.memory_space<vmem>>, vector<16xi32>,
        %parallel_loop3A_2104 = arith.addi %add3A_2055, %parallel_loop3A_2103 : vector<16xi32>
        %parallel_loop3A_2105 = arith.constant 1.000000e+02 : f32
        %parallel_loop3A_2106 = vector.broadcast %parallel_loop3A_2105 : f32 to vector<16xf32>
        %parallel_loop3A_2107 = arith.cmpf ole, %parallel_loop3A_2089, %parallel_loop3A_2106 : vector<16xf32>
        %parallel_loop3A_2108 = tpu.vector_load_idx %arg14[%parallel_loop3A_2104] : memref<65536xf32, #tpu.memory_space<vmem>>[vector<16xi32>], vector<16xf32>,
        %parallel_loop3A_2109 = arith.maximumf %parallel_loop3A_2108, %parallel_loop3A_2101 : vector<16xf32>
        tpu.vector_store_idx %arg14[%parallel_loop3A_2104], %parallel_loop3A_2109 masked %parallel_loop3A_2107 : memref<65536xf32, #tpu.memory_space<vmem>>[vector<16xi32>], vector<16xf32>, vector<16xi1>
      } {sc.loop_unroll_factor = 2 : i64, sc.parallel_access}
    }
    %while3A_1915 = arith.constant 0 : i32
    %while3A_1916 = arith.constant 0 : i32
    %while3A_1917 = arith.subi %reduce_max3A_1905, %while3A_1916 : i32
    %while3A_1918 = arith.addi %while3A_1916, %while3A_1917 : i32
    %while3A_1919 = arith.constant 1 : i32
    %while3A_1920 = arith.divsi %while3A_1917, %while3A_1919 : i32
    %while3A_1921 = arith.muli %while3A_1920, %while3A_1919 : i32
    %while3A_1922 = arith.addi %while3A_1916, %while3A_1921 : i32
    %while3A_1923 = arith.constant 1 : i32
    scf.for %while3A_1993 = %while3A_1916 to %while3A_1922 step %while3A_1923  : i32 {
      %get3A_1994 = arith.index_cast %while3A_1993 : i32 to index
      %get3A_1995 = tpu.vector_load %arg25[%get3A_1994] {strides = array<i32>} : memref<528xi32, #tpu.memory_space<vmem>>, vector<16xi32>,
      %lt3A_1996 = arith.constant 0 : i32
      %lt3A_1997 = vector.broadcast %lt3A_1996 : i32 to vector<16xi32>
      %lt3A_1998 = arith.cmpi slt, %broadcast_in_dim3A_5, %lt3A_1997 : vector<16xi32>
      %add3A_1999 = arith.constant 16 : i32
      %add3A_2000 = vector.broadcast %add3A_1999 : i32 to vector<16xi32>
      %add3A_2001 = arith.addi %broadcast_in_dim3A_5, %add3A_2000 : vector<16xi32>
      %select_n3A_2002 = arith.select %lt3A_1998, %add3A_2001, %broadcast_in_dim3A_5 : vector<16xi1>, vector<16xi32>
      %broadcast_in_dim3A_2003 = vector.shape_cast %select_n3A_2002 : vector<16xi32> to vector<16x1xi32>
      %gather3A = vector.shape_cast %broadcast_in_dim3A_2003 : vector<16x1xi32> to vector<16xi32>
      %gather3A_2004 = tpu.dynamic_gather %get3A_1995[%gather3A] in [0] : vector<16xi32>, vector<16xi32> -> vector<16xi32>
      %get3A_2005 = arith.index_cast %while3A_1993 : i32 to index
      %get3A_2006 = tpu.vector_load %arg26[%get3A_2005] {strides = array<i32>} : memref<528xi32, #tpu.memory_space<vmem>>, vector<16xi32>,
      %lt3A_2007 = arith.constant 0 : i32
      %lt3A_2008 = vector.broadcast %lt3A_2007 : i32 to vector<16xi32>
      %lt3A_2009 = arith.cmpi slt, %broadcast_in_dim3A_5, %lt3A_2008 : vector<16xi32>
      %add3A_2010 = arith.constant 16 : i32
      %add3A_2011 = vector.broadcast %add3A_2010 : i32 to vector<16xi32>
      %add3A_2012 = arith.addi %broadcast_in_dim3A_5, %add3A_2011 : vector<16xi32>
      %select_n3A_2013 = arith.select %lt3A_2009, %add3A_2012, %broadcast_in_dim3A_5 : vector<16xi1>, vector<16xi32>
      %broadcast_in_dim3A_2014 = vector.shape_cast %select_n3A_2013 : vector<16xi32> to vector<16x1xi32>
      %gather3A_2015 = vector.shape_cast %broadcast_in_dim3A_2014 : vector<16x1xi32> to vector<16xi32>
      %gather3A_2016 = tpu.dynamic_gather %get3A_2006[%gather3A_2015] in [0] : vector<16xi32>, vector<16xi32> -> vector<16xi32>
      %get3A_2017 = arith.index_cast %while3A_1993 : i32 to index
      %get3A_2018 = tpu.vector_load %arg27[%get3A_2017] {strides = array<i32>} : memref<528xf32, #tpu.memory_space<vmem>>, vector<16xf32>,
      %lt3A_2019 = arith.constant 0 : i32
      %lt3A_2020 = vector.broadcast %lt3A_2019 : i32 to vector<16xi32>
      %lt3A_2021 = arith.cmpi slt, %broadcast_in_dim3A_5, %lt3A_2020 : vector<16xi32>
      %add3A_2022 = arith.constant 16 : i32
      %add3A_2023 = vector.broadcast %add3A_2022 : i32 to vector<16xi32>
      %add3A_2024 = arith.addi %broadcast_in_dim3A_5, %add3A_2023 : vector<16xi32>
      %select_n3A_2025 = arith.select %lt3A_2021, %add3A_2024, %broadcast_in_dim3A_5 : vector<16xi1>, vector<16xi32>
      %broadcast_in_dim3A_2026 = vector.shape_cast %select_n3A_2025 : vector<16xi32> to vector<16x1xi32>
      %gather3A_2027 = vector.shape_cast %broadcast_in_dim3A_2026 : vector<16x1xi32> to vector<16xi32>
      %gather3A_2028 = tpu.dynamic_gather %get3A_2018[%gather3A_2027] in [0] : vector<16xf32>, vector<16xi32> -> vector<16xf32>
      %get3A_2029 = arith.index_cast %while3A_1993 : i32 to index
      %get3A_2030 = tpu.vector_load %arg28[%get3A_2029] {strides = array<i32>} : memref<528xf32, #tpu.memory_space<vmem>>, vector<16xf32>,
      %lt3A_2031 = arith.constant 0 : i32
      %lt3A_2032 = vector.broadcast %lt3A_2031 : i32 to vector<16xi32>
      %lt3A_2033 = arith.cmpi slt, %broadcast_in_dim3A_5, %lt3A_2032 : vector<16xi32>
      %add3A_2034 = arith.constant 16 : i32
      %add3A_2035 = vector.broadcast %add3A_2034 : i32 to vector<16xi32>
      %add3A_2036 = arith.addi %broadcast_in_dim3A_5, %add3A_2035 : vector<16xi32>
      %select_n3A_2037 = arith.select %lt3A_2033, %add3A_2036, %broadcast_in_dim3A_5 : vector<16xi1>, vector<16xi32>
      %broadcast_in_dim3A_2038 = vector.shape_cast %select_n3A_2037 : vector<16xi32> to vector<16x1xi32>
      %gather3A_2039 = vector.shape_cast %broadcast_in_dim3A_2038 : vector<16x1xi32> to vector<16xi32>
      %gather3A_2040 = tpu.dynamic_gather %get3A_2030[%gather3A_2039] in [0] : vector<16xf32>, vector<16xi32> -> vector<16xf32>
      %get3A_2041 = arith.index_cast %while3A_1993 : i32 to index
      %get3A_2042 = tpu.vector_load %arg29[%get3A_2041] {strides = array<i32>} : memref<528xf32, #tpu.memory_space<vmem>>, vector<16xf32>,
      %lt3A_2043 = arith.constant 0 : i32
      %lt3A_2044 = vector.broadcast %lt3A_2043 : i32 to vector<16xi32>
      %lt3A_2045 = arith.cmpi slt, %broadcast_in_dim3A_5, %lt3A_2044 : vector<16xi32>
      %add3A_2046 = arith.constant 16 : i32
      %add3A_2047 = vector.broadcast %add3A_2046 : i32 to vector<16xi32>
      %add3A_2048 = arith.addi %broadcast_in_dim3A_5, %add3A_2047 : vector<16xi32>
      %select_n3A_2049 = arith.select %lt3A_2045, %add3A_2048, %broadcast_in_dim3A_5 : vector<16xi1>, vector<16xi32>
      %broadcast_in_dim3A_2050 = vector.shape_cast %select_n3A_2049 : vector<16xi32> to vector<16x1xi32>
      %gather3A_2051 = vector.shape_cast %broadcast_in_dim3A_2050 : vector<16x1xi32> to vector<16xi32>
      %gather3A_2052 = tpu.dynamic_gather %get3A_2042[%gather3A_2051] in [0] : vector<16xf32>, vector<16xi32> -> vector<16xf32>
      %mul3A_2053 = arith.constant 1.000000e+00 : f32
      %mul3A_2054 = vector.broadcast %mul3A_2053 : f32 to vector<16xf32>
      %mul3A_2055 = arith.mulf %mul3A_2054, %gather3A_2052 : vector<16xf32>
      %mul3A_2056 = arith.constant -0.0123370057 : f32
      %mul3A_2057 = vector.broadcast %mul3A_2056 : f32 to vector<16xf32>
      %mul3A_2058 = arith.mulf %mul3A_2057, %gather3A_2052 : vector<16xf32>
      %mul3A_2059 = arith.constant 2.53669514E-5 : f32
      %mul3A_2060 = vector.broadcast %mul3A_2059 : f32 to vector<16xf32>
      %mul3A_2061 = arith.mulf %mul3A_2060, %gather3A_2052 : vector<16xf32>
      %mul3A_2062 = arith.constant -2.08634816E-8 : f32
      %mul3A_2063 = vector.broadcast %mul3A_2062 : f32 to vector<16xf32>
      %mul3A_2064 = arith.mulf %mul3A_2063, %gather3A_2052 : vector<16xf32>
      %mul3A_2065 = arith.constant 9.1926024E-12 : f32
      %mul3A_2066 = vector.broadcast %mul3A_2065 : f32 to vector<16xf32>
      %mul3A_2067 = arith.mulf %mul3A_2066, %gather3A_2052 : vector<16xf32>
      %mul3A_2068 = arith.constant -2.52020423E-15 : f32
      %mul3A_2069 = vector.broadcast %mul3A_2068 : f32 to vector<16xf32>
      %mul3A_2070 = arith.mulf %mul3A_2069, %gather3A_2052 : vector<16xf32>
      %mul3A_2071 = arith.constant 4.71087476E-19 : f32
      %mul3A_2072 = vector.broadcast %mul3A_2071 : f32 to vector<16xf32>
      %mul3A_2073 = arith.mulf %mul3A_2072, %gather3A_2052 : vector<16xf32>
      %parallel_loop3A_2074 = arith.constant 0 : i32
      %parallel_loop3A_2075 = arith.constant 368 : i32
      %parallel_loop3A_2076 = arith.constant 16 : i32
      scf.for %parallel_loop3A_2077 = %parallel_loop3A_2074 to %parallel_loop3A_2075 step %parallel_loop3A_2076  : i32 {
        %parallel_loop3A_2078 = arith.index_cast %parallel_loop3A_2077 : i32 to index
        %parallel_loop3A_2079 = tpu.vector_load %arg30[%parallel_loop3A_2078] {strides = array<i32>} : memref<368xf32, #tpu.memory_space<vmem>>, vector<16xf32>,
        %parallel_loop3A_2080 = arith.subf %parallel_loop3A_2079, %gather3A_2028 : vector<16xf32>
        %parallel_loop3A_2081 = arith.index_cast %parallel_loop3A_2077 : i32 to index
        %parallel_loop3A_2082 = tpu.vector_load %arg31[%parallel_loop3A_2081] {strides = array<i32>} : memref<368xf32, #tpu.memory_space<vmem>>, vector<16xf32>,
        %parallel_loop3A_2083 = arith.subf %parallel_loop3A_2082, %gather3A_2040 : vector<16xf32>
        %parallel_loop3A_2084 = arith.mulf %parallel_loop3A_2080, %parallel_loop3A_2080 : vector<16xf32>
        %parallel_loop3A_2085 = arith.mulf %parallel_loop3A_2083, %parallel_loop3A_2083 : vector<16xf32>
        %parallel_loop3A_2086 = arith.addf %parallel_loop3A_2084, %parallel_loop3A_2085 : vector<16xf32>
        %parallel_loop3A_2087 = arith.mulf %mul3A_2073, %parallel_loop3A_2086 : vector<16xf32>
        %parallel_loop3A_2088 = arith.addf %parallel_loop3A_2087, %mul3A_2070 : vector<16xf32>
        %parallel_loop3A_2089 = arith.mulf %parallel_loop3A_2088, %parallel_loop3A_2086 : vector<16xf32>
        %parallel_loop3A_2090 = arith.addf %parallel_loop3A_2089, %mul3A_2067 : vector<16xf32>
        %parallel_loop3A_2091 = arith.mulf %parallel_loop3A_2090, %parallel_loop3A_2086 : vector<16xf32>
        %parallel_loop3A_2092 = arith.addf %parallel_loop3A_2091, %mul3A_2064 : vector<16xf32>
        %parallel_loop3A_2093 = arith.mulf %parallel_loop3A_2092, %parallel_loop3A_2086 : vector<16xf32>
        %parallel_loop3A_2094 = arith.addf %parallel_loop3A_2093, %mul3A_2061 : vector<16xf32>
        %parallel_loop3A_2095 = arith.mulf %parallel_loop3A_2094, %parallel_loop3A_2086 : vector<16xf32>
        %parallel_loop3A_2096 = arith.addf %parallel_loop3A_2095, %mul3A_2058 : vector<16xf32>
        %parallel_loop3A_2097 = arith.mulf %parallel_loop3A_2096, %parallel_loop3A_2086 : vector<16xf32>
        %parallel_loop3A_2098 = arith.addf %parallel_loop3A_2097, %mul3A_2055 : vector<16xf32>
        %parallel_loop3A_2099 = arith.index_cast %parallel_loop3A_2077 : i32 to index
        %parallel_loop3A_2100 = tpu.vector_load %arg32[%parallel_loop3A_2099] {strides = array<i32>} : memref<368xi32, #tpu.memory_space<vmem>>, vector<16xi32>,
        %parallel_loop3A_2101 = arith.addi %gather3A_2004, %parallel_loop3A_2100 : vector<16xi32>
        %parallel_loop3A_2102 = arith.index_cast %parallel_loop3A_2077 : i32 to index
        %parallel_loop3A_2103 = tpu.vector_load %arg33[%parallel_loop3A_2102] {strides = array<i32>} : memref<368xi32, #tpu.memory_space<vmem>>, vector<16xi32>,
        %parallel_loop3A_2104 = arith.addi %gather3A_2016, %parallel_loop3A_2103 : vector<16xi32>
        %parallel_loop3A_2105 = arith.constant 0 : i32
        %parallel_loop3A_2106 = vector.broadcast %parallel_loop3A_2105 : i32 to vector<16xi32>
        %parallel_loop3A_2107 = arith.cmpi sge, %parallel_loop3A_2101, %parallel_loop3A_2106 : vector<16xi32>
        %parallel_loop3A_2108 = arith.constant 255 : i32
        %parallel_loop3A_2109 = vector.broadcast %parallel_loop3A_2108 : i32 to vector<16xi32>
        %parallel_loop3A_2110 = arith.cmpi sle, %parallel_loop3A_2101, %parallel_loop3A_2109 : vector<16xi32>
        %parallel_loop3A_2111 = arith.andi %parallel_loop3A_2107, %parallel_loop3A_2110 : vector<16xi1>
        %parallel_loop3A_2112 = arith.constant 0 : i32
        %parallel_loop3A_2113 = vector.broadcast %parallel_loop3A_2112 : i32 to vector<16xi32>
        %parallel_loop3A_2114 = arith.cmpi sge, %parallel_loop3A_2104, %parallel_loop3A_2113 : vector<16xi32>
        %parallel_loop3A_2115 = arith.andi %parallel_loop3A_2111, %parallel_loop3A_2114 : vector<16xi1>
        %parallel_loop3A_2116 = arith.constant 255 : i32
        %parallel_loop3A_2117 = vector.broadcast %parallel_loop3A_2116 : i32 to vector<16xi32>
        %parallel_loop3A_2118 = arith.cmpi sle, %parallel_loop3A_2104, %parallel_loop3A_2117 : vector<16xi32>
        %parallel_loop3A_2119 = arith.andi %parallel_loop3A_2115, %parallel_loop3A_2118 : vector<16xi1>
        %parallel_loop3A_2120 = arith.constant 1.000000e+02 : f32
        %parallel_loop3A_2121 = vector.broadcast %parallel_loop3A_2120 : f32 to vector<16xf32>
        %parallel_loop3A_2122 = arith.cmpf ole, %parallel_loop3A_2086, %parallel_loop3A_2121 : vector<16xf32>
        %parallel_loop3A_2123 = arith.andi %parallel_loop3A_2119, %parallel_loop3A_2122 : vector<16xi1>
        %parallel_loop3A_2124 = arith.constant 8 : i32
        %parallel_loop3A_2125 = vector.broadcast %parallel_loop3A_2124 : i32 to vector<16xi32>
        %parallel_loop3A_2126 = arith.shli %parallel_loop3A_2101, %parallel_loop3A_2125 : vector<16xi32>
        %parallel_loop3A_2127 = arith.addi %parallel_loop3A_2126, %parallel_loop3A_2104 : vector<16xi32>
        %parallel_loop3A_2128 = arith.constant 65535 : i32
        %parallel_loop3A_2129 = vector.broadcast %parallel_loop3A_2128 : i32 to vector<16xi32>
        %parallel_loop3A_2130 = arith.andi %parallel_loop3A_2127, %parallel_loop3A_2129 : vector<16xi32>
        %parallel_loop3A_2131 = tpu.vector_load_idx %arg14[%parallel_loop3A_2130] : memref<65536xf32, #tpu.memory_space<vmem>>[vector<16xi32>], vector<16xf32>,
        %parallel_loop3A_2132 = arith.maximumf %parallel_loop3A_2131, %parallel_loop3A_2098 : vector<16xf32>
        tpu.vector_store_idx %arg14[%parallel_loop3A_2130], %parallel_loop3A_2132 masked %parallel_loop3A_2123 : memref<65536xf32, #tpu.memory_space<vmem>>[vector<16xi32>], vector<16xf32>, vector<16xi1>
      } {sc.loop_unroll_factor = 2 : i64, sc.parallel_access}
    }
    %while3A_1924 = arith.constant 1 : i32
    scf.for %while3A_1993 = %while3A_1922 to %while3A_1918 step %while3A_1924  : i32 {
      %get3A_1994 = arith.index_cast %while3A_1993 : i32 to index
      %get3A_1995 = tpu.vector_load %arg25[%get3A_1994] {strides = array<i32>} : memref<528xi32, #tpu.memory_space<vmem>>, vector<16xi32>,
      %lt3A_1996 = arith.constant 0 : i32
      %lt3A_1997 = vector.broadcast %lt3A_1996 : i32 to vector<16xi32>
      %lt3A_1998 = arith.cmpi slt, %broadcast_in_dim3A_5, %lt3A_1997 : vector<16xi32>
      %add3A_1999 = arith.constant 16 : i32
      %add3A_2000 = vector.broadcast %add3A_1999 : i32 to vector<16xi32>
      %add3A_2001 = arith.addi %broadcast_in_dim3A_5, %add3A_2000 : vector<16xi32>
      %select_n3A_2002 = arith.select %lt3A_1998, %add3A_2001, %broadcast_in_dim3A_5 : vector<16xi1>, vector<16xi32>
      %broadcast_in_dim3A_2003 = vector.shape_cast %select_n3A_2002 : vector<16xi32> to vector<16x1xi32>
      %gather3A = vector.shape_cast %broadcast_in_dim3A_2003 : vector<16x1xi32> to vector<16xi32>
      %gather3A_2004 = tpu.dynamic_gather %get3A_1995[%gather3A] in [0] : vector<16xi32>, vector<16xi32> -> vector<16xi32>
      %get3A_2005 = arith.index_cast %while3A_1993 : i32 to index
      %get3A_2006 = tpu.vector_load %arg26[%get3A_2005] {strides = array<i32>} : memref<528xi32, #tpu.memory_space<vmem>>, vector<16xi32>,
      %lt3A_2007 = arith.constant 0 : i32
      %lt3A_2008 = vector.broadcast %lt3A_2007 : i32 to vector<16xi32>
      %lt3A_2009 = arith.cmpi slt, %broadcast_in_dim3A_5, %lt3A_2008 : vector<16xi32>
      %add3A_2010 = arith.constant 16 : i32
      %add3A_2011 = vector.broadcast %add3A_2010 : i32 to vector<16xi32>
      %add3A_2012 = arith.addi %broadcast_in_dim3A_5, %add3A_2011 : vector<16xi32>
      %select_n3A_2013 = arith.select %lt3A_2009, %add3A_2012, %broadcast_in_dim3A_5 : vector<16xi1>, vector<16xi32>
      %broadcast_in_dim3A_2014 = vector.shape_cast %select_n3A_2013 : vector<16xi32> to vector<16x1xi32>
      %gather3A_2015 = vector.shape_cast %broadcast_in_dim3A_2014 : vector<16x1xi32> to vector<16xi32>
      %gather3A_2016 = tpu.dynamic_gather %get3A_2006[%gather3A_2015] in [0] : vector<16xi32>, vector<16xi32> -> vector<16xi32>
      %get3A_2017 = arith.index_cast %while3A_1993 : i32 to index
      %get3A_2018 = tpu.vector_load %arg27[%get3A_2017] {strides = array<i32>} : memref<528xf32, #tpu.memory_space<vmem>>, vector<16xf32>,
      %lt3A_2019 = arith.constant 0 : i32
      %lt3A_2020 = vector.broadcast %lt3A_2019 : i32 to vector<16xi32>
      %lt3A_2021 = arith.cmpi slt, %broadcast_in_dim3A_5, %lt3A_2020 : vector<16xi32>
      %add3A_2022 = arith.constant 16 : i32
      %add3A_2023 = vector.broadcast %add3A_2022 : i32 to vector<16xi32>
      %add3A_2024 = arith.addi %broadcast_in_dim3A_5, %add3A_2023 : vector<16xi32>
      %select_n3A_2025 = arith.select %lt3A_2021, %add3A_2024, %broadcast_in_dim3A_5 : vector<16xi1>, vector<16xi32>
      %broadcast_in_dim3A_2026 = vector.shape_cast %select_n3A_2025 : vector<16xi32> to vector<16x1xi32>
      %gather3A_2027 = vector.shape_cast %broadcast_in_dim3A_2026 : vector<16x1xi32> to vector<16xi32>
      %gather3A_2028 = tpu.dynamic_gather %get3A_2018[%gather3A_2027] in [0] : vector<16xf32>, vector<16xi32> -> vector<16xf32>
      %get3A_2029 = arith.index_cast %while3A_1993 : i32 to index
      %get3A_2030 = tpu.vector_load %arg28[%get3A_2029] {strides = array<i32>} : memref<528xf32, #tpu.memory_space<vmem>>, vector<16xf32>,
      %lt3A_2031 = arith.constant 0 : i32
      %lt3A_2032 = vector.broadcast %lt3A_2031 : i32 to vector<16xi32>
      %lt3A_2033 = arith.cmpi slt, %broadcast_in_dim3A_5, %lt3A_2032 : vector<16xi32>
      %add3A_2034 = arith.constant 16 : i32
      %add3A_2035 = vector.broadcast %add3A_2034 : i32 to vector<16xi32>
      %add3A_2036 = arith.addi %broadcast_in_dim3A_5, %add3A_2035 : vector<16xi32>
      %select_n3A_2037 = arith.select %lt3A_2033, %add3A_2036, %broadcast_in_dim3A_5 : vector<16xi1>, vector<16xi32>
      %broadcast_in_dim3A_2038 = vector.shape_cast %select_n3A_2037 : vector<16xi32> to vector<16x1xi32>
      %gather3A_2039 = vector.shape_cast %broadcast_in_dim3A_2038 : vector<16x1xi32> to vector<16xi32>
      %gather3A_2040 = tpu.dynamic_gather %get3A_2030[%gather3A_2039] in [0] : vector<16xf32>, vector<16xi32> -> vector<16xf32>
      %get3A_2041 = arith.index_cast %while3A_1993 : i32 to index
      %get3A_2042 = tpu.vector_load %arg29[%get3A_2041] {strides = array<i32>} : memref<528xf32, #tpu.memory_space<vmem>>, vector<16xf32>,
      %lt3A_2043 = arith.constant 0 : i32
      %lt3A_2044 = vector.broadcast %lt3A_2043 : i32 to vector<16xi32>
      %lt3A_2045 = arith.cmpi slt, %broadcast_in_dim3A_5, %lt3A_2044 : vector<16xi32>
      %add3A_2046 = arith.constant 16 : i32
      %add3A_2047 = vector.broadcast %add3A_2046 : i32 to vector<16xi32>
      %add3A_2048 = arith.addi %broadcast_in_dim3A_5, %add3A_2047 : vector<16xi32>
      %select_n3A_2049 = arith.select %lt3A_2045, %add3A_2048, %broadcast_in_dim3A_5 : vector<16xi1>, vector<16xi32>
      %broadcast_in_dim3A_2050 = vector.shape_cast %select_n3A_2049 : vector<16xi32> to vector<16x1xi32>
      %gather3A_2051 = vector.shape_cast %broadcast_in_dim3A_2050 : vector<16x1xi32> to vector<16xi32>
      %gather3A_2052 = tpu.dynamic_gather %get3A_2042[%gather3A_2051] in [0] : vector<16xf32>, vector<16xi32> -> vector<16xf32>
      %mul3A_2053 = arith.constant 1.000000e+00 : f32
      %mul3A_2054 = vector.broadcast %mul3A_2053 : f32 to vector<16xf32>
      %mul3A_2055 = arith.mulf %mul3A_2054, %gather3A_2052 : vector<16xf32>
      %mul3A_2056 = arith.constant -0.0123370057 : f32
      %mul3A_2057 = vector.broadcast %mul3A_2056 : f32 to vector<16xf32>
      %mul3A_2058 = arith.mulf %mul3A_2057, %gather3A_2052 : vector<16xf32>
      %mul3A_2059 = arith.constant 2.53669514E-5 : f32
      %mul3A_2060 = vector.broadcast %mul3A_2059 : f32 to vector<16xf32>
      %mul3A_2061 = arith.mulf %mul3A_2060, %gather3A_2052 : vector<16xf32>
      %mul3A_2062 = arith.constant -2.08634816E-8 : f32
      %mul3A_2063 = vector.broadcast %mul3A_2062 : f32 to vector<16xf32>
      %mul3A_2064 = arith.mulf %mul3A_2063, %gather3A_2052 : vector<16xf32>
      %mul3A_2065 = arith.constant 9.1926024E-12 : f32
      %mul3A_2066 = vector.broadcast %mul3A_2065 : f32 to vector<16xf32>
      %mul3A_2067 = arith.mulf %mul3A_2066, %gather3A_2052 : vector<16xf32>
      %mul3A_2068 = arith.constant -2.52020423E-15 : f32
      %mul3A_2069 = vector.broadcast %mul3A_2068 : f32 to vector<16xf32>
      %mul3A_2070 = arith.mulf %mul3A_2069, %gather3A_2052 : vector<16xf32>
      %mul3A_2071 = arith.constant 4.71087476E-19 : f32
      %mul3A_2072 = vector.broadcast %mul3A_2071 : f32 to vector<16xf32>
      %mul3A_2073 = arith.mulf %mul3A_2072, %gather3A_2052 : vector<16xf32>
      %parallel_loop3A_2074 = arith.constant 0 : i32
      %parallel_loop3A_2075 = arith.constant 368 : i32
      %parallel_loop3A_2076 = arith.constant 16 : i32
      scf.for %parallel_loop3A_2077 = %parallel_loop3A_2074 to %parallel_loop3A_2075 step %parallel_loop3A_2076  : i32 {
        %parallel_loop3A_2078 = arith.index_cast %parallel_loop3A_2077 : i32 to index
        %parallel_loop3A_2079 = tpu.vector_load %arg30[%parallel_loop3A_2078] {strides = array<i32>} : memref<368xf32, #tpu.memory_space<vmem>>, vector<16xf32>,
        %parallel_loop3A_2080 = arith.subf %parallel_loop3A_2079, %gather3A_2028 : vector<16xf32>
        %parallel_loop3A_2081 = arith.index_cast %parallel_loop3A_2077 : i32 to index
        %parallel_loop3A_2082 = tpu.vector_load %arg31[%parallel_loop3A_2081] {strides = array<i32>} : memref<368xf32, #tpu.memory_space<vmem>>, vector<16xf32>,
        %parallel_loop3A_2083 = arith.subf %parallel_loop3A_2082, %gather3A_2040 : vector<16xf32>
        %parallel_loop3A_2084 = arith.mulf %parallel_loop3A_2080, %parallel_loop3A_2080 : vector<16xf32>
        %parallel_loop3A_2085 = arith.mulf %parallel_loop3A_2083, %parallel_loop3A_2083 : vector<16xf32>
        %parallel_loop3A_2086 = arith.addf %parallel_loop3A_2084, %parallel_loop3A_2085 : vector<16xf32>
        %parallel_loop3A_2087 = arith.mulf %mul3A_2073, %parallel_loop3A_2086 : vector<16xf32>
        %parallel_loop3A_2088 = arith.addf %parallel_loop3A_2087, %mul3A_2070 : vector<16xf32>
        %parallel_loop3A_2089 = arith.mulf %parallel_loop3A_2088, %parallel_loop3A_2086 : vector<16xf32>
        %parallel_loop3A_2090 = arith.addf %parallel_loop3A_2089, %mul3A_2067 : vector<16xf32>
        %parallel_loop3A_2091 = arith.mulf %parallel_loop3A_2090, %parallel_loop3A_2086 : vector<16xf32>
        %parallel_loop3A_2092 = arith.addf %parallel_loop3A_2091, %mul3A_2064 : vector<16xf32>
        %parallel_loop3A_2093 = arith.mulf %parallel_loop3A_2092, %parallel_loop3A_2086 : vector<16xf32>
        %parallel_loop3A_2094 = arith.addf %parallel_loop3A_2093, %mul3A_2061 : vector<16xf32>
        %parallel_loop3A_2095 = arith.mulf %parallel_loop3A_2094, %parallel_loop3A_2086 : vector<16xf32>
        %parallel_loop3A_2096 = arith.addf %parallel_loop3A_2095, %mul3A_2058 : vector<16xf32>
        %parallel_loop3A_2097 = arith.mulf %parallel_loop3A_2096, %parallel_loop3A_2086 : vector<16xf32>
        %parallel_loop3A_2098 = arith.addf %parallel_loop3A_2097, %mul3A_2055 : vector<16xf32>
        %parallel_loop3A_2099 = arith.index_cast %parallel_loop3A_2077 : i32 to index
        %parallel_loop3A_2100 = tpu.vector_load %arg32[%parallel_loop3A_2099] {strides = array<i32>} : memref<368xi32, #tpu.memory_space<vmem>>, vector<16xi32>,
        %parallel_loop3A_2101 = arith.addi %gather3A_2004, %parallel_loop3A_2100 : vector<16xi32>
        %parallel_loop3A_2102 = arith.index_cast %parallel_loop3A_2077 : i32 to index
        %parallel_loop3A_2103 = tpu.vector_load %arg33[%parallel_loop3A_2102] {strides = array<i32>} : memref<368xi32, #tpu.memory_space<vmem>>, vector<16xi32>,
        %parallel_loop3A_2104 = arith.addi %gather3A_2016, %parallel_loop3A_2103 : vector<16xi32>
        %parallel_loop3A_2105 = arith.constant 0 : i32
        %parallel_loop3A_2106 = vector.broadcast %parallel_loop3A_2105 : i32 to vector<16xi32>
        %parallel_loop3A_2107 = arith.cmpi sge, %parallel_loop3A_2101, %parallel_loop3A_2106 : vector<16xi32>
        %parallel_loop3A_2108 = arith.constant 255 : i32
        %parallel_loop3A_2109 = vector.broadcast %parallel_loop3A_2108 : i32 to vector<16xi32>
        %parallel_loop3A_2110 = arith.cmpi sle, %parallel_loop3A_2101, %parallel_loop3A_2109 : vector<16xi32>
        %parallel_loop3A_2111 = arith.andi %parallel_loop3A_2107, %parallel_loop3A_2110 : vector<16xi1>
        %parallel_loop3A_2112 = arith.constant 0 : i32
        %parallel_loop3A_2113 = vector.broadcast %parallel_loop3A_2112 : i32 to vector<16xi32>
        %parallel_loop3A_2114 = arith.cmpi sge, %parallel_loop3A_2104, %parallel_loop3A_2113 : vector<16xi32>
        %parallel_loop3A_2115 = arith.andi %parallel_loop3A_2111, %parallel_loop3A_2114 : vector<16xi1>
        %parallel_loop3A_2116 = arith.constant 255 : i32
        %parallel_loop3A_2117 = vector.broadcast %parallel_loop3A_2116 : i32 to vector<16xi32>
        %parallel_loop3A_2118 = arith.cmpi sle, %parallel_loop3A_2104, %parallel_loop3A_2117 : vector<16xi32>
        %parallel_loop3A_2119 = arith.andi %parallel_loop3A_2115, %parallel_loop3A_2118 : vector<16xi1>
        %parallel_loop3A_2120 = arith.constant 1.000000e+02 : f32
        %parallel_loop3A_2121 = vector.broadcast %parallel_loop3A_2120 : f32 to vector<16xf32>
        %parallel_loop3A_2122 = arith.cmpf ole, %parallel_loop3A_2086, %parallel_loop3A_2121 : vector<16xf32>
        %parallel_loop3A_2123 = arith.andi %parallel_loop3A_2119, %parallel_loop3A_2122 : vector<16xi1>
        %parallel_loop3A_2124 = arith.constant 8 : i32
        %parallel_loop3A_2125 = vector.broadcast %parallel_loop3A_2124 : i32 to vector<16xi32>
        %parallel_loop3A_2126 = arith.shli %parallel_loop3A_2101, %parallel_loop3A_2125 : vector<16xi32>
        %parallel_loop3A_2127 = arith.addi %parallel_loop3A_2126, %parallel_loop3A_2104 : vector<16xi32>
        %parallel_loop3A_2128 = arith.constant 65535 : i32
        %parallel_loop3A_2129 = vector.broadcast %parallel_loop3A_2128 : i32 to vector<16xi32>
        %parallel_loop3A_2130 = arith.andi %parallel_loop3A_2127, %parallel_loop3A_2129 : vector<16xi32>
        %parallel_loop3A_2131 = tpu.vector_load_idx %arg14[%parallel_loop3A_2130] : memref<65536xf32, #tpu.memory_space<vmem>>[vector<16xi32>], vector<16xf32>,
        %parallel_loop3A_2132 = arith.maximumf %parallel_loop3A_2131, %parallel_loop3A_2098 : vector<16xf32>
        tpu.vector_store_idx %arg14[%parallel_loop3A_2130], %parallel_loop3A_2132 masked %parallel_loop3A_2123 : memref<65536xf32, #tpu.memory_space<vmem>>[vector<16xi32>], vector<16xf32>, vector<16xi1>
      } {sc.loop_unroll_factor = 2 : i64, sc.parallel_access}
    }
    "tpu.region"() ({
      %run_scoped3A = tpu.sem_alloc : memref<!tpu.dma_semaphore, #tpu.memory_space<semaphore_mem>>
      %dma_start3A = arith.constant 0 : i32
      %dma_start3A_1993 = tpu.memref_slice %arg13[%add3A, %dma_start3A] : memref<32x65536xf32, #tpu.memory_space<hbm>> -> memref<1x65536xf32, #tpu.memory_space<hbm>>
      %dma_start3A_1994 = tpu.memref_squeeze %dma_start3A_1993 : memref<1x65536xf32, #tpu.memory_space<hbm>> -> memref<65536xf32, #tpu.memory_space<hbm>>
      %dma_start3A_1995 = arith.constant 0 : i32
      %dma_start3A_1996 = tpu.memref_slice %arg13[%add3A, %dma_start3A_1995] : memref<32x65536xf32, #tpu.memory_space<hbm>> -> memref<1x65536xf32, #tpu.memory_space<hbm>>
      %dma_start3A_1997 = tpu.memref_squeeze %dma_start3A_1996 : memref<1x65536xf32, #tpu.memory_space<hbm>> -> memref<65536xf32, #tpu.memory_space<hbm>>
      tpu.enqueue_dma source(%arg14 : memref<65536xf32, #tpu.memory_space<vmem>>) target(%dma_start3A_1997 : memref<65536xf32, #tpu.memory_space<hbm>>) target_semaphore(%run_scoped3A : memref<!tpu.dma_semaphore, #tpu.memory_space<semaphore_mem>>)
      %dma_wait3A = arith.constant 0 : i32
      %dma_wait3A_1998 = tpu.memref_slice %arg13[%add3A, %dma_wait3A] : memref<32x65536xf32, #tpu.memory_space<hbm>> -> memref<1x65536xf32, #tpu.memory_space<hbm>>
      %dma_wait3A_1999 = tpu.memref_squeeze %dma_wait3A_1998 : memref<1x65536xf32, #tpu.memory_space<hbm>> -> memref<65536xf32, #tpu.memory_space<hbm>>
      %dma_wait3A_2000 = arith.constant 0 : i32
      %dma_wait3A_2001 = tpu.memref_slice %arg13[%add3A, %dma_wait3A_2000] : memref<32x65536xf32, #tpu.memory_space<hbm>> -> memref<1x65536xf32, #tpu.memory_space<hbm>>
      %dma_wait3A_2002 = tpu.memref_squeeze %dma_wait3A_2001 : memref<1x65536xf32, #tpu.memory_space<hbm>> -> memref<65536xf32, #tpu.memory_space<hbm>>
      tpu.wait_dma2 semaphore(%run_scoped3A : memref<!tpu.dma_semaphore, #tpu.memory_space<semaphore_mem>>) src(%arg14 : memref<65536xf32, #tpu.memory_space<vmem>>) dst(%dma_wait3A_2002 : memref<65536xf32, #tpu.memory_space<hbm>>)
      tpu.yield
    }) : () -> ()
    %barrier3A = arith.constant 0 : index
    tpu.barrier barrier_id(%barrier3A)
    %jit3A = arith.constant 4 : i32
    %eq3A = arith.constant 0 : i32
    %eq3A_1925 = arith.cmpi eq, %jit3A, %eq3A : i32
    %jit3A_1926 = arith.constant 1 : i32
    %select_n3A = arith.select %eq3A_1925, %jit3A_1926, %jit3A : i32
    %rem3A = arith.remsi %arg1, %select_n3A : i32
    %ne3A = arith.constant 0 : i32
    %ne3A_1927 = arith.cmpi ne, %rem3A, %ne3A : i32
    %lt3A = arith.constant 0 : i32
    %lt3A_1928 = arith.cmpi slt, %rem3A, %lt3A : i32
    %lt3A_1929 = arith.constant 0 : i32
    %lt3A_1930 = arith.cmpi slt, %select_n3A, %lt3A_1929 : i32
    %ne3A_1931 = arith.xori %lt3A_1928, %lt3A_1930 : i1
    %and3A_1932 = arith.andi %ne3A_1931, %ne3A_1927 : i1
    %add3A_1933 = arith.addi %rem3A, %select_n3A : i32
    %select_n3A_1934 = arith.select %and3A_1932, %add3A_1933, %rem3A : i32
    %jit3A_1935 = arith.constant 4 : i32
    %div3A = arith.divsi %arg1, %jit3A_1935 : i32
    %sign3A = arith.constant 0 : i32
    %sign3A_1936 = arith.cmpi sgt, %arg1, %sign3A : i32
    %sign3A_1937 = arith.extui %sign3A_1936 : i1 to i32
    %sign3A_1938 = arith.constant 0 : i32
    %sign3A_1939 = arith.cmpi slt, %arg1, %sign3A_1938 : i32
    %sign3A_1940 = arith.extui %sign3A_1939 : i1 to i32
    %sign3A_1941 = arith.subi %sign3A_1937, %sign3A_1940 : i32
    %sign3A_1942 = arith.constant 0 : i32
    %sign3A_1943 = arith.cmpi sgt, %jit3A_1935, %sign3A_1942 : i32
    %sign3A_1944 = arith.extui %sign3A_1943 : i1 to i32
    %sign3A_1945 = arith.constant 0 : i32
    %sign3A_1946 = arith.cmpi slt, %jit3A_1935, %sign3A_1945 : i32
    %sign3A_1947 = arith.extui %sign3A_1946 : i1 to i32
    %sign3A_1948 = arith.subi %sign3A_1944, %sign3A_1947 : i32
    %ne3A_1949 = arith.cmpi ne, %sign3A_1941, %sign3A_1948 : i32
    %rem3A_1950 = arith.remsi %arg1, %jit3A_1935 : i32
    %ne3A_1951 = arith.constant 0 : i32
    %ne3A_1952 = arith.cmpi ne, %rem3A_1950, %ne3A_1951 : i32
    %and3A_1953 = arith.andi %ne3A_1949, %ne3A_1952 : i1
    %sub3A_1954 = arith.constant 1 : i32
    %sub3A_1955 = arith.subi %div3A, %sub3A_1954 : i32
    %select_n3A_1956 = arith.select %and3A_1953, %sub3A_1955, %div3A : i32
    %mul3A_1957 = arith.constant 4 : i32
    %mul3A_1958 = arith.muli %arg0, %mul3A_1957 : i32
    %add3A_1959 = arith.addi %mul3A_1958, %select_n3A_1956 : i32
    %mul3A_1960 = arith.constant 16384 : i32
    %mul3A_1961 = arith.muli %select_n3A_1934, %mul3A_1960 : i32
    %mul3A_1962 = arith.constant 4 : i32
    %mul3A_1963 = arith.muli %select_n3A_1956, %mul3A_1962 : i32
    %add3A_1964 = arith.constant 0 : i32
    %add3A_1965 = arith.addi %mul3A_1963, %add3A_1964 : i32
    %mul3A_1966 = arith.constant 16 : i32
    %mul3A_1967 = arith.muli %arg0, %mul3A_1966 : i32
    %add3A_1968 = arith.addi %add3A_1965, %mul3A_1967 : i32
    "tpu.region"() ({
      %run_scoped3A = tpu.sem_alloc : memref<!tpu.dma_semaphore, #tpu.memory_space<semaphore_mem>>
      %dma_start3A = arith.constant 0 : i32
      %dma_start3A_1993 = tpu.memref_slice %arg14[%dma_start3A] : memref<65536xf32, #tpu.memory_space<vmem>> -> memref<16384xf32, #tpu.memory_space<vmem>>
      %dma_start3A_1994 = tpu.memref_slice %arg13[%add3A_1968, %mul3A_1961] : memref<32x65536xf32, #tpu.memory_space<hbm>> -> memref<1x16384xf32, #tpu.memory_space<hbm>>
      %dma_start3A_1995 = tpu.memref_squeeze %dma_start3A_1994 : memref<1x16384xf32, #tpu.memory_space<hbm>> -> memref<16384xf32, #tpu.memory_space<hbm>>
      %dma_start3A_1996 = arith.constant 0 : i32
      %dma_start3A_1997 = tpu.memref_slice %arg14[%dma_start3A_1996] : memref<65536xf32, #tpu.memory_space<vmem>> -> memref<16384xf32, #tpu.memory_space<vmem>>
      %dma_start3A_1998 = tpu.memref_slice %arg13[%add3A_1968, %mul3A_1961] : memref<32x65536xf32, #tpu.memory_space<hbm>> -> memref<1x16384xf32, #tpu.memory_space<hbm>>
      %dma_start3A_1999 = tpu.memref_squeeze %dma_start3A_1998 : memref<1x16384xf32, #tpu.memory_space<hbm>> -> memref<16384xf32, #tpu.memory_space<hbm>>
      tpu.enqueue_dma source(%dma_start3A_1999 : memref<16384xf32, #tpu.memory_space<hbm>>) target(%dma_start3A_1997 : memref<16384xf32, #tpu.memory_space<vmem>>) target_semaphore(%run_scoped3A : memref<!tpu.dma_semaphore, #tpu.memory_space<semaphore_mem>>)
      %dma_wait3A = arith.constant 0 : i32
      %dma_wait3A_2000 = tpu.memref_slice %arg14[%dma_wait3A] : memref<65536xf32, #tpu.memory_space<vmem>> -> memref<16384xf32, #tpu.memory_space<vmem>>
      %dma_wait3A_2001 = tpu.memref_slice %arg13[%add3A_1968, %mul3A_1961] : memref<32x65536xf32, #tpu.memory_space<hbm>> -> memref<1x16384xf32, #tpu.memory_space<hbm>>
      %dma_wait3A_2002 = tpu.memref_squeeze %dma_wait3A_2001 : memref<1x16384xf32, #tpu.memory_space<hbm>> -> memref<16384xf32, #tpu.memory_space<hbm>>
      %dma_wait3A_2003 = arith.constant 0 : i32
      %dma_wait3A_2004 = tpu.memref_slice %arg14[%dma_wait3A_2003] : memref<65536xf32, #tpu.memory_space<vmem>> -> memref<16384xf32, #tpu.memory_space<vmem>>
      %dma_wait3A_2005 = tpu.memref_slice %arg13[%add3A_1968, %mul3A_1961] : memref<32x65536xf32, #tpu.memory_space<hbm>> -> memref<1x16384xf32, #tpu.memory_space<hbm>>
      %dma_wait3A_2006 = tpu.memref_squeeze %dma_wait3A_2005 : memref<1x16384xf32, #tpu.memory_space<hbm>> -> memref<16384xf32, #tpu.memory_space<hbm>>
      tpu.wait_dma2 semaphore(%run_scoped3A : memref<!tpu.dma_semaphore, #tpu.memory_space<semaphore_mem>>) src(%dma_wait3A_2006 : memref<16384xf32, #tpu.memory_space<hbm>>) dst(%dma_wait3A_2004 : memref<16384xf32, #tpu.memory_space<vmem>>)
      tpu.yield
    }) : () -> ()
    %mul3A_1969 = arith.constant 4 : i32
    %mul3A_1970 = arith.muli %select_n3A_1956, %mul3A_1969 : i32
    %add3A_1971 = arith.constant 1 : i32
    %add3A_1972 = arith.addi %mul3A_1970, %add3A_1971 : i32
    %mul3A_1973 = arith.constant 16 : i32
    %mul3A_1974 = arith.muli %arg0, %mul3A_1973 : i32
    %add3A_1975 = arith.addi %add3A_1972, %mul3A_1974 : i32
    "tpu.region"() ({
      %run_scoped3A = tpu.sem_alloc : memref<!tpu.dma_semaphore, #tpu.memory_space<semaphore_mem>>
      %dma_start3A = arith.constant 16384 : i32
      %dma_start3A_1993 = tpu.memref_slice %arg14[%dma_start3A] : memref<65536xf32, #tpu.memory_space<vmem>> -> memref<16384xf32, #tpu.memory_space<vmem>>
      %dma_start3A_1994 = tpu.memref_slice %arg13[%add3A_1975, %mul3A_1961] : memref<32x65536xf32, #tpu.memory_space<hbm>> -> memref<1x16384xf32, #tpu.memory_space<hbm>>
      %dma_start3A_1995 = tpu.memref_squeeze %dma_start3A_1994 : memref<1x16384xf32, #tpu.memory_space<hbm>> -> memref<16384xf32, #tpu.memory_space<hbm>>
      %dma_start3A_1996 = arith.constant 16384 : i32
      %dma_start3A_1997 = tpu.memref_slice %arg14[%dma_start3A_1996] : memref<65536xf32, #tpu.memory_space<vmem>> -> memref<16384xf32, #tpu.memory_space<vmem>>
      %dma_start3A_1998 = tpu.memref_slice %arg13[%add3A_1975, %mul3A_1961] : memref<32x65536xf32, #tpu.memory_space<hbm>> -> memref<1x16384xf32, #tpu.memory_space<hbm>>
      %dma_start3A_1999 = tpu.memref_squeeze %dma_start3A_1998 : memref<1x16384xf32, #tpu.memory_space<hbm>> -> memref<16384xf32, #tpu.memory_space<hbm>>
      tpu.enqueue_dma source(%dma_start3A_1999 : memref<16384xf32, #tpu.memory_space<hbm>>) target(%dma_start3A_1997 : memref<16384xf32, #tpu.memory_space<vmem>>) target_semaphore(%run_scoped3A : memref<!tpu.dma_semaphore, #tpu.memory_space<semaphore_mem>>)
      %dma_wait3A = arith.constant 16384 : i32
      %dma_wait3A_2000 = tpu.memref_slice %arg14[%dma_wait3A] : memref<65536xf32, #tpu.memory_space<vmem>> -> memref<16384xf32, #tpu.memory_space<vmem>>
      %dma_wait3A_2001 = tpu.memref_slice %arg13[%add3A_1975, %mul3A_1961] : memref<32x65536xf32, #tpu.memory_space<hbm>> -> memref<1x16384xf32, #tpu.memory_space<hbm>>
      %dma_wait3A_2002 = tpu.memref_squeeze %dma_wait3A_2001 : memref<1x16384xf32, #tpu.memory_space<hbm>> -> memref<16384xf32, #tpu.memory_space<hbm>>
      %dma_wait3A_2003 = arith.constant 16384 : i32
      %dma_wait3A_2004 = tpu.memref_slice %arg14[%dma_wait3A_2003] : memref<65536xf32, #tpu.memory_space<vmem>> -> memref<16384xf32, #tpu.memory_space<vmem>>
      %dma_wait3A_2005 = tpu.memref_slice %arg13[%add3A_1975, %mul3A_1961] : memref<32x65536xf32, #tpu.memory_space<hbm>> -> memref<1x16384xf32, #tpu.memory_space<hbm>>
      %dma_wait3A_2006 = tpu.memref_squeeze %dma_wait3A_2005 : memref<1x16384xf32, #tpu.memory_space<hbm>> -> memref<16384xf32, #tpu.memory_space<hbm>>
      tpu.wait_dma2 semaphore(%run_scoped3A : memref<!tpu.dma_semaphore, #tpu.memory_space<semaphore_mem>>) src(%dma_wait3A_2006 : memref<16384xf32, #tpu.memory_space<hbm>>) dst(%dma_wait3A_2004 : memref<16384xf32, #tpu.memory_space<vmem>>)
      tpu.yield
    }) : () -> ()
    %mul3A_1976 = arith.constant 4 : i32
    %mul3A_1977 = arith.muli %select_n3A_1956, %mul3A_1976 : i32
    %add3A_1978 = arith.constant 2 : i32
    %add3A_1979 = arith.addi %mul3A_1977, %add3A_1978 : i32
    %mul3A_1980 = arith.constant 16 : i32
    %mul3A_1981 = arith.muli %arg0, %mul3A_1980 : i32
    %add3A_1982 = arith.addi %add3A_1979, %mul3A_1981 : i32
    "tpu.region"() ({
      %run_scoped3A = tpu.sem_alloc : memref<!tpu.dma_semaphore, #tpu.memory_space<semaphore_mem>>
      %dma_start3A = arith.constant 32768 : i32
      %dma_start3A_1993 = tpu.memref_slice %arg14[%dma_start3A] : memref<65536xf32, #tpu.memory_space<vmem>> -> memref<16384xf32, #tpu.memory_space<vmem>>
      %dma_start3A_1994 = tpu.memref_slice %arg13[%add3A_1982, %mul3A_1961] : memref<32x65536xf32, #tpu.memory_space<hbm>> -> memref<1x16384xf32, #tpu.memory_space<hbm>>
      %dma_start3A_1995 = tpu.memref_squeeze %dma_start3A_1994 : memref<1x16384xf32, #tpu.memory_space<hbm>> -> memref<16384xf32, #tpu.memory_space<hbm>>
      %dma_start3A_1996 = arith.constant 32768 : i32
      %dma_start3A_1997 = tpu.memref_slice %arg14[%dma_start3A_1996] : memref<65536xf32, #tpu.memory_space<vmem>> -> memref<16384xf32, #tpu.memory_space<vmem>>
      %dma_start3A_1998 = tpu.memref_slice %arg13[%add3A_1982, %mul3A_1961] : memref<32x65536xf32, #tpu.memory_space<hbm>> -> memref<1x16384xf32, #tpu.memory_space<hbm>>
      %dma_start3A_1999 = tpu.memref_squeeze %dma_start3A_1998 : memref<1x16384xf32, #tpu.memory_space<hbm>> -> memref<16384xf32, #tpu.memory_space<hbm>>
      tpu.enqueue_dma source(%dma_start3A_1999 : memref<16384xf32, #tpu.memory_space<hbm>>) target(%dma_start3A_1997 : memref<16384xf32, #tpu.memory_space<vmem>>) target_semaphore(%run_scoped3A : memref<!tpu.dma_semaphore, #tpu.memory_space<semaphore_mem>>)
      %dma_wait3A = arith.constant 32768 : i32
      %dma_wait3A_2000 = tpu.memref_slice %arg14[%dma_wait3A] : memref<65536xf32, #tpu.memory_space<vmem>> -> memref<16384xf32, #tpu.memory_space<vmem>>
      %dma_wait3A_2001 = tpu.memref_slice %arg13[%add3A_1982, %mul3A_1961] : memref<32x65536xf32, #tpu.memory_space<hbm>> -> memref<1x16384xf32, #tpu.memory_space<hbm>>
      %dma_wait3A_2002 = tpu.memref_squeeze %dma_wait3A_2001 : memref<1x16384xf32, #tpu.memory_space<hbm>> -> memref<16384xf32, #tpu.memory_space<hbm>>
      %dma_wait3A_2003 = arith.constant 32768 : i32
      %dma_wait3A_2004 = tpu.memref_slice %arg14[%dma_wait3A_2003] : memref<65536xf32, #tpu.memory_space<vmem>> -> memref<16384xf32, #tpu.memory_space<vmem>>
      %dma_wait3A_2005 = tpu.memref_slice %arg13[%add3A_1982, %mul3A_1961] : memref<32x65536xf32, #tpu.memory_space<hbm>> -> memref<1x16384xf32, #tpu.memory_space<hbm>>
      %dma_wait3A_2006 = tpu.memref_squeeze %dma_wait3A_2005 : memref<1x16384xf32, #tpu.memory_space<hbm>> -> memref<16384xf32, #tpu.memory_space<hbm>>
      tpu.wait_dma2 semaphore(%run_scoped3A : memref<!tpu.dma_semaphore, #tpu.memory_space<semaphore_mem>>) src(%dma_wait3A_2006 : memref<16384xf32, #tpu.memory_space<hbm>>) dst(%dma_wait3A_2004 : memref<16384xf32, #tpu.memory_space<vmem>>)
      tpu.yield
    }) : () -> ()
    %mul3A_1983 = arith.constant 4 : i32
    %mul3A_1984 = arith.muli %select_n3A_1956, %mul3A_1983 : i32
    %add3A_1985 = arith.constant 3 : i32
    %add3A_1986 = arith.addi %mul3A_1984, %add3A_1985 : i32
    %mul3A_1987 = arith.constant 16 : i32
    %mul3A_1988 = arith.muli %arg0, %mul3A_1987 : i32
    %add3A_1989 = arith.addi %add3A_1986, %mul3A_1988 : i32
    "tpu.region"() ({
      %run_scoped3A = tpu.sem_alloc : memref<!tpu.dma_semaphore, #tpu.memory_space<semaphore_mem>>
      %dma_start3A = arith.constant 49152 : i32
      %dma_start3A_1993 = tpu.memref_slice %arg14[%dma_start3A] : memref<65536xf32, #tpu.memory_space<vmem>> -> memref<16384xf32, #tpu.memory_space<vmem>>
      %dma_start3A_1994 = tpu.memref_slice %arg13[%add3A_1989, %mul3A_1961] : memref<32x65536xf32, #tpu.memory_space<hbm>> -> memref<1x16384xf32, #tpu.memory_space<hbm>>
      %dma_start3A_1995 = tpu.memref_squeeze %dma_start3A_1994 : memref<1x16384xf32, #tpu.memory_space<hbm>> -> memref<16384xf32, #tpu.memory_space<hbm>>
      %dma_start3A_1996 = arith.constant 49152 : i32
      %dma_start3A_1997 = tpu.memref_slice %arg14[%dma_start3A_1996] : memref<65536xf32, #tpu.memory_space<vmem>> -> memref<16384xf32, #tpu.memory_space<vmem>>
      %dma_start3A_1998 = tpu.memref_slice %arg13[%add3A_1989, %mul3A_1961] : memref<32x65536xf32, #tpu.memory_space<hbm>> -> memref<1x16384xf32, #tpu.memory_space<hbm>>
      %dma_start3A_1999 = tpu.memref_squeeze %dma_start3A_1998 : memref<1x16384xf32, #tpu.memory_space<hbm>> -> memref<16384xf32, #tpu.memory_space<hbm>>
      tpu.enqueue_dma source(%dma_start3A_1999 : memref<16384xf32, #tpu.memory_space<hbm>>) target(%dma_start3A_1997 : memref<16384xf32, #tpu.memory_space<vmem>>) target_semaphore(%run_scoped3A : memref<!tpu.dma_semaphore, #tpu.memory_space<semaphore_mem>>)
      %dma_wait3A = arith.constant 49152 : i32
      %dma_wait3A_2000 = tpu.memref_slice %arg14[%dma_wait3A] : memref<65536xf32, #tpu.memory_space<vmem>> -> memref<16384xf32, #tpu.memory_space<vmem>>
      %dma_wait3A_2001 = tpu.memref_slice %arg13[%add3A_1989, %mul3A_1961] : memref<32x65536xf32, #tpu.memory_space<hbm>> -> memref<1x16384xf32, #tpu.memory_space<hbm>>
      %dma_wait3A_2002 = tpu.memref_squeeze %dma_wait3A_2001 : memref<1x16384xf32, #tpu.memory_space<hbm>> -> memref<16384xf32, #tpu.memory_space<hbm>>
      %dma_wait3A_2003 = arith.constant 49152 : i32
      %dma_wait3A_2004 = tpu.memref_slice %arg14[%dma_wait3A_2003] : memref<65536xf32, #tpu.memory_space<vmem>> -> memref<16384xf32, #tpu.memory_space<vmem>>
      %dma_wait3A_2005 = tpu.memref_slice %arg13[%add3A_1989, %mul3A_1961] : memref<32x65536xf32, #tpu.memory_space<hbm>> -> memref<1x16384xf32, #tpu.memory_space<hbm>>
      %dma_wait3A_2006 = tpu.memref_squeeze %dma_wait3A_2005 : memref<1x16384xf32, #tpu.memory_space<hbm>> -> memref<16384xf32, #tpu.memory_space<hbm>>
      tpu.wait_dma2 semaphore(%run_scoped3A : memref<!tpu.dma_semaphore, #tpu.memory_space<semaphore_mem>>) src(%dma_wait3A_2006 : memref<16384xf32, #tpu.memory_space<hbm>>) dst(%dma_wait3A_2004 : memref<16384xf32, #tpu.memory_space<vmem>>)
      tpu.yield
    }) : () -> ()
    %parallel_loop3A_1990 = arith.constant 0 : i32
    %parallel_loop3A_1991 = arith.constant 16384 : i32
    %parallel_loop3A_1992 = arith.constant 16 : i32
    scf.for %parallel_loop3A_1993 = %parallel_loop3A_1990 to %parallel_loop3A_1991 step %parallel_loop3A_1992  : i32 {
      %parallel_loop3A_1994 = arith.index_cast %parallel_loop3A_1993 : i32 to index
      %parallel_loop3A_1995 = tpu.vector_load %arg14[%parallel_loop3A_1994] {strides = array<i32>} : memref<65536xf32, #tpu.memory_space<vmem>>, vector<16xf32>,
      %parallel_loop3A_1996 = arith.constant 16384 : i32
      %parallel_loop3A_1997 = arith.addi %parallel_loop3A_1996, %parallel_loop3A_1993 : i32
      %parallel_loop3A_1998 = arith.index_cast %parallel_loop3A_1997 : i32 to index
      %parallel_loop3A_1999 = tpu.vector_load %arg14[%parallel_loop3A_1998] {strides = array<i32>} : memref<65536xf32, #tpu.memory_space<vmem>>, vector<16xf32>,
      %parallel_loop3A_2000 = arith.maximumf %parallel_loop3A_1995, %parallel_loop3A_1999 : vector<16xf32>
      %parallel_loop3A_2001 = arith.constant 32768 : i32
      %parallel_loop3A_2002 = arith.addi %parallel_loop3A_2001, %parallel_loop3A_1993 : i32
      %parallel_loop3A_2003 = arith.index_cast %parallel_loop3A_2002 : i32 to index
      %parallel_loop3A_2004 = tpu.vector_load %arg14[%parallel_loop3A_2003] {strides = array<i32>} : memref<65536xf32, #tpu.memory_space<vmem>>, vector<16xf32>,
      %parallel_loop3A_2005 = arith.constant 49152 : i32
      %parallel_loop3A_2006 = arith.addi %parallel_loop3A_2005, %parallel_loop3A_1993 : i32
      %parallel_loop3A_2007 = arith.index_cast %parallel_loop3A_2006 : i32 to index
      %parallel_loop3A_2008 = tpu.vector_load %arg14[%parallel_loop3A_2007] {strides = array<i32>} : memref<65536xf32, #tpu.memory_space<vmem>>, vector<16xf32>,
      %parallel_loop3A_2009 = arith.maximumf %parallel_loop3A_2004, %parallel_loop3A_2008 : vector<16xf32>
      %parallel_loop3A_2010 = arith.maximumf %parallel_loop3A_2000, %parallel_loop3A_2009 : vector<16xf32>
      %parallel_loop3A_2011 = arith.index_cast %parallel_loop3A_1993 : i32 to index
      %parallel_loop3A_2012 = tpu.vector_load %arg14[%parallel_loop3A_2011] {strides = array<i32>} : memref<65536xf32, #tpu.memory_space<vmem>>, vector<16xf32>,
      tpu.vector_store %arg14[%parallel_loop3A_2011], %parallel_loop3A_2010 {strides = array<i32>} : memref<65536xf32, #tpu.memory_space<vmem>>, vector<16xf32>,
    } {sc.loop_unroll_factor = 4 : i64, sc.parallel_access}
    "tpu.region"() ({
      %run_scoped3A = tpu.sem_alloc : memref<!tpu.dma_semaphore, #tpu.memory_space<semaphore_mem>>
      %dma_start3A = arith.constant 0 : i32
      %dma_start3A_1993 = tpu.memref_slice %arg14[%dma_start3A] : memref<65536xf32, #tpu.memory_space<vmem>> -> memref<16384xf32, #tpu.memory_space<vmem>>
      %dma_start3A_1994 = tpu.memref_slice %arg12[%add3A_1959, %mul3A_1961] : memref<8x65536xf32, #tpu.memory_space<hbm>> -> memref<1x16384xf32, #tpu.memory_space<hbm>>
      %dma_start3A_1995 = tpu.memref_squeeze %dma_start3A_1994 : memref<1x16384xf32, #tpu.memory_space<hbm>> -> memref<16384xf32, #tpu.memory_space<hbm>>
      %dma_start3A_1996 = tpu.memref_slice %arg12[%add3A_1959, %mul3A_1961] : memref<8x65536xf32, #tpu.memory_space<hbm>> -> memref<1x16384xf32, #tpu.memory_space<hbm>>
      %dma_start3A_1997 = tpu.memref_squeeze %dma_start3A_1996 : memref<1x16384xf32, #tpu.memory_space<hbm>> -> memref<16384xf32, #tpu.memory_space<hbm>>
      %dma_start3A_1998 = arith.constant 0 : i32
      %dma_start3A_1999 = tpu.memref_slice %arg14[%dma_start3A_1998] : memref<65536xf32, #tpu.memory_space<vmem>> -> memref<16384xf32, #tpu.memory_space<vmem>>
      tpu.enqueue_dma source(%dma_start3A_1999 : memref<16384xf32, #tpu.memory_space<vmem>>) target(%dma_start3A_1997 : memref<16384xf32, #tpu.memory_space<hbm>>) target_semaphore(%run_scoped3A : memref<!tpu.dma_semaphore, #tpu.memory_space<semaphore_mem>>)
      %dma_wait3A = arith.constant 0 : i32
      %dma_wait3A_2000 = tpu.memref_slice %arg14[%dma_wait3A] : memref<65536xf32, #tpu.memory_space<vmem>> -> memref<16384xf32, #tpu.memory_space<vmem>>
      %dma_wait3A_2001 = tpu.memref_slice %arg12[%add3A_1959, %mul3A_1961] : memref<8x65536xf32, #tpu.memory_space<hbm>> -> memref<1x16384xf32, #tpu.memory_space<hbm>>
      %dma_wait3A_2002 = tpu.memref_squeeze %dma_wait3A_2001 : memref<1x16384xf32, #tpu.memory_space<hbm>> -> memref<16384xf32, #tpu.memory_space<hbm>>
      %dma_wait3A_2003 = tpu.memref_slice %arg12[%add3A_1959, %mul3A_1961] : memref<8x65536xf32, #tpu.memory_space<hbm>> -> memref<1x16384xf32, #tpu.memory_space<hbm>>
      %dma_wait3A_2004 = tpu.memref_squeeze %dma_wait3A_2003 : memref<1x16384xf32, #tpu.memory_space<hbm>> -> memref<16384xf32, #tpu.memory_space<hbm>>
      %dma_wait3A_2005 = arith.constant 0 : i32
      %dma_wait3A_2006 = tpu.memref_slice %arg14[%dma_wait3A_2005] : memref<65536xf32, #tpu.memory_space<vmem>> -> memref<16384xf32, #tpu.memory_space<vmem>>
      tpu.wait_dma2 semaphore(%run_scoped3A : memref<!tpu.dma_semaphore, #tpu.memory_space<semaphore_mem>>) src(%dma_wait3A_2006 : memref<16384xf32, #tpu.memory_space<vmem>>) dst(%dma_wait3A_2004 : memref<16384xf32, #tpu.memory_space<hbm>>)
      tpu.yield
    }) : () -> ()
    return
  }
}

module attributes {stable_mosaic.version = 14 : i64} {
  func.func @_proj_body(%arg0: memref<8x16384xf32, #tpu.memory_space<vmem>>, %arg1: memref<1x16384xi32, #tpu.memory_space<vmem>>, %arg2: memref<1x16384xi32, #tpu.memory_space<vmem>>, %arg3: memref<1x16384xf32, #tpu.memory_space<vmem>>, %arg4: memref<1x16384xf32, #tpu.memory_space<vmem>>, %arg5: memref<1x16384xf32, #tpu.memory_space<vmem>>) attributes {dimension_semantics = [], scalar_prefetch = 0 : i64, scratch_operands = 0 : i64, tpu.core_type = #tpu.core_type<tc>} {
    %get3A = arith.constant 0 : index
    %get3A_0 = arith.constant 0 : index
    %get3A_1 = vector.load %arg0[%get3A, %get3A_0] : memref<8x16384xf32, #tpu.memory_space<vmem>>, vector<1x16384xf32>
    %convert_element_type3A = arith.truncf %get3A_1 : vector<1x16384xf32> to vector<1x16384xbf16>
    %convert_element_type3A_2 = arith.extf %convert_element_type3A : vector<1x16384xbf16> to vector<1x16384xf32>
    %get3A_3 = arith.constant 1 : index
    %get3A_4 = arith.constant 0 : index
    %get3A_5 = vector.load %arg0[%get3A_3, %get3A_4] : memref<8x16384xf32, #tpu.memory_space<vmem>>, vector<1x16384xf32>
    %convert_element_type3A_6 = arith.truncf %get3A_5 : vector<1x16384xf32> to vector<1x16384xbf16>
    %convert_element_type3A_7 = arith.extf %convert_element_type3A_6 : vector<1x16384xbf16> to vector<1x16384xf32>
    %get3A_8 = arith.constant 2 : index
    %get3A_9 = arith.constant 0 : index
    %get3A_10 = vector.load %arg0[%get3A_8, %get3A_9] : memref<8x16384xf32, #tpu.memory_space<vmem>>, vector<1x16384xf32>
    %convert_element_type3A_11 = arith.truncf %get3A_10 : vector<1x16384xf32> to vector<1x16384xbf16>
    %convert_element_type3A_12 = arith.extf %convert_element_type3A_11 : vector<1x16384xbf16> to vector<1x16384xf32>
    %mul3A = arith.constant 1.062500e+00 : f32
    %mul3A_13 = vector.broadcast %mul3A : f32 to vector<1x16384xf32>
    %mul3A_14 = arith.mulf %mul3A_13, %convert_element_type3A_2 : vector<1x16384xf32>
    %mul3A_15 = arith.constant -1.062500e+00 : f32
    %mul3A_16 = vector.broadcast %mul3A_15 : f32 to vector<1x16384xf32>
    %mul3A_17 = arith.mulf %mul3A_16, %convert_element_type3A_7 : vector<1x16384xf32>
    %add3A = arith.addf %mul3A_14, %mul3A_17 : vector<1x16384xf32>
    %mul3A_18 = arith.constant 0.000000e+00 : f32
    %mul3A_19 = vector.broadcast %mul3A_18 : f32 to vector<1x16384xf32>
    %mul3A_20 = arith.mulf %mul3A_19, %convert_element_type3A_12 : vector<1x16384xf32>
    %add3A_21 = arith.addf %add3A, %mul3A_20 : vector<1x16384xf32>
    %add3A_22 = arith.constant 0.000000e+00 : f32
    %add3A_23 = vector.broadcast %add3A_22 : f32 to vector<1x16384xf32>
    %add3A_24 = arith.addf %add3A_21, %add3A_23 : vector<1x16384xf32>
    %mul3A_25 = arith.constant -0.61328125 : f32
    %mul3A_26 = vector.broadcast %mul3A_25 : f32 to vector<1x16384xf32>
    %mul3A_27 = arith.mulf %mul3A_26, %convert_element_type3A_2 : vector<1x16384xf32>
    %mul3A_28 = arith.constant -0.61328125 : f32
    %mul3A_29 = vector.broadcast %mul3A_28 : f32 to vector<1x16384xf32>
    %mul3A_30 = arith.mulf %mul3A_29, %convert_element_type3A_7 : vector<1x16384xf32>
    %add3A_31 = arith.addf %mul3A_27, %mul3A_30 : vector<1x16384xf32>
    %mul3A_32 = arith.constant 1.2265625 : f32
    %mul3A_33 = vector.broadcast %mul3A_32 : f32 to vector<1x16384xf32>
    %mul3A_34 = arith.mulf %mul3A_33, %convert_element_type3A_12 : vector<1x16384xf32>
    %add3A_35 = arith.addf %add3A_31, %mul3A_34 : vector<1x16384xf32>
    %add3A_36 = arith.constant 0.000000e+00 : f32
    %add3A_37 = vector.broadcast %add3A_36 : f32 to vector<1x16384xf32>
    %add3A_38 = arith.addf %add3A_35, %add3A_37 : vector<1x16384xf32>
    %mul3A_39 = arith.constant 0.116699219 : f32
    %mul3A_40 = vector.broadcast %mul3A_39 : f32 to vector<1x16384xf32>
    %mul3A_41 = arith.mulf %mul3A_40, %convert_element_type3A_2 : vector<1x16384xf32>
    %mul3A_42 = arith.constant 0.116699219 : f32
    %mul3A_43 = vector.broadcast %mul3A_42 : f32 to vector<1x16384xf32>
    %mul3A_44 = arith.mulf %mul3A_43, %convert_element_type3A_7 : vector<1x16384xf32>
    %add3A_45 = arith.addf %mul3A_41, %mul3A_44 : vector<1x16384xf32>
    %mul3A_46 = arith.constant 0.116699219 : f32
    %mul3A_47 = vector.broadcast %mul3A_46 : f32 to vector<1x16384xf32>
    %mul3A_48 = arith.mulf %mul3A_47, %convert_element_type3A_12 : vector<1x16384xf32>
    %add3A_49 = arith.addf %add3A_45, %mul3A_48 : vector<1x16384xf32>
    %add3A_50 = arith.constant 1.3671875 : f32
    %add3A_51 = vector.broadcast %add3A_50 : f32 to vector<1x16384xf32>
    %add3A_52 = arith.addf %add3A_49, %add3A_51 : vector<1x16384xf32>
    %neg3A = arith.constant 0.000000e+00 : f32
    %neg3A_53 = vector.broadcast %neg3A : f32 to vector<1x16384xf32>
    %neg3A_54 = arith.subf %neg3A_53, %add3A_38 : vector<1x16384xf32>
    %add3A_55 = arith.constant 1.000000e+00 : f32
    %add3A_56 = vector.broadcast %add3A_55 : f32 to vector<1x16384xf32>
    %add3A_57 = arith.addf %neg3A_54, %add3A_56 : vector<1x16384xf32>
    %div3A = arith.constant 2.000000e+00 : f32
    %div3A_58 = vector.broadcast %div3A : f32 to vector<1x16384xf32>
    %div3A_59 = arith.divf %add3A_57, %div3A_58 : vector<1x16384xf32>
    %mul3A_60 = arith.constant 2.550000e+02 : f32
    %mul3A_61 = vector.broadcast %mul3A_60 : f32 to vector<1x16384xf32>
    %mul3A_62 = arith.mulf %div3A_59, %mul3A_61 : vector<1x16384xf32>
    %add3A_63 = arith.constant 1.000000e+00 : f32
    %add3A_64 = vector.broadcast %add3A_63 : f32 to vector<1x16384xf32>
    %add3A_65 = arith.addf %add3A_24, %add3A_64 : vector<1x16384xf32>
    %div3A_66 = arith.constant 2.000000e+00 : f32
    %div3A_67 = vector.broadcast %div3A_66 : f32 to vector<1x16384xf32>
    %div3A_68 = arith.divf %add3A_65, %div3A_67 : vector<1x16384xf32>
    %mul3A_69 = arith.constant 2.550000e+02 : f32
    %mul3A_70 = vector.broadcast %mul3A_69 : f32 to vector<1x16384xf32>
    %mul3A_71 = arith.mulf %div3A_68, %mul3A_70 : vector<1x16384xf32>
    %reduce_min3A = vector.shape_cast %add3A_52 : vector<1x16384xf32> to vector<1x1x16384xf32>
    %reduce_min3A_72 = arith.constant dense<0x7F800000> : vector<1xf32>
    %reduce_min3A_73 = vector.multi_reduction <minimumf>, %reduce_min3A, %reduce_min3A_72 [1, 2] : vector<1x1x16384xf32> to vector<1xf32>
    %reduce_min3A_74 = vector.shape_cast %reduce_min3A_73 : vector<1xf32> to vector<1x1x1xf32>
    %reduce_min3A_75 = vector.extract %reduce_min3A_74[0, 0, 0] : f32 from vector<1x1x1xf32>
    %reduce_max3A = vector.shape_cast %add3A_52 : vector<1x16384xf32> to vector<1x1x16384xf32>
    %reduce_max3A_76 = arith.constant dense<0xFF800000> : vector<1xf32>
    %reduce_max3A_77 = vector.multi_reduction <maximumf>, %reduce_max3A, %reduce_max3A_76 [1, 2] : vector<1x1x16384xf32> to vector<1xf32>
    %reduce_max3A_78 = vector.shape_cast %reduce_max3A_77 : vector<1xf32> to vector<1x1x1xf32>
    %reduce_max3A_79 = vector.extract %reduce_max3A_78[0, 0, 0] : f32 from vector<1x1x1xf32>
    %sub3A = vector.broadcast %reduce_min3A_75 : f32 to vector<1x16384xf32>
    %sub3A_80 = arith.subf %add3A_52, %sub3A : vector<1x16384xf32>
    %sub3A_81 = arith.subf %reduce_max3A_79, %reduce_min3A_75 : f32
    %div3A_82 = vector.broadcast %sub3A_81 : f32 to vector<1x16384xf32>
    %div3A_83 = arith.divf %sub3A_80, %div3A_82 : vector<1x16384xf32>
    %sub3A_84 = arith.constant 1.000000e+00 : f32
    %sub3A_85 = vector.broadcast %sub3A_84 : f32 to vector<1x16384xf32>
    %sub3A_86 = arith.subf %sub3A_85, %div3A_83 : vector<1x16384xf32>
    %floor3A = math.floor %mul3A_62 : vector<1x16384xf32>
    %floor3A_87 = math.floor %mul3A_71 : vector<1x16384xf32>
    %sub3A_88 = arith.subf %mul3A_62, %floor3A : vector<1x16384xf32>
    %swap3A = arith.constant 0 : index
    %swap3A_89 = arith.constant 0 : index
    %swap3A_90 = vector.load %arg3[%swap3A, %swap3A_89] : memref<1x16384xf32, #tpu.memory_space<vmem>>, vector<1x16384xf32>
    tpu.vector_store %arg3[%swap3A, %swap3A_89], %sub3A_88 {strides = array<i32>} : memref<1x16384xf32, #tpu.memory_space<vmem>>, vector<1x16384xf32>,
    %sub3A_91 = arith.subf %mul3A_71, %floor3A_87 : vector<1x16384xf32>
    %swap3A_92 = arith.constant 0 : index
    %swap3A_93 = arith.constant 0 : index
    %swap3A_94 = vector.load %arg4[%swap3A_92, %swap3A_93] : memref<1x16384xf32, #tpu.memory_space<vmem>>, vector<1x16384xf32>
    tpu.vector_store %arg4[%swap3A_92, %swap3A_93], %sub3A_91 {strides = array<i32>} : memref<1x16384xf32, #tpu.memory_space<vmem>>, vector<1x16384xf32>,
    %swap3A_95 = arith.constant 0 : index
    %swap3A_96 = arith.constant 0 : index
    %swap3A_97 = vector.load %arg5[%swap3A_95, %swap3A_96] : memref<1x16384xf32, #tpu.memory_space<vmem>>, vector<1x16384xf32>
    tpu.vector_store %arg5[%swap3A_95, %swap3A_96], %sub3A_86 {strides = array<i32>} : memref<1x16384xf32, #tpu.memory_space<vmem>>, vector<1x16384xf32>,
    %convert_element_type3A_98 = arith.fptosi %floor3A : vector<1x16384xf32> to vector<1x16384xi32>
    %swap3A_99 = arith.constant 0 : index
    %swap3A_100 = arith.constant 0 : index
    %swap3A_101 = vector.load %arg1[%swap3A_99, %swap3A_100] : memref<1x16384xi32, #tpu.memory_space<vmem>>, vector<1x16384xi32>
    tpu.vector_store %arg1[%swap3A_99, %swap3A_100], %convert_element_type3A_98 {strides = array<i32>} : memref<1x16384xi32, #tpu.memory_space<vmem>>, vector<1x16384xi32>,
    %convert_element_type3A_102 = arith.fptosi %floor3A_87 : vector<1x16384xf32> to vector<1x16384xi32>
    %swap3A_103 = arith.constant 0 : index
    %swap3A_104 = arith.constant 0 : index
    %swap3A_105 = vector.load %arg2[%swap3A_103, %swap3A_104] : memref<1x16384xi32, #tpu.memory_space<vmem>>, vector<1x16384xi32>
    tpu.vector_store %arg2[%swap3A_103, %swap3A_104], %convert_element_type3A_102 {strides = array<i32>} : memref<1x16384xi32, #tpu.memory_space<vmem>>, vector<1x16384xi32>,
    return
  }
}

</mosaic_0001>

<sc_bundles>
// kernel: kernel.4.cloned.1.call-start
scs
__scs_entry_jumppad:
0x0: {  	(pc) =	sbr.rel $0x88, $3  }
0x1: {  	(tag) =	ssettag $0x0;
	lr =	simm.s32 $0x1  }
0x2: {  	[smem:$0x3FA0] =	sst lr;
	_ =	strace $0xD0000000  }
0x3: {  	_ = 	snop  }
0x4: {  	_ = 	snop  }
0x5: {  	_ = 	snop  }
0x6: {  	_ = 	snop  }
0x7: {  	_ = 	snop  }
__scs_overlays_trampoline_lowered:
0x8: {  	[smem:$0x3FAF] =	sst s0  }
0x9: {  	[smem:$0x3FB0] =	sst s1  }
0xa: {  	[smem:$0x3FB1] =	sst s2  }
0xb: {  	[smem:$0x3FB2] =	sst s3  }
0xc: {  	[smem:$0x3FB3] =	sst s4  }
0xd: {  	[smem:$0x3FB4] =	sst s5  }
0xe: {  	[smem:$0x3FB5] =	sst s6  }
0xf: {  	[smem:$0x3FB6] =	sst s7  }
0x10: {  	[smem:$0x3FB7] =	sst s8  }
0x11: {  	[smem:$0x3FB8] =	sst s9;
	s0 =	simm.s32 @!p0 $0x0  }
0x12: {  	s1 =	sld [smem:$0x3F9E];
	s0 =	simm.s32 @p0 $0x1  }
0x13: {  	[smem:$0x3FB9] =	sst s0;
	s0 =	simm.s32 @!p1 $0x0  }
0x14: {  	s2 =	sld [smem:$0x3F9D];
	s0 =	simm.s32 @p1 $0x1  }
0x15: {  	[smem:$0x3FBA] =	sst s0;
	s0 =	simm.s32 @!p2 $0x0  }
0x16: {  	s3 =	sld [smem:$0x3FDB];
	s0 =	simm.s32 @p2 $0x1  }
0x17: {  	s4 =	simm.s32 $0x1BF5;
	[smem:$0x3FBC] =	sst s0  }
0x18: {  	s0 =	sld [smem:$0x3F9F];
	_ =	swait.ge [sflag:s4], $0x0  }
0x19: {  	s7 =	sld [smem:$0x3FA0]  }
0x1a: {  	s8 =	sadd.s32 $0xFFFFE003, lr  }
0x1b: {  	s9 =	sadd.s32 $0xFFFFFEF7, lr;
	s5 =	simm.s32 $0xFFFFFFFF;
	p2 =	slt.u32 s8, $0xFFFFF086  }
0x1c: {  	p1 =	slt.u32 s9, $0xF7A;
	s5 =	simm.s32 @!p2 $0x0  }
0x1d: {  	s5 =	simm.s32 @p1 $0x1;
	p0 =	seq.s32 s7, s2  }
0x1e: {  	s7 =	smul.u32 @!p0 $0xF7A, s2;
	p2 =	seq.s32 @!p0 s5, $0x0  }
0x1f: {  	s9 =	smul.u32 $0xF7A, s1;
	s8 =	simm.s32 @!p0 $0x1BF5;
	p2 =	por !p2, p0  }
0x20: {  	[sflag:s8] =	ssyncset.s32 @!p0 $0xFFFFF086;
	s6 =	sadd.s32 @!p0 s3, s7;
	s7 =	simm.s32 @!p0 $0x108  }
0x21: {  	s3 =	sadd.s32 s3, s9;
	s6 =	sadd.s32 @!p0 $0x88, s6;
	s7 =	simm.s32 @p2 $0x1082  }
0x22: {  	[simem:s7], [sflag:s8] =	dma.local @!p0 [hbm:s6], $0xF7A  }
0x23: {  	s9 =	sor.u32 $0xD0000000, s2;
	s6 =	simm.s32 $0x108;
	_ =	swait.ge @!p0 [sflag:s8], $0x0  }
0x24: {  	s3 =	sadd.s32 $0x88, s3;
	s6 =	simm.s32 @!p1 $0x1082;
	[sflag:s4] =	ssyncset.s32 $0xFFFFF086  }
0x25: {  	[simem:s6], [sflag:s4] =	dma.local [hbm:s3], $0xF7A  }
0x26: {  	[smem:$0x3FA0] =	sst s1;
	(tag) =	ssettag s2;
	_ =	strace s9  }
0x27: {  	s1 =	sld [smem:$0x3FB0]  }
0x28: {  	s2 =	sld [smem:$0x3FB1]  }
0x29: {  	s4 =	sld [smem:$0x3FB3]  }
0x2a: {  	p0 =	seq.s32 s5, $0x0;
	s5 =	sld [smem:$0x3FB4]  }
0x2b: {  	s6 =	sld [smem:$0x3FB5]  }
0x2c: {  	s7 =	sld [smem:$0x3FB6]  }
0x2d: {  	s3 =	simm.s32 $0x108;
	s8 =	sld [smem:$0x3FB7]  }
0x2e: {  	s3 =	simm.s32 @!p0 $0x1082;
	s9 =	sld [smem:$0x3FB8]  }
0x2f: {  	lr =	sadd.s32 s0, s3;
	s0 =	sld [smem:$0x3FAF]  }
0x30: {  	s3 =	sld [smem:$0x3FB2]  }
0x31: {  	[smem:$0x3FBB] =	sst s10  }
0x32: {  	s10 =	sld [smem:$0x3FB9];
	_ =	sdelay $0x3  }
0x33: {  	p0 =	seq.s32 s10, $0x1;
	s10 =	sld [smem:$0x3FBB];
	_ =	sdelay $0x3  }
0x34: {  	[smem:$0x3FBB] =	sst s10  }
0x35: {  	s10 =	sld [smem:$0x3FBA];
	_ =	sdelay $0x3  }
0x36: {  	p1 =	seq.s32 s10, $0x1;
	s10 =	sld [smem:$0x3FBB];
	_ =	sdelay $0x3  }
0x37: {  	[smem:$0x3FBB] =	sst s10  }
0x38: {  	s10 =	sld [smem:$0x3FBC]  }
0x39: {  	_ = 	snop;
	(pc) =	sbr.ind lr, $3  }
0x3a: {  	_ = 	snop  }
0x3b: {  	_ = 	snop  }
0x3c: {  	p2 =	seq.s32 s10, $0x1;
	s10 =	sld [smem:$0x3FBB]  }
0x3d: {  	_ =	shalt  }
0x3e: {  	_ =	shalt  }
0x3f: {  	_ =	shalt  }
0x40: {  	_ =	shalt  }
0x41: {  	_ =	shalt  }
0x42: {  	_ =	shalt  }
0x43: {  	_ =	shalt  }
0x44: {  	_ =	shalt  }
0x45: {  	_ =	shalt  }
0x46: {  	_ =	shalt  }
0x47: {  	_ =	shalt  }
0x48: {  	_ =	shalt  }
0x49: {  	_ =	shalt  }
0x4a: {  	_ =	shalt  }
0x4b: {  	_ =	shalt  }
0x4c: {  	_ =	shalt  }
0x4d: {  	_ =	shalt  }
0x4e: {  	_ =	shalt  }
0x4f: {  	_ =	shalt  }
0x50: {  	_ =	shalt  }
0x51: {  	_ =	shalt  }
0x52: {  	_ =	shalt  }
0x53: {  	_ =	shalt  }
0x54: {  	_ =	shalt  }
0x55: {  	_ =	shalt  }
0x56: {  	_ =	shalt  }
0x57: {  	_ =	shalt  }
0x58: {  	_ =	shalt  }
0x59: {  	_ =	shalt  }
0x5a: {  	_ =	shalt  }
0x5b: {  	_ =	shalt  }
0x5c: {  	_ =	shalt  }
0x5d: {  	_ =	shalt  }
0x5e: {  	_ =	shalt  }
0x5f: {  	_ =	shalt  }
0x60: {  	_ =	shalt  }
0x61: {  	_ =	shalt  }
0x62: {  	_ =	shalt  }
0x63: {  	_ =	shalt  }
0x64: {  	_ =	shalt  }
0x65: {  	_ =	shalt  }
0x66: {  	_ =	shalt  }
0x67: {  	_ =	shalt  }
0x68: {  	_ =	shalt  }
0x69: {  	_ =	shalt  }
0x6a: {  	_ =	shalt  }
0x6b: {  	_ =	shalt  }
0x6c: {  	_ =	shalt  }
0x6d: {  	_ =	shalt  }
0x6e: {  	_ =	shalt  }
0x6f: {  	_ =	shalt  }
0x70: {  	_ =	shalt  }
0x71: {  	_ =	shalt  }
0x72: {  	_ =	shalt  }
0x73: {  	_ =	shalt  }
0x74: {  	_ =	shalt  }
0x75: {  	_ =	shalt  }
0x76: {  	_ =	shalt  }
0x77: {  	_ =	shalt  }
0x78: {  	_ =	shalt  }
0x79: {  	_ =	shalt  }
0x7a: {  	_ =	shalt  }
0x7b: {  	_ =	shalt  }
0x7c: {  	_ =	shalt  }
0x7d: {  	_ =	shalt  }
0x7e: {  	_ =	shalt  }
0x7f: {  	_ =	shalt  }
0x80: {  	_ =	shalt  }
0x81: {  	_ =	shalt  }
0x82: {  	_ =	shalt  }
0x83: {  	_ =	shalt  }
0x84: {  	_ =	shalt  }
0x85: {  	_ =	shalt  }
0x86: {  	_ =	shalt  }
0x87: {  	_ =	shalt  }
.Lfunc_end0:
.L_simem_size_0:
called_computation_lowered:
.L_overlay_start_0:
0x88: {  	s2 =	sld [smem:$0x3FD9]  }
0x89: {  	s3 =	sld [smem:$0x3FFE];
	_ =	sdelay $0x1  }
0x8a: {  	s1 =	srdreg.scid  }
0x8b: {  	s0 =	sand.u32 $0x1, s1  }
0x8c: {  	s17 =	sshll.u32 s0, $0xA;
	s2 =	sadd.s32 s3, s2  }
0x8d: {  	s2 =	sadd.s32 s2, s17  }
0x8e: {  	[smem:$0x3FC7] =	sst s2  }
0x8f: {  	_ = 	snop  }
0x90: {  	s2 =	sld [smem:$0x3FD0];
	(tm) =	ssettm $0x1  }
0x91: {  	s18 =	sld [smem:$0x3FFB];
	_ =	sdelay $0x3  }
0x92: {  	_ =	strace s18  }
0x93: {  	s3 =	sld [smem:$0x3FFC];
	_ =	sdelay $0x3  }
0x94: {  	_ =	strace s3  }
0x95: {  	s3 =	sld [smem:$0x3FFD];
	_ =	sdelay $0x3  }
0x96: {  	_ =	strace s3  }
0x97: {  	_ =	strace $0x8FFFFFFF  }
0x98: {  	s19 =	sld [smem:$0x3FDB];
	_ =	sdelay $0x1  }
0x99: {  	s4 =	simm.s32 $_scs_section_size  }
0x9a: {  	s5 =	simm.s32 $_size__tile_overlayer_lowered;
	s6 =	simm.s32 $_tile_overlayer_lowered  }
0x9b: {  	s22 =	simm.s32 $0x1BFF;
	s21 =	sshll.u32 s6, $0x1;
	s3 =	sadd.s32 s4, s19  }
0x9c: {  	s7 =	simm.s32 $0x0;
	s20 =	sshll.u32 s5, $0x1;
	s5 =	sadd.s32 s21, s3  }
0x9d: {  	[timem:s7], [sflag:s22] =	dma.local [hbm:s5], s20  }
0x9e: {  	_ =	swait.ge [sflag:s22], s20  }
0x9f: {  	s4 =	ssub.s32 $0x0, s20;
	[sflag:s22] =	ssyncset.done $0x0  }
0xa0: {  	[sflag:s22] =	ssyncadd.s32 s4;
	_ =	sdelay $0x1  }
0xa1: {  	s23 =	simm.s32 $0x1B8B  }
0xa2: {  	_ =	swait.ge [sflag:s23], $0x1  }
0xa3: {  	[sflag:s23] =	ssyncset.done $0x0  }
0xa4: {  	s25 =	simm.s32 $0x1B8E;
	s24 =	sld [smem:$0x3FFE];
	[sflag:s23] =	ssyncadd.s32 $0xFFFFFFFF  }
0xa5: {  	s26 =	simm.s32 $execute0_lowered;
	[smem:$0x3FD2] =	sst s25  }
0xa6: {  	s5 =	sshll.u32 s26, $0x1;
	_ =	strace $0x80000046;
	[dreg:$0x1] =	wrdreg $0xFFFFFFFF  }
0xa7: {  	s28 =	simm.s32 $_size_execute0_lowered;
	s3 =	sadd.s32 s3, s5;
	[dreg:$0x0] =	wrdreg $0x0  }
0xa8: {  	s5 =	sshll.u32 s28, $0x1;
	[dreg:$0x2] =	wrdreg s3  }
0xa9: {  	[dreg:$0x3] =	wrdreg s5  }
0xaa: {  	[dreg:$0x4] =	wrdreg $0xC0  }
0xab: {  	_ =	task [dreg:s7], $0x5FFFF  }
0xac: {  	[dreg:$0x1] =	wrdreg $0xFFFFFFFF  }
0xad: {  	[dreg:$0x0] =	wrdreg $0x60  }
0xae: {  	[dreg:$0x2] =	wrdreg s2  }
0xaf: {  	[dreg:$0x3] =	wrdreg s24  }
0xb0: {  	[dreg:$0x4] =	wrdreg $0x9  }
0xb1: {  	_ =	task.clear_ibuf [dreg:s7], $0x5FFFF;
	_ =	strace $0x90000046  }
0xb2: {  	s29 =	simm.s32 $0x9;
	_ =	strace $0x80000048  }
0xb3: {  	_ =	swait.ge [sflag:s29], $0x1  }
0xb4: {  	[sflag:s29] =	ssyncadd.s32 $0xFFFFFFFF  }
0xb5: {  	_ =	strace $0x90000048  }
0xb6: {  	_ =	sfence  }
0xb7: {  	s30 =	sld [smem:$0x0];
	_ =	sdelay $0x2  }
0xb8: {  	s31 =	sshll.u32 s1, $0xD;
	s1 =	sshrl.u32 s1, $0x2  }
0xb9: {  	s3 =	sand.u32 $0x4000, s31;
	s1 =	sadd.s32 s1, s30  }
0xba: {  	s0 =	sor.u32 s3, s0;
	s1 =	sshll.u32 s1, $0x11  }
0xbb: {  	s0 =	sor.u32 s1, s0  }
0xbc: {  	s0 =	sadd.s32 $0x8F2B, s0  }
0xbd: {  	[sflag:s0] =	ssyncadd.remote.s32 $0x1  }
0xbe: {  	_ =	sfence.sel $0xFFFF  }
0xbf: {  	[dreg:$0x0] =	wrdreg $0xFFFFFFFF;
	(pc) =	sbr.abs _section_cstart, $3  }
0xc0: {  	[dreg:$0x1] =	wrdreg $0xFFFFFFFF  }
0xc1: {  	_ =	task.clear_ibuf [dreg:s7], $0x2FFFF;
	_ =	strace $0x9FFFFFFF  }
0xc2: {  	(tm) =	ssettm $0x7FFFFFFF  }
0xc3: {  	_ =	shalt  }
tec
execute0_lowered:
.L_overlay_start_1:
0x0: {  	(tag) =	ssettag $0x1  }
0x1: {  	s0 =	rddreg [dreg:$0x0]  }
0x2: {  	s1 =	rddreg [dreg:$0x1];
	s2 =	srdreg.scid  }
0x3: {  	s10 =	stileid.u32;
	s28 =	simm.s32 $0x11E00;
	s29 =	simm.s32 $0x12080  }
0x4: {  	s30 =	simm.s32 $0x80;
	s31 =	simm.s32 $0x400;
	s3 =	sand.u32 $0x1, s2  }
0x5: {  	s2 =	simm.s32 $0x0;
	s7 =	sadd.s32 $0x3C00, s1;
	s15 =	sshll.u32 s10, $0x5  }
0x6: {  	s8 =	sshll.u32 s10, $0x11;
	s11 =	sadd.s32 $0x3A00, s1;
	s16 =	sadd.s32 $0x3800, s1  }
0x7: {  	s17 =	sadd.s32 $0x3600, s1;
	s18 =	sadd.s32 $0x3400, s1;
	[smem:$0x7FF] =	sst s2  }
0x8: {  	s22 =	sshll.u32 s10, $0x7;
	_ =	strace $0x80000047;
	[dreg:$0x3] =	wrdreg s7  }
0x9: {  	s4 =	sshll.u32 s3, $0x4;
	s9 =	sshll.u32 s3, $0x9;
	[dreg:$0x4] =	wrdreg s11  }
0xa: {  	s8 =	sand.u32 $0x60000, s8;
	s3 =	ssub.s32 $0x2, s3;
	[dreg:$0x5] =	wrdreg s16  }
0xb: {  	s23 =	sand.u32 $0x200, s22;
	s4 =	sor.u32 s10, s4;
	[dreg:$0x6] =	wrdreg s17  }
0xc: {  	s7 =	sand.u32 $0x180, s15;
	[dreg:$0x7] =	wrdreg s18;
	s19 =	sshrl.u32 s3, $0x1  }
0xd: {  	s25 =	sor.u32 s8, s23;
	s5 =	sshll.u32 s4, $0x6;
	s7 =	sor.u32 s9, s7  }
0xe: {  	s3 =	ssub.s32 s3, s19;
	s4 =	sshll.u32 s4, $0x10;
	s6 =	sadd.s32 s5, s1  }
0xf: {  	s7 =	sor.u32 s8, s7;
	s0 =	sadd.s32 s0, s5;
	s24 =	sand.u32 $0x180000, s4  }
0x10: {  	s19 =	smax.u32 s3, $0x1;
	s3 =	simm.s32 $0x0;
	s7 =	sshrl.u32 s7, $0x3  }
0x11: {  	[dreg:$0x8] =	wrdreg s0;
	s20 =	sadd.s32 $0x1400, s6;
	s21 =	sadd.s32 $0x1C00, s6  }
0x12: {  	s11 =	sadd.s32 $0x2400, s6;
	s12 =	sadd.s32 $0x2C00, s6;
	s0 =	sor.u32 s22, s4  }
0x13: {  	s8 =	sor.u32 s24, s8;
	s4 =	sor.u32 s24, s25;
	s22 =	simm.s32 $0x11180  }
0x14: {  	s24 =	simm.s32 $0x11680;
	s25 =	simm.s32 $0x11900;
	[dreg:$0x9] =	wrdreg s20  }
0x15: {  	s7 =	sadd.s32 s7, s1;
	s1 =	sadd.s32 $0x3E00, s1;
	[dreg:$0xa] =	wrdreg s21  }
0x16: {  	s0 =	sand.u32 $0x180380, s0;
	s5 =	sor.u32 s23, s8;
	s4 =	sshrl.u32 s4, $0x3  }
0x17: {  	s21 =	simm.s32 $0x1;
	s20 =	simm.s32 $0x10F00;
	s23 =	simm.s32 $0x11400  }
0x18: {  	s0 =	sshrl.u32 s0, $0x3;
	s26 =	sshrl.u32 s5, $0x3;
	s4 =	sadd.s32 s4, s1  }
0x19: {  	s18 =	sadd.s32 $0x43E00, s7;
	s13 =	sadd.s32 s1, s0;
	s14 =	sadd.s32 s1, s26  }
0x1a: {  	s15 =	sadd.s32 $0x10, s4;
	s16 =	sadd.s32 $0x20, s4;
	s17 =	sadd.s32 $0x30, s4  }
0x1b: {  	v0 =	vimm.f32 $0.0e+00;
	v1 =	vimm.s32 $0x0;
	s0 =	simm.s32 $0x10A00;
	s1 =	simm.s32 $0x10C80;
	s26 =	simm.s32 $0x11B80  }
.LBB2_1:
0x1c: {  	s4 =	rddreg [dreg:$0x8];
	s5 =	simm.s32 $0x10000  }
0x1d: {  	[tilespmem:s5], [sflag:$0x1] =	stream.linear.gather [hbm4b:s4+s2], $0x200, $0x38;
	[tilespmem:$0x12A80] =	vst v63  }
0x1e: {  	_ =	swait.ge [sflag:s21], $0x200  }
0x1f: {  	[sflag:s21] =	ssyncset.done $0x0  }
0x20: {  	s8 =	simm.s32 $0x10200;
	s7 =	rddreg [dreg:$0x9];
	[sflag:s21] =	ssyncadd.s32 $0xFFFFFE00  }
0x21: {  	[tilespmem:s8], [sflag:$0x1] =	stream.linear.gather [hbm4b:s7+s2], $0x200, $0x38;
	[tilespmem:$0x12A80] =	vst v63  }
0x22: {  	_ =	swait.ge [sflag:s21], $0x200  }
0x23: {  	[sflag:s21] =	ssyncset.done $0x0  }
0x24: {  	s10 =	simm.s32 $0x10400;
	s9 =	rddreg [dreg:$0xa];
	[sflag:s21] =	ssyncadd.s32 $0xFFFFFE00  }
0x25: {  	[tilespmem:s10], [sflag:$0x1] =	stream.linear.gather [hbm4b:s9+s2], $0x200, $0x38;
	[tilespmem:$0x12A80] =	vst v63  }
0x26: {  	_ =	swait.ge [sflag:s21], $0x200  }
0x27: {  	[sflag:s21] =	ssyncset.done $0x0  }
0x28: {  	s5 =	simm.s32 $0x10600;
	[sflag:s21] =	ssyncadd.s32 $0xFFFFFE00  }
0x29: {  	[tilespmem:s5], [sflag:$0x1] =	stream.linear.gather [hbm4b:s11+s2], $0x200, $0x38;
	[tilespmem:$0x12A80] =	vst v63  }
0x2a: {  	_ =	swait.ge [sflag:s21], $0x200  }
0x2b: {  	[sflag:s21] =	ssyncset.done $0x0  }
0x2c: {  	s6 =	simm.s32 $0x10800;
	[sflag:s21] =	ssyncadd.s32 $0xFFFFFE00  }
0x2d: {  	[tilespmem:s6], [sflag:$0x1] =	stream.linear.gather [hbm4b:s12+s2], $0x200, $0x38;
	[tilespmem:$0x12A80] =	vst v63  }
0x2e: {  	_ =	swait.ge [sflag:s21], $0x200  }
0x2f: {  	[sflag:s21] =	ssyncset.done $0x0  }
0x30: {  	s8 =	simm.s32 $0x12300;
	s7 =	rddreg [dreg:$0x3];
	[sflag:s21] =	ssyncadd.s32 $0xFFFFFE00  }
0x31: {  	[tilespmem:s8], [sflag:$0x1] =	stream.linear.gather [hbm4b:s7+s2], $0x180, $0x38;
	[tilespmem:$0x12A80] =	vst v63  }
0x32: {  	_ =	swait.ge [sflag:s21], $0x180  }
0x33: {  	[sflag:s21] =	ssyncset.done $0x0  }
0x34: {  	s10 =	simm.s32 $0x12480;
	s9 =	rddreg [dreg:$0x4];
	[sflag:s21] =	ssyncadd.s32 $0xFFFFFE80  }
0x35: {  	[tilespmem:s10], [sflag:$0x1] =	stream.linear.gather [hbm4b:s9+s2], $0x180, $0x38;
	[tilespmem:$0x12A80] =	vst v63  }
0x36: {  	_ =	swait.ge [sflag:s21], $0x180  }
0x37: {  	[sflag:s21] =	ssyncset.done $0x0  }
0x38: {  	s6 =	simm.s32 $0x12600;
	s5 =	rddreg [dreg:$0x5];
	[sflag:s21] =	ssyncadd.s32 $0xFFFFFE80  }
0x39: {  	[tilespmem:s6], [sflag:$0x1] =	stream.linear.gather [hbm4b:s5+s2], $0x180, $0x38;
	[tilespmem:$0x12A80] =	vst v63  }
0x3a: {  	_ =	swait.ge [sflag:s21], $0x180  }
0x3b: {  	[sflag:s21] =	ssyncset.done $0x0  }
0x3c: {  	s8 =	simm.s32 $0x12780;
	s7 =	rddreg [dreg:$0x6];
	[sflag:s21] =	ssyncadd.s32 $0xFFFFFE80  }
0x3d: {  	[tilespmem:s8], [sflag:$0x1] =	stream.linear.gather [hbm4b:s7+s2], $0x180, $0x38;
	[tilespmem:$0x12A80] =	vst v63  }
0x3e: {  	_ =	swait.ge [sflag:s21], $0x180  }
0x3f: {  	[sflag:s21] =	ssyncset.done $0x0  }
0x40: {  	s10 =	simm.s32 $0x12900;
	s9 =	rddreg [dreg:$0x7];
	[sflag:s21] =	ssyncadd.s32 $0xFFFFFE80  }
0x41: {  	[tilespmem:s10], [sflag:$0x1] =	stream.linear.gather [hbm4b:s9+s2], $0x180, $0x38;
	[tilespmem:$0x12A80] =	vst v63  }
0x42: {  	_ =	swait.ge [sflag:s21], $0x180  }
0x43: {  	[sflag:s21] =	ssyncset.done $0x0  }
0x44: {  	s4 =	simm.s32 $0x40;
	[sflag:s21] =	ssyncadd.s32 $0xFFFFFE80  }
0x45: {  	[tilespmem:s4+$0xFFFFFFC0] =	vst v0  }
0x46: {  	[tilespmem:s4+$0x30] =	vst v0  }
0x47: {  	[tilespmem:s4+$0x20] =	vst v0  }
0x48: {  	[tilespmem:s4+$0x10] =	vst v0  }
0x49: {  	[tilespmem:s4+$0x0] =	vst v0  }
0x4a: {  	[tilespmem:s4+$0xFFFFFFF0] =	vst v0  }
0x4b: {  	s5 =	simm.s32 $0x0;
	[tilespmem:s4+$0xFFFFFFE0] =	vst v0  }
.LBB2_2:
0x4c: {  	s5 =	sadd.s32 $0x80, s5;
	[tilespmem:s4+$0xFFFFFFD0] =	vst v0;
	s4 =	sadd.s32 $0x80, s4  }
0x4d: {  	[tilespmem:s4+$0xFFFFFFC0] =	vst v0;
	p0 =	slt.u32 s5, $0xFF80  }
0x4e: {  	[tilespmem:s4+$0x30] =	vst v0  }
.Ltmp0:
0x4f: {  	[tilespmem:s4+$0x20] =	vst v0;
	(pc) =	sbr.rel @p0 .LBB2_2-.Ltmp0, $4  }
0x50: {  	[tilespmem:s4+$0x10] =	vst v0  }
0x51: {  	[tilespmem:s4+$0x0] =	vst v0  }
0x52: {  	[tilespmem:s4+$0xFFFFFFF0] =	vst v0  }
0x53: {  	[tilespmem:s4+$0xFFFFFFE0] =	vst v0  }
0x54: {  	[tilespmem:s4+$0xFFFFFFD0] =	vst v0  }
0x55: {  	v2 =	vld [tilespmem:$0x10000]  }
0x56: {  	v3 =	vld [tilespmem:$0x10200];
	_ =	sdelay $0x4  }
0x57: {  	v4 =	vadd.s32 $0xFFFFFFF6, v2;
	v5 =	vadd.s32 $0xFFFFFFF6, v3  }
0x58: {  	vm0 =	vlt.u32 v4, $0xEB;
	vm1 =	vlt.u32 v5, $0xEB  }
0x59: {  	vm0 =	vmand vm0, vm1  }
0x5a: {  	v44 =	vsel vm0, $0x1, v1  }
0x5b: {  	v45 =	vadd.s32 $0xA, v2;
	v6 =	vadd.s32 $0xA, v3;
	(xrf0) =	vadd.scan.msk.s32 $0xffff, v44  }
0x5c: {  	vm8 =	vlt.u32 v45, $0x114;
	vm2 =	vlt.u32 v6, $0x114  }
0x5d: {  	vm1 =	vmand vm8, vm2;
	vm9 =	vmneg vm0  }
0x5e: {  	vm2 =	vmand vm1, vm9  }
0x5f: {  	v46 =	vsel vm2, $0x1, v1  }
0x60: {  	(xrf0) =	vadd.scan.msk.s32 $0xffff, v46  }
0x61: {  	v47, _, _ =	vpop (xrf0)  }
0x62: {  	v4 =	vsub.s32 v47, v44;
	_ =	sdelay $0x1  }
0x63: {  	v48 =	vld [tilespmem:$0x10400]  }
0x64: {  	v7 =	vld [tilespmem:$0x10600]  }
0x65: {  	v8 =	vld [tilespmem:$0x10800];
	v9, _, _ =	vpop (xrf0)  }
0x66: {  	v5 =	vsub.s32 v9, v46;
	[tilespmem:v4+s0+$0x0] =	vst.idx.msk vm0, v2  }
0x67: {  	[tilespmem:v4+s1+$0x0] =	vst.idx.msk vm0, v3  }
0x68: {  	[tilespmem:v4+s20+$0x0] =	vst.idx.msk vm0, v48  }
0x69: {  	[tilespmem:v4+s22+$0x0] =	vst.idx.msk vm0, v7  }
0x6a: {  	[tilespmem:v4+s23+$0x0] =	vst.idx.msk vm0, v8  }
0x6b: {  	[tilespmem:v5+s24+$0x0] =	vst.idx.msk vm2, v2  }
0x6c: {  	[tilespmem:v5+s25+$0x0] =	vst.idx.msk vm2, v3  }
0x6d: {  	[tilespmem:v5+s26+$0x0] =	vst.idx.msk vm2, v48  }
0x6e: {  	[tilespmem:v5+s28+$0x0] =	vst.idx.msk vm2, v7  }
0x6f: {  	[tilespmem:v5+s29+$0x0] =	vst.idx.msk vm2, v8  }
0x70: {  	v2 =	vld [tilespmem:$0x10010]  }
0x71: {  	v3 =	vld [tilespmem:$0x10210];
	_ =	sdelay $0x4  }
0x72: {  	v49 =	vadd.s32 $0xFFFFFFF6, v2;
	v50 =	vadd.s32 $0xFFFFFFF6, v3  }
0x73: {  	vm10 =	vlt.u32 v49, $0xEB;
	vm3 =	vlt.u32 v50, $0xEB  }
0x74: {  	vm1 =	vmand vm10, vm3  }
0x75: {  	v51 =	vsel vm1, $0x1, v1  }
0x76: {  	v52 =	vadd.s32 $0xA, v2;
	v53 =	vadd.s32 $0xA, v3;
	(xrf0) =	vadd.scan.msk.s32 $0xffff, v51  }
0x77: {  	vm11 =	vlt.u32 v52, $0x114;
	vm4 =	vlt.u32 v53, $0x114  }
0x78: {  	vm3 =	vmand vm11, vm4;
	vm12 =	vmneg vm1  }
0x79: {  	vm3 =	vmand vm3, vm12  }
0x7a: {  	v54 =	vmpcnt.ones.xlane vm0;
	v55 =	vsel vm3, $0x1, v1  }
0x7b: {  	v56 =	vsel vm1, $0xFFFFFFFF, v1;
	(xrf0) =	vadd.scan.msk.s32 $0xffff, v55  }
0x7c: {  	v6 =	vadd.s32 v56, v54;
	v57, _, _ =	vpop (xrf0)  }
0x7d: {  	v5 =	vadd.s32 v57, v6;
	_ =	sdelay $0x1  }
0x7e: {  	v58 =	vmpcnt.ones.xlane vm2;
	v7 =	vld [tilespmem:$0x10410]  }
0x7f: {  	v8 =	vld [tilespmem:$0x10610];
	v59 =	vsel vm3, $0xFFFFFFFF, v1  }
0x80: {  	v10 =	vld [tilespmem:$0x10810];
	v9 =	vadd.s32 v59, v58;
	v11, _, _ =	vpop (xrf0)  }
0x81: {  	v9 =	vadd.s32 v11, v9;
	[tilespmem:v5+s0+$0x0] =	vst.idx.msk vm1, v2  }
0x82: {  	[tilespmem:v5+s1+$0x0] =	vst.idx.msk vm1, v3  }
0x83: {  	[tilespmem:v5+s20+$0x0] =	vst.idx.msk vm1, v7  }
0x84: {  	[tilespmem:v5+s22+$0x0] =	vst.idx.msk vm1, v8  }
0x85: {  	[tilespmem:v5+s23+$0x0] =	vst.idx.msk vm1, v10  }
0x86: {  	[tilespmem:v9+s24+$0x0] =	vst.idx.msk vm3, v2  }
0x87: {  	[tilespmem:v9+s25+$0x0] =	vst.idx.msk vm3, v3  }
0x88: {  	[tilespmem:v9+s26+$0x0] =	vst.idx.msk vm3, v7  }
0x89: {  	[tilespmem:v9+s28+$0x0] =	vst.idx.msk vm3, v8  }
0x8a: {  	[tilespmem:v9+s29+$0x0] =	vst.idx.msk vm3, v10  }
0x8b: {  	v2 =	vld [tilespmem:$0x10020]  }
0x8c: {  	v3 =	vld [tilespmem:$0x10220];
	_ =	sdelay $0x4  }
0x8d: {  	v60 =	vadd.s32 $0xFFFFFFF6, v2;
	v61 =	vadd.s32 $0xFFFFFFF6, v3  }
0x8e: {  	vm13 =	vlt.u32 v60, $0xEB;
	vm14 =	vlt.u32 v61, $0xEB  }
0x8f: {  	vm0 =	vmand vm13, vm14  }
0x90: {  	v62 =	vsel vm0, $0x1, v1  }
0x91: {  	v63 =	vadd.s32 $0xA, v2;
	v12 =	vadd.s32 $0xA, v3;
	(xrf0) =	vadd.scan.msk.s32 $0xffff, v62  }
0x92: {  	vm15 =	vlt.u32 v63, $0x114;
	vm8 =	vlt.u32 v12, $0x114  }
0x93: {  	vm2 =	vmand vm15, vm8;
	vm9 =	vmneg vm0  }
0x94: {  	v13 =	vmpcnt.ones.xlane vm1;
	vm2 =	vmand vm2, vm9  }
0x95: {  	v14 =	vsel vm2, $0x1, v1  }
0x96: {  	v4 =	vadd.s32 v54, v13;
	v15 =	vsel vm0, $0xFFFFFFFF, v1;
	(xrf0) =	vadd.scan.msk.s32 $0xffff, v14  }
0x97: {  	v5 =	vadd.s32 v15, v4;
	v16, _, _ =	vpop (xrf0)  }
0x98: {  	v5 =	vadd.s32 v16, v5  }
0x99: {  	v17 =	vmpcnt.ones.xlane vm3  }
0x9a: {  	v18 =	vld [tilespmem:$0x10420]  }
0x9b: {  	v6 =	vadd.s32 v58, v17;
	v19 =	vld [tilespmem:$0x10620];
	v20 =	vsel vm2, $0xFFFFFFFF, v1  }
0x9c: {  	v10 =	vld [tilespmem:$0x10820];
	v9 =	vadd.s32 v20, v6;
	v21, _, _ =	vpop (xrf0)  }
0x9d: {  	v9 =	vadd.s32 v21, v9;
	[tilespmem:v5+s0+$0x0] =	vst.idx.msk vm0, v2  }
0x9e: {  	[tilespmem:v5+s1+$0x0] =	vst.idx.msk vm0, v3  }
0x9f: {  	[tilespmem:v5+s20+$0x0] =	vst.idx.msk vm0, v18  }
0xa0: {  	[tilespmem:v5+s22+$0x0] =	vst.idx.msk vm0, v19  }
0xa1: {  	[tilespmem:v5+s23+$0x0] =	vst.idx.msk vm0, v10  }
0xa2: {  	[tilespmem:v9+s24+$0x0] =	vst.idx.msk vm2, v2  }
0xa3: {  	[tilespmem:v9+s25+$0x0] =	vst.idx.msk vm2, v3  }
0xa4: {  	[tilespmem:v9+s26+$0x0] =	vst.idx.msk vm2, v18  }
0xa5: {  	[tilespmem:v9+s28+$0x0] =	vst.idx.msk vm2, v19  }
0xa6: {  	[tilespmem:v9+s29+$0x0] =	vst.idx.msk vm2, v10  }
0xa7: {  	v2 =	vld [tilespmem:$0x10030]  }
0xa8: {  	v3 =	vld [tilespmem:$0x10230];
	_ =	sdelay $0x4  }
0xa9: {  	v22 =	vadd.s32 $0xFFFFFFF6, v2;
	v23 =	vadd.s32 $0xFFFFFFF6, v3  }
0xaa: {  	vm10 =	vlt.u32 v22, $0xEB;
	vm11 =	vlt.u32 v23, $0xEB  }
0xab: {  	vm1 =	vmand vm10, vm11  }
0xac: {  	v24 =	vsel vm1, $0x1, v1  }
0xad: {  	v25 =	vadd.s32 $0xA, v2;
	v26 =	vadd.s32 $0xA, v3;
	(xrf0) =	vadd.scan.msk.s32 $0xffff, v24  }
0xae: {  	vm12 =	vlt.u32 v25, $0x114;
	vm13 =	vlt.u32 v26, $0x114  }
0xaf: {  	vm3 =	vmand vm12, vm13;
	vm14 =	vmneg vm1  }
0xb0: {  	v27 =	vmpcnt.ones.xlane vm0;
	vm15 =	vmand vm3, vm14  }
0xb1: {  	v28 =	vsel vm15, $0x1, v1  }
0xb2: {  	v4 =	vadd.s32 v4, v27;
	v29 =	vsel vm1, $0xFFFFFFFF, v1;
	(xrf0) =	vadd.scan.msk.s32 $0xffff, v28  }
0xb3: {  	v5 =	vadd.s32 v29, v4;
	v30, _, _ =	vpop (xrf0)  }
0xb4: {  	v5 =	vadd.s32 v30, v5  }
0xb5: {  	v31 =	vmpcnt.ones.xlane vm2  }
0xb6: {  	v32 =	vld [tilespmem:$0x10430]  }
0xb7: {  	v6 =	vadd.s32 v6, v31;
	v33 =	vld [tilespmem:$0x10630];
	v34 =	vsel vm15, $0xFFFFFFFF, v1  }
0xb8: {  	v10 =	vld [tilespmem:$0x10830];
	v9 =	vadd.s32 v34, v6;
	v35, _, _ =	vpop (xrf0)  }
0xb9: {  	v9 =	vadd.s32 v35, v9;
	[tilespmem:v5+s0+$0x0] =	vst.idx.msk vm1, v2  }
0xba: {  	[tilespmem:v5+s1+$0x0] =	vst.idx.msk vm1, v3  }
0xbb: {  	[tilespmem:v5+s20+$0x0] =	vst.idx.msk vm1, v32  }
0xbc: {  	[tilespmem:v5+s22+$0x0] =	vst.idx.msk vm1, v33  }
0xbd: {  	[tilespmem:v5+s23+$0x0] =	vst.idx.msk vm1, v10  }
0xbe: {  	[tilespmem:v9+s24+$0x0] =	vst.idx.msk vm15, v2  }
0xbf: {  	[tilespmem:v9+s25+$0x0] =	vst.idx.msk vm15, v3  }
0xc0: {  	[tilespmem:v9+s26+$0x0] =	vst.idx.msk vm15, v32  }
0xc1: {  	[tilespmem:v9+s28+$0x0] =	vst.idx.msk vm15, v33  }
0xc2: {  	[tilespmem:v9+s29+$0x0] =	vst.idx.msk vm15, v10  }
0xc3: {  	v2 =	vld [tilespmem:$0x10040]  }
0xc4: {  	v3 =	vld [tilespmem:$0x10240];
	_ =	sdelay $0x4  }
0xc5: {  	v36 =	vadd.s32 $0xFFFFFFF6, v2;
	v37 =	vadd.s32 $0xFFFFFFF6, v3  }
0xc6: {  	vm6 =	vlt.u32 v36, $0xEB;
	vm7 =	vlt.u32 v37, $0xEB  }
0xc7: {  	vm2 =	vmand vm6, vm7  }
0xc8: {  	v38 =	vsel vm2, $0x1, v1  }
0xc9: {  	v39 =	vadd.s32 $0xA, v2;
	v40 =	vadd.s32 $0xA, v3;
	(xrf0) =	vadd.scan.msk.s32 $0xffff, v38  }
0xca: {  	vm8 =	vlt.u32 v39, $0x114;
	vm9 =	vlt.u32 v40, $0x114  }
0xcb: {  	vm3 =	vmand vm8, vm9;
	vm10 =	vmneg vm2  }
0xcc: {  	v41 =	vmpcnt.ones.xlane vm1;
	vm3 =	vmand vm3, vm10  }
0xcd: {  	v42 =	vsel vm3, $0x1, v1  }
0xce: {  	v4 =	vadd.s32 v4, v41;
	v43 =	vsel vm2, $0xFFFFFFFF, v1;
	(xrf0) =	vadd.scan.msk.s32 $0xffff, v42  }
0xcf: {  	v5 =	vadd.s32 v43, v4;
	v44, _, _ =	vpop (xrf0)  }
0xd0: {  	v5 =	vadd.s32 v44, v5  }
0xd1: {  	v45 =	vmpcnt.ones.xlane vm15  }
0xd2: {  	v46 =	vld [tilespmem:$0x10440]  }
0xd3: {  	v6 =	vadd.s32 v6, v45;
	v47 =	vld [tilespmem:$0x10640];
	v48 =	vsel vm3, $0xFFFFFFFF, v1  }
0xd4: {  	v10 =	vld [tilespmem:$0x10840];
	v9 =	vadd.s32 v48, v6;
	v49, _, _ =	vpop (xrf0)  }
0xd5: {  	v9 =	vadd.s32 v49, v9;
	[tilespmem:v5+s0+$0x0] =	vst.idx.msk vm2, v2  }
0xd6: {  	[tilespmem:v5+s1+$0x0] =	vst.idx.msk vm2, v3  }
0xd7: {  	[tilespmem:v5+s20+$0x0] =	vst.idx.msk vm2, v46  }
0xd8: {  	[tilespmem:v5+s22+$0x0] =	vst.idx.msk vm2, v47  }
0xd9: {  	[tilespmem:v5+s23+$0x0] =	vst.idx.msk vm2, v10  }
0xda: {  	[tilespmem:v9+s24+$0x0] =	vst.idx.msk vm3, v2  }
0xdb: {  	[tilespmem:v9+s25+$0x0] =	vst.idx.msk vm3, v3  }
0xdc: {  	[tilespmem:v9+s26+$0x0] =	vst.idx.msk vm3, v46  }
0xdd: {  	[tilespmem:v9+s28+$0x0] =	vst.idx.msk vm3, v47  }
0xde: {  	[tilespmem:v9+s29+$0x0] =	vst.idx.msk vm3, v10  }
0xdf: {  	v2 =	vld [tilespmem:$0x10050]  }
0xe0: {  	v3 =	vld [tilespmem:$0x10250];
	_ =	sdelay $0x4  }
0xe1: {  	v50 =	vadd.s32 $0xFFFFFFF6, v2;
	v51 =	vadd.s32 $0xFFFFFFF6, v3  }
0xe2: {  	vm11 =	vlt.u32 v50, $0xEB;
	vm12 =	vlt.u32 v51, $0xEB  }
0xe3: {  	vm0 =	vmand vm11, vm12  }
0xe4: {  	v52 =	vsel vm0, $0x1, v1  }
0xe5: {  	v53 =	vadd.s32 $0xA, v2;
	v54 =	vadd.s32 $0xA, v3;
	(xrf0) =	vadd.scan.msk.s32 $0xffff, v52  }
0xe6: {  	vm13 =	vlt.u32 v53, $0x114;
	vm14 =	vlt.u32 v54, $0x114  }
0xe7: {  	vm1 =	vmand vm13, vm14;
	vm15 =	vmneg vm0  }
0xe8: {  	v55 =	vmpcnt.ones.xlane vm2;
	vm1 =	vmand vm1, vm15  }
0xe9: {  	v56 =	vsel vm1, $0x1, v1  }
0xea: {  	v4 =	vadd.s32 v4, v55;
	v57 =	vsel vm0, $0xFFFFFFFF, v1;
	(xrf0) =	vadd.scan.msk.s32 $0xffff, v56  }
0xeb: {  	v5 =	vadd.s32 v57, v4;
	v58, _, _ =	vpop (xrf0)  }
0xec: {  	v5 =	vadd.s32 v58, v5  }
0xed: {  	v59 =	vmpcnt.ones.xlane vm3  }
0xee: {  	v60 =	vld [tilespmem:$0x10450]  }
0xef: {  	v6 =	vadd.s32 v6, v59;
	v61 =	vld [tilespmem:$0x10650];
	v62 =	vsel vm1, $0xFFFFFFFF, v1  }
0xf0: {  	v10 =	vld [tilespmem:$0x10850];
	v9 =	vadd.s32 v62, v6;
	v63, _, _ =	vpop (xrf0)  }
0xf1: {  	v9 =	vadd.s32 v63, v9;
	[tilespmem:v5+s0+$0x0] =	vst.idx.msk vm0, v2  }
0xf2: {  	[tilespmem:v5+s1+$0x0] =	vst.idx.msk vm0, v3  }
0xf3: {  	[tilespmem:v5+s20+$0x0] =	vst.idx.msk vm0, v60  }
0xf4: {  	[tilespmem:v5+s22+$0x0] =	vst.idx.msk vm0, v61  }
0xf5: {  	[tilespmem:v5+s23+$0x0] =	vst.idx.msk vm0, v10  }
0xf6: {  	[tilespmem:v9+s24+$0x0] =	vst.idx.msk vm1, v2  }
0xf7: {  	[tilespmem:v9+s25+$0x0] =	vst.idx.msk vm1, v3  }
0xf8: {  	[tilespmem:v9+s26+$0x0] =	vst.idx.msk vm1, v60  }
0xf9: {  	[tilespmem:v9+s28+$0x0] =	vst.idx.msk vm1, v61  }
0xfa: {  	[tilespmem:v9+s29+$0x0] =	vst.idx.msk vm1, v10  }
0xfb: {  	v2 =	vld [tilespmem:$0x10060]  }
0xfc: {  	v3 =	vld [tilespmem:$0x10260];
	_ =	sdelay $0x4  }
0xfd: {  	v11 =	vadd.s32 $0xFFFFFFF6, v2;
	v12 =	vadd.s32 $0xFFFFFFF6, v3  }
0xfe: {  	vm8 =	vlt.u32 v11, $0xEB;
	vm9 =	vlt.u32 v12, $0xEB  }
0xff: {  	vm2 =	vmand vm8, vm9  }
0x100: {  	v14 =	vsel vm2, $0x1, v1  }
0x101: {  	v13 =	vld [tilespmem:$0x10460];
	v15 =	vadd.s32 $0xA, v2;
	v16 =	vadd.s32 $0xA, v3;
	(xrf0) =	vadd.scan.msk.s32 $0xffff, v14  }
0x102: {  	vm10 =	vlt.u32 v15, $0x114;
	vm11 =	vlt.u32 v16, $0x114  }
0x103: {  	vm3 =	vmand vm10, vm11;
	vm12 =	vmneg vm2  }
0x104: {  	v17 =	vmpcnt.ones.xlane vm0;
	vm3 =	vmand vm3, vm12  }
0x105: {  	v18 =	vsel vm3, $0x1, v1  }
0x106: {  	v4 =	vadd.s32 v4, v17;
	v19 =	vsel vm2, $0xFFFFFFFF, v1;
	(xrf0) =	vadd.scan.msk.s32 $0xffff, v18  }
0x107: {  	v7 =	vadd.s32 v19, v4;
	v20, _, _ =	vpop (xrf0)  }
0x108: {  	v7 =	vadd.s32 v20, v7  }
0x109: {  	v21 =	vmpcnt.ones.xlane vm1;
	_ =	sdelay $0x1  }
0x10a: {  	v6 =	vadd.s32 v6, v21;
	v22 =	vld [tilespmem:$0x10660];
	v23 =	vsel vm3, $0xFFFFFFFF, v1  }
0x10b: {  	v24 =	vld [tilespmem:$0x10860];
	v9 =	vadd.s32 v23, v6;
	v25, _, _ =	vpop (xrf0)  }
0x10c: {  	v9 =	vadd.s32 v25, v9;
	[tilespmem:v7+s0+$0x0] =	vst.idx.msk vm2, v2  }
0x10d: {  	[tilespmem:v7+s1+$0x0] =	vst.idx.msk vm2, v3  }
0x10e: {  	[tilespmem:v7+s20+$0x0] =	vst.idx.msk vm2, v13  }
0x10f: {  	[tilespmem:v7+s22+$0x0] =	vst.idx.msk vm2, v22  }
0x110: {  	[tilespmem:v7+s23+$0x0] =	vst.idx.msk vm2, v24  }
0x111: {  	[tilespmem:v9+s24+$0x0] =	vst.idx.msk vm3, v2  }
0x112: {  	[tilespmem:v9+s25+$0x0] =	vst.idx.msk vm3, v3  }
0x113: {  	[tilespmem:v9+s26+$0x0] =	vst.idx.msk vm3, v13  }
0x114: {  	[tilespmem:v9+s28+$0x0] =	vst.idx.msk vm3, v22  }
0x115: {  	[tilespmem:v9+s29+$0x0] =	vst.idx.msk vm3, v24  }
0x116: {  	v2 =	vld [tilespmem:$0x10070]  }
0x117: {  	v3 =	vld [tilespmem:$0x10270];
	_ =	sdelay $0x4  }
0x118: {  	v26 =	vadd.s32 $0xFFFFFFF6, v2;
	v27 =	vadd.s32 $0xFFFFFFF6, v3  }
0x119: {  	vm13 =	vlt.u32 v26, $0xEB;
	vm14 =	vlt.u32 v27, $0xEB  }
0x11a: {  	vm0 =	vmand vm13, vm14  }
0x11b: {  	v28 =	vsel vm0, $0x1, v1  }
0x11c: {  	v29 =	vadd.s32 $0xA, v2;
	v30 =	vadd.s32 $0xA, v3;
	(xrf0) =	vadd.scan.msk.s32 $0xffff, v28  }
0x11d: {  	vm15 =	vlt.u32 v29, $0x114;
	vm8 =	vlt.u32 v30, $0x114  }
0x11e: {  	vm1 =	vmand vm15, vm8;
	vm9 =	vmneg vm0  }
0x11f: {  	v31 =	vmpcnt.ones.xlane vm2;
	vm10 =	vmand vm1, vm9  }
0x120: {  	v32 =	vsel vm10, $0x1, v1  }
0x121: {  	v4 =	vadd.s32 v4, v31;
	v33 =	vsel vm0, $0xFFFFFFFF, v1;
	(xrf0) =	vadd.scan.msk.s32 $0xffff, v32  }
0x122: {  	v5 =	vadd.s32 v33, v4;
	v34, _, _ =	vpop (xrf0)  }
0x123: {  	v5 =	vadd.s32 v34, v5  }
0x124: {  	v35 =	vmpcnt.ones.xlane vm3  }
0x125: {  	v36 =	vld [tilespmem:$0x10470]  }
0x126: {  	v6 =	vadd.s32 v6, v35;
	v37 =	vld [tilespmem:$0x10670];
	v38 =	vsel vm10, $0xFFFFFFFF, v1  }
0x127: {  	v10 =	vld [tilespmem:$0x10870];
	v9 =	vadd.s32 v38, v6;
	v39, _, _ =	vpop (xrf0)  }
0x128: {  	v9 =	vadd.s32 v39, v9;
	[tilespmem:v5+s0+$0x0] =	vst.idx.msk vm0, v2  }
0x129: {  	[tilespmem:v5+s1+$0x0] =	vst.idx.msk vm0, v3  }
0x12a: {  	[tilespmem:v5+s20+$0x0] =	vst.idx.msk vm0, v36  }
0x12b: {  	[tilespmem:v5+s22+$0x0] =	vst.idx.msk vm0, v37  }
0x12c: {  	[tilespmem:v5+s23+$0x0] =	vst.idx.msk vm0, v10  }
0x12d: {  	[tilespmem:v9+s24+$0x0] =	vst.idx.msk vm10, v2  }
0x12e: {  	[tilespmem:v9+s25+$0x0] =	vst.idx.msk vm10, v3  }
0x12f: {  	[tilespmem:v9+s26+$0x0] =	vst.idx.msk vm10, v36  }
0x130: {  	[tilespmem:v9+s28+$0x0] =	vst.idx.msk vm10, v37  }
0x131: {  	[tilespmem:v9+s29+$0x0] =	vst.idx.msk vm10, v10  }
0x132: {  	v2 =	vld [tilespmem:$0x10080]  }
0x133: {  	v3 =	vld [tilespmem:$0x10280];
	_ =	sdelay $0x4  }
0x134: {  	v40 =	vadd.s32 $0xFFFFFFF6, v2;
	v41 =	vadd.s32 $0xFFFFFFF6, v3  }
0x135: {  	vm11 =	vlt.u32 v40, $0xEB;
	vm12 =	vlt.u32 v41, $0xEB  }
0x136: {  	vm1 =	vmand vm11, vm12  }
0x137: {  	v42 =	vsel vm1, $0x1, v1  }
0x138: {  	v43 =	vadd.s32 $0xA, v2;
	v44 =	vadd.s32 $0xA, v3;
	(xrf0) =	vadd.scan.msk.s32 $0xffff, v42  }
0x139: {  	vm13 =	vlt.u32 v43, $0x114;
	vm14 =	vlt.u32 v44, $0x114  }
0x13a: {  	vm3 =	vmand vm13, vm14;
	vm15 =	vmneg vm1  }
0x13b: {  	v45 =	vmpcnt.ones.xlane vm0;
	vm3 =	vmand vm3, vm15  }
0x13c: {  	v46 =	vsel vm3, $0x1, v1  }
0x13d: {  	v4 =	vadd.s32 v4, v45;
	v47 =	vsel vm1, $0xFFFFFFFF, v1;
	(xrf0) =	vadd.scan.msk.s32 $0xffff, v46  }
0x13e: {  	v5 =	vadd.s32 v47, v4;
	v48, _, _ =	vpop (xrf0)  }
0x13f: {  	v5 =	vadd.s32 v48, v5  }
0x140: {  	v49 =	vmpcnt.ones.xlane vm10  }
0x141: {  	v50 =	vld [tilespmem:$0x10480]  }
0x142: {  	v6 =	vadd.s32 v6, v49;
	v51 =	vld [tilespmem:$0x10680];
	v52 =	vsel vm3, $0xFFFFFFFF, v1  }
0x143: {  	v10 =	vld [tilespmem:$0x10880];
	v9 =	vadd.s32 v52, v6;
	v53, _, _ =	vpop (xrf0)  }
0x144: {  	v9 =	vadd.s32 v53, v9;
	[tilespmem:v5+s0+$0x0] =	vst.idx.msk vm1, v2  }
0x145: {  	[tilespmem:v5+s1+$0x0] =	vst.idx.msk vm1, v3  }
0x146: {  	[tilespmem:v5+s20+$0x0] =	vst.idx.msk vm1, v50  }
0x147: {  	[tilespmem:v5+s22+$0x0] =	vst.idx.msk vm1, v51  }
0x148: {  	[tilespmem:v5+s23+$0x0] =	vst.idx.msk vm1, v10  }
0x149: {  	[tilespmem:v9+s24+$0x0] =	vst.idx.msk vm3, v2  }
0x14a: {  	[tilespmem:v9+s25+$0x0] =	vst.idx.msk vm3, v3  }
0x14b: {  	[tilespmem:v9+s26+$0x0] =	vst.idx.msk vm3, v50  }
0x14c: {  	[tilespmem:v9+s28+$0x0] =	vst.idx.msk vm3, v51  }
0x14d: {  	[tilespmem:v9+s29+$0x0] =	vst.idx.msk vm3, v10  }
0x14e: {  	v2 =	vld [tilespmem:$0x10090]  }
0x14f: {  	v3 =	vld [tilespmem:$0x10290];
	_ =	sdelay $0x4  }
0x150: {  	v54 =	vadd.s32 $0xFFFFFFF6, v2;
	v55 =	vadd.s32 $0xFFFFFFF6, v3  }
0x151: {  	vm6 =	vlt.u32 v54, $0xEB;
	vm7 =	vlt.u32 v55, $0xEB  }
0x152: {  	vm0 =	vmand vm6, vm7  }
0x153: {  	v56 =	vsel vm0, $0x1, v1  }
0x154: {  	v57 =	vadd.s32 $0xA, v2;
	v58 =	vadd.s32 $0xA, v3;
	(xrf0) =	vadd.scan.msk.s32 $0xffff, v56  }
0x155: {  	vm8 =	vlt.u32 v57, $0x114;
	vm9 =	vlt.u32 v58, $0x114  }
0x156: {  	vm2 =	vmand vm8, vm9;
	vm10 =	vmneg vm0  }
0x157: {  	v59 =	vmpcnt.ones.xlane vm1;
	vm2 =	vmand vm2, vm10  }
0x158: {  	v60 =	vsel vm2, $0x1, v1  }
0x159: {  	v4 =	vadd.s32 v4, v59;
	v61 =	vsel vm0, $0xFFFFFFFF, v1;
	(xrf0) =	vadd.scan.msk.s32 $0xffff, v60  }
0x15a: {  	v5 =	vadd.s32 v61, v4;
	v62, _, _ =	vpop (xrf0)  }
0x15b: {  	v5 =	vadd.s32 v62, v5  }
0x15c: {  	v63 =	vmpcnt.ones.xlane vm3  }
0x15d: {  	v12 =	vld [tilespmem:$0x10490]  }
0x15e: {  	v6 =	vadd.s32 v6, v63;
	v13 =	vld [tilespmem:$0x10690];
	v14 =	vsel vm2, $0xFFFFFFFF, v1  }
0x15f: {  	v10 =	vld [tilespmem:$0x10890];
	v9 =	vadd.s32 v14, v6;
	v15, _, _ =	vpop (xrf0)  }
0x160: {  	v9 =	vadd.s32 v15, v9;
	[tilespmem:v5+s0+$0x0] =	vst.idx.msk vm0, v2  }
0x161: {  	[tilespmem:v5+s1+$0x0] =	vst.idx.msk vm0, v3  }
0x162: {  	[tilespmem:v5+s20+$0x0] =	vst.idx.msk vm0, v12  }
0x163: {  	[tilespmem:v5+s22+$0x0] =	vst.idx.msk vm0, v13  }
0x164: {  	[tilespmem:v5+s23+$0x0] =	vst.idx.msk vm0, v10  }
0x165: {  	[tilespmem:v9+s24+$0x0] =	vst.idx.msk vm2, v2  }
0x166: {  	[tilespmem:v9+s25+$0x0] =	vst.idx.msk vm2, v3  }
0x167: {  	[tilespmem:v9+s26+$0x0] =	vst.idx.msk vm2, v12  }
0x168: {  	[tilespmem:v9+s28+$0x0] =	vst.idx.msk vm2, v13  }
0x169: {  	[tilespmem:v9+s29+$0x0] =	vst.idx.msk vm2, v10  }
0x16a: {  	v2 =	vld [tilespmem:$0x100A0]  }
0x16b: {  	v3 =	vld [tilespmem:$0x102A0];
	_ =	sdelay $0x4  }
0x16c: {  	v16 =	vadd.s32 $0xFFFFFFF6, v2;
	v17 =	vadd.s32 $0xFFFFFFF6, v3  }
0x16d: {  	vm11 =	vlt.u32 v16, $0xEB;
	vm12 =	vlt.u32 v17, $0xEB  }
0x16e: {  	vm1 =	vmand vm11, vm12  }
0x16f: {  	v18 =	vsel vm1, $0x1, v1  }
0x170: {  	v19 =	vadd.s32 $0xA, v2;
	v20 =	vadd.s32 $0xA, v3;
	(xrf0) =	vadd.scan.msk.s32 $0xffff, v18  }
0x171: {  	vm13 =	vlt.u32 v19, $0x114;
	vm14 =	vlt.u32 v20, $0x114  }
0x172: {  	vm3 =	vmand vm13, vm14;
	vm15 =	vmneg vm1  }
0x173: {  	v21 =	vmpcnt.ones.xlane vm0;
	vm3 =	vmand vm3, vm15  }
0x174: {  	v22 =	vsel vm3, $0x1, v1  }
0x175: {  	v4 =	vadd.s32 v4, v21;
	v23 =	vsel vm1, $0xFFFFFFFF, v1;
	(xrf0) =	vadd.scan.msk.s32 $0xffff, v22  }
0x176: {  	v5 =	vadd.s32 v23, v4;
	v24, _, _ =	vpop (xrf0)  }
0x177: {  	v5 =	vadd.s32 v24, v5  }
0x178: {  	v25 =	vmpcnt.ones.xlane vm2  }
0x179: {  	v26 =	vld [tilespmem:$0x104A0]  }
0x17a: {  	v6 =	vadd.s32 v6, v25;
	v27 =	vld [tilespmem:$0x106A0];
	v28 =	vsel vm3, $0xFFFFFFFF, v1  }
0x17b: {  	v10 =	vld [tilespmem:$0x108A0];
	v9 =	vadd.s32 v28, v6;
	v29, _, _ =	vpop (xrf0)  }
0x17c: {  	v9 =	vadd.s32 v29, v9;
	[tilespmem:v5+s0+$0x0] =	vst.idx.msk vm1, v2  }
0x17d: {  	[tilespmem:v5+s1+$0x0] =	vst.idx.msk vm1, v3  }
0x17e: {  	[tilespmem:v5+s20+$0x0] =	vst.idx.msk vm1, v26  }
0x17f: {  	[tilespmem:v5+s22+$0x0] =	vst.idx.msk vm1, v27  }
0x180: {  	[tilespmem:v5+s23+$0x0] =	vst.idx.msk vm1, v10  }
0x181: {  	[tilespmem:v9+s24+$0x0] =	vst.idx.msk vm3, v2  }
0x182: {  	[tilespmem:v9+s25+$0x0] =	vst.idx.msk vm3, v3  }
0x183: {  	[tilespmem:v9+s26+$0x0] =	vst.idx.msk vm3, v26  }
0x184: {  	[tilespmem:v9+s28+$0x0] =	vst.idx.msk vm3, v27  }
0x185: {  	[tilespmem:v9+s29+$0x0] =	vst.idx.msk vm3, v10  }
0x186: {  	v2 =	vld [tilespmem:$0x100B0]  }
0x187: {  	v3 =	vld [tilespmem:$0x102B0];
	_ =	sdelay $0x4  }
0x188: {  	v30 =	vadd.s32 $0xFFFFFFF6, v2;
	v31 =	vadd.s32 $0xFFFFFFF6, v3  }
0x189: {  	vm6 =	vlt.u32 v30, $0xEB;
	vm7 =	vlt.u32 v31, $0xEB  }
0x18a: {  	vm0 =	vmand vm6, vm7  }
0x18b: {  	v32 =	vsel vm0, $0x1, v1  }
0x18c: {  	v33 =	vadd.s32 $0xA, v2;
	v34 =	vadd.s32 $0xA, v3;
	(xrf0) =	vadd.scan.msk.s32 $0xffff, v32  }
0x18d: {  	vm8 =	vlt.u32 v33, $0x114;
	vm9 =	vlt.u32 v34, $0x114  }
0x18e: {  	vm2 =	vmand vm8, vm9;
	vm10 =	vmneg vm0  }
0x18f: {  	v35 =	vmpcnt.ones.xlane vm1;
	vm2 =	vmand vm2, vm10  }
0x190: {  	v36 =	vsel vm2, $0x1, v1  }
0x191: {  	v4 =	vadd.s32 v4, v35;
	v37 =	vsel vm0, $0xFFFFFFFF, v1;
	(xrf0) =	vadd.scan.msk.s32 $0xffff, v36  }
0x192: {  	v5 =	vadd.s32 v37, v4;
	v38, _, _ =	vpop (xrf0)  }
0x193: {  	v5 =	vadd.s32 v38, v5  }
0x194: {  	v39 =	vmpcnt.ones.xlane vm3  }
0x195: {  	v40 =	vld [tilespmem:$0x104B0]  }
0x196: {  	v6 =	vadd.s32 v6, v39;
	v41 =	vld [tilespmem:$0x106B0];
	v42 =	vsel vm2, $0xFFFFFFFF, v1  }
0x197: {  	v10 =	vld [tilespmem:$0x108B0];
	v9 =	vadd.s32 v42, v6;
	v43, _, _ =	vpop (xrf0)  }
0x198: {  	v9 =	vadd.s32 v43, v9;
	[tilespmem:v5+s0+$0x0] =	vst.idx.msk vm0, v2  }
0x199: {  	[tilespmem:v5+s1+$0x0] =	vst.idx.msk vm0, v3  }
0x19a: {  	[tilespmem:v5+s20+$0x0] =	vst.idx.msk vm0, v40  }
0x19b: {  	[tilespmem:v5+s22+$0x0] =	vst.idx.msk vm0, v41  }
0x19c: {  	[tilespmem:v5+s23+$0x0] =	vst.idx.msk vm0, v10  }
0x19d: {  	[tilespmem:v9+s24+$0x0] =	vst.idx.msk vm2, v2  }
0x19e: {  	[tilespmem:v9+s25+$0x0] =	vst.idx.msk vm2, v3  }
0x19f: {  	[tilespmem:v9+s26+$0x0] =	vst.idx.msk vm2, v40  }
0x1a0: {  	[tilespmem:v9+s28+$0x0] =	vst.idx.msk vm2, v41  }
0x1a1: {  	[tilespmem:v9+s29+$0x0] =	vst.idx.msk vm2, v10  }
0x1a2: {  	v2 =	vld [tilespmem:$0x100C0]  }
0x1a3: {  	v3 =	vld [tilespmem:$0x102C0];
	_ =	sdelay $0x4  }
0x1a4: {  	v44 =	vadd.s32 $0xFFFFFFF6, v2;
	v45 =	vadd.s32 $0xFFFFFFF6, v3  }
0x1a5: {  	vm11 =	vlt.u32 v44, $0xEB;
	vm12 =	vlt.u32 v45, $0xEB  }
0x1a6: {  	vm1 =	vmand vm11, vm12  }
0x1a7: {  	v46 =	vsel vm1, $0x1, v1  }
0x1a8: {  	v47 =	vadd.s32 $0xA, v2;
	v48 =	vadd.s32 $0xA, v3;
	(xrf0) =	vadd.scan.msk.s32 $0xffff, v46  }
0x1a9: {  	vm13 =	vlt.u32 v47, $0x114;
	vm14 =	vlt.u32 v48, $0x114  }
0x1aa: {  	vm3 =	vmand vm13, vm14;
	vm15 =	vmneg vm1  }
0x1ab: {  	v49 =	vmpcnt.ones.xlane vm0;
	vm3 =	vmand vm3, vm15  }
0x1ac: {  	v50 =	vsel vm3, $0x1, v1  }
0x1ad: {  	v4 =	vadd.s32 v4, v49;
	v51 =	vsel vm1, $0xFFFFFFFF, v1;
	(xrf0) =	vadd.scan.msk.s32 $0xffff, v50  }
0x1ae: {  	v5 =	vadd.s32 v51, v4;
	v52, _, _ =	vpop (xrf0)  }
0x1af: {  	v5 =	vadd.s32 v52, v5  }
0x1b0: {  	v53 =	vmpcnt.ones.xlane vm2  }
0x1b1: {  	v54 =	vld [tilespmem:$0x104C0]  }
0x1b2: {  	v6 =	vadd.s32 v6, v53;
	v55 =	vld [tilespmem:$0x106C0];
	v56 =	vsel vm3, $0xFFFFFFFF, v1  }
0x1b3: {  	v10 =	vld [tilespmem:$0x108C0];
	v9 =	vadd.s32 v56, v6;
	v57, _, _ =	vpop (xrf0)  }
0x1b4: {  	v9 =	vadd.s32 v57, v9;
	[tilespmem:v5+s0+$0x0] =	vst.idx.msk vm1, v2  }
0x1b5: {  	[tilespmem:v5+s1+$0x0] =	vst.idx.msk vm1, v3  }
0x1b6: {  	[tilespmem:v5+s20+$0x0] =	vst.idx.msk vm1, v54  }
0x1b7: {  	[tilespmem:v5+s22+$0x0] =	vst.idx.msk vm1, v55  }
0x1b8: {  	[tilespmem:v5+s23+$0x0] =	vst.idx.msk vm1, v10  }
0x1b9: {  	[tilespmem:v9+s24+$0x0] =	vst.idx.msk vm3, v2  }
0x1ba: {  	[tilespmem:v9+s25+$0x0] =	vst.idx.msk vm3, v3  }
0x1bb: {  	[tilespmem:v9+s26+$0x0] =	vst.idx.msk vm3, v54  }
0x1bc: {  	[tilespmem:v9+s28+$0x0] =	vst.idx.msk vm3, v55  }
0x1bd: {  	[tilespmem:v9+s29+$0x0] =	vst.idx.msk vm3, v10  }
0x1be: {  	v2 =	vld [tilespmem:$0x100D0]  }
0x1bf: {  	v3 =	vld [tilespmem:$0x102D0];
	_ =	sdelay $0x4  }
0x1c0: {  	v58 =	vadd.s32 $0xFFFFFFF6, v2;
	v59 =	vadd.s32 $0xFFFFFFF6, v3  }
0x1c1: {  	vm6 =	vlt.u32 v58, $0xEB;
	vm7 =	vlt.u32 v59, $0xEB  }
0x1c2: {  	vm0 =	vmand vm6, vm7  }
0x1c3: {  	v60 =	vsel vm0, $0x1, v1  }
0x1c4: {  	v61 =	vadd.s32 $0xA, v2;
	v62 =	vadd.s32 $0xA, v3;
	(xrf0) =	vadd.scan.msk.s32 $0xffff, v60  }
0x1c5: {  	vm8 =	vlt.u32 v61, $0x114;
	vm9 =	vlt.u32 v62, $0x114  }
0x1c6: {  	vm2 =	vmand vm8, vm9;
	vm10 =	vmneg vm0  }
0x1c7: {  	v63 =	vmpcnt.ones.xlane vm1;
	vm2 =	vmand vm2, vm10  }
0x1c8: {  	v9 =	vsel vm2, $0x1, v1  }
0x1c9: {  	v4 =	vadd.s32 v4, v63;
	v10 =	vsel vm0, $0xFFFFFFFF, v1;
	(xrf0) =	vadd.scan.msk.s32 $0xffff, v9  }
0x1ca: {  	v5 =	vadd.s32 v10, v4;
	v11, _, _ =	vpop (xrf0)  }
0x1cb: {  	v5 =	vadd.s32 v11, v5  }
0x1cc: {  	v12 =	vmpcnt.ones.xlane vm3  }
0x1cd: {  	v13 =	vld [tilespmem:$0x104D0]  }
0x1ce: {  	v6 =	vadd.s32 v6, v12;
	v14 =	vld [tilespmem:$0x106D0];
	v15 =	vsel vm2, $0xFFFFFFFF, v1  }
0x1cf: {  	v10 =	vld [tilespmem:$0x108D0];
	v9 =	vadd.s32 v15, v6;
	v16, _, _ =	vpop (xrf0)  }
0x1d0: {  	v9 =	vadd.s32 v16, v9;
	[tilespmem:v5+s0+$0x0] =	vst.idx.msk vm0, v2  }
0x1d1: {  	[tilespmem:v5+s1+$0x0] =	vst.idx.msk vm0, v3  }
0x1d2: {  	[tilespmem:v5+s20+$0x0] =	vst.idx.msk vm0, v13  }
0x1d3: {  	[tilespmem:v5+s22+$0x0] =	vst.idx.msk vm0, v14  }
0x1d4: {  	[tilespmem:v5+s23+$0x0] =	vst.idx.msk vm0, v10  }
0x1d5: {  	[tilespmem:v9+s24+$0x0] =	vst.idx.msk vm2, v2  }
0x1d6: {  	[tilespmem:v9+s25+$0x0] =	vst.idx.msk vm2, v3  }
0x1d7: {  	[tilespmem:v9+s26+$0x0] =	vst.idx.msk vm2, v13  }
0x1d8: {  	[tilespmem:v9+s28+$0x0] =	vst.idx.msk vm2, v14  }
0x1d9: {  	[tilespmem:v9+s29+$0x0] =	vst.idx.msk vm2, v10  }
0x1da: {  	v2 =	vld [tilespmem:$0x100E0]  }
0x1db: {  	v3 =	vld [tilespmem:$0x102E0];
	_ =	sdelay $0x4  }
0x1dc: {  	v17 =	vadd.s32 $0xFFFFFFF6, v2;
	v18 =	vadd.s32 $0xFFFFFFF6, v3  }
0x1dd: {  	vm11 =	vlt.u32 v17, $0xEB;
	vm12 =	vlt.u32 v18, $0xEB  }
0x1de: {  	vm1 =	vmand vm11, vm12  }
0x1df: {  	v19 =	vsel vm1, $0x1, v1  }
0x1e0: {  	v20 =	vadd.s32 $0xA, v2;
	v21 =	vadd.s32 $0xA, v3;
	(xrf0) =	vadd.scan.msk.s32 $0xffff, v19  }
0x1e1: {  	vm13 =	vlt.u32 v20, $0x114;
	vm14 =	vlt.u32 v21, $0x114  }
0x1e2: {  	vm3 =	vmand vm13, vm14;
	vm15 =	vmneg vm1  }
0x1e3: {  	v22 =	vmpcnt.ones.xlane vm0;
	vm3 =	vmand vm3, vm15  }
0x1e4: {  	v23 =	vsel vm3, $0x1, v1  }
0x1e5: {  	v4 =	vadd.s32 v4, v22;
	v24 =	vsel vm1, $0xFFFFFFFF, v1;
	(xrf0) =	vadd.scan.msk.s32 $0xffff, v23  }
0x1e6: {  	v5 =	vadd.s32 v24, v4;
	v25, _, _ =	vpop (xrf0)  }
0x1e7: {  	v5 =	vadd.s32 v25, v5  }
0x1e8: {  	v26 =	vmpcnt.ones.xlane vm2  }
0x1e9: {  	v27 =	vld [tilespmem:$0x104E0]  }
0x1ea: {  	v6 =	vadd.s32 v6, v26;
	v28 =	vld [tilespmem:$0x106E0];
	v29 =	vsel vm3, $0xFFFFFFFF, v1  }
0x1eb: {  	v10 =	vld [tilespmem:$0x108E0];
	v9 =	vadd.s32 v29, v6;
	v30, _, _ =	vpop (xrf0)  }
0x1ec: {  	v9 =	vadd.s32 v30, v9;
	[tilespmem:v5+s0+$0x0] =	vst.idx.msk vm1, v2  }
0x1ed: {  	[tilespmem:v5+s1+$0x0] =	vst.idx.msk vm1, v3  }
0x1ee: {  	[tilespmem:v5+s20+$0x0] =	vst.idx.msk vm1, v27  }
0x1ef: {  	[tilespmem:v5+s22+$0x0] =	vst.idx.msk vm1, v28  }
0x1f0: {  	[tilespmem:v5+s23+$0x0] =	vst.idx.msk vm1, v10  }
0x1f1: {  	[tilespmem:v9+s24+$0x0] =	vst.idx.msk vm3, v2  }
0x1f2: {  	[tilespmem:v9+s25+$0x0] =	vst.idx.msk vm3, v3  }
0x1f3: {  	[tilespmem:v9+s26+$0x0] =	vst.idx.msk vm3, v27  }
0x1f4: {  	[tilespmem:v9+s28+$0x0] =	vst.idx.msk vm3, v28  }
0x1f5: {  	[tilespmem:v9+s29+$0x0] =	vst.idx.msk vm3, v10  }
0x1f6: {  	v2 =	vld [tilespmem:$0x100F0]  }
0x1f7: {  	v3 =	vld [tilespmem:$0x102F0];
	_ =	sdelay $0x4  }
0x1f8: {  	v31 =	vadd.s32 $0xFFFFFFF6, v2;
	v32 =	vadd.s32 $0xFFFFFFF6, v3  }
0x1f9: {  	vm6 =	vlt.u32 v31, $0xEB;
	vm7 =	vlt.u32 v32, $0xEB  }
0x1fa: {  	vm0 =	vmand vm6, vm7  }
0x1fb: {  	v33 =	vsel vm0, $0x1, v1  }
0x1fc: {  	v34 =	vadd.s32 $0xA, v2;
	v35 =	vadd.s32 $0xA, v3;
	(xrf0) =	vadd.scan.msk.s32 $0xffff, v33  }
0x1fd: {  	vm8 =	vlt.u32 v34, $0x114;
	vm9 =	vlt.u32 v35, $0x114  }
0x1fe: {  	vm2 =	vmand vm8, vm9;
	vm10 =	vmneg vm0  }
0x1ff: {  	v36 =	vmpcnt.ones.xlane vm1;
	vm2 =	vmand vm2, vm10  }
0x200: {  	v37 =	vsel vm2, $0x1, v1  }
0x201: {  	v4 =	vadd.s32 v4, v36;
	v38 =	vsel vm0, $0xFFFFFFFF, v1;
	(xrf0) =	vadd.scan.msk.s32 $0xffff, v37  }
0x202: {  	v5 =	vadd.s32 v38, v4;
	v39, _, _ =	vpop (xrf0)  }
0x203: {  	v5 =	vadd.s32 v39, v5  }
0x204: {  	v40 =	vmpcnt.ones.xlane vm3  }
0x205: {  	v41 =	vld [tilespmem:$0x104F0]  }
0x206: {  	v6 =	vadd.s32 v6, v40;
	v42 =	vld [tilespmem:$0x106F0];
	v43 =	vsel vm2, $0xFFFFFFFF, v1  }
0x207: {  	v10 =	vld [tilespmem:$0x108F0];
	v9 =	vadd.s32 v43, v6;
	v44, _, _ =	vpop (xrf0)  }
0x208: {  	v9 =	vadd.s32 v44, v9;
	[tilespmem:v5+s0+$0x0] =	vst.idx.msk vm0, v2  }
0x209: {  	[tilespmem:v5+s1+$0x0] =	vst.idx.msk vm0, v3  }
0x20a: {  	[tilespmem:v5+s20+$0x0] =	vst.idx.msk vm0, v41  }
0x20b: {  	[tilespmem:v5+s22+$0x0] =	vst.idx.msk vm0, v42  }
0x20c: {  	[tilespmem:v5+s23+$0x0] =	vst.idx.msk vm0, v10  }
0x20d: {  	[tilespmem:v9+s24+$0x0] =	vst.idx.msk vm2, v2  }
0x20e: {  	[tilespmem:v9+s25+$0x0] =	vst.idx.msk vm2, v3  }
0x20f: {  	[tilespmem:v9+s26+$0x0] =	vst.idx.msk vm2, v41  }
0x210: {  	[tilespmem:v9+s28+$0x0] =	vst.idx.msk vm2, v42  }
0x211: {  	[tilespmem:v9+s29+$0x0] =	vst.idx.msk vm2, v10  }
0x212: {  	v2 =	vld [tilespmem:$0x10100]  }
0x213: {  	v3 =	vld [tilespmem:$0x10300];
	_ =	sdelay $0x4  }
0x214: {  	v45 =	vadd.s32 $0xFFFFFFF6, v2;
	v46 =	vadd.s32 $0xFFFFFFF6, v3  }
0x215: {  	vm11 =	vlt.u32 v45, $0xEB;
	vm12 =	vlt.u32 v46, $0xEB  }
0x216: {  	vm1 =	vmand vm11, vm12  }
0x217: {  	v47 =	vsel vm1, $0x1, v1  }
0x218: {  	v48 =	vadd.s32 $0xA, v2;
	v49 =	vadd.s32 $0xA, v3;
	(xrf0) =	vadd.scan.msk.s32 $0xffff, v47  }
0x219: {  	vm13 =	vlt.u32 v48, $0x114;
	vm14 =	vlt.u32 v49, $0x114  }
0x21a: {  	vm3 =	vmand vm13, vm14;
	vm15 =	vmneg vm1  }
0x21b: {  	v50 =	vmpcnt.ones.xlane vm0;
	vm3 =	vmand vm3, vm15  }
0x21c: {  	v51 =	vsel vm3, $0x1, v1  }
0x21d: {  	v4 =	vadd.s32 v4, v50;
	v52 =	vsel vm1, $0xFFFFFFFF, v1;
	(xrf0) =	vadd.scan.msk.s32 $0xffff, v51  }
0x21e: {  	v5 =	vadd.s32 v52, v4;
	v53, _, _ =	vpop (xrf0)  }
0x21f: {  	v5 =	vadd.s32 v53, v5  }
0x220: {  	v54 =	vmpcnt.ones.xlane vm2  }
0x221: {  	v55 =	vld [tilespmem:$0x10500]  }
0x222: {  	v6 =	vadd.s32 v6, v54;
	v56 =	vld [tilespmem:$0x10700];
	v57 =	vsel vm3, $0xFFFFFFFF, v1  }
0x223: {  	v10 =	vld [tilespmem:$0x10900];
	v9 =	vadd.s32 v57, v6;
	v58, _, _ =	vpop (xrf0)  }
0x224: {  	v9 =	vadd.s32 v58, v9;
	[tilespmem:v5+s0+$0x0] =	vst.idx.msk vm1, v2  }
0x225: {  	[tilespmem:v5+s1+$0x0] =	vst.idx.msk vm1, v3  }
0x226: {  	[tilespmem:v5+s20+$0x0] =	vst.idx.msk vm1, v55  }
0x227: {  	[tilespmem:v5+s22+$0x0] =	vst.idx.msk vm1, v56  }
0x228: {  	[tilespmem:v5+s23+$0x0] =	vst.idx.msk vm1, v10  }
0x229: {  	[tilespmem:v9+s24+$0x0] =	vst.idx.msk vm3, v2  }
0x22a: {  	[tilespmem:v9+s25+$0x0] =	vst.idx.msk vm3, v3  }
0x22b: {  	[tilespmem:v9+s26+$0x0] =	vst.idx.msk vm3, v55  }
0x22c: {  	[tilespmem:v9+s28+$0x0] =	vst.idx.msk vm3, v56  }
0x22d: {  	[tilespmem:v9+s29+$0x0] =	vst.idx.msk vm3, v10  }
0x22e: {  	v2 =	vld [tilespmem:$0x10110]  }
0x22f: {  	v3 =	vld [tilespmem:$0x10310];
	_ =	sdelay $0x4  }
0x230: {  	v59 =	vadd.s32 $0xFFFFFFF6, v2;
	v60 =	vadd.s32 $0xFFFFFFF6, v3  }
0x231: {  	vm6 =	vlt.u32 v59, $0xEB;
	vm7 =	vlt.u32 v60, $0xEB  }
0x232: {  	vm0 =	vmand vm6, vm7  }
0x233: {  	v61 =	vsel vm0, $0x1, v1  }
0x234: {  	v62 =	vadd.s32 $0xA, v2;
	v63 =	vadd.s32 $0xA, v3;
	(xrf0) =	vadd.scan.msk.s32 $0xffff, v61  }
0x235: {  	vm8 =	vlt.u32 v62, $0x114;
	vm9 =	vlt.u32 v63, $0x114  }
0x236: {  	vm2 =	vmand vm8, vm9;
	vm10 =	vmneg vm0  }
0x237: {  	v9 =	vmpcnt.ones.xlane vm1;
	vm2 =	vmand vm2, vm10  }
0x238: {  	v10 =	vsel vm2, $0x1, v1  }
0x239: {  	v4 =	vadd.s32 v4, v9;
	v11 =	vsel vm0, $0xFFFFFFFF, v1;
	(xrf0) =	vadd.scan.msk.s32 $0xffff, v10  }
0x23a: {  	v5 =	vadd.s32 v11, v4;
	v12, _, _ =	vpop (xrf0)  }
0x23b: {  	v5 =	vadd.s32 v12, v5  }
0x23c: {  	v13 =	vmpcnt.ones.xlane vm3  }
0x23d: {  	v14 =	vld [tilespmem:$0x10510]  }
0x23e: {  	v6 =	vadd.s32 v6, v13;
	v15 =	vld [tilespmem:$0x10710];
	v16 =	vsel vm2, $0xFFFFFFFF, v1  }
0x23f: {  	v10 =	vld [tilespmem:$0x10910];
	v9 =	vadd.s32 v16, v6;
	v17, _, _ =	vpop (xrf0)  }
0x240: {  	v9 =	vadd.s32 v17, v9;
	[tilespmem:v5+s0+$0x0] =	vst.idx.msk vm0, v2  }
0x241: {  	[tilespmem:v5+s1+$0x0] =	vst.idx.msk vm0, v3  }
0x242: {  	[tilespmem:v5+s20+$0x0] =	vst.idx.msk vm0, v14  }
0x243: {  	[tilespmem:v5+s22+$0x0] =	vst.idx.msk vm0, v15  }
0x244: {  	[tilespmem:v5+s23+$0x0] =	vst.idx.msk vm0, v10  }
0x245: {  	[tilespmem:v9+s24+$0x0] =	vst.idx.msk vm2, v2  }
0x246: {  	[tilespmem:v9+s25+$0x0] =	vst.idx.msk vm2, v3  }
0x247: {  	[tilespmem:v9+s26+$0x0] =	vst.idx.msk vm2, v14  }
0x248: {  	[tilespmem:v9+s28+$0x0] =	vst.idx.msk vm2, v15  }
0x249: {  	[tilespmem:v9+s29+$0x0] =	vst.idx.msk vm2, v10  }
0x24a: {  	v2 =	vld [tilespmem:$0x10120]  }
0x24b: {  	v3 =	vld [tilespmem:$0x10320];
	_ =	sdelay $0x4  }
0x24c: {  	v18 =	vadd.s32 $0xFFFFFFF6, v2;
	v19 =	vadd.s32 $0xFFFFFFF6, v3  }
0x24d: {  	vm11 =	vlt.u32 v18, $0xEB;
	vm12 =	vlt.u32 v19, $0xEB  }
0x24e: {  	vm1 =	vmand vm11, vm12  }
0x24f: {  	v20 =	vsel vm1, $0x1, v1  }
0x250: {  	v21 =	vadd.s32 $0xA, v2;
	v22 =	vadd.s32 $0xA, v3;
	(xrf0) =	vadd.scan.msk.s32 $0xffff, v20  }
0x251: {  	vm13 =	vlt.u32 v21, $0x114;
	vm14 =	vlt.u32 v22, $0x114  }
0x252: {  	vm3 =	vmand vm13, vm14;
	vm15 =	vmneg vm1  }
0x253: {  	v23 =	vmpcnt.ones.xlane vm0;
	vm3 =	vmand vm3, vm15  }
0x254: {  	v24 =	vsel vm3, $0x1, v1  }
0x255: {  	v4 =	vadd.s32 v4, v23;
	v25 =	vsel vm1, $0xFFFFFFFF, v1;
	(xrf0) =	vadd.scan.msk.s32 $0xffff, v24  }
0x256: {  	v5 =	vadd.s32 v25, v4;
	v26, _, _ =	vpop (xrf0)  }
0x257: {  	v5 =	vadd.s32 v26, v5  }
0x258: {  	v27 =	vmpcnt.ones.xlane vm2  }
0x259: {  	v28 =	vld [tilespmem:$0x10520]  }
0x25a: {  	v6 =	vadd.s32 v6, v27;
	v29 =	vld [tilespmem:$0x10720];
	v30 =	vsel vm3, $0xFFFFFFFF, v1  }
0x25b: {  	v10 =	vld [tilespmem:$0x10920];
	v9 =	vadd.s32 v30, v6;
	v31, _, _ =	vpop (xrf0)  }
0x25c: {  	v9 =	vadd.s32 v31, v9;
	[tilespmem:v5+s0+$0x0] =	vst.idx.msk vm1, v2  }
0x25d: {  	[tilespmem:v5+s1+$0x0] =	vst.idx.msk vm1, v3  }
0x25e: {  	[tilespmem:v5+s20+$0x0] =	vst.idx.msk vm1, v28  }
0x25f: {  	[tilespmem:v5+s22+$0x0] =	vst.idx.msk vm1, v29  }
0x260: {  	[tilespmem:v5+s23+$0x0] =	vst.idx.msk vm1, v10  }
0x261: {  	[tilespmem:v9+s24+$0x0] =	vst.idx.msk vm3, v2  }
0x262: {  	[tilespmem:v9+s25+$0x0] =	vst.idx.msk vm3, v3  }
0x263: {  	[tilespmem:v9+s26+$0x0] =	vst.idx.msk vm3, v28  }
0x264: {  	[tilespmem:v9+s28+$0x0] =	vst.idx.msk vm3, v29  }
0x265: {  	[tilespmem:v9+s29+$0x0] =	vst.idx.msk vm3, v10  }
0x266: {  	v2 =	vld [tilespmem:$0x10130]  }
0x267: {  	v3 =	vld [tilespmem:$0x10330];
	_ =	sdelay $0x4  }
0x268: {  	v32 =	vadd.s32 $0xFFFFFFF6, v2;
	v33 =	vadd.s32 $0xFFFFFFF6, v3  }
0x269: {  	vm6 =	vlt.u32 v32, $0xEB;
	vm7 =	vlt.u32 v33, $0xEB  }
0x26a: {  	vm0 =	vmand vm6, vm7  }
0x26b: {  	v34 =	vsel vm0, $0x1, v1  }
0x26c: {  	v35 =	vadd.s32 $0xA, v2;
	v36 =	vadd.s32 $0xA, v3;
	(xrf0) =	vadd.scan.msk.s32 $0xffff, v34  }
0x26d: {  	vm8 =	vlt.u32 v35, $0x114;
	vm9 =	vlt.u32 v36, $0x114  }
0x26e: {  	vm2 =	vmand vm8, vm9;
	vm10 =	vmneg vm0  }
0x26f: {  	v37 =	vmpcnt.ones.xlane vm1;
	vm2 =	vmand vm2, vm10  }
0x270: {  	v38 =	vsel vm2, $0x1, v1  }
0x271: {  	v4 =	vadd.s32 v4, v37;
	v39 =	vsel vm0, $0xFFFFFFFF, v1;
	(xrf0) =	vadd.scan.msk.s32 $0xffff, v38  }
0x272: {  	v5 =	vadd.s32 v39, v4;
	v40, _, _ =	vpop (xrf0)  }
0x273: {  	v5 =	vadd.s32 v40, v5  }
0x274: {  	v41 =	vmpcnt.ones.xlane vm3  }
0x275: {  	v42 =	vld [tilespmem:$0x10530]  }
0x276: {  	v6 =	vadd.s32 v6, v41;
	v43 =	vld [tilespmem:$0x10730];
	v44 =	vsel vm2, $0xFFFFFFFF, v1  }
0x277: {  	v10 =	vld [tilespmem:$0x10930];
	v9 =	vadd.s32 v44, v6;
	v45, _, _ =	vpop (xrf0)  }
0x278: {  	v9 =	vadd.s32 v45, v9;
	[tilespmem:v5+s0+$0x0] =	vst.idx.msk vm0, v2  }
0x279: {  	[tilespmem:v5+s1+$0x0] =	vst.idx.msk vm0, v3  }
0x27a: {  	[tilespmem:v5+s20+$0x0] =	vst.idx.msk vm0, v42  }
0x27b: {  	[tilespmem:v5+s22+$0x0] =	vst.idx.msk vm0, v43  }
0x27c: {  	[tilespmem:v5+s23+$0x0] =	vst.idx.msk vm0, v10  }
0x27d: {  	[tilespmem:v9+s24+$0x0] =	vst.idx.msk vm2, v2  }
0x27e: {  	[tilespmem:v9+s25+$0x0] =	vst.idx.msk vm2, v3  }
0x27f: {  	[tilespmem:v9+s26+$0x0] =	vst.idx.msk vm2, v42  }
0x280: {  	[tilespmem:v9+s28+$0x0] =	vst.idx.msk vm2, v43  }
0x281: {  	[tilespmem:v9+s29+$0x0] =	vst.idx.msk vm2, v10  }
0x282: {  	v2 =	vld [tilespmem:$0x10140]  }
0x283: {  	v3 =	vld [tilespmem:$0x10340];
	_ =	sdelay $0x4  }
0x284: {  	v46 =	vadd.s32 $0xFFFFFFF6, v2;
	v47 =	vadd.s32 $0xFFFFFFF6, v3  }
0x285: {  	vm11 =	vlt.u32 v46, $0xEB;
	vm12 =	vlt.u32 v47, $0xEB  }
0x286: {  	vm1 =	vmand vm11, vm12  }
0x287: {  	v48 =	vsel vm1, $0x1, v1  }
0x288: {  	v49 =	vadd.s32 $0xA, v2;
	v50 =	vadd.s32 $0xA, v3;
	(xrf0) =	vadd.scan.msk.s32 $0xffff, v48  }
0x289: {  	vm13 =	vlt.u32 v49, $0x114;
	vm14 =	vlt.u32 v50, $0x114  }
0x28a: {  	vm3 =	vmand vm13, vm14;
	vm15 =	vmneg vm1  }
0x28b: {  	v51 =	vmpcnt.ones.xlane vm0;
	vm3 =	vmand vm3, vm15  }
0x28c: {  	v52 =	vsel vm3, $0x1, v1  }
0x28d: {  	v4 =	vadd.s32 v4, v51;
	v53 =	vsel vm1, $0xFFFFFFFF, v1;
	(xrf0) =	vadd.scan.msk.s32 $0xffff, v52  }
0x28e: {  	v5 =	vadd.s32 v53, v4;
	v54, _, _ =	vpop (xrf0)  }
0x28f: {  	v5 =	vadd.s32 v54, v5  }
0x290: {  	v55 =	vmpcnt.ones.xlane vm2  }
0x291: {  	v56 =	vld [tilespmem:$0x10540]  }
0x292: {  	v6 =	vadd.s32 v6, v55;
	v57 =	vld [tilespmem:$0x10740];
	v58 =	vsel vm3, $0xFFFFFFFF, v1  }
0x293: {  	v10 =	vld [tilespmem:$0x10940];
	v9 =	vadd.s32 v58, v6;
	v59, _, _ =	vpop (xrf0)  }
0x294: {  	v9 =	vadd.s32 v59, v9;
	[tilespmem:v5+s0+$0x0] =	vst.idx.msk vm1, v2  }
0x295: {  	[tilespmem:v5+s1+$0x0] =	vst.idx.msk vm1, v3  }
0x296: {  	[tilespmem:v5+s20+$0x0] =	vst.idx.msk vm1, v56  }
0x297: {  	[tilespmem:v5+s22+$0x0] =	vst.idx.msk vm1, v57  }
0x298: {  	[tilespmem:v5+s23+$0x0] =	vst.idx.msk vm1, v10  }
0x299: {  	[tilespmem:v9+s24+$0x0] =	vst.idx.msk vm3, v2  }
0x29a: {  	[tilespmem:v9+s25+$0x0] =	vst.idx.msk vm3, v3  }
0x29b: {  	[tilespmem:v9+s26+$0x0] =	vst.idx.msk vm3, v56  }
0x29c: {  	[tilespmem:v9+s28+$0x0] =	vst.idx.msk vm3, v57  }
0x29d: {  	[tilespmem:v9+s29+$0x0] =	vst.idx.msk vm3, v10  }
0x29e: {  	v2 =	vld [tilespmem:$0x10150]  }
0x29f: {  	v3 =	vld [tilespmem:$0x10350];
	_ =	sdelay $0x4  }
0x2a0: {  	v60 =	vadd.s32 $0xFFFFFFF6, v2;
	v61 =	vadd.s32 $0xFFFFFFF6, v3  }
0x2a1: {  	vm6 =	vlt.u32 v60, $0xEB;
	vm7 =	vlt.u32 v61, $0xEB  }
0x2a2: {  	vm0 =	vmand vm6, vm7  }
0x2a3: {  	v62 =	vsel vm0, $0x1, v1  }
0x2a4: {  	v63 =	vadd.s32 $0xA, v2;
	v12 =	vadd.s32 $0xA, v3;
	(xrf0) =	vadd.scan.msk.s32 $0xffff, v62  }
0x2a5: {  	vm8 =	vlt.u32 v63, $0x114;
	vm9 =	vlt.u32 v12, $0x114  }
0x2a6: {  	vm2 =	vmand vm8, vm9;
	vm10 =	vmneg vm0  }
0x2a7: {  	v13 =	vmpcnt.ones.xlane vm1;
	vm2 =	vmand vm2, vm10  }
0x2a8: {  	v14 =	vsel vm2, $0x1, v1  }
0x2a9: {  	v4 =	vadd.s32 v4, v13;
	v15 =	vsel vm0, $0xFFFFFFFF, v1;
	(xrf0) =	vadd.scan.msk.s32 $0xffff, v14  }
0x2aa: {  	v5 =	vadd.s32 v15, v4;
	v16, _, _ =	vpop (xrf0)  }
0x2ab: {  	v5 =	vadd.s32 v16, v5  }
0x2ac: {  	v17 =	vmpcnt.ones.xlane vm3  }
0x2ad: {  	v18 =	vld [tilespmem:$0x10550]  }
0x2ae: {  	v6 =	vadd.s32 v6, v17;
	v19 =	vld [tilespmem:$0x10750];
	v20 =	vsel vm2, $0xFFFFFFFF, v1  }
0x2af: {  	v10 =	vld [tilespmem:$0x10950];
	v9 =	vadd.s32 v20, v6;
	v21, _, _ =	vpop (xrf0)  }
0x2b0: {  	v9 =	vadd.s32 v21, v9;
	[tilespmem:v5+s0+$0x0] =	vst.idx.msk vm0, v2  }
0x2b1: {  	[tilespmem:v5+s1+$0x0] =	vst.idx.msk vm0, v3  }
0x2b2: {  	[tilespmem:v5+s20+$0x0] =	vst.idx.msk vm0, v18  }
0x2b3: {  	[tilespmem:v5+s22+$0x0] =	vst.idx.msk vm0, v19  }
0x2b4: {  	[tilespmem:v5+s23+$0x0] =	vst.idx.msk vm0, v10  }
0x2b5: {  	[tilespmem:v9+s24+$0x0] =	vst.idx.msk vm2, v2  }
0x2b6: {  	[tilespmem:v9+s25+$0x0] =	vst.idx.msk vm2, v3  }
0x2b7: {  	[tilespmem:v9+s26+$0x0] =	vst.idx.msk vm2, v18  }
0x2b8: {  	[tilespmem:v9+s28+$0x0] =	vst.idx.msk vm2, v19  }
0x2b9: {  	[tilespmem:v9+s29+$0x0] =	vst.idx.msk vm2, v10  }
0x2ba: {  	v2 =	vld [tilespmem:$0x10160]  }
0x2bb: {  	v3 =	vld [tilespmem:$0x10360];
	_ =	sdelay $0x4  }
0x2bc: {  	v22 =	vadd.s32 $0xFFFFFFF6, v2;
	v23 =	vadd.s32 $0xFFFFFFF6, v3  }
0x2bd: {  	vm11 =	vlt.u32 v22, $0xEB;
	vm12 =	vlt.u32 v23, $0xEB  }
0x2be: {  	vm1 =	vmand vm11, vm12  }
0x2bf: {  	v24 =	vsel vm1, $0x1, v1  }
0x2c0: {  	v25 =	vadd.s32 $0xA, v2;
	v26 =	vadd.s32 $0xA, v3;
	(xrf0) =	vadd.scan.msk.s32 $0xffff, v24  }
0x2c1: {  	vm13 =	vlt.u32 v25, $0x114;
	vm14 =	vlt.u32 v26, $0x114  }
0x2c2: {  	vm3 =	vmand vm13, vm14;
	vm15 =	vmneg vm1  }
0x2c3: {  	v27 =	vmpcnt.ones.xlane vm0;
	vm3 =	vmand vm3, vm15  }
0x2c4: {  	v28 =	vsel vm3, $0x1, v1  }
0x2c5: {  	v4 =	vadd.s32 v4, v27;
	v29 =	vsel vm1, $0xFFFFFFFF, v1;
	(xrf0) =	vadd.scan.msk.s32 $0xffff, v28  }
0x2c6: {  	v5 =	vadd.s32 v29, v4;
	v30, _, _ =	vpop (xrf0)  }
0x2c7: {  	v5 =	vadd.s32 v30, v5  }
0x2c8: {  	v31 =	vmpcnt.ones.xlane vm2  }
0x2c9: {  	v32 =	vld [tilespmem:$0x10560]  }
0x2ca: {  	v6 =	vadd.s32 v6, v31;
	v33 =	vld [tilespmem:$0x10760];
	v34 =	vsel vm3, $0xFFFFFFFF, v1  }
0x2cb: {  	v10 =	vld [tilespmem:$0x10960];
	v9 =	vadd.s32 v34, v6;
	v35, _, _ =	vpop (xrf0)  }
0x2cc: {  	v9 =	vadd.s32 v35, v9;
	[tilespmem:v5+s0+$0x0] =	vst.idx.msk vm1, v2  }
0x2cd: {  	[tilespmem:v5+s1+$0x0] =	vst.idx.msk vm1, v3  }
0x2ce: {  	[tilespmem:v5+s20+$0x0] =	vst.idx.msk vm1, v32  }
0x2cf: {  	[tilespmem:v5+s22+$0x0] =	vst.idx.msk vm1, v33  }
0x2d0: {  	[tilespmem:v5+s23+$0x0] =	vst.idx.msk vm1, v10  }
0x2d1: {  	[tilespmem:v9+s24+$0x0] =	vst.idx.msk vm3, v2  }
0x2d2: {  	[tilespmem:v9+s25+$0x0] =	vst.idx.msk vm3, v3  }
0x2d3: {  	[tilespmem:v9+s26+$0x0] =	vst.idx.msk vm3, v32  }
0x2d4: {  	[tilespmem:v9+s28+$0x0] =	vst.idx.msk vm3, v33  }
0x2d5: {  	[tilespmem:v9+s29+$0x0] =	vst.idx.msk vm3, v10  }
0x2d6: {  	v2 =	vld [tilespmem:$0x10170]  }
0x2d7: {  	v3 =	vld [tilespmem:$0x10370];
	_ =	sdelay $0x4  }
0x2d8: {  	v36 =	vadd.s32 $0xFFFFFFF6, v2;
	v37 =	vadd.s32 $0xFFFFFFF6, v3  }
0x2d9: {  	vm6 =	vlt.u32 v36, $0xEB;
	vm7 =	vlt.u32 v37, $0xEB  }
0x2da: {  	vm0 =	vmand vm6, vm7  }
0x2db: {  	v38 =	vsel vm0, $0x1, v1  }
0x2dc: {  	v39 =	vadd.s32 $0xA, v2;
	v40 =	vadd.s32 $0xA, v3;
	(xrf0) =	vadd.scan.msk.s32 $0xffff, v38  }
0x2dd: {  	vm8 =	vlt.u32 v39, $0x114;
	vm9 =	vlt.u32 v40, $0x114  }
0x2de: {  	vm2 =	vmand vm8, vm9;
	vm10 =	vmneg vm0  }
0x2df: {  	v41 =	vmpcnt.ones.xlane vm1;
	vm2 =	vmand vm2, vm10  }
0x2e0: {  	v42 =	vsel vm2, $0x1, v1  }
0x2e1: {  	v4 =	vadd.s32 v4, v41;
	v43 =	vsel vm0, $0xFFFFFFFF, v1;
	(xrf0) =	vadd.scan.msk.s32 $0xffff, v42  }
0x2e2: {  	v5 =	vadd.s32 v43, v4;
	v44, _, _ =	vpop (xrf0)  }
0x2e3: {  	v5 =	vadd.s32 v44, v5  }
0x2e4: {  	v45 =	vmpcnt.ones.xlane vm3  }
0x2e5: {  	v46 =	vld [tilespmem:$0x10570]  }
0x2e6: {  	v6 =	vadd.s32 v6, v45;
	v47 =	vld [tilespmem:$0x10770];
	v48 =	vsel vm2, $0xFFFFFFFF, v1  }
0x2e7: {  	v10 =	vld [tilespmem:$0x10970];
	v9 =	vadd.s32 v48, v6;
	v49, _, _ =	vpop (xrf0)  }
0x2e8: {  	v9 =	vadd.s32 v49, v9;
	[tilespmem:v5+s0+$0x0] =	vst.idx.msk vm0, v2  }
0x2e9: {  	[tilespmem:v5+s1+$0x0] =	vst.idx.msk vm0, v3  }
0x2ea: {  	[tilespmem:v5+s20+$0x0] =	vst.idx.msk vm0, v46  }
0x2eb: {  	[tilespmem:v5+s22+$0x0] =	vst.idx.msk vm0, v47  }
0x2ec: {  	[tilespmem:v5+s23+$0x0] =	vst.idx.msk vm0, v10  }
0x2ed: {  	[tilespmem:v9+s24+$0x0] =	vst.idx.msk vm2, v2  }
0x2ee: {  	[tilespmem:v9+s25+$0x0] =	vst.idx.msk vm2, v3  }
0x2ef: {  	[tilespmem:v9+s26+$0x0] =	vst.idx.msk vm2, v46  }
0x2f0: {  	[tilespmem:v9+s28+$0x0] =	vst.idx.msk vm2, v47  }
0x2f1: {  	[tilespmem:v9+s29+$0x0] =	vst.idx.msk vm2, v10  }
0x2f2: {  	v2 =	vld [tilespmem:$0x10180]  }
0x2f3: {  	v3 =	vld [tilespmem:$0x10380];
	_ =	sdelay $0x4  }
0x2f4: {  	v50 =	vadd.s32 $0xFFFFFFF6, v2;
	v51 =	vadd.s32 $0xFFFFFFF6, v3  }
0x2f5: {  	vm11 =	vlt.u32 v50, $0xEB;
	vm12 =	vlt.u32 v51, $0xEB  }
0x2f6: {  	vm1 =	vmand vm11, vm12  }
0x2f7: {  	v52 =	vsel vm1, $0x1, v1  }
0x2f8: {  	v53 =	vadd.s32 $0xA, v2;
	v54 =	vadd.s32 $0xA, v3;
	(xrf0) =	vadd.scan.msk.s32 $0xffff, v52  }
0x2f9: {  	vm13 =	vlt.u32 v53, $0x114;
	vm14 =	vlt.u32 v54, $0x114  }
0x2fa: {  	vm3 =	vmand vm13, vm14;
	vm15 =	vmneg vm1  }
0x2fb: {  	v55 =	vmpcnt.ones.xlane vm0;
	vm3 =	vmand vm3, vm15  }
0x2fc: {  	v56 =	vsel vm3, $0x1, v1  }
0x2fd: {  	v4 =	vadd.s32 v4, v55;
	v57 =	vsel vm1, $0xFFFFFFFF, v1;
	(xrf0) =	vadd.scan.msk.s32 $0xffff, v56  }
0x2fe: {  	v5 =	vadd.s32 v57, v4;
	v58, _, _ =	vpop (xrf0)  }
0x2ff: {  	v5 =	vadd.s32 v58, v5  }
0x300: {  	v59 =	vmpcnt.ones.xlane vm2  }
0x301: {  	v60 =	vld [tilespmem:$0x10580]  }
0x302: {  	v6 =	vadd.s32 v6, v59;
	v61 =	vld [tilespmem:$0x10780];
	v62 =	vsel vm3, $0xFFFFFFFF, v1  }
0x303: {  	v10 =	vld [tilespmem:$0x10980];
	v9 =	vadd.s32 v62, v6;
	v63, _, _ =	vpop (xrf0)  }
0x304: {  	v9 =	vadd.s32 v63, v9;
	[tilespmem:v5+s0+$0x0] =	vst.idx.msk vm1, v2  }
0x305: {  	[tilespmem:v5+s1+$0x0] =	vst.idx.msk vm1, v3  }
0x306: {  	[tilespmem:v5+s20+$0x0] =	vst.idx.msk vm1, v60  }
0x307: {  	[tilespmem:v5+s22+$0x0] =	vst.idx.msk vm1, v61  }
0x308: {  	[tilespmem:v5+s23+$0x0] =	vst.idx.msk vm1, v10  }
0x309: {  	[tilespmem:v9+s24+$0x0] =	vst.idx.msk vm3, v2  }
0x30a: {  	[tilespmem:v9+s25+$0x0] =	vst.idx.msk vm3, v3  }
0x30b: {  	[tilespmem:v9+s26+$0x0] =	vst.idx.msk vm3, v60  }
0x30c: {  	[tilespmem:v9+s28+$0x0] =	vst.idx.msk vm3, v61  }
0x30d: {  	[tilespmem:v9+s29+$0x0] =	vst.idx.msk vm3, v10  }
0x30e: {  	v2 =	vld [tilespmem:$0x10190]  }
0x30f: {  	v3 =	vld [tilespmem:$0x10390];
	_ =	sdelay $0x4  }
0x310: {  	v11 =	vadd.s32 $0xFFFFFFF6, v2;
	v12 =	vadd.s32 $0xFFFFFFF6, v3  }
0x311: {  	vm6 =	vlt.u32 v11, $0xEB;
	vm7 =	vlt.u32 v12, $0xEB  }
0x312: {  	vm0 =	vmand vm6, vm7  }
0x313: {  	v13 =	vsel vm0, $0x1, v1  }
0x314: {  	v14 =	vadd.s32 $0xA, v2;
	v15 =	vadd.s32 $0xA, v3;
	(xrf0) =	vadd.scan.msk.s32 $0xffff, v13  }
0x315: {  	vm8 =	vlt.u32 v14, $0x114;
	vm9 =	vlt.u32 v15, $0x114  }
0x316: {  	vm2 =	vmand vm8, vm9;
	vm10 =	vmneg vm0  }
0x317: {  	v16 =	vmpcnt.ones.xlane vm1;
	vm2 =	vmand vm2, vm10  }
0x318: {  	v17 =	vsel vm2, $0x1, v1  }
0x319: {  	v4 =	vadd.s32 v4, v16;
	v18 =	vsel vm0, $0xFFFFFFFF, v1;
	(xrf0) =	vadd.scan.msk.s32 $0xffff, v17  }
0x31a: {  	v5 =	vadd.s32 v18, v4;
	v19, _, _ =	vpop (xrf0)  }
0x31b: {  	v5 =	vadd.s32 v19, v5  }
0x31c: {  	v20 =	vmpcnt.ones.xlane vm3  }
0x31d: {  	v21 =	vld [tilespmem:$0x10590]  }
0x31e: {  	v6 =	vadd.s32 v6, v20;
	v22 =	vld [tilespmem:$0x10790];
	v23 =	vsel vm2, $0xFFFFFFFF, v1  }
0x31f: {  	v10 =	vld [tilespmem:$0x10990];
	v9 =	vadd.s32 v23, v6;
	v24, _, _ =	vpop (xrf0)  }
0x320: {  	v9 =	vadd.s32 v24, v9;
	[tilespmem:v5+s0+$0x0] =	vst.idx.msk vm0, v2  }
0x321: {  	[tilespmem:v5+s1+$0x0] =	vst.idx.msk vm0, v3  }
0x322: {  	[tilespmem:v5+s20+$0x0] =	vst.idx.msk vm0, v21  }
0x323: {  	[tilespmem:v5+s22+$0x0] =	vst.idx.msk vm0, v22  }
0x324: {  	[tilespmem:v5+s23+$0x0] =	vst.idx.msk vm0, v10  }
0x325: {  	[tilespmem:v9+s24+$0x0] =	vst.idx.msk vm2, v2  }
0x326: {  	[tilespmem:v9+s25+$0x0] =	vst.idx.msk vm2, v3  }
0x327: {  	[tilespmem:v9+s26+$0x0] =	vst.idx.msk vm2, v21  }
0x328: {  	[tilespmem:v9+s28+$0x0] =	vst.idx.msk vm2, v22  }
0x329: {  	[tilespmem:v9+s29+$0x0] =	vst.idx.msk vm2, v10  }
0x32a: {  	v2 =	vld [tilespmem:$0x101A0]  }
0x32b: {  	v3 =	vld [tilespmem:$0x103A0];
	_ =	sdelay $0x4  }
0x32c: {  	v25 =	vadd.s32 $0xFFFFFFF6, v2;
	v26 =	vadd.s32 $0xFFFFFFF6, v3  }
0x32d: {  	vm11 =	vlt.u32 v25, $0xEB;
	vm12 =	vlt.u32 v26, $0xEB  }
0x32e: {  	vm1 =	vmand vm11, vm12  }
0x32f: {  	v27 =	vsel vm1, $0x1, v1  }
0x330: {  	v28 =	vadd.s32 $0xA, v2;
	v29 =	vadd.s32 $0xA, v3;
	(xrf0) =	vadd.scan.msk.s32 $0xffff, v27  }
0x331: {  	vm13 =	vlt.u32 v28, $0x114;
	vm14 =	vlt.u32 v29, $0x114  }
0x332: {  	vm3 =	vmand vm13, vm14;
	vm15 =	vmneg vm1  }
0x333: {  	v30 =	vmpcnt.ones.xlane vm0;
	vm3 =	vmand vm3, vm15  }
0x334: {  	v31 =	vsel vm3, $0x1, v1  }
0x335: {  	v4 =	vadd.s32 v4, v30;
	v32 =	vsel vm1, $0xFFFFFFFF, v1;
	(xrf0) =	vadd.scan.msk.s32 $0xffff, v31  }
0x336: {  	v5 =	vadd.s32 v32, v4;
	v33, _, _ =	vpop (xrf0)  }
0x337: {  	v5 =	vadd.s32 v33, v5  }
0x338: {  	v34 =	vmpcnt.ones.xlane vm2  }
0x339: {  	v35 =	vld [tilespmem:$0x105A0]  }
0x33a: {  	v6 =	vadd.s32 v6, v34;
	v36 =	vld [tilespmem:$0x107A0];
	v37 =	vsel vm3, $0xFFFFFFFF, v1  }
0x33b: {  	v10 =	vld [tilespmem:$0x109A0];
	v9 =	vadd.s32 v37, v6;
	v38, _, _ =	vpop (xrf0)  }
0x33c: {  	v9 =	vadd.s32 v38, v9;
	[tilespmem:v5+s0+$0x0] =	vst.idx.msk vm1, v2  }
0x33d: {  	[tilespmem:v5+s1+$0x0] =	vst.idx.msk vm1, v3  }
0x33e: {  	[tilespmem:v5+s20+$0x0] =	vst.idx.msk vm1, v35  }
0x33f: {  	[tilespmem:v5+s22+$0x0] =	vst.idx.msk vm1, v36  }
0x340: {  	[tilespmem:v5+s23+$0x0] =	vst.idx.msk vm1, v10  }
0x341: {  	[tilespmem:v9+s24+$0x0] =	vst.idx.msk vm3, v2  }
0x342: {  	[tilespmem:v9+s25+$0x0] =	vst.idx.msk vm3, v3  }
0x343: {  	[tilespmem:v9+s26+$0x0] =	vst.idx.msk vm3, v35  }
0x344: {  	[tilespmem:v9+s28+$0x0] =	vst.idx.msk vm3, v36  }
0x345: {  	[tilespmem:v9+s29+$0x0] =	vst.idx.msk vm3, v10  }
0x346: {  	v2 =	vld [tilespmem:$0x101B0]  }
0x347: {  	v3 =	vld [tilespmem:$0x103B0];
	_ =	sdelay $0x4  }
0x348: {  	v39 =	vadd.s32 $0xFFFFFFF6, v2;
	v40 =	vadd.s32 $0xFFFFFFF6, v3  }
0x349: {  	vm6 =	vlt.u32 v39, $0xEB;
	vm7 =	vlt.u32 v40, $0xEB  }
0x34a: {  	vm0 =	vmand vm6, vm7  }
0x34b: {  	v41 =	vsel vm0, $0x1, v1  }
0x34c: {  	v42 =	vadd.s32 $0xA, v2;
	v43 =	vadd.s32 $0xA, v3;
	(xrf0) =	vadd.scan.msk.s32 $0xffff, v41  }
0x34d: {  	vm8 =	vlt.u32 v42, $0x114;
	vm9 =	vlt.u32 v43, $0x114  }
0x34e: {  	vm2 =	vmand vm8, vm9;
	vm10 =	vmneg vm0  }
0x34f: {  	v44 =	vmpcnt.ones.xlane vm1;
	vm2 =	vmand vm2, vm10  }
0x350: {  	v45 =	vsel vm2, $0x1, v1  }
0x351: {  	v4 =	vadd.s32 v4, v44;
	v46 =	vsel vm0, $0xFFFFFFFF, v1;
	(xrf0) =	vadd.scan.msk.s32 $0xffff, v45  }
0x352: {  	v5 =	vadd.s32 v46, v4;
	v47, _, _ =	vpop (xrf0)  }
0x353: {  	v5 =	vadd.s32 v47, v5  }
0x354: {  	v48 =	vmpcnt.ones.xlane vm3  }
0x355: {  	v49 =	vld [tilespmem:$0x105B0]  }
0x356: {  	v6 =	vadd.s32 v6, v48;
	v50 =	vld [tilespmem:$0x107B0];
	v51 =	vsel vm2, $0xFFFFFFFF, v1  }
0x357: {  	v10 =	vld [tilespmem:$0x109B0];
	v9 =	vadd.s32 v51, v6;
	v52, _, _ =	vpop (xrf0)  }
0x358: {  	v9 =	vadd.s32 v52, v9;
	[tilespmem:v5+s0+$0x0] =	vst.idx.msk vm0, v2  }
0x359: {  	[tilespmem:v5+s1+$0x0] =	vst.idx.msk vm0, v3  }
0x35a: {  	[tilespmem:v5+s20+$0x0] =	vst.idx.msk vm0, v49  }
0x35b: {  	[tilespmem:v5+s22+$0x0] =	vst.idx.msk vm0, v50  }
0x35c: {  	[tilespmem:v5+s23+$0x0] =	vst.idx.msk vm0, v10  }
0x35d: {  	[tilespmem:v9+s24+$0x0] =	vst.idx.msk vm2, v2  }
0x35e: {  	[tilespmem:v9+s25+$0x0] =	vst.idx.msk vm2, v3  }
0x35f: {  	[tilespmem:v9+s26+$0x0] =	vst.idx.msk vm2, v49  }
0x360: {  	[tilespmem:v9+s28+$0x0] =	vst.idx.msk vm2, v50  }
0x361: {  	[tilespmem:v9+s29+$0x0] =	vst.idx.msk vm2, v10  }
0x362: {  	v2 =	vld [tilespmem:$0x101C0]  }
0x363: {  	v3 =	vld [tilespmem:$0x103C0];
	_ =	sdelay $0x4  }
0x364: {  	v53 =	vadd.s32 $0xFFFFFFF6, v2;
	v54 =	vadd.s32 $0xFFFFFFF6, v3  }
0x365: {  	vm11 =	vlt.u32 v53, $0xEB;
	vm12 =	vlt.u32 v54, $0xEB  }
0x366: {  	vm1 =	vmand vm11, vm12  }
0x367: {  	v55 =	vsel vm1, $0x1, v1  }
0x368: {  	v56 =	vadd.s32 $0xA, v2;
	v57 =	vadd.s32 $0xA, v3;
	(xrf0) =	vadd.scan.msk.s32 $0xffff, v55  }
0x369: {  	vm13 =	vlt.u32 v56, $0x114;
	vm14 =	vlt.u32 v57, $0x114  }
0x36a: {  	vm3 =	vmand vm13, vm14;
	vm15 =	vmneg vm1  }
0x36b: {  	v58 =	vmpcnt.ones.xlane vm0;
	vm3 =	vmand vm3, vm15  }
0x36c: {  	v59 =	vsel vm3, $0x1, v1  }
0x36d: {  	v4 =	vadd.s32 v4, v58;
	v60 =	vsel vm1, $0xFFFFFFFF, v1;
	(xrf0) =	vadd.scan.msk.s32 $0xffff, v59  }
0x36e: {  	v5 =	vadd.s32 v60, v4;
	v61, _, _ =	vpop (xrf0)  }
0x36f: {  	v5 =	vadd.s32 v61, v5  }
0x370: {  	v62 =	vmpcnt.ones.xlane vm2  }
0x371: {  	v63 =	vld [tilespmem:$0x105C0]  }
0x372: {  	v6 =	vadd.s32 v6, v62;
	v12 =	vld [tilespmem:$0x107C0];
	v13 =	vsel vm3, $0xFFFFFFFF, v1  }
0x373: {  	v10 =	vld [tilespmem:$0x109C0];
	v9 =	vadd.s32 v13, v6;
	v14, _, _ =	vpop (xrf0)  }
0x374: {  	v9 =	vadd.s32 v14, v9;
	[tilespmem:v5+s0+$0x0] =	vst.idx.msk vm1, v2  }
0x375: {  	[tilespmem:v5+s1+$0x0] =	vst.idx.msk vm1, v3  }
0x376: {  	[tilespmem:v5+s20+$0x0] =	vst.idx.msk vm1, v63  }
0x377: {  	[tilespmem:v5+s22+$0x0] =	vst.idx.msk vm1, v12  }
0x378: {  	[tilespmem:v5+s23+$0x0] =	vst.idx.msk vm1, v10  }
0x379: {  	[tilespmem:v9+s24+$0x0] =	vst.idx.msk vm3, v2  }
0x37a: {  	[tilespmem:v9+s25+$0x0] =	vst.idx.msk vm3, v3  }
0x37b: {  	[tilespmem:v9+s26+$0x0] =	vst.idx.msk vm3, v63  }
0x37c: {  	[tilespmem:v9+s28+$0x0] =	vst.idx.msk vm3, v12  }
0x37d: {  	[tilespmem:v9+s29+$0x0] =	vst.idx.msk vm3, v10  }
0x37e: {  	v2 =	vld [tilespmem:$0x101D0]  }
0x37f: {  	v3 =	vld [tilespmem:$0x103D0];
	_ =	sdelay $0x4  }
0x380: {  	v15 =	vadd.s32 $0xFFFFFFF6, v2;
	v16 =	vadd.s32 $0xFFFFFFF6, v3  }
0x381: {  	vm7 =	vlt.u32 v15, $0xEB;
	vm8 =	vlt.u32 v16, $0xEB  }
0x382: {  	vm0 =	vmand vm7, vm8  }
0x383: {  	v17 =	vsel vm0, $0x1, v1  }
0x384: {  	v18 =	vadd.s32 $0xA, v2;
	v19 =	vadd.s32 $0xA, v3;
	(xrf0) =	vadd.scan.msk.s32 $0xffff, v17  }
0x385: {  	vm9 =	vlt.u32 v18, $0x114;
	vm10 =	vlt.u32 v19, $0x114  }
0x386: {  	vm2 =	vmand vm9, vm10;
	vm11 =	vmneg vm0  }
0x387: {  	v20 =	vmpcnt.ones.xlane vm1;
	vm12 =	vmand vm2, vm11  }
0x388: {  	v21 =	vsel vm12, $0x1, v1  }
0x389: {  	v4 =	vadd.s32 v4, v20;
	v22 =	vsel vm0, $0xFFFFFFFF, v1;
	(xrf0) =	vadd.scan.msk.s32 $0xffff, v21  }
0x38a: {  	v5 =	vadd.s32 v22, v4;
	v23, _, _ =	vpop (xrf0)  }
0x38b: {  	v5 =	vadd.s32 v23, v5  }
0x38c: {  	v24 =	vmpcnt.ones.xlane vm3  }
0x38d: {  	v25 =	vld [tilespmem:$0x105D0]  }
0x38e: {  	v6 =	vadd.s32 v6, v24;
	v26 =	vld [tilespmem:$0x107D0];
	v27 =	vsel vm12, $0xFFFFFFFF, v1  }
0x38f: {  	v10 =	vld [tilespmem:$0x109D0];
	v9 =	vadd.s32 v27, v6;
	v28, _, _ =	vpop (xrf0)  }
0x390: {  	v9 =	vadd.s32 v28, v9;
	[tilespmem:v5+s0+$0x0] =	vst.idx.msk vm0, v2  }
0x391: {  	[tilespmem:v5+s1+$0x0] =	vst.idx.msk vm0, v3  }
0x392: {  	[tilespmem:v5+s20+$0x0] =	vst.idx.msk vm0, v25  }
0x393: {  	[tilespmem:v5+s22+$0x0] =	vst.idx.msk vm0, v26  }
0x394: {  	[tilespmem:v5+s23+$0x0] =	vst.idx.msk vm0, v10  }
0x395: {  	[tilespmem:v9+s24+$0x0] =	vst.idx.msk vm12, v2  }
0x396: {  	[tilespmem:v9+s25+$0x0] =	vst.idx.msk vm12, v3  }
0x397: {  	[tilespmem:v9+s26+$0x0] =	vst.idx.msk vm12, v25  }
0x398: {  	[tilespmem:v9+s28+$0x0] =	vst.idx.msk vm12, v26  }
0x399: {  	[tilespmem:v9+s29+$0x0] =	vst.idx.msk vm12, v10  }
0x39a: {  	v2 =	vld [tilespmem:$0x101E0]  }
0x39b: {  	v3 =	vld [tilespmem:$0x103E0];
	_ =	sdelay $0x4  }
0x39c: {  	v29 =	vadd.s32 $0xFFFFFFF6, v2;
	v30 =	vadd.s32 $0xFFFFFFF6, v3  }
0x39d: {  	vm13 =	vlt.u32 v29, $0xEB;
	vm14 =	vlt.u32 v30, $0xEB  }
0x39e: {  	vm2 =	vmand vm13, vm14  }
0x39f: {  	v31 =	vsel vm2, $0x1, v1  }
0x3a0: {  	v32 =	vadd.s32 $0xA, v2;
	v33 =	vadd.s32 $0xA, v3;
	(xrf0) =	vadd.scan.msk.s32 $0xffff, v31  }
0x3a1: {  	vm15 =	vlt.u32 v32, $0x114;
	vm8 =	vlt.u32 v33, $0x114  }
0x3a2: {  	vm3 =	vmand vm15, vm8;
	vm9 =	vmneg vm2  }
0x3a3: {  	v34 =	vmpcnt.ones.xlane vm0;
	vm10 =	vmand vm3, vm9  }
0x3a4: {  	v35 =	vsel vm10, $0x1, v1  }
0x3a5: {  	v4 =	vadd.s32 v4, v34;
	v36 =	vsel vm2, $0xFFFFFFFF, v1;
	(xrf0) =	vadd.scan.msk.s32 $0xffff, v35  }
0x3a6: {  	v5 =	vadd.s32 v36, v4;
	v37, _, _ =	vpop (xrf0)  }
0x3a7: {  	v5 =	vadd.s32 v37, v5  }
0x3a8: {  	v38 =	vmpcnt.ones.xlane vm12  }
0x3a9: {  	v39 =	vld [tilespmem:$0x105E0]  }
0x3aa: {  	v6 =	vadd.s32 v6, v38;
	v40 =	vld [tilespmem:$0x107E0];
	v41 =	vsel vm10, $0xFFFFFFFF, v1  }
0x3ab: {  	v10 =	vld [tilespmem:$0x109E0];
	v9 =	vadd.s32 v41, v6;
	v42, _, _ =	vpop (xrf0)  }
0x3ac: {  	v9 =	vadd.s32 v42, v9;
	[tilespmem:v5+s0+$0x0] =	vst.idx.msk vm2, v2  }
0x3ad: {  	[tilespmem:v5+s1+$0x0] =	vst.idx.msk vm2, v3  }
0x3ae: {  	[tilespmem:v5+s20+$0x0] =	vst.idx.msk vm2, v39  }
0x3af: {  	[tilespmem:v5+s22+$0x0] =	vst.idx.msk vm2, v40  }
0x3b0: {  	[tilespmem:v5+s23+$0x0] =	vst.idx.msk vm2, v10  }
0x3b1: {  	[tilespmem:v9+s24+$0x0] =	vst.idx.msk vm10, v2  }
0x3b2: {  	[tilespmem:v9+s25+$0x0] =	vst.idx.msk vm10, v3  }
0x3b3: {  	[tilespmem:v9+s26+$0x0] =	vst.idx.msk vm10, v39  }
0x3b4: {  	[tilespmem:v9+s28+$0x0] =	vst.idx.msk vm10, v40  }
0x3b5: {  	[tilespmem:v9+s29+$0x0] =	vst.idx.msk vm10, v10  }
0x3b6: {  	v2 =	vld [tilespmem:$0x101F0]  }
0x3b7: {  	v3 =	vld [tilespmem:$0x103F0];
	_ =	sdelay $0x3  }
0x3b8: {  	v43 =	vmpcnt.ones.xlane vm2  }
0x3b9: {  	v44 =	vadd.s32 $0xA, v2;
	v45 =	vadd.s32 $0xFFFFFFF6, v2;
	v46 =	vadd.s32 $0xFFFFFFF6, v3  }
0x3ba: {  	v47 =	vadd.s32 $0xA, v3;
	vm11 =	vlt.u32 v45, $0xEB;
	vm12 =	vlt.u32 v46, $0xEB  }
0x3bb: {  	vm13 =	vlt.u32 v44, $0x114;
	vm14 =	vlt.u32 v47, $0x114;
	vm2 =	vmand vm11, vm12  }
0x3bc: {  	vm1 =	vmand vm13, vm14;
	vm15 =	vmneg vm2;
	v48 =	vmpcnt.ones.xlane vm2  }
0x3bd: {  	v4 =	vadd.s32 v4, v43;
	v49 =	vsel vm2, $0x1, v1;
	vm1 =	vmand vm1, vm15  }
0x3be: {  	(xrf0) =	vadd.scan.msk.s32 $0xffff, v49;
	v51 =	vsel vm1, $0x1, v1;
	v52 =	vadd.s32 v4, v48  }
0x3bf: {  	(xrf0) =	vadd.scan.msk.s32 $0xffff, v51;
	v5 =	vxor.u32 $0x80000000, v52  }
0x3c0: {  	(xrf0) =	vmax.scan.msk.u32 $0xffff, v5;
	_ =	sdelay $0x1  }
0x3c1: {  	v50 =	vmpcnt.ones.xlane vm10  }
0x3c2: {  	v53 =	vmpcnt.ones.xlane vm1  }
0x3c3: {  	v6 =	vadd.s32 v6, v50;
	v55, _, _ =	vpop (xrf0)  }
0x3c4: {  	v54 =	vadd.s32 v6, v53;
	v56, _, _ =	vpop (xrf0)  }
0x3c5: {  	v5 =	vxor.u32 $0x80000000, v54;
	v57, _, _ =	vpop (xrf0)  }
0x3c6: {  	(xrf0) =	vmax.scan.msk.u32 $0xffff, v5;
	(v2sf) =	vpush v57, $0xF;
	_ =	sdelay $0x5  }
0x3c7: {  	v58 =	vsel vm2, $0xFFFFFFFF, v1;
	v59, _, _ =	vpop (xrf0)  }
0x3c8: {  	v4 =	vadd.s32 v58, v4;
	(v2sf) =	vpush v59, $0xF  }
0x3c9: {  	v4 =	vadd.s32 v55, v4;
	_ =	sdelay $0x1  }
0x3ca: {  	v60 =	vld [tilespmem:$0x105F0]  }
0x3cb: {  	v61 =	vld [tilespmem:$0x107F0];
	v62 =	vsel vm1, $0xFFFFFFFF, v1  }
0x3cc: {  	v63 =	vld [tilespmem:$0x109F0];
	v6 =	vadd.s32 v62, v6  }
0x3cd: {  	v6 =	vadd.s32 v56, v6;
	[tilespmem:v4+s0+$0x0] =	vst.idx.msk vm2, v2  }
0x3ce: {  	[tilespmem:v4+s1+$0x0] =	vst.idx.msk vm2, v3  }
0x3cf: {  	[tilespmem:v4+s20+$0x0] =	vst.idx.msk vm2, v60;
	s10 =	spop (v2sf)  }
0x3d0: {  	[tilespmem:v4+s22+$0x0] =	vst.idx.msk vm2, v61;
	s4 =	sxor.u32 $0x80000000, s10  }
0x3d1: {  	[tilespmem:v4+s23+$0x0] =	vst.idx.msk vm2, v63;
	p0 =	sgt.s32 s4, $0x0  }
.Ltmp1:
0x3d2: {  	[tilespmem:v6+s24+$0x0] =	vst.idx.msk vm1, v2;
	(pc) =	sbr.rel @!p0 .LBB2_4-.Ltmp1, $4  }
0x3d3: {  	[tilespmem:v6+s25+$0x0] =	vst.idx.msk vm1, v3  }
0x3d4: {  	[tilespmem:v6+s26+$0x0] =	vst.idx.msk vm1, v60  }
0x3d5: {  	[tilespmem:v6+s28+$0x0] =	vst.idx.msk vm1, v61  }
0x3d6: {  	s6 =	simm.s32 $0x0;
	[tilespmem:v6+s29+$0x0] =	vst.idx.msk vm1, v63;
	s5 =	spop (v2sf)  }
.LBB2_12:
0x3d7: {  	v2 =	vld [tilespmem:s6+$0x10F00]  }
0x3d8: {  	v4 =	vld [tilespmem:s6+$0x11180];
	s7 =	simm.s32 $0x12310  }
0x3d9: {  	s8 =	simm.s32 $0x12490;
	v5 =	vld [tilespmem:s7+$0x0]  }
0x3da: {  	v6 =	vld [tilespmem:s8+$0x0]  }
0x3db: {  	v7 =	vld [tilespmem:s6+$0x11400]  }
0x3dc: {  	v8 =	vld [tilespmem:s7+$0xFFFFFFF0]  }
0x3dd: {  	v9 =	vld [tilespmem:s8+$0xFFFFFFF0];
	v3 =	vperm.xlane v2, v1;
	v4 =	vperm.xlane v4, v1;
	_ =	sdelay $0x1  }
0x3de: {  	v5 =	vsub.f32 v5, v3;
	v6 =	vsub.f32 v6, v4  }
0x3df: {  	v2 =	vperm.xlane v7, v1  }
0x3e0: {  	v7 =	vmul.f32 v5, v5;
	v6 =	vmul.f32 v6, v6  }
0x3e1: {  	v11 =	vld [tilespmem:s6+$0x10C80];
	s10 =	simm.s32 $0x124B0;
	v8 =	vsub.f32 v8, v3;
	v9 =	vsub.f32 v9, v4  }
0x3e2: {  	v12 =	vld [tilespmem:s10+$0x0];
	v5 =	vmul.f32 $4.710874760e-19, v2;
	v15 =	vadd.f32 v6, v7  }
0x3e3: {  	s9 =	simm.s32 $0x12330;
	v14 =	vld [tilespmem:s10+$0xFFFFFFF0];
	v9 =	vmul.f32 v9, v9;
	v7 =	vmul.f32 v8, v8  }
0x3e4: {  	v16 =	vld [tilespmem:s9+$0xFFFFFFF0];
	v6 =	vmul.f32 $-2.520204230e-15, v2;
	v10 =	vmul.f32 v15, v5  }
0x3e5: {  	v8 =	vld [tilespmem:s6+$0x10A00];
	v20 =	vadd.f32 v9, v7  }
0x3e6: {  	v9 =	vld [tilespmem:s9+$0x0];
	v10 =	vadd.f32 v10, v6  }
0x3e7: {  	v13 =	vmul.f32 v20, v5  }
0x3e8: {  	v12 =	vsub.f32 v12, v4;
	v7 =	vmul.f32 $9.192602400e-12, v2;
	v10 =	vmul.f32 v10, v15  }
0x3e9: {  	v11 =	vperm.xlane v11, v1;
	v16 =	vsub.f32 v16, v3;
	v13 =	vadd.f32 v13, v6  }
0x3ea: {  	v14 =	vsub.f32 v14, v4;
	v8 =	vperm.xlane v8, v1;
	v10 =	vadd.f32 v10, v7  }
0x3eb: {  	v12 =	vmul.f32 v12, v12;
	s9 =	simm.s32 $0x12910;
	v18 =	vsub.f32 v9, v3;
	v13 =	vmul.f32 v13, v20  }
0x3ec: {  	v19 =	vld [tilespmem:s9+$0x0];
	v17 =	vshll.u32 v8, $0x8;
	v8 =	vmul.f32 $-2.086348160e-08, v2;
	v10 =	vmul.f32 v10, v15  }
0x3ed: {  	v9 =	vadd.s32 v17, v11;
	v11 =	vmul.f32 v18, v18;
	v13 =	vadd.f32 v13, v7  }
0x3ee: {  	s7 =	simm.s32 $0x124D0;
	v16 =	vmul.f32 v16, v16;
	v14 =	vmul.f32 v14, v14;
	v18 =	vld [tilespmem:s9+$0xFFFFFFF0];
	v17 =	vadd.f32 v10, v8  }
0x3ef: {  	s10 =	simm.s32 $0x12350;
	v25 =	vld [tilespmem:s7+$0xFFFFFFF0];
	v12 =	vadd.f32 v12, v11;
	v13 =	vmul.f32 v13, v20  }
0x3f0: {  	v14 =	vadd.f32 v14, v16;
	v16 =	vld [tilespmem:s10+$0x0];
	v10 =	vmul.f32 $2.536695140e-05, v2;
	v11 =	vmul.f32 v17, v15  }
0x3f1: {  	v17 =	vadd.s32 v9, v19;
	v19 =	vmul.f32 v12, v5;
	v22 =	vadd.f32 v13, v8  }
0x3f2: {  	v23 =	vmul.f32 v14, v5;
	v21 =	vadd.f32 v11, v10  }
0x3f3: {  	v13 =	vadd.s32 v9, v18;
	v19 =	vadd.f32 v19, v6;
	v18 =	vmul.f32 v22, v20;
	v22 =	vld [tilespmem:s7+$0x0]  }
0x3f4: {  	v63 =	vsub.f32 v25, v4;
	v11 =	vmul.f32 $-1.233700570e-02, v2;
	v21 =	vmul.f32 v21, v15  }
0x3f5: {  	v26 =	vld [tilespmem:s10+$0xFFFFFFF0];
	vm2 =	vle.f32 v15, $1.000000000e+02;
	v16 =	vsub.f32 v16, v3;
	v19 =	vmul.f32 v19, v12  }
0x3f6: {  	vm0 =	vle.f32 v20, $1.000000000e+02;
	v18 =	vadd.f32 v18, v10;
	v21 =	vadd.f32 v21, v11  }
0x3f7: {  	v23 =	vadd.f32 v23, v6;
	v16 =	vmul.f32 v16, v16;
	v19 =	vadd.f32 v19, v7  }
0x3f8: {  	v24 =	vld.idx.msk [tilespmem:v17+s2+$0x0], $0xffff;
	v18 =	vmul.f32 v18, v20;
	v22 =	vsub.f32 v22, v4;
	v15 =	vmul.f32 v21, v15  }
0x3f9: {  	s8 =	simm.s32 $0x12930;
	vm1 =	vmmov vm0;
	v21 =	vmul.f32 v23, v14;
	v19 =	vmul.f32 v19, v12  }
0x3fa: {  	v23 =	vld [tilespmem:s8+$0x0];
	v27 =	vadd.f32 v18, v11;
	v18 =	vmul.f32 v22, v22;
	v22 =	vsub.f32 v26, v3  }
0x3fb: {  	v28 =	vld [tilespmem:s8+$0xFFFFFFF0];
	vm0 =	vle.f32 v14, $1.000000000e+02;
	v15 =	vadd.f32 v15, v2;
	v21 =	vadd.f32 v21, v7  }
0x3fc: {  	v19 =	vadd.f32 v19, v8;
	v20 =	vmul.f32 v27, v20;
	v18 =	vadd.f32 v18, v16  }
0x3fd: {  	v15 =	vmax.f32 v24, v15;
	v16 =	vmul.f32 v21, v14;
	v24 =	vmul.f32 v63, v63  }
0x3fe: {  	vm1 =	vmmov vm1;
	[tilespmem:v17+s2+$0x0] =	vst.idx.msk vm2, v15;
	v17 =	vmul.f32 v19, v12;
	v19 =	vmul.f32 v22, v22  }
0x3ff: {  	v15 =	vadd.s32 v9, v23;
	v23 =	vmul.f32 v18, v5;
	v22 =	vadd.f32 v16, v8  }
0x400: {  	s10 =	simm.s32 $0x12370;
	s9 =	simm.s32 $0x40;
	v21 =	vadd.f32 v17, v10;
	v17 =	vld.idx.msk [tilespmem:v13+s2+$0x0], $0xffff;
	v16 =	vadd.f32 v24, v19;
	v19 =	vadd.s32 v9, v28  }
.LBB2_13:
0x401: {  	v23 =	vadd.f32 v23, v6  }
0x402: {  	v24 =	vld [tilespmem:s10+$0x0];
	s7 =	sadd.s32 $0x20, s7;
	v22 =	vmul.f32 v22, v14;
	v21 =	vmul.f32 v21, v12;
	vm2 =	vmmov vm0  }
0x403: {  	s9 =	sadd.s32 $0x20, s9;
	v25 =	vld [tilespmem:s7+$0x0];
	v26 =	vmul.f32 v16, v5;
	vm0 =	vle.f32 v16, $1.000000000e+02;
	v20 =	vadd.f32 v20, v2  }
0x404: {  	p0 =	slt.u32 s9, $0x140;
	v23 =	vmul.f32 v23, v18;
	v22 =	vadd.f32 v22, v10;
	v21 =	vadd.f32 v21, v11;
	v27 =	vld.idx.msk [tilespmem:v15+s2+$0x0], $0xffff  }
0x405: {  	vm3 =	vle.f32 v12, $1.000000000e+02;
	v28 =	vld [tilespmem:s7+$0xFFFFFFF0];
	v26 =	vadd.f32 v26, v6;
	v20 =	vmax.f32 v17, v20  }
0x406: {  	v29 =	vld [tilespmem:s10+$0xFFFFFFF0];
	v23 =	vadd.f32 v23, v7;
	v22 =	vmul.f32 v22, v14;
	v21 =	vmul.f32 v21, v12;
	v12 =	vmovc v18  }
0x407: {  	s8 =	sadd.s32 $0x20, s8;
	v18 =	vsub.f32 v24, v3;
	v24 =	vmul.f32 v26, v16;
	v17 =	vld.idx.msk [tilespmem:v19+s2+$0x0], $0xffff;
	[tilespmem:v13+s2+$0x0] =	vst.idx.msk vm1, v20  }
0x408: {  	v13 =	vmovc v19;
	v20 =	vsub.f32 v25, v4;
	v23 =	vmul.f32 v23, v12;
	v25 =	vld [tilespmem:s8+$0x0];
	v21 =	vadd.f32 v21, v2  }
0x409: {  	v26 =	vadd.f32 v22, v11;
	v18 =	vmul.f32 v18, v18;
	v19 =	vadd.f32 v24, v7;
	v24 =	vld [tilespmem:s8+$0xFFFFFFF0]  }
0x40a: {  	v20 =	vmul.f32 v20, v20;
	v22 =	vadd.f32 v23, v8;
	v21 =	vmax.f32 v27, v21  }
.Ltmp2:
0x40b: {  	vm1 =	vmmov vm2;
	v27 =	vsub.f32 v28, v4;
	v23 =	vsub.f32 v29, v3;
	[tilespmem:v15+s2+$0x0] =	vst.idx.msk vm3, v21;
	(pc) =	sbr.rel @p0 .LBB2_13-.Ltmp2, $4  }
0x40c: {  	v19 =	vmul.f32 v19, v16;
	v18 =	vadd.f32 v20, v18;
	v20 =	vmul.f32 v22, v12  }
0x40d: {  	v27 =	vmul.f32 v27, v27;
	v28 =	vmul.f32 v23, v23;
	v15 =	vadd.s32 v9, v25  }
0x40e: {  	v22 =	vadd.f32 v19, v8;
	v23 =	vmul.f32 v18, v5;
	v21 =	vadd.f32 v20, v10  }
0x40f: {  	s10 =	sadd.s32 $0x20, s10;
	v19 =	vadd.s32 v9, v24;
	v20 =	vmul.f32 v26, v14;
	v14 =	vmovc v16;
	v16 =	vadd.f32 v27, v28  }
0x410: {  	_ = 	snop  }
0x411: {  	v24 =	vmul.f32 v16, v5  }
0x412: {  	v23 =	vadd.f32 v23, v6  }
0x413: {  	v24 =	vadd.f32 v24, v6  }
0x414: {  	v23 =	vmul.f32 v23, v18  }
0x415: {  	v24 =	vmul.f32 v24, v16  }
0x416: {  	v23 =	vadd.f32 v23, v7  }
0x417: {  	v24 =	vadd.f32 v24, v7  }
0x418: {  	s7 =	sadd.s32 $0x20, s8;
	v23 =	vmul.f32 v23, v18  }
0x419: {  	v25 =	vld [tilespmem:s7+$0x0];
	v24 =	vmul.f32 v24, v16  }
0x41a: {  	v26 =	vld [tilespmem:s7+$0xFFFFFFF0];
	v23 =	vadd.f32 v23, v8  }
0x41b: {  	v22 =	vmul.f32 v22, v14;
	v24 =	vadd.f32 v24, v8  }
0x41c: {  	v21 =	vmul.f32 v21, v12;
	vm0 =	vmmov vm0;
	v23 =	vmul.f32 v23, v18  }
0x41d: {  	vm3 =	vle.f32 v12, $1.000000000e+02;
	v22 =	vadd.f32 v22, v10;
	v24 =	vmul.f32 v24, v16  }
0x41e: {  	vm4 =	vle.f32 v18, $1.000000000e+02;
	v25 =	vadd.s32 v9, v25;
	v23 =	vadd.f32 v23, v10  }
0x41f: {  	v22 =	vmul.f32 v22, v14;
	v26 =	vadd.s32 v9, v26;
	v24 =	vadd.f32 v24, v10  }
0x420: {  	vm2 =	vle.f32 v16, $1.000000000e+02;
	v21 =	vadd.f32 v21, v11;
	v23 =	vmul.f32 v23, v18  }
0x421: {  	v27 =	vld.idx.msk [tilespmem:v15+s2+$0x0], $0xffff;
	v20 =	vadd.f32 v20, v2;
	v22 =	vadd.f32 v22, v11;
	v48 =	vmul.f32 v24, v16  }
0x422: {  	v49 =	vld.idx.msk [tilespmem:v19+s2+$0x0], $0xffff;
	vm0 =	vmmov vm0;
	v47 =	vmul.f32 v21, v12;
	v51 =	vadd.f32 v23, v11  }
0x423: {  	vm2 =	vmmov vm2;
	v50 =	vmul.f32 v22, v14;
	v52 =	vld.idx.msk [tilespmem:v25+s2+$0x0], $0xffff;
	v21 =	vadd.f32 v48, v11  }
0x424: {  	vm2 =	vmmov vm2;
	v12 =	vadd.f32 v47, v2;
	v54 =	vld.idx.msk [tilespmem:v26+s2+$0x0], $0xffff;
	v53 =	vmul.f32 v51, v18  }
0x425: {  	v17 =	vmax.f32 v17, v20;
	v14 =	vadd.f32 v50, v2;
	v55 =	vmul.f32 v21, v16  }
0x426: {  	[tilespmem:v13+s2+$0x0] =	vst.idx.msk vm1, v17;
	v12 =	vmax.f32 v27, v12;
	v56 =	vadd.f32 v53, v2  }
0x427: {  	[tilespmem:v15+s2+$0x0] =	vst.idx.msk vm3, v12;
	v57 =	vmax.f32 v49, v14;
	v58 =	vadd.f32 v55, v2  }
0x428: {  	[tilespmem:v19+s2+$0x0] =	vst.idx.msk vm0, v57;
	v59 =	vmax.f32 v52, v56  }
0x429: {  	[tilespmem:v25+s2+$0x0] =	vst.idx.msk vm4, v59;
	v60 =	vmax.f32 v54, v58  }
0x42a: {  	[tilespmem:v26+s2+$0x0] =	vst.idx.msk vm2, v60  }
0x42b: {  	v12 =	vld [tilespmem:$0x12460]  }
0x42c: {  	v61 =	vld [tilespmem:$0x125E0];
	_ =	sdelay $0x4  }
0x42d: {  	v3 =	vsub.f32 v12, v3;
	v4 =	vsub.f32 v61, v4;
	_ =	sdelay $0x1  }
0x42e: {  	v3 =	vmul.f32 v3, v3;
	v4 =	vmul.f32 v4, v4;
	_ =	sdelay $0x1  }
0x42f: {  	v3 =	vadd.f32 v4, v3;
	_ =	sdelay $0x1  }
0x430: {  	v4 =	vmul.f32 v3, v5;
	_ =	sdelay $0x1  }
0x431: {  	v4 =	vadd.f32 v4, v6;
	_ =	sdelay $0x1  }
0x432: {  	v4 =	vmul.f32 v4, v3;
	_ =	sdelay $0x1  }
0x433: {  	v4 =	vadd.f32 v4, v7;
	_ =	sdelay $0x1  }
0x434: {  	v4 =	vmul.f32 v4, v3  }
0x435: {  	v62 =	vld [tilespmem:$0x12A60]  }
0x436: {  	v4 =	vadd.f32 v4, v8;
	_ =	sdelay $0x1  }
0x437: {  	v4 =	vmul.f32 v4, v3;
	_ =	sdelay $0x1  }
0x438: {  	v5 =	vadd.s32 v9, v62;
	v4 =	vadd.f32 v4, v10;
	_ =	sdelay $0x1  }
0x439: {  	v4 =	vmul.f32 v4, v3;
	_ =	sdelay $0x1  }
0x43a: {  	v4 =	vadd.f32 v4, v11  }
0x43b: {  	s6 =	sadd.s32 $0x1, s6;
	vm15 =	vle.f32 v3, $1.000000000e+02;
	v63 =	vld.idx.msk [tilespmem:v5+s2+$0x0], $0xffff  }
0x43c: {  	p0 =	seq.s32 s6, s4;
	v3 =	vmul.f32 v4, v3  }
.Ltmp3:
0x43d: {  	_ = 	snop;
	(pc) =	sbr.rel @!p0 .LBB2_12-.Ltmp3, $3  }
0x43e: {  	v2 =	vadd.f32 v3, v2;
	_ =	sdelay $0x1  }
0x43f: {  	v2 =	vmax.f32 v63, v2  }
0x440: {  	[tilespmem:v5+s2+$0x0] =	vst.idx.msk vm15, v2  }
.LBB2_4:
0x441: {  	s4 =	sxor.u32 $0x80000000, s5  }
0x442: {  	p0 =	sgt.s32 s4, $0x0  }
.Ltmp4:
0x443: {  	_ = 	snop;
	(pc) =	sbr.rel @!p0 .LBB2_8-.Ltmp4, $2  }
0x444: {  	_ =	sdelay $0x2  }
0x445: {  	s5 =	simm.s32 $0x0  }
.LBB2_5:
0x446: {  	v2 =	vld [tilespmem:s5+$0x11B80]  }
0x447: {  	v4 =	vld [tilespmem:s5+$0x11E00];
	s6 =	simm.s32 $0x12310  }
0x448: {  	s7 =	simm.s32 $0x12490;
	v5 =	vld [tilespmem:s6+$0x0]  }
0x449: {  	v6 =	vld [tilespmem:s7+$0x0]  }
0x44a: {  	v7 =	vld [tilespmem:s5+$0x12080]  }
0x44b: {  	v8 =	vld [tilespmem:s7+$0xFFFFFFF0]  }
0x44c: {  	v9 =	vld [tilespmem:s6+$0xFFFFFFF0];
	v3 =	vperm.xlane v2, v1;
	v4 =	vperm.xlane v4, v1;
	_ =	sdelay $0x1  }
0x44d: {  	v5 =	vsub.f32 v5, v3;
	v6 =	vsub.f32 v6, v4  }
0x44e: {  	v2 =	vperm.xlane v7, v1  }
0x44f: {  	v7 =	vmul.f32 v5, v5;
	v6 =	vmul.f32 v6, v6  }
0x450: {  	v8 =	vsub.f32 v8, v4;
	v9 =	vsub.f32 v9, v3  }
0x451: {  	v5 =	vmul.f32 $4.710874760e-19, v2;
	v14 =	vadd.f32 v6, v7  }
0x452: {  	v11 =	vld [tilespmem:s5+$0x11900];
	s9 =	simm.s32 $0x12610;
	v6 =	vmul.f32 v8, v8;
	v8 =	vmul.f32 v9, v9  }
0x453: {  	s10 =	simm.s32 $0x12790;
	v16 =	vld [tilespmem:s9+$0x0];
	v7 =	vmul.f32 $-2.520204230e-15, v2;
	v10 =	vmul.f32 v14, v5  }
0x454: {  	v17 =	vld [tilespmem:s10+$0x0];
	v15 =	vadd.f32 v6, v8  }
0x455: {  	s8 =	simm.s32 $0x12330;
	v9 =	vld [tilespmem:s5+$0x11680];
	v6 =	vadd.f32 v10, v7  }
0x456: {  	v20 =	vld [tilespmem:s8+$0x0];
	s6 =	simm.s32 $0x124B0;
	v12 =	vmul.f32 v15, v5  }
0x457: {  	v22 =	vld [tilespmem:s6+$0xFFFFFFF0];
	v10 =	vmul.f32 $9.192602400e-12, v2;
	v13 =	vmul.f32 v6, v14  }
0x458: {  	v11 =	vperm.xlane v11, v1;
	v12 =	vadd.f32 v12, v7  }
0x459: {  	v18 =	vld [tilespmem:s9+$0xFFFFFFF0];
	v13 =	vadd.f32 v13, v10  }
0x45a: {  	v17 =	vadd.s32 v11, v17;
	v8 =	vperm.xlane v9, v1;
	v19 =	vmul.f32 v12, v15  }
0x45b: {  	v21 =	vld [tilespmem:s6+$0x0];
	v20 =	vsub.f32 v20, v3;
	v12 =	vmul.f32 $-2.086348160e-08, v2;
	v13 =	vmul.f32 v13, v14  }
0x45c: {  	v22 =	vsub.f32 v22, v4;
	v25 =	vand.u32 $0x7F, v17;
	v16 =	vadd.s32 v8, v16  }
0x45d: {  	v23 =	vshll.u32 v16, $0x8;
	v19 =	vadd.f32 v19, v10;
	v13 =	vadd.f32 v13, v12  }
0x45e: {  	v9 =	vmul.f32 $2.536695140e-05, v2;
	v24 =	vadd.s32 v8, v18;
	v18 =	vadd.s32 v17, v23  }
0x45f: {  	v23 =	vld [tilespmem:s8+$0xFFFFFFF0];
	v18 =	vand.u32 $0xFF80, v18;
	v19 =	vmul.f32 v19, v15;
	v13 =	vmul.f32 v13, v14  }
0x460: {  	v20 =	vmul.f32 v20, v20;
	v25 =	vor.u32 v25, v18;
	v18 =	vsub.f32 v21, v4  }
0x461: {  	v26 =	vld [tilespmem:s10+$0xFFFFFFF0];
	vm2 =	vle.f32 v14, $1.000000000e+02;
	v19 =	vadd.f32 v19, v12;
	v13 =	vadd.f32 v13, v9  }
0x462: {  	vm0 =	vle.f32 v15, $1.000000000e+02;
	v6 =	vmul.f32 $-1.233700570e-02, v2;
	v18 =	vmul.f32 v18, v18  }
0x463: {  	v21 =	vshll.u32 v24, $0x8;
	v19 =	vmul.f32 v19, v15;
	v27 =	vmul.f32 v13, v14  }
0x464: {  	v13 =	vor.u32 v16, v17;
	v16 =	vsub.f32 v23, v3;
	v17 =	vmul.f32 v22, v22  }
0x465: {  	vm1 =	vlt.u32 v13, $0x100;
	v13 =	vadd.f32 v18, v20;
	v18 =	vadd.f32 v27, v6  }
0x466: {  	v19 =	vadd.f32 v19, v9;
	v23 =	vadd.s32 v11, v26;
	v16 =	vmul.f32 v16, v16  }
0x467: {  	v20 =	vld.idx.msk [tilespmem:v25+s2+$0x0], $0xffff;
	vm1 =	vmand vm2, vm1;
	v22 =	vmul.f32 v13, v5;
	v18 =	vmul.f32 v18, v14  }
0x468: {  	v14 =	vadd.f32 v17, v16;
	v16 =	vmul.f32 v19, v15;
	v17 =	vadd.s32 v23, v21  }
0x469: {  	v19 =	vadd.f32 v22, v7;
	v17 =	vand.u32 $0xFF80, v17;
	v21 =	vadd.f32 v18, v2  }
0x46a: {  	s7 =	simm.s32 $0x12630;
	v22 =	vmul.f32 v14, v5;
	v62 =	vadd.f32 v16, v6;
	v16 =	vand.u32 $0x7F, v23  }
0x46b: {  	vm0 =	vmmov vm0;
	s8 =	simm.s32 $0x127B0;
	v18 =	vld [tilespmem:s7+$0x0];
	v63 =	vmul.f32 v19, v13;
	v16 =	vor.u32 v16, v17  }
0x46c: {  	v17 =	vmax.f32 v20, v21;
	v22 =	vadd.f32 v22, v7;
	v20 =	vld [tilespmem:s8+$0x0];
	v15 =	vmul.f32 v62, v15  }
0x46d: {  	vm2 =	vle.f32 v14, $1.000000000e+02;
	v23 =	vor.u32 v24, v23;
	v19 =	vld [tilespmem:s7+$0xFFFFFFF0];
	v21 =	vadd.f32 v63, v10  }
0x46e: {  	s9 =	simm.s32 $0x20;
	s10 =	simm.s32 $0x12350;
	vm3 =	vlt.u32 v23, $0x100;
	[tilespmem:v25+s2+$0x0] =	vst.idx.msk vm1, v17;
	v17 =	vld [tilespmem:s8+$0xFFFFFFF0];
	v22 =	vmul.f32 v22, v14;
	v15 =	vadd.f32 v15, v2  }
.LBB2_6:
0x46f: {  	v23 =	vld [tilespmem:s10+$0x0];
	v21 =	vmul.f32 v21, v13;
	s6 =	sadd.s32 $0x20, s6;
	vm1 =	vmand vm0, vm3;
	v24 =	vmovc v16;
	vm0 =	vmmov vm2  }
0x470: {  	s9 =	sadd.s32 $0x20, s9;
	v25 =	vld [tilespmem:s6+$0x0];
	v22 =	vadd.f32 v22, v10;
	v18 =	vadd.s32 v8, v18  }
0x471: {  	p0 =	slt.u32 s9, $0x140;
	v26 =	vld [tilespmem:s6+$0xFFFFFFF0];
	v21 =	vadd.f32 v21, v12;
	v20 =	vadd.s32 v11, v20;
	v27 =	vshll.u32 v18, $0x8  }
0x472: {  	v28 =	vld [tilespmem:s10+$0xFFFFFFF0];
	v22 =	vmul.f32 v22, v14;
	v29 =	vadd.s32 v8, v19;
	v19 =	vadd.s32 v20, v27  }
0x473: {  	v27 =	vand.u32 $0x7F, v20;
	v21 =	vmul.f32 v21, v13;
	v19 =	vand.u32 $0xFF80, v19;
	v30 =	vld.idx.msk [tilespmem:v16+s2+$0x0], $0xffff  }
0x474: {  	v16 =	vsub.f32 v23, v3;
	v22 =	vadd.f32 v22, v12;
	v19 =	vor.u32 v27, v19  }
0x475: {  	v23 =	vsub.f32 v25, v4;
	v25 =	vshll.u32 v29, $0x8;
	v21 =	vadd.f32 v21, v9  }
0x476: {  	v26 =	vsub.f32 v26, v4;
	v16 =	vmul.f32 v16, v16;
	v22 =	vmul.f32 v22, v14  }
0x477: {  	v18 =	vor.u32 v18, v20;
	v23 =	vmul.f32 v23, v23;
	v21 =	vmul.f32 v21, v13  }
0x478: {  	vm2 =	vlt.u32 v18, $0x100;
	v20 =	vsub.f32 v28, v3;
	v26 =	vmul.f32 v26, v26  }
0x479: {  	vm3 =	vle.f32 v13, $1.000000000e+02;
	v16 =	vadd.f32 v23, v16;
	v18 =	vadd.f32 v21, v6;
	v21 =	vld.idx.msk [tilespmem:v19+s2+$0x0], $0xffff  }
0x47a: {  	vm3 =	vmand vm3, vm2;
	v22 =	vadd.f32 v22, v9;
	v20 =	vmul.f32 v20, v20  }
0x47b: {  	v17 =	vadd.s32 v11, v17;
	v23 =	vmul.f32 v16, v5;
	v18 =	vmul.f32 v18, v13;
	v13 =	vmovc v16  }
0x47c: {  	v26 =	vadd.f32 v26, v20;
	v16 =	vmul.f32 v22, v14;
	v20 =	vadd.s32 v17, v25  }
0x47d: {  	v20 =	vand.u32 $0xFF80, v20;
	v22 =	vadd.f32 v23, v7;
	v23 =	vadd.f32 v18, v2  }
.Ltmp5:
0x47e: {  	s7 =	sadd.s32 $0x20, s7;
	v25 =	vmul.f32 v26, v5;
	v27 =	vadd.f32 v16, v6;
	v16 =	vand.u32 $0x7F, v17;
	(pc) =	sbr.rel @p0 .LBB2_6-.Ltmp5, $4  }
0x47f: {  	s8 =	sadd.s32 $0x20, s8;
	v16 =	vor.u32 v16, v20;
	v22 =	vmul.f32 v22, v13;
	v18 =	vld [tilespmem:s7+$0x0];
	v21 =	vmax.f32 v21, v23  }
0x480: {  	vm2 =	vle.f32 v26, $1.000000000e+02;
	v23 =	vadd.f32 v25, v7;
	v25 =	vmul.f32 v27, v14;
	v20 =	vld [tilespmem:s8+$0x0];
	[tilespmem:v19+s2+$0x0] =	vst.idx.msk vm3, v21  }
0x481: {  	v28 =	vmax.f32 v30, v15;
	v27 =	vor.u32 v29, v17;
	v14 =	vmovc v26;
	v19 =	vld [tilespmem:s7+$0xFFFFFFF0];
	v21 =	vadd.f32 v22, v10  }
0x482: {  	s10 =	sadd.s32 $0x20, s10;
	vm3 =	vlt.u32 v27, $0x100;
	v22 =	vmul.f32 v23, v14;
	v15 =	vadd.f32 v25, v2;
	v17 =	vld [tilespmem:s8+$0xFFFFFFF0];
	[tilespmem:v24+s2+$0x0] =	vst.idx.msk vm1, v28  }
0x483: {  	v21 =	vmul.f32 v21, v13  }
0x484: {  	v22 =	vadd.f32 v22, v10  }
0x485: {  	v18 =	vadd.s32 v8, v18;
	v21 =	vadd.f32 v21, v12  }
0x486: {  	v20 =	vadd.s32 v11, v20;
	v23 =	vshll.u32 v18, $0x8;
	v22 =	vmul.f32 v22, v14  }
0x487: {  	v19 =	vadd.s32 v8, v19;
	v23 =	vadd.s32 v20, v23  }
0x488: {  	v24 =	vand.u32 $0x7F, v20;
	v21 =	vmul.f32 v21, v13;
	v22 =	vadd.f32 v22, v12  }
0x489: {  	v23 =	vand.u32 $0xFF80, v23;
	v25 =	vshll.u32 v19, $0x8;
	v17 =	vadd.s32 v11, v17  }
0x48a: {  	v23 =	vor.u32 v24, v23;
	v46 =	vadd.s32 v17, v25;
	v22 =	vmul.f32 v22, v14  }
0x48b: {  	v47 =	vand.u32 $0x7F, v17;
	v21 =	vadd.f32 v21, v9;
	v24 =	vand.u32 $0xFF80, v46  }
0x48c: {  	v49 =	vor.u32 v47, v24;
	v48 =	vadd.f32 v22, v9  }
0x48d: {  	vm0 =	vmand vm0, vm3;
	vm12 =	vle.f32 v13, $1.000000000e+02;
	v21 =	vmul.f32 v21, v13  }
0x48e: {  	vm2 =	vmmov vm2;
	v18 =	vor.u32 v18, v20;
	v20 =	vmul.f32 v48, v14  }
0x48f: {  	v52 =	vld.idx.msk [tilespmem:v16+s2+$0x0], $0xffff;
	vm1 =	vlt.u32 v18, $0x100;
	v17 =	vor.u32 v19, v17;
	v50 =	vadd.f32 v21, v6  }
0x490: {  	vm1 =	vmand vm12, vm1;
	vm13 =	vlt.u32 v17, $0x100;
	v51 =	vld.idx.msk [tilespmem:v23+s2+$0x0], $0xffff;
	v54 =	vadd.f32 v20, v6  }
0x491: {  	vm2 =	vmand vm2, vm13;
	v53 =	vmul.f32 v50, v13;
	v55 =	vld.idx.msk [tilespmem:v49+s2+$0x0], $0xffff  }
0x492: {  	v56 =	vmul.f32 v54, v14  }
0x493: {  	v13 =	vadd.f32 v53, v2  }
0x494: {  	v57 =	vmax.f32 v52, v15;
	v14 =	vadd.f32 v56, v2  }
0x495: {  	[tilespmem:v16+s2+$0x0] =	vst.idx.msk vm0, v57;
	v13 =	vmax.f32 v51, v13  }
0x496: {  	[tilespmem:v23+s2+$0x0] =	vst.idx.msk vm1, v13;
	v58 =	vmax.f32 v55, v14  }
0x497: {  	[tilespmem:v49+s2+$0x0] =	vst.idx.msk vm2, v58  }
0x498: {  	v13 =	vld [tilespmem:$0x12460]  }
0x499: {  	v59 =	vld [tilespmem:$0x125E0];
	_ =	sdelay $0x4  }
0x49a: {  	v3 =	vsub.f32 v13, v3;
	v4 =	vsub.f32 v59, v4;
	_ =	sdelay $0x1  }
0x49b: {  	v3 =	vmul.f32 v3, v3;
	v4 =	vmul.f32 v4, v4;
	_ =	sdelay $0x1  }
0x49c: {  	v3 =	vadd.f32 v4, v3;
	_ =	sdelay $0x1  }
0x49d: {  	v4 =	vmul.f32 v3, v5;
	_ =	sdelay $0x1  }
0x49e: {  	v4 =	vadd.f32 v4, v7;
	_ =	sdelay $0x1  }
0x49f: {  	v4 =	vmul.f32 v4, v3  }
0x4a0: {  	v60 =	vld [tilespmem:$0x12760]  }
0x4a1: {  	v61 =	vld [tilespmem:$0x128E0];
	v4 =	vadd.f32 v4, v10;
	_ =	sdelay $0x1  }
0x4a2: {  	v4 =	vmul.f32 v4, v3;
	_ =	sdelay $0x1  }
0x4a3: {  	v5 =	vadd.s32 v8, v60;
	v4 =	vadd.f32 v4, v12  }
0x4a4: {  	v8 =	vshll.u32 v5, $0x8;
	v7 =	vadd.s32 v11, v61  }
0x4a5: {  	v8 =	vadd.s32 v7, v8;
	v4 =	vmul.f32 v4, v3  }
0x4a6: {  	v62 =	vand.u32 $0x7F, v7;
	v8 =	vand.u32 $0xFF80, v8  }
0x4a7: {  	v8 =	vor.u32 v62, v8;
	v4 =	vadd.f32 v4, v9;
	_ =	sdelay $0x1  }
0x4a8: {  	v4 =	vmul.f32 v4, v3  }
0x4a9: {  	v5 =	vor.u32 v5, v7  }
0x4aa: {  	vm15 =	vle.f32 v3, $1.000000000e+02;
	vm14 =	vlt.u32 v5, $0x100;
	v4 =	vadd.f32 v4, v6  }
0x4ab: {  	s5 =	sadd.s32 $0x1, s5;
	vm0 =	vmand vm15, vm14;
	v63 =	vld.idx.msk [tilespmem:v8+s2+$0x0], $0xffff  }
0x4ac: {  	p0 =	sne.s32 s5, s4;
	v3 =	vmul.f32 v4, v3  }
.Ltmp6:
0x4ad: {  	_ = 	snop;
	(pc) =	sbr.rel @p0 .LBB2_5-.Ltmp6, $3  }
0x4ae: {  	v2 =	vadd.f32 v3, v2;
	_ =	sdelay $0x1  }
0x4af: {  	v2 =	vmax.f32 v63, v2  }
0x4b0: {  	[tilespmem:v8+s2+$0x0] =	vst.idx.msk vm0, v2  }
.LBB2_8:
0x4b1: {  	[hbm4b:s13+s30] =	stream.strided.scatter [tilespmem:s2], [sflag:$0x1], $0x10000, s31, s30, $0x38;
	[tilespmem:$0x12A80] =	vst v63  }
0x4b2: {  	_ =	swait.ge [sflag:s21], $0x10000  }
0x4b3: {  	[sflag:s21] =	ssyncset.done $0x0  }
0x4b4: {  	[sflag:s21] =	ssyncadd.s32 $0xFFFF0000  }
0x4b5: {  	[bflag:$0x0] =	sbarrier.arrive $0xFFFF  }
0x4b6: {  	[tilespmem:s2], [sflag:$0x1] =	stream.strided.gather [hbm4b:s14+s30], $0x4000, s31, s30, $0x38;
	[tilespmem:$0x12A80] =	vst v63  }
0x4b7: {  	_ =	swait.ge [sflag:s21], $0x4000  }
0x4b8: {  	[sflag:s21] =	ssyncset.done $0x0  }
0x4b9: {  	s4 =	simm.s32 $0x4000;
	[sflag:s21] =	ssyncadd.s32 $0xFFFFC000  }
0x4ba: {  	[tilespmem:s4], [sflag:$0x1] =	stream.strided.gather [hbm4b:s15+s30], $0x4000, s31, s30, $0x38;
	[tilespmem:$0x12A80] =	vst v63  }
0x4bb: {  	_ =	swait.ge [sflag:s21], $0x4000  }
0x4bc: {  	[sflag:s21] =	ssyncset.done $0x0  }
0x4bd: {  	s9 =	simm.s32 $0x8000;
	[sflag:s21] =	ssyncadd.s32 $0xFFFFC000  }
0x4be: {  	[tilespmem:s9], [sflag:$0x1] =	stream.strided.gather [hbm4b:s16+s30], $0x4000, s31, s30, $0x38;
	[tilespmem:$0x12A80] =	vst v63  }
0x4bf: {  	_ =	swait.ge [sflag:s21], $0x4000  }
0x4c0: {  	[sflag:s21] =	ssyncset.done $0x0  }
0x4c1: {  	s10 =	simm.s32 $0xC000;
	[sflag:s21] =	ssyncadd.s32 $0xFFFFC000  }
0x4c2: {  	[tilespmem:s10], [sflag:$0x1] =	stream.strided.gather [hbm4b:s17+s30], $0x4000, s31, s30, $0x38;
	[tilespmem:$0x12A80] =	vst v63  }
0x4c3: {  	_ =	swait.ge [sflag:s21], $0x4000  }
0x4c4: {  	[sflag:s21] =	ssyncset.done $0x0  }
0x4c5: {  	s5 =	simm.s32 $0x0;
	s4 =	simm.s32 $0xC030;
	[sflag:s21] =	ssyncadd.s32 $0xFFFFC000  }
0x4c6: {  	s6 =	sand.u32 $0x3FC0, s5;
	v3 =	vld [tilespmem:s4+$0xFFFF3FD0]  }
0x4c7: {  	v4 =	vld [tilespmem:s6+$0x4000]  }
0x4c8: {  	v5 =	vld [tilespmem:s6+$0x8000]  }
0x4c9: {  	v6 =	vld [tilespmem:s6+$0xC000]  }
0x4ca: {  	v7 =	vld [tilespmem:s4+$0xFFFF3FE0]  }
0x4cb: {  	v8 =	vld [tilespmem:s4+$0xFFFF7FE0]  }
0x4cc: {  	v9 =	vld [tilespmem:s4+$0xFFFFBFE0]  }
0x4cd: {  	v10 =	vld [tilespmem:s4+$0xFFFFFFE0]  }
0x4ce: {  	v11 =	vld [tilespmem:s4+$0xFFFF3FF0]  }
0x4cf: {  	v12 =	vld [tilespmem:s4+$0xFFFF7FF0]  }
0x4d0: {  	v2 =	vld [tilespmem:s4+$0xFFFFBFF0]  }
0x4d1: {  	v3 =	vmax.f32 v3, v4;
	v5 =	vmax.f32 v5, v6;
	v4 =	vld [tilespmem:s4+$0xFFFFFFF0]  }
0x4d2: {  	v6 =	vmax.f32 v7, v8;
	v7 =	vmax.f32 v9, v10;
	v5 =	vmax.f32 v3, v5;
	v3 =	vld [tilespmem:s4+$0xFFFF4000]  }
0x4d3: {  	v6 =	vmax.f32 v6, v7;
	[tilespmem:s4+$0xFFFF3FD0] =	vst v5;
	v5 =	vld [tilespmem:s4+$0xFFFF8000]  }
0x4d4: {  	s6 =	simm.s32 $0xC030;
	v7 =	vmax.f32 v11, v12;
	[tilespmem:s4+$0xFFFF3FE0] =	vst v6;
	v6 =	vld [tilespmem:s4+$0xFFFFC000]  }
.LBB2_9:
0x4d5: {  	s5 =	sadd.s32 $0x40, s5;
	v8 =	vld [tilespmem:s4+$0x0];
	s6 =	sadd.s32 $0x40, s6  }
0x4d6: {  	v9 =	vld [tilespmem:s6+$0xFFFF3FD0];
	s7 =	sand.u32 $0x3FC0, s5;
	v2 =	vmax.f32 v2, v4  }
0x4d7: {  	p0 =	slt.u32 s5, $0x3FC0;
	v4 =	vld [tilespmem:s7+$0x4000];
	v2 =	vmax.f32 v7, v2  }
0x4d8: {  	v7 =	vld [tilespmem:s7+$0x8000];
	[tilespmem:s4+$0xFFFF3FF0] =	vst v2;
	v2 =	vmax.f32 v3, v5  }
0x4d9: {  	v3 =	vld [tilespmem:s7+$0xC000]  }
0x4da: {  	v5 =	vld [tilespmem:s6+$0xFFFF3FE0];
	v6 =	vmax.f32 v6, v8  }
0x4db: {  	v8 =	vld [tilespmem:s6+$0xFFFF7FE0];
	v2 =	vmax.f32 v2, v6  }
0x4dc: {  	v6 =	vld [tilespmem:s6+$0xFFFFBFE0];
	[tilespmem:s4+$0xFFFF4000] =	vst v2;
	s4 =	smov.u32 s6  }
0x4dd: {  	v10 =	vld [tilespmem:s6+$0xFFFFFFE0]  }
0x4de: {  	v2 =	vmax.f32 v9, v4;
	v3 =	vmax.f32 v7, v3;
	v7 =	vld [tilespmem:s6+$0xFFFF3FF0]  }
0x4df: {  	v2 =	vmax.f32 v2, v3;
	v9 =	vld [tilespmem:s6+$0xFFFF7FF0]  }
.Ltmp7:
0x4e0: {  	[tilespmem:s6+$0xFFFF3FD0] =	vst v2;
	v5 =	vmax.f32 v5, v8;
	v2 =	vld [tilespmem:s6+$0xFFFFBFF0];
	(pc) =	sbr.rel @p0 .LBB2_9-.Ltmp7, $4  }
0x4e1: {  	v4 =	vld [tilespmem:s6+$0xFFFFFFF0]  }
0x4e2: {  	v6 =	vmax.f32 v6, v10;
	v3 =	vld [tilespmem:s6+$0xFFFF4000]  }
0x4e3: {  	v6 =	vmax.f32 v5, v6;
	v5 =	vld [tilespmem:s6+$0xFFFF8000]  }
0x4e4: {  	[tilespmem:s6+$0xFFFF3FE0] =	vst v6;
	v7 =	vmax.f32 v7, v9;
	v6 =	vld [tilespmem:s6+$0xFFFFC000]  }
0x4e5: {  	v8 =	vld [tilespmem:s4+$0x0];
	_ =	sdelay $0x3  }
0x4e6: {  	v2 =	vmax.f32 v2, v4  }
0x4e7: {  	s3 =	sadd.s32 $0x1, s3;
	v2 =	vmax.f32 v7, v2;
	v3 =	vmax.f32 v3, v5;
	v63 =	vmax.f32 v6, v8  }
0x4e8: {  	p0 =	sne.s32 s3, s19;
	[tilespmem:s4+$0xFFFF3FF0] =	vst v2;
	v2 =	vmax.f32 v3, v63  }
.Ltmp8:
0x4e9: {  	[tilespmem:s4+$0xFFFF4000] =	vst v2;
	(pc) =	sbr.rel @p0 .LBB2_1-.Ltmp8, $4  }
0x4ea: {  	[hbm4b:s18+s30] =	stream.strided.scatter [tilespmem:s2], [sflag:$0x1], $0x4000, s31, s30, $0x38;
	[tilespmem:$0x12A80] =	vst v63  }
0x4eb: {  	_ =	swait.ge [sflag:s21], $0x4000  }
0x4ec: {  	[sflag:s21] =	ssyncset.done $0x0  }
0x4ed: {  	[sflag:s21] =	ssyncadd.s32 $0xFFFFC000  }
0x4ee: {  	_ =	sfence.sel $0x180000  }
0x4ef: {  	[bflag:$0x0] =	sbarrier.arrive $0xFFFF  }
0x4f0: {  	_ =	strace $0x90000047  }
0x4f1: {  	s0 =	stileid.u32;
	[bflag:$0x2] =	sbarrier.arrive $0xFFFF  }
0x4f2: {  	p0 =	sne.s32 s0, $0x0;
	s0 =	rddreg [dreg:$0x2]  }
0x4f3: {  	s0 =	sadd.s32 @!p0 $0x100000, s0  }
0x4f4: {  	[sflag:s0] =	ssyncadd.tile.s32 @!p0 $0x1;
	_ =	shalt  }
.Lfunc_end2:
_tile_overlayer_lowered:
.L_overlay_start_2:
0x4f5: {  	(tag) =	ssettag $0x2  }
0x4f6: {  	s0 =	rddreg [dreg:$0x0];
	s2 =	stileid.u32  }
0x4f7: {  	s1 =	rddreg [dreg:$0x1];
	p0 =	sne.s32 s2, $0x0  }
0x4f8: {  	s3 =	rddreg [dreg:$0x2];
	[bflag:$0x3] =	sbarrier.arrive $0xFFFF;
	s2 =	simm.s32 @!p0 $0x1C01  }
0x4f9: {  	[timem:s3], [sflag:s2] =	dma.local @!p0 [hbm:s0], s1  }
0x4fa: {  	s0 =	simm.s32 @!p0 $0x1  }
0x4fb: {  	_ =	swait.ge @!p0 [sflag:s0], s1  }
0x4fc: {  	s1 =	ssub.s32 @!p0 $0x0, s1;
	[sflag:s0] =	ssyncset.done @!p0 $0x0  }
0x4fd: {  	[sflag:s0] =	ssyncadd.s32 @!p0 s1  }
0x4fe: {  	[bflag:$0x3] =	sbarrier.arrive $0xFFFF  }
0x4ff: {  	_ =	shalt  }

</sc_bundles>
